<compile_context>
chip_gen: v7x
topology: tpu7x:2x2x1
jax: 0.10.2.dev20260603
libtpu: 0.0.44.dev20260713+nightly
codegen_flags: <defaults>
</compile_context>

<pallas_src>
import functools

import jax
import jax.numpy as jnp
from jax import lax
from jax.experimental import pallas as pl
from jax.experimental.pallas import tpu as pltpu
from jax.experimental.pallas import tpu_sc as plsc

N_USER = 10000
N_ITEM = 10000
E = 320000
E_LBL = 100000
F_IN = 128
F_HID = 128
F_OUT = 64

NC = 2
NS = 16

EDGE_CHUNK = 80
EDGES_PER_TILE = E // NS
CHUNKS_PER_TILE = EDGES_PER_TILE // EDGE_CHUNK
CHUNK_PAIRS = CHUNKS_PER_TILE // 2
N_CHUNK_ROWS = E // EDGE_CHUNK

STRIPE = 624
TAIL_BASE = STRIPE * NS
TAIL = N_USER - TAIL_BASE

LBL_PAD = 102400
LBL_CHUNK = 128
LBL_CHUNKS_PER_TILE = LBL_PAD // (NC * NS) // LBL_CHUNK

_MESH = plsc.VectorSubcoreMesh(core_axis_name="c", subcore_axis_name="s")


def _edge_loop(x_view, idx_s, idx_d, rows0, rows1, sem0, sem1, drain_hbm,
               acc, hist, do_cnt):
  drain = drain_hbm.at[pl.ds(0, EDGE_CHUNK)]
  ones16 = jnp.full((16,), 1.0, jnp.float32)

  def scatter(rows, j):
    pltpu.sync_copy(rows, acc.at[idx_d.at[j]], add=True)
    if do_cnt:
      for k in range(EDGE_CHUNK // 16):
        idx16 = idx_d[j, pl.ds(16 * k, 16)]
        plsc.addupdate_scatter(
            hist, [lax.shift_right_logical(idx16, 3),
                   lax.bitwise_and(idx16, 7)], ones16)

  pltpu.async_copy(x_view.at[idx_s.at[0]], rows0, sem0)

  def pair(i, carry):
    j0 = 2 * i
    pltpu.make_async_copy(drain, rows0, sem0).wait()
    pltpu.async_copy(x_view.at[idx_s.at[j0 + 1]], rows1, sem1)
    scatter(rows0, j0)

    @pl.when(i < CHUNK_PAIRS - 1)
    def _():
      pltpu.async_copy(x_view.at[idx_s.at[j0 + 2]], rows0, sem0)

    pltpu.make_async_copy(drain, rows1, sem1).wait()
    scatter(rows1, j0 + 1)
    return carry

  lax.fori_loop(0, CHUNK_PAIRS, pair, 0)


def _stripe_copy(s, src, dst):
  r0 = s * STRIPE
  pltpu.sync_copy(src.at[pl.ds(r0, STRIPE)], dst.at[pl.ds(r0, STRIPE)])

  @pl.when(s == NS - 1)
  def _():
    pltpu.sync_copy(src.at[pl.ds(TAIL_BASE, TAIL)],
                    dst.at[pl.ds(TAIL_BASE, TAIL)])


def _cnt_stripe_copy(s, src, dst):
  @pl.when(s < NS - 1)
  def _():
    pltpu.sync_copy(src.at[pl.ds(s * 80, 80)], dst.at[pl.ds(s * 80, 80)])

  @pl.when(s == NS - 1)
  def _():
    pltpu.sync_copy(src.at[pl.ds(1200, 50)], dst.at[pl.ds(1200, 50)])


@functools.partial(
    pl.kernel,
    out_type=[
        jax.ShapeDtypeStruct((NC, N_USER, F_OUT), jnp.float32),
        jax.ShapeDtypeStruct((NC, N_USER, F_OUT), jnp.float32),
        jax.ShapeDtypeStruct((1250, 8), jnp.float32),
        jax.ShapeDtypeStruct((1250, 8), jnp.float32),
    ],
    mesh=_MESH,
    compiler_params=pltpu.CompilerParams(use_tc_tiling_on_sc=False,
                                         needs_layout_passes=False),
    scratch_types=[
        pltpu.VMEM((CHUNKS_PER_TILE, EDGE_CHUNK), jnp.int32),
        pltpu.VMEM((CHUNKS_PER_TILE, EDGE_CHUNK), jnp.int32),
        pltpu.VMEM((EDGE_CHUNK, F_OUT), jnp.float32),
        pltpu.VMEM((EDGE_CHUNK, F_OUT), jnp.float32),
        pltpu.VMEM((1250, 8), jnp.float32),
        pltpu.VMEM((10, 125), jnp.int32),
        pltpu.VMEM_SHARED((N_USER, F_OUT), jnp.float32),
        pltpu.VMEM_SHARED((1250, 8), jnp.float32),
        pltpu.SemaphoreType.DMA,
        pltpu.SemaphoreType.DMA,
    ],
)
def _seg_sum_l1(x_user_h, x_item_h, src_ui, dst_ui, src_iu, dst_iu,
                zeros_64, zeros_cnt, iota_r,
                agg_item_h, agg_user_h, cnt_item, cnt_user,
                idx_s, idx_d, rows0, rows1, hist, iota_v, acc, cntacc,
                sem0, sem1):
  c = lax.axis_index("c")
  s = lax.axis_index("s")
  pltpu.sync_copy(iota_r, iota_v)

  def phase(x_h, src_r, dst_r, agg_out, cnt_out, cnt_core):
    _stripe_copy(s, zeros_64, acc)
    _cnt_stripe_copy(s, zeros_cnt, cntacc)
    plsc.subcore_barrier()

    def run(x_view, do_cnt):
      pltpu.sync_copy(src_r.at[s], idx_s)
      pltpu.sync_copy(dst_r.at[s], idx_d)
      if do_cnt:
        pltpu.sync_copy(zeros_cnt, hist)
      _edge_loop(x_view, idx_s, idx_d, rows0, rows1, sem0, sem1, zeros_64,
                 acc, hist, do_cnt)
      if do_cnt:
        for t in range(10):
          pltpu.sync_copy(hist.at[pl.ds(t * 125, 125)],
                          cntacc.at[iota_v.at[t]], add=True)

    @pl.when(c == 0)
    def _():
      run(x_h.at[0], cnt_core == 0)

    @pl.when(c != 0)
    def _():
      run(x_h.at[1], cnt_core == 1)

    plsc.subcore_barrier()
    _stripe_copy(s, acc, agg_out.at[c])

    @pl.when(c == cnt_core)
    def _():
      _cnt_stripe_copy(s, cntacc, cnt_out)

  phase(x_user_h, src_ui, dst_ui, agg_item_h, cnt_item, 0)
  plsc.subcore_barrier()
  phase(x_item_h, src_iu, dst_iu, agg_user_h, cnt_user, 1)


@functools.partial(
    pl.kernel,
    out_type=[jax.ShapeDtypeStruct((N_USER, F_OUT), jnp.float32)
              for _ in range(2)],
    mesh=_MESH,
    compiler_params=pltpu.CompilerParams(use_tc_tiling_on_sc=False),
    scratch_types=[
        pltpu.VMEM((CHUNKS_PER_TILE, EDGE_CHUNK), jnp.int32),
        pltpu.VMEM((CHUNKS_PER_TILE, EDGE_CHUNK), jnp.int32),
        pltpu.VMEM((EDGE_CHUNK, F_OUT), jnp.float32),
        pltpu.VMEM((EDGE_CHUNK, F_OUT), jnp.float32),
        pltpu.VMEM_SHARED((N_USER, F_OUT), jnp.float32),
        pltpu.SemaphoreType.DMA,
        pltpu.SemaphoreType.DMA,
    ],
)
def _seg_sum_l2(q_u, q_i, src_ui, dst_ui, src_iu, dst_iu, zeros_64,
                agg2_item, agg2_user,
                idx_s, idx_d, rows0, rows1, acc, sem0, sem1):
  c = lax.axis_index("c")
  s = lax.axis_index("s")

  _stripe_copy(s, zeros_64, acc)
  plsc.subcore_barrier()

  def process(x_hbm, src_r, dst_r):
    pltpu.sync_copy(src_r.at[s], idx_s)
    pltpu.sync_copy(dst_r.at[s], idx_d)
    _edge_loop(x_hbm, idx_s, idx_d, rows0, rows1, sem0, sem1, zeros_64,
               acc, None, False)

  @pl.when(c == 0)
  def _():
    process(q_u, src_ui, dst_ui)

  @pl.when(c != 0)
  def _():
    process(q_i, src_iu, dst_iu)

  plsc.subcore_barrier()

  @pl.when(c == 0)
  def _():
    _stripe_copy(s, acc, agg2_item)

  @pl.when(c != 0)
  def _():
    _stripe_copy(s, acc, agg2_user)


@functools.partial(
    pl.kernel,
    out_type=jax.ShapeDtypeStruct((LBL_PAD, 16), jnp.float32),
    mesh=_MESH,
    compiler_params=pltpu.CompilerParams(use_tc_tiling_on_sc=False,
                                         needs_layout_passes=False),
    scratch_types=[
        pltpu.VMEM((LBL_CHUNKS_PER_TILE, LBL_CHUNK), jnp.int32),
        pltpu.VMEM((LBL_CHUNKS_PER_TILE, LBL_CHUNK), jnp.int32),
        pltpu.VMEM((LBL_CHUNK, F_OUT), jnp.float32),
        pltpu.VMEM((LBL_CHUNK, F_OUT), jnp.float32),
        pltpu.VMEM((LBL_CHUNK, F_OUT), jnp.float32),
        pltpu.VMEM((LBL_CHUNK, F_OUT), jnp.float32),
        pltpu.VMEM((LBL_CHUNK, 16), jnp.float32),
        pltpu.SemaphoreType.DMA,
        pltpu.SemaphoreType.DMA,
        pltpu.SemaphoreType.DMA,
        pltpu.SemaphoreType.DMA,
    ],
)
def _pair_gather(z_user, z_item, el0_r, el1_r, pd_out,
                 idx0, idx1, a0, b0, a1, b1, ov,
                 semA0, semB0, semA1, semB1):
  c = lax.axis_index("c")
  s = lax.axis_index("s")
  w = s * NC + c
  base = w * LBL_CHUNKS_PER_TILE
  pltpu.sync_copy(el0_r.at[w], idx0)
  pltpu.sync_copy(el1_r.at[w], idx1)

  drain = z_user.at[pl.ds(0, LBL_CHUNK)]

  def issue(j, a, b, semA, semB):
    pltpu.async_copy(z_user.at[idx0.at[j]], a, semA)
    pltpu.async_copy(z_item.at[idx1.at[j]], b, semB)

  def reduce_write(j, a, b, semA, semB):
    out_base = (base + j) * LBL_CHUNK
    pltpu.make_async_copy(drain, a, semA).wait()
    pltpu.make_async_copy(drain, b, semB).wait()

    def row(r, carry):
      acc = a[r, pl.ds(0, 16)] * b[r, pl.ds(0, 16)]
      for q in range(1, 4):
        acc = acc + a[r, pl.ds(16 * q, 16)] * b[r, pl.ds(16 * q, 16)]
      ov[r, :] = acc
      return carry

    lax.fori_loop(0, LBL_CHUNK, row, 0)
    pltpu.sync_copy(ov, pd_out.at[pl.ds(out_base, LBL_CHUNK)])

  issue(0, a0, b0, semA0, semB0)

  def pair(i, carry):
    j0 = 2 * i
    issue(j0 + 1, a1, b1, semA1, semB1)
    reduce_write(j0, a0, b0, semA0, semB0)
    issue(j0 + 2, a0, b0, semA0, semB0)
    reduce_write(j0 + 1, a1, b1, semA1, semB1)
    return carry

  lax.fori_loop(0, LBL_CHUNKS_PER_TILE // 2, pair, 0)
  reduce_write(LBL_CHUNKS_PER_TILE - 1, a0, b0, semA0, semB0)


def _dotT(x, w):
  return lax.dot_general(x, w, (((1,), (1,)), ((), ())),
                         preferred_element_type=jnp.float32)


_ROWS_BLK = 1000
_GRID = N_USER // _ROWS_BLK


def _blk(width):
  return pl.BlockSpec((_ROWS_BLK, width), lambda i: (i, 0))


def _full(shape):
  return pl.BlockSpec(shape, lambda i: tuple(0 for _ in shape))


def _hidden_tc_body(agg_i_lo, agg_i_hi, cnt_i_ref, x_i_ref,
                    agg_u_lo, agg_u_hi, cnt_u_ref, x_u_ref,
                    w1l_ui, w1r_ui, b1_ui, w1l_iu, w1r_iu, b1_iu,
                    w2l_ui, w2l_iu, w2r_ui, b2_ui, w2r_iu, b2_iu,
                    q_u_ref, q_i_ref, r2_i_ref, r2_u_ref):
  inv_i = 1.0 / jnp.maximum(cnt_i_ref[...], 1.0)
  inv_u = 1.0 / jnp.maximum(cnt_u_ref[...], 1.0)
  agg_i = jnp.concatenate([agg_i_lo[...], agg_i_hi[...]], axis=1)
  agg_u = jnp.concatenate([agg_u_lo[...], agg_u_hi[...]], axis=1)
  h_item = jax.nn.relu(_dotT(agg_i * inv_i, w1l_ui[...]) +
                       _dotT(x_i_ref[...], w1r_ui[...]) + b1_ui[...])
  h_user = jax.nn.relu(_dotT(agg_u * inv_u, w1l_iu[...]) +
                       _dotT(x_u_ref[...], w1r_iu[...]) + b1_iu[...])
  q_u_ref[...] = _dotT(h_user, w2l_ui[...])
  q_i_ref[...] = _dotT(h_item, w2l_iu[...])
  r2_i_ref[...] = _dotT(h_item, w2r_ui[...]) + b2_ui[...]
  r2_u_ref[...] = _dotT(h_user, w2r_iu[...]) + b2_iu[...]


_hidden_tc = pl.pallas_call(
    _hidden_tc_body,
    grid=(_GRID,),
    in_specs=[_blk(F_OUT), _blk(F_OUT), _blk(1), _blk(F_IN),
              _blk(F_OUT), _blk(F_OUT), _blk(1), _blk(F_IN),
              _full((F_HID, F_IN)), _full((F_HID, F_IN)), _full((1, F_HID)),
              _full((F_HID, F_IN)), _full((F_HID, F_IN)), _full((1, F_HID)),
              _full((F_OUT, F_HID)), _full((F_OUT, F_HID)),
              _full((F_OUT, F_HID)), _full((1, F_OUT)),
              _full((F_OUT, F_HID)), _full((1, F_OUT))],
    out_specs=[_blk(F_OUT)] * 4,
    out_shape=[jax.ShapeDtypeStruct((N_USER, F_OUT), jnp.float32)] * 4,
)


def _final_tc_body(agg2_i_ref, cnt_i_ref, r2_i_ref, agg2_u_ref, cnt_u_ref,
                   r2_u_ref, z_i_ref, z_u_ref):
  inv_i = 1.0 / jnp.maximum(cnt_i_ref[...], 1.0)
  inv_u = 1.0 / jnp.maximum(cnt_u_ref[...], 1.0)
  z_i_ref[...] = agg2_i_ref[...] * inv_i + r2_i_ref[...]
  z_u_ref[...] = agg2_u_ref[...] * inv_u + r2_u_ref[...]


_final_tc = pl.pallas_call(
    _final_tc_body,
    grid=(_GRID,),
    in_specs=[_blk(F_OUT), _blk(1), _blk(F_OUT)] * 2,
    out_specs=[_blk(F_OUT)] * 2,
    out_shape=[jax.ShapeDtypeStruct((N_USER, F_OUT), jnp.float32)] * 2,
)


_DOT_BLK = 1024


def _pair_dot_body(pd_ref, out_ref):
  out_ref[...] = jnp.sum(pd_ref[...], axis=1)


_pair_dot_tc = pl.pallas_call(
    _pair_dot_body,
    grid=(LBL_PAD // _DOT_BLK,),
    in_specs=[pl.BlockSpec((_DOT_BLK, 16), lambda i: (i, 0))],
    out_specs=pl.BlockSpec((_DOT_BLK,), lambda i: (i,)),
    out_shape=jax.ShapeDtypeStruct((LBL_PAD,), jnp.float32),
)


@jax.jit
def kernel(x_user, x_item, edge_index_u2i, edge_index_i2u, edge_label_index,
           W1_l_u2i, b1_u2i, W1_r_u2i, W1_l_i2u, b1_i2u, W1_r_i2u,
           W2_l_u2i, b2_u2i, W2_r_u2i, W2_l_i2u, b2_i2u, W2_r_i2u):
  eshape = (NS, CHUNKS_PER_TILE, EDGE_CHUNK)
  src_ui = edge_index_u2i[0].astype(jnp.int32).reshape(eshape)
  dst_ui = edge_index_u2i[1].astype(jnp.int32).reshape(eshape)
  src_iu = edge_index_i2u[0].astype(jnp.int32).reshape(eshape)
  dst_iu = edge_index_i2u[1].astype(jnp.int32).reshape(eshape)

  zeros_64 = jnp.zeros((N_USER, F_OUT), jnp.float32)
  zeros_cnt = jnp.zeros((1250, 8), jnp.float32)
  iota_r = jnp.arange(1250, dtype=jnp.int32).reshape(10, 125)

  x_user_h = x_user.reshape(N_USER, NC, F_OUT).transpose(1, 0, 2)
  x_item_h = x_item.reshape(N_ITEM, NC, F_OUT).transpose(1, 0, 2)

  agg_item_h, agg_user_h, cnt_item_p, cnt_user_p = _seg_sum_l1(
      x_user_h, x_item_h, src_ui, dst_ui, src_iu, dst_iu,
      zeros_64, zeros_cnt, iota_r)
  cnt_item = cnt_item_p.reshape(N_ITEM, 1)
  cnt_user = cnt_user_p.reshape(N_USER, 1)

  q_u, q_i, r2_item, r2_user = _hidden_tc(
      agg_item_h[0], agg_item_h[1], cnt_item, x_item,
      agg_user_h[0], agg_user_h[1], cnt_user, x_user,
      W1_l_u2i, W1_r_u2i, b1_u2i.reshape(1, F_HID),
      W1_l_i2u, W1_r_i2u, b1_i2u.reshape(1, F_HID),
      W2_l_u2i, W2_l_i2u, W2_r_u2i, b2_u2i.reshape(1, F_OUT),
      W2_r_i2u, b2_i2u.reshape(1, F_OUT))

  agg2_item, agg2_user = _seg_sum_l2(
      q_u, q_i, src_ui, dst_ui, src_iu, dst_iu, zeros_64)

  z_item, z_user = _final_tc(agg2_item, cnt_item, r2_item,
                             agg2_user, cnt_user, r2_user)

  el = edge_label_index.astype(jnp.int32)
  pad = LBL_PAD - E_LBL
  lshape = (NC * NS, LBL_CHUNKS_PER_TILE, LBL_CHUNK)
  el0_r = jnp.concatenate([el[0], jnp.zeros((pad,), jnp.int32)]).reshape(lshape)
  el1_r = jnp.concatenate([el[1], jnp.zeros((pad,), jnp.int32)]).reshape(lshape)

  pd = _pair_gather(z_user, z_item, el0_r, el1_r)
  pred = _pair_dot_tc(pd)
  return pred[:E_LBL]

# --- scband reference (transcript-rebuilt; emitter-appended) ---
"""Pipeline reference for scband-hetero-data-gnnmodel-12077448036418 (READ-ONLY COPY).

The authoritative reference and input builder live on the scoring server;
editing this copy changes nothing except your own understanding.
"""

import jax, jax.numpy as jnp
import numpy as np

N_USER = 10000
N_ITEM = 10000
E = 320000
E_LBL = 100000
F_IN = 128
F_HID = 128
F_OUT = 64


def _lin(key, out_d, in_d):
    return jax.random.normal(key, (out_d, in_d), dtype=jnp.float32) * (1.0 / np.sqrt(in_d))


def setup_inputs(seed: int = 0) -> dict:
    key = jax.random.key(seed)
    ks = jax.random.split(key, 24)
    inp = {}
    inp['x_user'] = jax.random.normal(ks[0], (N_USER, F_IN), dtype=jnp.float32)
    inp['x_item'] = jax.random.normal(ks[1], (N_ITEM, F_IN), dtype=jnp.float32)
    # edge_index_u2i: row0 = src user ids, row1 = dst item ids
    inp['edge_index_u2i'] = jax.random.randint(ks[2], (2, E), 0, N_USER)
    # edge_index_i2u: row0 = src item ids, row1 = dst user ids
    inp['edge_index_i2u'] = jax.random.randint(ks[3], (2, E), 0, N_ITEM)
    inp['edge_label_index'] = jax.random.randint(ks[4], (2, E_LBL), 0, N_USER)
    # SAGEConv params per edge type (to_hetero duplicates per relation).
    # Layer 1: in=F_IN -> out=F_HID; Layer 2: in=F_HID -> out=F_OUT
    inp['W1_l_u2i'] = _lin(ks[5], F_HID, F_IN)
    inp['b1_u2i'] = jnp.zeros((F_HID,), dtype=jnp.float32)
    inp['W1_r_u2i'] = _lin(ks[6], F_HID, F_IN)
    inp['W1_l_i2u'] = _lin(ks[7], F_HID, F_IN)
    inp['b1_i2u'] = jnp.zeros((F_HID,), dtype=jnp.float32)
    inp['W1_r_i2u'] = _lin(ks[8], F_HID, F_IN)
    inp['W2_l_u2i'] = _lin(ks[9], F_OUT, F_HID)
    inp['b2_u2i'] = jnp.zeros((F_OUT,), dtype=jnp.float32)
    inp['W2_r_u2i'] = _lin(ks[10], F_OUT, F_HID)
    inp['W2_l_i2u'] = _lin(ks[11], F_OUT, F_HID)
    inp['b2_i2u'] = jnp.zeros((F_OUT,), dtype=jnp.float32)
    inp['W2_r_i2u'] = _lin(ks[12], F_OUT, F_HID)
    return inp


def _sage_conv(x_src, x_dst, edge_index, W_l, b_l, W_r, num_dst):
    # Bipartite SAGEConv: out = lin_l(mean_aggr(x_src over in-edges)) + lin_r(x_dst)
    src = edge_index[0]
    dst = edge_index[1]
    msg = jnp.take(x_src, src, axis=0)
    agg = jax.ops.segment_sum(msg, dst, num_segments=num_dst)
    cnt = jax.ops.segment_sum(jnp.ones((msg.shape[0],), msg.dtype), dst, num_segments=num_dst)
    agg = agg / jnp.maximum(cnt, 1.0)[:, None]
    return agg @ W_l.T + b_l + x_dst @ W_r.T


def reference(x_user, x_item, edge_index_u2i, edge_index_i2u, edge_label_index,
              W1_l_u2i, b1_u2i, W1_r_u2i, W1_l_i2u, b1_i2u, W1_r_i2u,
              W2_l_u2i, b2_u2i, W2_r_u2i, W2_l_i2u, b2_i2u, W2_r_i2u):
    # GCNsimple(to_hetero): layer1 per edge type, relu, (dropout off in eval), layer2
    h_item = _sage_conv(x_user, x_item, edge_index_u2i, W1_l_u2i, b1_u2i, W1_r_u2i, N_ITEM)
    h_user = _sage_conv(x_item, x_user, edge_index_i2u, W1_l_i2u, b1_i2u, W1_r_i2u, N_USER)
    h_item = jax.nn.relu(h_item)
    h_user = jax.nn.relu(h_user)
    z_item = _sage_conv(h_user, h_item, edge_index_u2i, W2_l_u2i, b2_u2i, W2_r_u2i, N_ITEM)
    z_user = _sage_conv(h_item, h_user, edge_index_i2u, W2_l_i2u, b2_i2u, W2_r_i2u, N_USER)
    # LPsimple_classif: dot product over edge_label_index pairs
    f1 = jnp.take(z_user, edge_label_index[0], axis=0)
    f2 = jnp.take(z_item, edge_label_index[1], axis=0)
    pred = (f1 * f2).sum(axis=-1)
    return pred

if __name__ == "__main__":
    import jax
    _d = setup_inputs()
    print(jax.jit(kernel)(*tuple(_d.values())))

</pallas_src>

<mosaic_0001>
#map = affine_map<(d0, d1) -> (0, 0)>
#map1 = affine_map<(d0, d1) -> (0, 0, 0)>
module attributes {stable_mosaic.version = 14 : i64} {
  func.func @_pair_gather(%arg0: i32, %arg1: i32, %arg2: memref<10000x64xf32, #tpu.memory_space<hbm>>, %arg3: memref<10000x64xf32, #tpu.memory_space<hbm>>, %arg4: memref<32x25x128xi32, #tpu.memory_space<hbm>>, %arg5: memref<32x25x128xi32, #tpu.memory_space<hbm>>, %arg6: memref<102400x16xf32, #tpu.memory_space<hbm>>, %arg7: memref<25x128xi32, #tpu.memory_space<vmem>>, %arg8: memref<25x128xi32, #tpu.memory_space<vmem>>, %arg9: memref<128x64xf32, #tpu.memory_space<vmem>>, %arg10: memref<128x64xf32, #tpu.memory_space<vmem>>, %arg11: memref<128x64xf32, #tpu.memory_space<vmem>>, %arg12: memref<128x64xf32, #tpu.memory_space<vmem>>, %arg13: memref<128x16xf32, #tpu.memory_space<vmem>>, %arg14: memref<!tpu.dma_semaphore, #tpu.memory_space<semaphore_mem>>, %arg15: memref<!tpu.dma_semaphore, #tpu.memory_space<semaphore_mem>>, %arg16: memref<!tpu.dma_semaphore, #tpu.memory_space<semaphore_mem>>, %arg17: memref<!tpu.dma_semaphore, #tpu.memory_space<semaphore_mem>>) attributes {dimension_semantics = [#tpu.dimension_semantics<core_parallel>, #tpu.dimension_semantics<subcore_parallel>], iteration_bounds = array<i64: 2, 16>, scalar_prefetch = 0 : i64, scratch_operands = 11 : i64, tpu.core_type = #tpu.core_type<sc_vector_subcore>, window_params = [{transform_indices = #map}, {transform_indices = #map}, {transform_indices = #map1}, {transform_indices = #map1}, {transform_indices = #map}]} {
    %mul3A = arith.constant 2 : i32
    %mul3A_0 = arith.muli %arg1, %mul3A : i32
    %add3A = arith.addi %mul3A_0, %arg0 : i32
    %mul3A_1 = arith.constant 25 : i32
    %mul3A_2 = arith.muli %add3A, %mul3A_1 : i32
    "tpu.region"() ({
      %run_scoped3A = tpu.sem_alloc : memref<!tpu.dma_semaphore, #tpu.memory_space<semaphore_mem>>
      %dma_start3A_42 = arith.constant 0 : i32
      %dma_start3A_43 = arith.constant 0 : i32
      %dma_start3A_44 = tpu.memref_slice %arg4[%add3A, %dma_start3A_42, %dma_start3A_43] : memref<32x25x128xi32, #tpu.memory_space<hbm>> -> memref<1x25x128xi32, #tpu.memory_space<hbm>>
      %dma_start3A_45 = tpu.memref_squeeze %dma_start3A_44 : memref<1x25x128xi32, #tpu.memory_space<hbm>> -> memref<25x128xi32, #tpu.memory_space<hbm>>
      %dma_start3A_46 = arith.constant 0 : i32
      %dma_start3A_47 = arith.constant 0 : i32
      %dma_start3A_48 = tpu.memref_slice %arg4[%add3A, %dma_start3A_46, %dma_start3A_47] : memref<32x25x128xi32, #tpu.memory_space<hbm>> -> memref<1x25x128xi32, #tpu.memory_space<hbm>>
      %dma_start3A_49 = tpu.memref_squeeze %dma_start3A_48 : memref<1x25x128xi32, #tpu.memory_space<hbm>> -> memref<25x128xi32, #tpu.memory_space<hbm>>
      tpu.enqueue_dma source(%dma_start3A_49 : memref<25x128xi32, #tpu.memory_space<hbm>>) target(%arg7 : memref<25x128xi32, #tpu.memory_space<vmem>>) target_semaphore(%run_scoped3A : memref<!tpu.dma_semaphore, #tpu.memory_space<semaphore_mem>>)
      %dma_wait3A_50 = arith.constant 0 : i32
      %dma_wait3A_51 = arith.constant 0 : i32
      %dma_wait3A_52 = tpu.memref_slice %arg4[%add3A, %dma_wait3A_50, %dma_wait3A_51] : memref<32x25x128xi32, #tpu.memory_space<hbm>> -> memref<1x25x128xi32, #tpu.memory_space<hbm>>
      %dma_wait3A_53 = tpu.memref_squeeze %dma_wait3A_52 : memref<1x25x128xi32, #tpu.memory_space<hbm>> -> memref<25x128xi32, #tpu.memory_space<hbm>>
      %dma_wait3A_54 = arith.constant 0 : i32
      %dma_wait3A_55 = arith.constant 0 : i32
      %dma_wait3A_56 = tpu.memref_slice %arg4[%add3A, %dma_wait3A_54, %dma_wait3A_55] : memref<32x25x128xi32, #tpu.memory_space<hbm>> -> memref<1x25x128xi32, #tpu.memory_space<hbm>>
      %dma_wait3A_57 = tpu.memref_squeeze %dma_wait3A_56 : memref<1x25x128xi32, #tpu.memory_space<hbm>> -> memref<25x128xi32, #tpu.memory_space<hbm>>
      tpu.wait_dma2 semaphore(%run_scoped3A : memref<!tpu.dma_semaphore, #tpu.memory_space<semaphore_mem>>) src(%dma_wait3A_57 : memref<25x128xi32, #tpu.memory_space<hbm>>) dst(%arg7 : memref<25x128xi32, #tpu.memory_space<vmem>>)
      tpu.yield
    }) : () -> ()
    "tpu.region"() ({
      %run_scoped3A = tpu.sem_alloc : memref<!tpu.dma_semaphore, #tpu.memory_space<semaphore_mem>>
      %dma_start3A_42 = arith.constant 0 : i32
      %dma_start3A_43 = arith.constant 0 : i32
      %dma_start3A_44 = tpu.memref_slice %arg5[%add3A, %dma_start3A_42, %dma_start3A_43] : memref<32x25x128xi32, #tpu.memory_space<hbm>> -> memref<1x25x128xi32, #tpu.memory_space<hbm>>
      %dma_start3A_45 = tpu.memref_squeeze %dma_start3A_44 : memref<1x25x128xi32, #tpu.memory_space<hbm>> -> memref<25x128xi32, #tpu.memory_space<hbm>>
      %dma_start3A_46 = arith.constant 0 : i32
      %dma_start3A_47 = arith.constant 0 : i32
      %dma_start3A_48 = tpu.memref_slice %arg5[%add3A, %dma_start3A_46, %dma_start3A_47] : memref<32x25x128xi32, #tpu.memory_space<hbm>> -> memref<1x25x128xi32, #tpu.memory_space<hbm>>
      %dma_start3A_49 = tpu.memref_squeeze %dma_start3A_48 : memref<1x25x128xi32, #tpu.memory_space<hbm>> -> memref<25x128xi32, #tpu.memory_space<hbm>>
      tpu.enqueue_dma source(%dma_start3A_49 : memref<25x128xi32, #tpu.memory_space<hbm>>) target(%arg8 : memref<25x128xi32, #tpu.memory_space<vmem>>) target_semaphore(%run_scoped3A : memref<!tpu.dma_semaphore, #tpu.memory_space<semaphore_mem>>)
      %dma_wait3A_50 = arith.constant 0 : i32
      %dma_wait3A_51 = arith.constant 0 : i32
      %dma_wait3A_52 = tpu.memref_slice %arg5[%add3A, %dma_wait3A_50, %dma_wait3A_51] : memref<32x25x128xi32, #tpu.memory_space<hbm>> -> memref<1x25x128xi32, #tpu.memory_space<hbm>>
      %dma_wait3A_53 = tpu.memref_squeeze %dma_wait3A_52 : memref<1x25x128xi32, #tpu.memory_space<hbm>> -> memref<25x128xi32, #tpu.memory_space<hbm>>
      %dma_wait3A_54 = arith.constant 0 : i32
      %dma_wait3A_55 = arith.constant 0 : i32
      %dma_wait3A_56 = tpu.memref_slice %arg5[%add3A, %dma_wait3A_54, %dma_wait3A_55] : memref<32x25x128xi32, #tpu.memory_space<hbm>> -> memref<1x25x128xi32, #tpu.memory_space<hbm>>
      %dma_wait3A_57 = tpu.memref_squeeze %dma_wait3A_56 : memref<1x25x128xi32, #tpu.memory_space<hbm>> -> memref<25x128xi32, #tpu.memory_space<hbm>>
      tpu.wait_dma2 semaphore(%run_scoped3A : memref<!tpu.dma_semaphore, #tpu.memory_space<semaphore_mem>>) src(%dma_wait3A_57 : memref<25x128xi32, #tpu.memory_space<hbm>>) dst(%arg8 : memref<25x128xi32, #tpu.memory_space<vmem>>)
      tpu.yield
    }) : () -> ()
    %dma_start3A = arith.constant 0 : i32
    %dma_start3A_3 = arith.constant 0 : i32
    %dma_start3A_4 = tpu.memref_slice %arg7[%dma_start3A, %dma_start3A_3] : memref<25x128xi32, #tpu.memory_space<vmem>> -> memref<1x128xi32, #tpu.memory_space<vmem>>
    %dma_start3A_5 = tpu.memref_squeeze %dma_start3A_4 : memref<1x128xi32, #tpu.memory_space<vmem>> -> memref<128xi32, #tpu.memory_space<vmem>>
    %dma_start3A_6 = arith.constant 0 : i32
    %dma_start3A_7 = arith.constant 0 : i32
    %dma_start3A_8 = tpu.memref_slice %arg2[%dma_start3A_6, %dma_start3A_7] : memref<10000x64xf32, #tpu.memory_space<hbm>> -> memref<10000x64xf32, #tpu.memory_space<hbm>>
    tpu.enqueue_indirect_dma source(%dma_start3A_8 : memref<10000x64xf32, #tpu.memory_space<hbm>>) target(%arg9 : memref<128x64xf32, #tpu.memory_space<vmem>>) offsets(%dma_start3A_5 : memref<128xi32, #tpu.memory_space<vmem>>) semaphore(%arg14 : memref<!tpu.dma_semaphore, #tpu.memory_space<semaphore_mem>>)
    %dma_start3A_9 = arith.constant 0 : i32
    %dma_start3A_10 = arith.constant 0 : i32
    %dma_start3A_11 = tpu.memref_slice %arg8[%dma_start3A_9, %dma_start3A_10] : memref<25x128xi32, #tpu.memory_space<vmem>> -> memref<1x128xi32, #tpu.memory_space<vmem>>
    %dma_start3A_12 = tpu.memref_squeeze %dma_start3A_11 : memref<1x128xi32, #tpu.memory_space<vmem>> -> memref<128xi32, #tpu.memory_space<vmem>>
    %dma_start3A_13 = arith.constant 0 : i32
    %dma_start3A_14 = arith.constant 0 : i32
    %dma_start3A_15 = tpu.memref_slice %arg3[%dma_start3A_13, %dma_start3A_14] : memref<10000x64xf32, #tpu.memory_space<hbm>> -> memref<10000x64xf32, #tpu.memory_space<hbm>>
    tpu.enqueue_indirect_dma source(%dma_start3A_15 : memref<10000x64xf32, #tpu.memory_space<hbm>>) target(%arg10 : memref<128x64xf32, #tpu.memory_space<vmem>>) offsets(%dma_start3A_12 : memref<128xi32, #tpu.memory_space<vmem>>) semaphore(%arg15 : memref<!tpu.dma_semaphore, #tpu.memory_space<semaphore_mem>>)
    %scan3A = arith.constant 0 : i32
    %scan3A_16 = arith.constant 0 : i32
    %scan3A_17 = arith.constant 12 : i32
    %scan3A_18 = arith.addi %scan3A_16, %scan3A_17 : i32
    %scan3A_19 = arith.constant 1 : i32
    scf.for %scan3A_42 = %scan3A_16 to %scan3A_18 step %scan3A_19  : i32 {
      %mul3A_43 = arith.constant 2 : i32
      %mul3A_44 = arith.muli %mul3A_43, %scan3A_42 : i32
      %add3A_45 = arith.constant 1 : i32
      %add3A_46 = arith.addi %mul3A_44, %add3A_45 : i32
      %dma_start3A_47 = arith.constant 0 : i32
      %dma_start3A_48 = tpu.memref_slice %arg7[%add3A_46, %dma_start3A_47] : memref<25x128xi32, #tpu.memory_space<vmem>> -> memref<1x128xi32, #tpu.memory_space<vmem>>
      %dma_start3A_49 = tpu.memref_squeeze %dma_start3A_48 : memref<1x128xi32, #tpu.memory_space<vmem>> -> memref<128xi32, #tpu.memory_space<vmem>>
      %dma_start3A_50 = arith.constant 0 : i32
      %dma_start3A_51 = arith.constant 0 : i32
      %dma_start3A_52 = tpu.memref_slice %arg2[%dma_start3A_50, %dma_start3A_51] : memref<10000x64xf32, #tpu.memory_space<hbm>> -> memref<10000x64xf32, #tpu.memory_space<hbm>>
      tpu.enqueue_indirect_dma source(%dma_start3A_52 : memref<10000x64xf32, #tpu.memory_space<hbm>>) target(%arg11 : memref<128x64xf32, #tpu.memory_space<vmem>>) offsets(%dma_start3A_49 : memref<128xi32, #tpu.memory_space<vmem>>) semaphore(%arg16 : memref<!tpu.dma_semaphore, #tpu.memory_space<semaphore_mem>>)
      %dma_start3A_53 = arith.constant 0 : i32
      %dma_start3A_54 = tpu.memref_slice %arg8[%add3A_46, %dma_start3A_53] : memref<25x128xi32, #tpu.memory_space<vmem>> -> memref<1x128xi32, #tpu.memory_space<vmem>>
      %dma_start3A_55 = tpu.memref_squeeze %dma_start3A_54 : memref<1x128xi32, #tpu.memory_space<vmem>> -> memref<128xi32, #tpu.memory_space<vmem>>
      %dma_start3A_56 = arith.constant 0 : i32
      %dma_start3A_57 = arith.constant 0 : i32
      %dma_start3A_58 = tpu.memref_slice %arg3[%dma_start3A_56, %dma_start3A_57] : memref<10000x64xf32, #tpu.memory_space<hbm>> -> memref<10000x64xf32, #tpu.memory_space<hbm>>
      tpu.enqueue_indirect_dma source(%dma_start3A_58 : memref<10000x64xf32, #tpu.memory_space<hbm>>) target(%arg12 : memref<128x64xf32, #tpu.memory_space<vmem>>) offsets(%dma_start3A_55 : memref<128xi32, #tpu.memory_space<vmem>>) semaphore(%arg17 : memref<!tpu.dma_semaphore, #tpu.memory_space<semaphore_mem>>)
      %add3A_59 = arith.addi %mul3A_2, %mul3A_44 : i32
      %mul3A_60 = arith.constant 128 : i32
      %mul3A_61 = arith.muli %add3A_59, %mul3A_60 : i32
      %dma_wait3A_62 = arith.constant 0 : i32
      %dma_wait3A_63 = arith.constant 0 : i32
      %dma_wait3A_64 = tpu.memref_slice %arg2[%dma_wait3A_62, %dma_wait3A_63] : memref<10000x64xf32, #tpu.memory_space<hbm>> -> memref<128x64xf32, #tpu.memory_space<hbm>>
      %dma_wait3A_65 = arith.constant 0 : i32
      %dma_wait3A_66 = arith.constant 0 : i32
      %dma_wait3A_67 = tpu.memref_slice %arg2[%dma_wait3A_65, %dma_wait3A_66] : memref<10000x64xf32, #tpu.memory_space<hbm>> -> memref<128x64xf32, #tpu.memory_space<hbm>>
      tpu.wait_dma2 semaphore(%arg14 : memref<!tpu.dma_semaphore, #tpu.memory_space<semaphore_mem>>) src(%dma_wait3A_67 : memref<128x64xf32, #tpu.memory_space<hbm>>) dst(%arg9 : memref<128x64xf32, #tpu.memory_space<vmem>>)
      %dma_wait3A_68 = arith.constant 0 : i32
      %dma_wait3A_69 = arith.constant 0 : i32
      %dma_wait3A_70 = tpu.memref_slice %arg2[%dma_wait3A_68, %dma_wait3A_69] : memref<10000x64xf32, #tpu.memory_space<hbm>> -> memref<128x64xf32, #tpu.memory_space<hbm>>
      %dma_wait3A_71 = arith.constant 0 : i32
      %dma_wait3A_72 = arith.constant 0 : i32
      %dma_wait3A_73 = tpu.memref_slice %arg2[%dma_wait3A_71, %dma_wait3A_72] : memref<10000x64xf32, #tpu.memory_space<hbm>> -> memref<128x64xf32, #tpu.memory_space<hbm>>
      tpu.wait_dma2 semaphore(%arg15 : memref<!tpu.dma_semaphore, #tpu.memory_space<semaphore_mem>>) src(%dma_wait3A_73 : memref<128x64xf32, #tpu.memory_space<hbm>>) dst(%arg10 : memref<128x64xf32, #tpu.memory_space<vmem>>)
      %scan3A_74 = arith.constant 0 : i32
      %scan3A_75 = arith.constant 0 : i32
      %scan3A_76 = arith.constant 128 : i32
      %scan3A_77 = arith.addi %scan3A_75, %scan3A_76 : i32
      %scan3A_78 = arith.constant 1 : i32
      scf.for %scan3A_117 = %scan3A_75 to %scan3A_77 step %scan3A_78  : i32 {
        %get3A = arith.index_cast %scan3A_117 : i32 to index
        %get3A_118 = arith.constant 0 : index
        %get3A_119 = tpu.vector_load %arg9[%get3A, %get3A_118] {strides = array<i32>} : memref<128x64xf32, #tpu.memory_space<vmem>>, vector<16xf32>,
        %get3A_120 = arith.index_cast %scan3A_117 : i32 to index
        %get3A_121 = arith.constant 0 : index
        %get3A_122 = tpu.vector_load %arg10[%get3A_120, %get3A_121] {strides = array<i32>} : memref<128x64xf32, #tpu.memory_space<vmem>>, vector<16xf32>,
        %mul3A_123 = arith.mulf %get3A_119, %get3A_122 : vector<16xf32>
        %get3A_124 = arith.index_cast %scan3A_117 : i32 to index
        %get3A_125 = arith.constant 16 : index
        %get3A_126 = tpu.vector_load %arg9[%get3A_124, %get3A_125] {strides = array<i32>} : memref<128x64xf32, #tpu.memory_space<vmem>>, vector<16xf32>,
        %get3A_127 = arith.index_cast %scan3A_117 : i32 to index
        %get3A_128 = arith.constant 16 : index
        %get3A_129 = tpu.vector_load %arg10[%get3A_127, %get3A_128] {strides = array<i32>} : memref<128x64xf32, #tpu.memory_space<vmem>>, vector<16xf32>,
        %mul3A_130 = arith.mulf %get3A_126, %get3A_129 : vector<16xf32>
        %add3A_131 = arith.addf %mul3A_123, %mul3A_130 : vector<16xf32>
        %get3A_132 = arith.index_cast %scan3A_117 : i32 to index
        %get3A_133 = arith.constant 32 : index
        %get3A_134 = tpu.vector_load %arg9[%get3A_132, %get3A_133] {strides = array<i32>} : memref<128x64xf32, #tpu.memory_space<vmem>>, vector<16xf32>,
        %get3A_135 = arith.index_cast %scan3A_117 : i32 to index
        %get3A_136 = arith.constant 32 : index
        %get3A_137 = tpu.vector_load %arg10[%get3A_135, %get3A_136] {strides = array<i32>} : memref<128x64xf32, #tpu.memory_space<vmem>>, vector<16xf32>,
        %mul3A_138 = arith.mulf %get3A_134, %get3A_137 : vector<16xf32>
        %add3A_139 = arith.addf %add3A_131, %mul3A_138 : vector<16xf32>
        %get3A_140 = arith.index_cast %scan3A_117 : i32 to index
        %get3A_141 = arith.constant 48 : index
        %get3A_142 = tpu.vector_load %arg9[%get3A_140, %get3A_141] {strides = array<i32>} : memref<128x64xf32, #tpu.memory_space<vmem>>, vector<16xf32>,
        %get3A_143 = arith.index_cast %scan3A_117 : i32 to index
        %get3A_144 = arith.constant 48 : index
        %get3A_145 = tpu.vector_load %arg10[%get3A_143, %get3A_144] {strides = array<i32>} : memref<128x64xf32, #tpu.memory_space<vmem>>, vector<16xf32>,
        %mul3A_146 = arith.mulf %get3A_142, %get3A_145 : vector<16xf32>
        %add3A_147 = arith.addf %add3A_139, %mul3A_146 : vector<16xf32>
        %swap3A = arith.index_cast %scan3A_117 : i32 to index
        %swap3A_148 = arith.constant 0 : index
        %swap3A_149 = tpu.vector_load %arg13[%swap3A, %swap3A_148] {strides = array<i32>} : memref<128x16xf32, #tpu.memory_space<vmem>>, vector<16xf32>,
        tpu.vector_store %arg13[%swap3A, %swap3A_148], %add3A_147 {strides = array<i32>} : memref<128x16xf32, #tpu.memory_space<vmem>>, vector<16xf32>,
      }
      %scan3A_79 = arith.constant 128 : i32
      "tpu.region"() ({
        %run_scoped3A = tpu.sem_alloc : memref<!tpu.dma_semaphore, #tpu.memory_space<semaphore_mem>>
        %dma_start3A_117 = arith.constant 0 : i32
        %dma_start3A_118 = tpu.memref_slice %arg6[%mul3A_61, %dma_start3A_117] : memref<102400x16xf32, #tpu.memory_space<hbm>> -> memref<128x16xf32, #tpu.memory_space<hbm>>
        %dma_start3A_119 = arith.constant 0 : i32
        %dma_start3A_120 = tpu.memref_slice %arg6[%mul3A_61, %dma_start3A_119] : memref<102400x16xf32, #tpu.memory_space<hbm>> -> memref<128x16xf32, #tpu.memory_space<hbm>>
        tpu.enqueue_dma source(%arg13 : memref<128x16xf32, #tpu.memory_space<vmem>>) target(%dma_start3A_120 : memref<128x16xf32, #tpu.memory_space<hbm>>) target_semaphore(%run_scoped3A : memref<!tpu.dma_semaphore, #tpu.memory_space<semaphore_mem>>)
        %dma_wait3A_121 = arith.constant 0 : i32
        %dma_wait3A_122 = tpu.memref_slice %arg6[%mul3A_61, %dma_wait3A_121] : memref<102400x16xf32, #tpu.memory_space<hbm>> -> memref<128x16xf32, #tpu.memory_space<hbm>>
        %dma_wait3A_123 = arith.constant 0 : i32
        %dma_wait3A_124 = tpu.memref_slice %arg6[%mul3A_61, %dma_wait3A_123] : memref<102400x16xf32, #tpu.memory_space<hbm>> -> memref<128x16xf32, #tpu.memory_space<hbm>>
        tpu.wait_dma2 semaphore(%run_scoped3A : memref<!tpu.dma_semaphore, #tpu.memory_space<semaphore_mem>>) src(%arg13 : memref<128x16xf32, #tpu.memory_space<vmem>>) dst(%dma_wait3A_124 : memref<128x16xf32, #tpu.memory_space<hbm>>)
        tpu.yield
      }) : () -> ()
      %add3A_80 = arith.constant 2 : i32
      %add3A_81 = arith.addi %mul3A_44, %add3A_80 : i32
      %dma_start3A_82 = arith.constant 0 : i32
      %dma_start3A_83 = tpu.memref_slice %arg7[%add3A_81, %dma_start3A_82] : memref<25x128xi32, #tpu.memory_space<vmem>> -> memref<1x128xi32, #tpu.memory_space<vmem>>
      %dma_start3A_84 = tpu.memref_squeeze %dma_start3A_83 : memref<1x128xi32, #tpu.memory_space<vmem>> -> memref<128xi32, #tpu.memory_space<vmem>>
      %dma_start3A_85 = arith.constant 0 : i32
      %dma_start3A_86 = arith.constant 0 : i32
      %dma_start3A_87 = tpu.memref_slice %arg2[%dma_start3A_85, %dma_start3A_86] : memref<10000x64xf32, #tpu.memory_space<hbm>> -> memref<10000x64xf32, #tpu.memory_space<hbm>>
      tpu.enqueue_indirect_dma source(%dma_start3A_87 : memref<10000x64xf32, #tpu.memory_space<hbm>>) target(%arg9 : memref<128x64xf32, #tpu.memory_space<vmem>>) offsets(%dma_start3A_84 : memref<128xi32, #tpu.memory_space<vmem>>) semaphore(%arg14 : memref<!tpu.dma_semaphore, #tpu.memory_space<semaphore_mem>>)
      %dma_start3A_88 = arith.constant 0 : i32
      %dma_start3A_89 = tpu.memref_slice %arg8[%add3A_81, %dma_start3A_88] : memref<25x128xi32, #tpu.memory_space<vmem>> -> memref<1x128xi32, #tpu.memory_space<vmem>>
      %dma_start3A_90 = tpu.memref_squeeze %dma_start3A_89 : memref<1x128xi32, #tpu.memory_space<vmem>> -> memref<128xi32, #tpu.memory_space<vmem>>
      %dma_start3A_91 = arith.constant 0 : i32
      %dma_start3A_92 = arith.constant 0 : i32
      %dma_start3A_93 = tpu.memref_slice %arg3[%dma_start3A_91, %dma_start3A_92] : memref<10000x64xf32, #tpu.memory_space<hbm>> -> memref<10000x64xf32, #tpu.memory_space<hbm>>
      tpu.enqueue_indirect_dma source(%dma_start3A_93 : memref<10000x64xf32, #tpu.memory_space<hbm>>) target(%arg10 : memref<128x64xf32, #tpu.memory_space<vmem>>) offsets(%dma_start3A_90 : memref<128xi32, #tpu.memory_space<vmem>>) semaphore(%arg15 : memref<!tpu.dma_semaphore, #tpu.memory_space<semaphore_mem>>)
      %add3A_94 = arith.constant 1 : i32
      %add3A_95 = arith.addi %mul3A_44, %add3A_94 : i32
      %add3A_96 = arith.addi %mul3A_2, %add3A_95 : i32
      %mul3A_97 = arith.constant 128 : i32
      %mul3A_98 = arith.muli %add3A_96, %mul3A_97 : i32
      %dma_wait3A_99 = arith.constant 0 : i32
      %dma_wait3A_100 = arith.constant 0 : i32
      %dma_wait3A_101 = tpu.memref_slice %arg2[%dma_wait3A_99, %dma_wait3A_100] : memref<10000x64xf32, #tpu.memory_space<hbm>> -> memref<128x64xf32, #tpu.memory_space<hbm>>
      %dma_wait3A_102 = arith.constant 0 : i32
      %dma_wait3A_103 = arith.constant 0 : i32
      %dma_wait3A_104 = tpu.memref_slice %arg2[%dma_wait3A_102, %dma_wait3A_103] : memref<10000x64xf32, #tpu.memory_space<hbm>> -> memref<128x64xf32, #tpu.memory_space<hbm>>
      tpu.wait_dma2 semaphore(%arg16 : memref<!tpu.dma_semaphore, #tpu.memory_space<semaphore_mem>>) src(%dma_wait3A_104 : memref<128x64xf32, #tpu.memory_space<hbm>>) dst(%arg11 : memref<128x64xf32, #tpu.memory_space<vmem>>)
      %dma_wait3A_105 = arith.constant 0 : i32
      %dma_wait3A_106 = arith.constant 0 : i32
      %dma_wait3A_107 = tpu.memref_slice %arg2[%dma_wait3A_105, %dma_wait3A_106] : memref<10000x64xf32, #tpu.memory_space<hbm>> -> memref<128x64xf32, #tpu.memory_space<hbm>>
      %dma_wait3A_108 = arith.constant 0 : i32
      %dma_wait3A_109 = arith.constant 0 : i32
      %dma_wait3A_110 = tpu.memref_slice %arg2[%dma_wait3A_108, %dma_wait3A_109] : memref<10000x64xf32, #tpu.memory_space<hbm>> -> memref<128x64xf32, #tpu.memory_space<hbm>>
      tpu.wait_dma2 semaphore(%arg17 : memref<!tpu.dma_semaphore, #tpu.memory_space<semaphore_mem>>) src(%dma_wait3A_110 : memref<128x64xf32, #tpu.memory_space<hbm>>) dst(%arg12 : memref<128x64xf32, #tpu.memory_space<vmem>>)
      %scan3A_111 = arith.constant 0 : i32
      %scan3A_112 = arith.constant 0 : i32
      %scan3A_113 = arith.constant 128 : i32
      %scan3A_114 = arith.addi %scan3A_112, %scan3A_113 : i32
      %scan3A_115 = arith.constant 1 : i32
      scf.for %scan3A_117 = %scan3A_112 to %scan3A_114 step %scan3A_115  : i32 {
        %get3A = arith.index_cast %scan3A_117 : i32 to index
        %get3A_118 = arith.constant 0 : index
        %get3A_119 = tpu.vector_load %arg11[%get3A, %get3A_118] {strides = array<i32>} : memref<128x64xf32, #tpu.memory_space<vmem>>, vector<16xf32>,
        %get3A_120 = arith.index_cast %scan3A_117 : i32 to index
        %get3A_121 = arith.constant 0 : index
        %get3A_122 = tpu.vector_load %arg12[%get3A_120, %get3A_121] {strides = array<i32>} : memref<128x64xf32, #tpu.memory_space<vmem>>, vector<16xf32>,
        %mul3A_123 = arith.mulf %get3A_119, %get3A_122 : vector<16xf32>
        %get3A_124 = arith.index_cast %scan3A_117 : i32 to index
        %get3A_125 = arith.constant 16 : index
        %get3A_126 = tpu.vector_load %arg11[%get3A_124, %get3A_125] {strides = array<i32>} : memref<128x64xf32, #tpu.memory_space<vmem>>, vector<16xf32>,
        %get3A_127 = arith.index_cast %scan3A_117 : i32 to index
        %get3A_128 = arith.constant 16 : index
        %get3A_129 = tpu.vector_load %arg12[%get3A_127, %get3A_128] {strides = array<i32>} : memref<128x64xf32, #tpu.memory_space<vmem>>, vector<16xf32>,
        %mul3A_130 = arith.mulf %get3A_126, %get3A_129 : vector<16xf32>
        %add3A_131 = arith.addf %mul3A_123, %mul3A_130 : vector<16xf32>
        %get3A_132 = arith.index_cast %scan3A_117 : i32 to index
        %get3A_133 = arith.constant 32 : index
        %get3A_134 = tpu.vector_load %arg11[%get3A_132, %get3A_133] {strides = array<i32>} : memref<128x64xf32, #tpu.memory_space<vmem>>, vector<16xf32>,
        %get3A_135 = arith.index_cast %scan3A_117 : i32 to index
        %get3A_136 = arith.constant 32 : index
        %get3A_137 = tpu.vector_load %arg12[%get3A_135, %get3A_136] {strides = array<i32>} : memref<128x64xf32, #tpu.memory_space<vmem>>, vector<16xf32>,
        %mul3A_138 = arith.mulf %get3A_134, %get3A_137 : vector<16xf32>
        %add3A_139 = arith.addf %add3A_131, %mul3A_138 : vector<16xf32>
        %get3A_140 = arith.index_cast %scan3A_117 : i32 to index
        %get3A_141 = arith.constant 48 : index
        %get3A_142 = tpu.vector_load %arg11[%get3A_140, %get3A_141] {strides = array<i32>} : memref<128x64xf32, #tpu.memory_space<vmem>>, vector<16xf32>,
        %get3A_143 = arith.index_cast %scan3A_117 : i32 to index
        %get3A_144 = arith.constant 48 : index
        %get3A_145 = tpu.vector_load %arg12[%get3A_143, %get3A_144] {strides = array<i32>} : memref<128x64xf32, #tpu.memory_space<vmem>>, vector<16xf32>,
        %mul3A_146 = arith.mulf %get3A_142, %get3A_145 : vector<16xf32>
        %add3A_147 = arith.addf %add3A_139, %mul3A_146 : vector<16xf32>
        %swap3A = arith.index_cast %scan3A_117 : i32 to index
        %swap3A_148 = arith.constant 0 : index
        %swap3A_149 = tpu.vector_load %arg13[%swap3A, %swap3A_148] {strides = array<i32>} : memref<128x16xf32, #tpu.memory_space<vmem>>, vector<16xf32>,
        tpu.vector_store %arg13[%swap3A, %swap3A_148], %add3A_147 {strides = array<i32>} : memref<128x16xf32, #tpu.memory_space<vmem>>, vector<16xf32>,
      }
      %scan3A_116 = arith.constant 128 : i32
      "tpu.region"() ({
        %run_scoped3A = tpu.sem_alloc : memref<!tpu.dma_semaphore, #tpu.memory_space<semaphore_mem>>
        %dma_start3A_117 = arith.constant 0 : i32
        %dma_start3A_118 = tpu.memref_slice %arg6[%mul3A_98, %dma_start3A_117] : memref<102400x16xf32, #tpu.memory_space<hbm>> -> memref<128x16xf32, #tpu.memory_space<hbm>>
        %dma_start3A_119 = arith.constant 0 : i32
        %dma_start3A_120 = tpu.memref_slice %arg6[%mul3A_98, %dma_start3A_119] : memref<102400x16xf32, #tpu.memory_space<hbm>> -> memref<128x16xf32, #tpu.memory_space<hbm>>
        tpu.enqueue_dma source(%arg13 : memref<128x16xf32, #tpu.memory_space<vmem>>) target(%dma_start3A_120 : memref<128x16xf32, #tpu.memory_space<hbm>>) target_semaphore(%run_scoped3A : memref<!tpu.dma_semaphore, #tpu.memory_space<semaphore_mem>>)
        %dma_wait3A_121 = arith.constant 0 : i32
        %dma_wait3A_122 = tpu.memref_slice %arg6[%mul3A_98, %dma_wait3A_121] : memref<102400x16xf32, #tpu.memory_space<hbm>> -> memref<128x16xf32, #tpu.memory_space<hbm>>
        %dma_wait3A_123 = arith.constant 0 : i32
        %dma_wait3A_124 = tpu.memref_slice %arg6[%mul3A_98, %dma_wait3A_123] : memref<102400x16xf32, #tpu.memory_space<hbm>> -> memref<128x16xf32, #tpu.memory_space<hbm>>
        tpu.wait_dma2 semaphore(%run_scoped3A : memref<!tpu.dma_semaphore, #tpu.memory_space<semaphore_mem>>) src(%arg13 : memref<128x16xf32, #tpu.memory_space<vmem>>) dst(%dma_wait3A_124 : memref<128x16xf32, #tpu.memory_space<hbm>>)
        tpu.yield
      }) : () -> ()
    }
    %scan3A_20 = arith.constant 12 : i32
    %add3A_21 = arith.constant 24 : i32
    %add3A_22 = arith.addi %mul3A_2, %add3A_21 : i32
    %mul3A_23 = arith.constant 128 : i32
    %mul3A_24 = arith.muli %add3A_22, %mul3A_23 : i32
    %dma_wait3A = arith.constant 0 : i32
    %dma_wait3A_25 = arith.constant 0 : i32
    %dma_wait3A_26 = tpu.memref_slice %arg2[%dma_wait3A, %dma_wait3A_25] : memref<10000x64xf32, #tpu.memory_space<hbm>> -> memref<128x64xf32, #tpu.memory_space<hbm>>
    %dma_wait3A_27 = arith.constant 0 : i32
    %dma_wait3A_28 = arith.constant 0 : i32
    %dma_wait3A_29 = tpu.memref_slice %arg2[%dma_wait3A_27, %dma_wait3A_28] : memref<10000x64xf32, #tpu.memory_space<hbm>> -> memref<128x64xf32, #tpu.memory_space<hbm>>
    tpu.wait_dma2 semaphore(%arg14 : memref<!tpu.dma_semaphore, #tpu.memory_space<semaphore_mem>>) src(%dma_wait3A_29 : memref<128x64xf32, #tpu.memory_space<hbm>>) dst(%arg9 : memref<128x64xf32, #tpu.memory_space<vmem>>)
    %dma_wait3A_30 = arith.constant 0 : i32
    %dma_wait3A_31 = arith.constant 0 : i32
    %dma_wait3A_32 = tpu.memref_slice %arg2[%dma_wait3A_30, %dma_wait3A_31] : memref<10000x64xf32, #tpu.memory_space<hbm>> -> memref<128x64xf32, #tpu.memory_space<hbm>>
    %dma_wait3A_33 = arith.constant 0 : i32
    %dma_wait3A_34 = arith.constant 0 : i32
    %dma_wait3A_35 = tpu.memref_slice %arg2[%dma_wait3A_33, %dma_wait3A_34] : memref<10000x64xf32, #tpu.memory_space<hbm>> -> memref<128x64xf32, #tpu.memory_space<hbm>>
    tpu.wait_dma2 semaphore(%arg15 : memref<!tpu.dma_semaphore, #tpu.memory_space<semaphore_mem>>) src(%dma_wait3A_35 : memref<128x64xf32, #tpu.memory_space<hbm>>) dst(%arg10 : memref<128x64xf32, #tpu.memory_space<vmem>>)
    %scan3A_36 = arith.constant 0 : i32
    %scan3A_37 = arith.constant 0 : i32
    %scan3A_38 = arith.constant 128 : i32
    %scan3A_39 = arith.addi %scan3A_37, %scan3A_38 : i32
    %scan3A_40 = arith.constant 1 : i32
    scf.for %scan3A_42 = %scan3A_37 to %scan3A_39 step %scan3A_40  : i32 {
      %get3A = arith.index_cast %scan3A_42 : i32 to index
      %get3A_43 = arith.constant 0 : index
      %get3A_44 = tpu.vector_load %arg9[%get3A, %get3A_43] {strides = array<i32>} : memref<128x64xf32, #tpu.memory_space<vmem>>, vector<16xf32>,
      %get3A_45 = arith.index_cast %scan3A_42 : i32 to index
      %get3A_46 = arith.constant 0 : index
      %get3A_47 = tpu.vector_load %arg10[%get3A_45, %get3A_46] {strides = array<i32>} : memref<128x64xf32, #tpu.memory_space<vmem>>, vector<16xf32>,
      %mul3A_48 = arith.mulf %get3A_44, %get3A_47 : vector<16xf32>
      %get3A_49 = arith.index_cast %scan3A_42 : i32 to index
      %get3A_50 = arith.constant 16 : index
      %get3A_51 = tpu.vector_load %arg9[%get3A_49, %get3A_50] {strides = array<i32>} : memref<128x64xf32, #tpu.memory_space<vmem>>, vector<16xf32>,
      %get3A_52 = arith.index_cast %scan3A_42 : i32 to index
      %get3A_53 = arith.constant 16 : index
      %get3A_54 = tpu.vector_load %arg10[%get3A_52, %get3A_53] {strides = array<i32>} : memref<128x64xf32, #tpu.memory_space<vmem>>, vector<16xf32>,
      %mul3A_55 = arith.mulf %get3A_51, %get3A_54 : vector<16xf32>
      %add3A_56 = arith.addf %mul3A_48, %mul3A_55 : vector<16xf32>
      %get3A_57 = arith.index_cast %scan3A_42 : i32 to index
      %get3A_58 = arith.constant 32 : index
      %get3A_59 = tpu.vector_load %arg9[%get3A_57, %get3A_58] {strides = array<i32>} : memref<128x64xf32, #tpu.memory_space<vmem>>, vector<16xf32>,
      %get3A_60 = arith.index_cast %scan3A_42 : i32 to index
      %get3A_61 = arith.constant 32 : index
      %get3A_62 = tpu.vector_load %arg10[%get3A_60, %get3A_61] {strides = array<i32>} : memref<128x64xf32, #tpu.memory_space<vmem>>, vector<16xf32>,
      %mul3A_63 = arith.mulf %get3A_59, %get3A_62 : vector<16xf32>
      %add3A_64 = arith.addf %add3A_56, %mul3A_63 : vector<16xf32>
      %get3A_65 = arith.index_cast %scan3A_42 : i32 to index
      %get3A_66 = arith.constant 48 : index
      %get3A_67 = tpu.vector_load %arg9[%get3A_65, %get3A_66] {strides = array<i32>} : memref<128x64xf32, #tpu.memory_space<vmem>>, vector<16xf32>,
      %get3A_68 = arith.index_cast %scan3A_42 : i32 to index
      %get3A_69 = arith.constant 48 : index
      %get3A_70 = tpu.vector_load %arg10[%get3A_68, %get3A_69] {strides = array<i32>} : memref<128x64xf32, #tpu.memory_space<vmem>>, vector<16xf32>,
      %mul3A_71 = arith.mulf %get3A_67, %get3A_70 : vector<16xf32>
      %add3A_72 = arith.addf %add3A_64, %mul3A_71 : vector<16xf32>
      %swap3A = arith.index_cast %scan3A_42 : i32 to index
      %swap3A_73 = arith.constant 0 : index
      %swap3A_74 = tpu.vector_load %arg13[%swap3A, %swap3A_73] {strides = array<i32>} : memref<128x16xf32, #tpu.memory_space<vmem>>, vector<16xf32>,
      tpu.vector_store %arg13[%swap3A, %swap3A_73], %add3A_72 {strides = array<i32>} : memref<128x16xf32, #tpu.memory_space<vmem>>, vector<16xf32>,
    }
    %scan3A_41 = arith.constant 128 : i32
    "tpu.region"() ({
      %run_scoped3A = tpu.sem_alloc : memref<!tpu.dma_semaphore, #tpu.memory_space<semaphore_mem>>
      %dma_start3A_42 = arith.constant 0 : i32
      %dma_start3A_43 = tpu.memref_slice %arg6[%mul3A_24, %dma_start3A_42] : memref<102400x16xf32, #tpu.memory_space<hbm>> -> memref<128x16xf32, #tpu.memory_space<hbm>>
      %dma_start3A_44 = arith.constant 0 : i32
      %dma_start3A_45 = tpu.memref_slice %arg6[%mul3A_24, %dma_start3A_44] : memref<102400x16xf32, #tpu.memory_space<hbm>> -> memref<128x16xf32, #tpu.memory_space<hbm>>
      tpu.enqueue_dma source(%arg13 : memref<128x16xf32, #tpu.memory_space<vmem>>) target(%dma_start3A_45 : memref<128x16xf32, #tpu.memory_space<hbm>>) target_semaphore(%run_scoped3A : memref<!tpu.dma_semaphore, #tpu.memory_space<semaphore_mem>>)
      %dma_wait3A_46 = arith.constant 0 : i32
      %dma_wait3A_47 = tpu.memref_slice %arg6[%mul3A_24, %dma_wait3A_46] : memref<102400x16xf32, #tpu.memory_space<hbm>> -> memref<128x16xf32, #tpu.memory_space<hbm>>
      %dma_wait3A_48 = arith.constant 0 : i32
      %dma_wait3A_49 = tpu.memref_slice %arg6[%mul3A_24, %dma_wait3A_48] : memref<102400x16xf32, #tpu.memory_space<hbm>> -> memref<128x16xf32, #tpu.memory_space<hbm>>
      tpu.wait_dma2 semaphore(%run_scoped3A : memref<!tpu.dma_semaphore, #tpu.memory_space<semaphore_mem>>) src(%arg13 : memref<128x16xf32, #tpu.memory_space<vmem>>) dst(%dma_wait3A_49 : memref<128x16xf32, #tpu.memory_space<hbm>>)
      tpu.yield
    }) : () -> ()
    return
  }
}

#map = affine_map<(d0, d1) -> (0, 0, 0)>
#map1 = affine_map<(d0, d1) -> (0, 0)>
module attributes {stable_mosaic.version = 14 : i64} {
  func.func @_seg_sum_l1(%arg0: i32, %arg1: i32, %arg2: memref<2x10000x64xf32, #tpu.memory_space<hbm>>, %arg3: memref<2x10000x64xf32, #tpu.memory_space<hbm>>, %arg4: memref<16x250x80xi32, #tpu.memory_space<hbm>>, %arg5: memref<16x250x80xi32, #tpu.memory_space<hbm>>, %arg6: memref<16x250x80xi32, #tpu.memory_space<hbm>>, %arg7: memref<16x250x80xi32, #tpu.memory_space<hbm>>, %arg8: memref<10000x64xf32, #tpu.memory_space<hbm>>, %arg9: memref<1250x8xf32, #tpu.memory_space<hbm>>, %arg10: memref<10x125xi32, #tpu.memory_space<hbm>>, %arg11: memref<2x10000x64xf32, #tpu.memory_space<hbm>>, %arg12: memref<2x10000x64xf32, #tpu.memory_space<hbm>>, %arg13: memref<1250x8xf32, #tpu.memory_space<hbm>>, %arg14: memref<1250x8xf32, #tpu.memory_space<hbm>>, %arg15: memref<250x80xi32, #tpu.memory_space<vmem>>, %arg16: memref<250x80xi32, #tpu.memory_space<vmem>>, %arg17: memref<80x64xf32, #tpu.memory_space<vmem>>, %arg18: memref<80x64xf32, #tpu.memory_space<vmem>>, %arg19: memref<1250x8xf32, #tpu.memory_space<vmem>>, %arg20: memref<10x125xi32, #tpu.memory_space<vmem>>, %arg21: memref<10000x64xf32, #tpu.memory_space<vmem_shared>>, %arg22: memref<1250x8xf32, #tpu.memory_space<vmem_shared>>, %arg23: memref<!tpu.dma_semaphore, #tpu.memory_space<semaphore_mem>>, %arg24: memref<!tpu.dma_semaphore, #tpu.memory_space<semaphore_mem>>) attributes {dimension_semantics = [#tpu.dimension_semantics<core_parallel>, #tpu.dimension_semantics<subcore_parallel>], iteration_bounds = array<i64: 2, 16>, scalar_prefetch = 0 : i64, scratch_operands = 10 : i64, tpu.core_type = #tpu.core_type<sc_vector_subcore>, window_params = [{transform_indices = #map}, {transform_indices = #map}, {transform_indices = #map}, {transform_indices = #map}, {transform_indices = #map}, {transform_indices = #map}, {transform_indices = #map1}, {transform_indices = #map1}, {transform_indices = #map1}, {transform_indices = #map}, {transform_indices = #map}, {transform_indices = #map1}, {transform_indices = #map1}]} {
    "tpu.region"() ({
      %run_scoped3A = tpu.sem_alloc : memref<!tpu.dma_semaphore, #tpu.memory_space<semaphore_mem>>
      tpu.enqueue_dma source(%arg10 : memref<10x125xi32, #tpu.memory_space<hbm>>) target(%arg20 : memref<10x125xi32, #tpu.memory_space<vmem>>) target_semaphore(%run_scoped3A : memref<!tpu.dma_semaphore, #tpu.memory_space<semaphore_mem>>)
      tpu.wait_dma2 semaphore(%run_scoped3A : memref<!tpu.dma_semaphore, #tpu.memory_space<semaphore_mem>>) src(%arg10 : memref<10x125xi32, #tpu.memory_space<hbm>>) dst(%arg20 : memref<10x125xi32, #tpu.memory_space<vmem>>)
      tpu.yield
    }) : () -> ()
    %mul3A = arith.constant 624 : i32
    %mul3A_0 = arith.muli %arg1, %mul3A : i32
    "tpu.region"() ({
      %run_scoped3A = tpu.sem_alloc : memref<!tpu.dma_semaphore, #tpu.memory_space<semaphore_mem>>
      %dma_start3A = arith.constant 0 : i32
      %dma_start3A_76 = tpu.memref_slice %arg21[%mul3A_0, %dma_start3A] : memref<10000x64xf32, #tpu.memory_space<vmem_shared>> -> memref<624x64xf32, #tpu.memory_space<vmem_shared>>
      %dma_start3A_77 = arith.constant 0 : i32
      %dma_start3A_78 = tpu.memref_slice %arg8[%mul3A_0, %dma_start3A_77] : memref<10000x64xf32, #tpu.memory_space<hbm>> -> memref<624x64xf32, #tpu.memory_space<hbm>>
      tpu.enqueue_dma source(%dma_start3A_78 : memref<624x64xf32, #tpu.memory_space<hbm>>) target(%dma_start3A_76 : memref<624x64xf32, #tpu.memory_space<vmem_shared>>) target_semaphore(%run_scoped3A : memref<!tpu.dma_semaphore, #tpu.memory_space<semaphore_mem>>)
      %dma_wait3A = arith.constant 0 : i32
      %dma_wait3A_79 = tpu.memref_slice %arg21[%mul3A_0, %dma_wait3A] : memref<10000x64xf32, #tpu.memory_space<vmem_shared>> -> memref<624x64xf32, #tpu.memory_space<vmem_shared>>
      %dma_wait3A_80 = arith.constant 0 : i32
      %dma_wait3A_81 = tpu.memref_slice %arg8[%mul3A_0, %dma_wait3A_80] : memref<10000x64xf32, #tpu.memory_space<hbm>> -> memref<624x64xf32, #tpu.memory_space<hbm>>
      tpu.wait_dma2 semaphore(%run_scoped3A : memref<!tpu.dma_semaphore, #tpu.memory_space<semaphore_mem>>) src(%dma_wait3A_81 : memref<624x64xf32, #tpu.memory_space<hbm>>) dst(%dma_wait3A_79 : memref<624x64xf32, #tpu.memory_space<vmem_shared>>)
      tpu.yield
    }) : () -> ()
    %eq3A = arith.constant 15 : i32
    %eq3A_1 = arith.cmpi eq, %arg1, %eq3A : i32
    %convert_element_type3A = arith.extui %eq3A_1 : i1 to i32
    %cond3A = arith.constant 0 : i32
    %cond3A_2 = arith.cmpi ne, %convert_element_type3A, %cond3A : i32
    scf.if %cond3A_2 {
      "tpu.region"() ({
        %run_scoped3A = tpu.sem_alloc : memref<!tpu.dma_semaphore, #tpu.memory_space<semaphore_mem>>
        %dma_start3A = arith.constant 9984 : i32
        %dma_start3A_76 = arith.constant 0 : i32
        %dma_start3A_77 = tpu.memref_slice %arg21[%dma_start3A, %dma_start3A_76] : memref<10000x64xf32, #tpu.memory_space<vmem_shared>> -> memref<16x64xf32, #tpu.memory_space<vmem_shared>>
        %dma_start3A_78 = arith.constant 9984 : i32
        %dma_start3A_79 = arith.constant 0 : i32
        %dma_start3A_80 = tpu.memref_slice %arg8[%dma_start3A_78, %dma_start3A_79] : memref<10000x64xf32, #tpu.memory_space<hbm>> -> memref<16x64xf32, #tpu.memory_space<hbm>>
        tpu.enqueue_dma source(%dma_start3A_80 : memref<16x64xf32, #tpu.memory_space<hbm>>) target(%dma_start3A_77 : memref<16x64xf32, #tpu.memory_space<vmem_shared>>) target_semaphore(%run_scoped3A : memref<!tpu.dma_semaphore, #tpu.memory_space<semaphore_mem>>)
        %dma_wait3A = arith.constant 9984 : i32
        %dma_wait3A_81 = arith.constant 0 : i32
        %dma_wait3A_82 = tpu.memref_slice %arg21[%dma_wait3A, %dma_wait3A_81] : memref<10000x64xf32, #tpu.memory_space<vmem_shared>> -> memref<16x64xf32, #tpu.memory_space<vmem_shared>>
        %dma_wait3A_83 = arith.constant 9984 : i32
        %dma_wait3A_84 = arith.constant 0 : i32
        %dma_wait3A_85 = tpu.memref_slice %arg8[%dma_wait3A_83, %dma_wait3A_84] : memref<10000x64xf32, #tpu.memory_space<hbm>> -> memref<16x64xf32, #tpu.memory_space<hbm>>
        tpu.wait_dma2 semaphore(%run_scoped3A : memref<!tpu.dma_semaphore, #tpu.memory_space<semaphore_mem>>) src(%dma_wait3A_85 : memref<16x64xf32, #tpu.memory_space<hbm>>) dst(%dma_wait3A_82 : memref<16x64xf32, #tpu.memory_space<vmem_shared>>)
        tpu.yield
      }) : () -> ()
    } else {
    }
    %lt3A = arith.constant 15 : i32
    %lt3A_3 = arith.cmpi slt, %arg1, %lt3A : i32
    %convert_element_type3A_4 = arith.extui %lt3A_3 : i1 to i32
    %cond3A_5 = arith.constant 0 : i32
    %cond3A_6 = arith.cmpi ne, %convert_element_type3A_4, %cond3A_5 : i32
    scf.if %cond3A_6 {
      %mul3A_76 = arith.constant 80 : i32
      %mul3A_77 = arith.muli %arg1, %mul3A_76 : i32
      %mul3A_78 = arith.constant 80 : i32
      %mul3A_79 = arith.muli %arg1, %mul3A_78 : i32
      "tpu.region"() ({
        %run_scoped3A = tpu.sem_alloc : memref<!tpu.dma_semaphore, #tpu.memory_space<semaphore_mem>>
        %dma_start3A = arith.constant 0 : i32
        %dma_start3A_80 = tpu.memref_slice %arg22[%mul3A_79, %dma_start3A] : memref<1250x8xf32, #tpu.memory_space<vmem_shared>> -> memref<80x8xf32, #tpu.memory_space<vmem_shared>>
        %dma_start3A_81 = arith.constant 0 : i32
        %dma_start3A_82 = tpu.memref_slice %arg9[%mul3A_77, %dma_start3A_81] : memref<1250x8xf32, #tpu.memory_space<hbm>> -> memref<80x8xf32, #tpu.memory_space<hbm>>
        tpu.enqueue_dma source(%dma_start3A_82 : memref<80x8xf32, #tpu.memory_space<hbm>>) target(%dma_start3A_80 : memref<80x8xf32, #tpu.memory_space<vmem_shared>>) target_semaphore(%run_scoped3A : memref<!tpu.dma_semaphore, #tpu.memory_space<semaphore_mem>>)
        %dma_wait3A = arith.constant 0 : i32
        %dma_wait3A_83 = tpu.memref_slice %arg22[%mul3A_79, %dma_wait3A] : memref<1250x8xf32, #tpu.memory_space<vmem_shared>> -> memref<80x8xf32, #tpu.memory_space<vmem_shared>>
        %dma_wait3A_84 = arith.constant 0 : i32
        %dma_wait3A_85 = tpu.memref_slice %arg9[%mul3A_77, %dma_wait3A_84] : memref<1250x8xf32, #tpu.memory_space<hbm>> -> memref<80x8xf32, #tpu.memory_space<hbm>>
        tpu.wait_dma2 semaphore(%run_scoped3A : memref<!tpu.dma_semaphore, #tpu.memory_space<semaphore_mem>>) src(%dma_wait3A_85 : memref<80x8xf32, #tpu.memory_space<hbm>>) dst(%dma_wait3A_83 : memref<80x8xf32, #tpu.memory_space<vmem_shared>>)
        tpu.yield
      }) : () -> ()
    } else {
    }
    %eq3A_7 = arith.constant 15 : i32
    %eq3A_8 = arith.cmpi eq, %arg1, %eq3A_7 : i32
    %convert_element_type3A_9 = arith.extui %eq3A_8 : i1 to i32
    %cond3A_10 = arith.constant 0 : i32
    %cond3A_11 = arith.cmpi ne, %convert_element_type3A_9, %cond3A_10 : i32
    scf.if %cond3A_11 {
      "tpu.region"() ({
        %run_scoped3A = tpu.sem_alloc : memref<!tpu.dma_semaphore, #tpu.memory_space<semaphore_mem>>
        %dma_start3A = arith.constant 1200 : i32
        %dma_start3A_76 = arith.constant 0 : i32
        %dma_start3A_77 = tpu.memref_slice %arg22[%dma_start3A, %dma_start3A_76] : memref<1250x8xf32, #tpu.memory_space<vmem_shared>> -> memref<50x8xf32, #tpu.memory_space<vmem_shared>>
        %dma_start3A_78 = arith.constant 1200 : i32
        %dma_start3A_79 = arith.constant 0 : i32
        %dma_start3A_80 = tpu.memref_slice %arg9[%dma_start3A_78, %dma_start3A_79] : memref<1250x8xf32, #tpu.memory_space<hbm>> -> memref<50x8xf32, #tpu.memory_space<hbm>>
        tpu.enqueue_dma source(%dma_start3A_80 : memref<50x8xf32, #tpu.memory_space<hbm>>) target(%dma_start3A_77 : memref<50x8xf32, #tpu.memory_space<vmem_shared>>) target_semaphore(%run_scoped3A : memref<!tpu.dma_semaphore, #tpu.memory_space<semaphore_mem>>)
        %dma_wait3A = arith.constant 1200 : i32
        %dma_wait3A_81 = arith.constant 0 : i32
        %dma_wait3A_82 = tpu.memref_slice %arg22[%dma_wait3A, %dma_wait3A_81] : memref<1250x8xf32, #tpu.memory_space<vmem_shared>> -> memref<50x8xf32, #tpu.memory_space<vmem_shared>>
        %dma_wait3A_83 = arith.constant 1200 : i32
        %dma_wait3A_84 = arith.constant 0 : i32
        %dma_wait3A_85 = tpu.memref_slice %arg9[%dma_wait3A_83, %dma_wait3A_84] : memref<1250x8xf32, #tpu.memory_space<hbm>> -> memref<50x8xf32, #tpu.memory_space<hbm>>
        tpu.wait_dma2 semaphore(%run_scoped3A : memref<!tpu.dma_semaphore, #tpu.memory_space<semaphore_mem>>) src(%dma_wait3A_85 : memref<50x8xf32, #tpu.memory_space<hbm>>) dst(%dma_wait3A_82 : memref<50x8xf32, #tpu.memory_space<vmem_shared>>)
        tpu.yield
      }) : () -> ()
    } else {
    }
    %barrier3A = arith.constant 0 : index
    tpu.barrier barrier_id(%barrier3A)
    %eq3A_12 = arith.constant 0 : i32
    %eq3A_13 = arith.cmpi eq, %arg0, %eq3A_12 : i32
    %convert_element_type3A_14 = arith.extui %eq3A_13 : i1 to i32
    %cond3A_15 = arith.constant 0 : i32
    %cond3A_16 = arith.cmpi ne, %convert_element_type3A_14, %cond3A_15 : i32
    scf.if %cond3A_16 {
      "tpu.region"() ({
        %run_scoped3A_103 = tpu.sem_alloc : memref<!tpu.dma_semaphore, #tpu.memory_space<semaphore_mem>>
        %dma_start3A_104 = arith.constant 0 : i32
        %dma_start3A_105 = arith.constant 0 : i32
        %dma_start3A_106 = tpu.memref_slice %arg4[%arg1, %dma_start3A_104, %dma_start3A_105] : memref<16x250x80xi32, #tpu.memory_space<hbm>> -> memref<1x250x80xi32, #tpu.memory_space<hbm>>
        %dma_start3A_107 = tpu.memref_squeeze %dma_start3A_106 : memref<1x250x80xi32, #tpu.memory_space<hbm>> -> memref<250x80xi32, #tpu.memory_space<hbm>>
        %dma_start3A_108 = arith.constant 0 : i32
        %dma_start3A_109 = arith.constant 0 : i32
        %dma_start3A_110 = tpu.memref_slice %arg4[%arg1, %dma_start3A_108, %dma_start3A_109] : memref<16x250x80xi32, #tpu.memory_space<hbm>> -> memref<1x250x80xi32, #tpu.memory_space<hbm>>
        %dma_start3A_111 = tpu.memref_squeeze %dma_start3A_110 : memref<1x250x80xi32, #tpu.memory_space<hbm>> -> memref<250x80xi32, #tpu.memory_space<hbm>>
        tpu.enqueue_dma source(%dma_start3A_111 : memref<250x80xi32, #tpu.memory_space<hbm>>) target(%arg15 : memref<250x80xi32, #tpu.memory_space<vmem>>) target_semaphore(%run_scoped3A_103 : memref<!tpu.dma_semaphore, #tpu.memory_space<semaphore_mem>>)
        %dma_wait3A = arith.constant 0 : i32
        %dma_wait3A_112 = arith.constant 0 : i32
        %dma_wait3A_113 = tpu.memref_slice %arg4[%arg1, %dma_wait3A, %dma_wait3A_112] : memref<16x250x80xi32, #tpu.memory_space<hbm>> -> memref<1x250x80xi32, #tpu.memory_space<hbm>>
        %dma_wait3A_114 = tpu.memref_squeeze %dma_wait3A_113 : memref<1x250x80xi32, #tpu.memory_space<hbm>> -> memref<250x80xi32, #tpu.memory_space<hbm>>
        %dma_wait3A_115 = arith.constant 0 : i32
        %dma_wait3A_116 = arith.constant 0 : i32
        %dma_wait3A_117 = tpu.memref_slice %arg4[%arg1, %dma_wait3A_115, %dma_wait3A_116] : memref<16x250x80xi32, #tpu.memory_space<hbm>> -> memref<1x250x80xi32, #tpu.memory_space<hbm>>
        %dma_wait3A_118 = tpu.memref_squeeze %dma_wait3A_117 : memref<1x250x80xi32, #tpu.memory_space<hbm>> -> memref<250x80xi32, #tpu.memory_space<hbm>>
        tpu.wait_dma2 semaphore(%run_scoped3A_103 : memref<!tpu.dma_semaphore, #tpu.memory_space<semaphore_mem>>) src(%dma_wait3A_118 : memref<250x80xi32, #tpu.memory_space<hbm>>) dst(%arg15 : memref<250x80xi32, #tpu.memory_space<vmem>>)
        tpu.yield
      }) : () -> ()
      "tpu.region"() ({
        %run_scoped3A_103 = tpu.sem_alloc : memref<!tpu.dma_semaphore, #tpu.memory_space<semaphore_mem>>
        %dma_start3A_104 = arith.constant 0 : i32
        %dma_start3A_105 = arith.constant 0 : i32
        %dma_start3A_106 = tpu.memref_slice %arg5[%arg1, %dma_start3A_104, %dma_start3A_105] : memref<16x250x80xi32, #tpu.memory_space<hbm>> -> memref<1x250x80xi32, #tpu.memory_space<hbm>>
        %dma_start3A_107 = tpu.memref_squeeze %dma_start3A_106 : memref<1x250x80xi32, #tpu.memory_space<hbm>> -> memref<250x80xi32, #tpu.memory_space<hbm>>
        %dma_start3A_108 = arith.constant 0 : i32
        %dma_start3A_109 = arith.constant 0 : i32
        %dma_start3A_110 = tpu.memref_slice %arg5[%arg1, %dma_start3A_108, %dma_start3A_109] : memref<16x250x80xi32, #tpu.memory_space<hbm>> -> memref<1x250x80xi32, #tpu.memory_space<hbm>>
        %dma_start3A_111 = tpu.memref_squeeze %dma_start3A_110 : memref<1x250x80xi32, #tpu.memory_space<hbm>> -> memref<250x80xi32, #tpu.memory_space<hbm>>
        tpu.enqueue_dma source(%dma_start3A_111 : memref<250x80xi32, #tpu.memory_space<hbm>>) target(%arg16 : memref<250x80xi32, #tpu.memory_space<vmem>>) target_semaphore(%run_scoped3A_103 : memref<!tpu.dma_semaphore, #tpu.memory_space<semaphore_mem>>)
        %dma_wait3A = arith.constant 0 : i32
        %dma_wait3A_112 = arith.constant 0 : i32
        %dma_wait3A_113 = tpu.memref_slice %arg5[%arg1, %dma_wait3A, %dma_wait3A_112] : memref<16x250x80xi32, #tpu.memory_space<hbm>> -> memref<1x250x80xi32, #tpu.memory_space<hbm>>
        %dma_wait3A_114 = tpu.memref_squeeze %dma_wait3A_113 : memref<1x250x80xi32, #tpu.memory_space<hbm>> -> memref<250x80xi32, #tpu.memory_space<hbm>>
        %dma_wait3A_115 = arith.constant 0 : i32
        %dma_wait3A_116 = arith.constant 0 : i32
        %dma_wait3A_117 = tpu.memref_slice %arg5[%arg1, %dma_wait3A_115, %dma_wait3A_116] : memref<16x250x80xi32, #tpu.memory_space<hbm>> -> memref<1x250x80xi32, #tpu.memory_space<hbm>>
        %dma_wait3A_118 = tpu.memref_squeeze %dma_wait3A_117 : memref<1x250x80xi32, #tpu.memory_space<hbm>> -> memref<250x80xi32, #tpu.memory_space<hbm>>
        tpu.wait_dma2 semaphore(%run_scoped3A_103 : memref<!tpu.dma_semaphore, #tpu.memory_space<semaphore_mem>>) src(%dma_wait3A_118 : memref<250x80xi32, #tpu.memory_space<hbm>>) dst(%arg16 : memref<250x80xi32, #tpu.memory_space<vmem>>)
        tpu.yield
      }) : () -> ()
      "tpu.region"() ({
        %run_scoped3A_103 = tpu.sem_alloc : memref<!tpu.dma_semaphore, #tpu.memory_space<semaphore_mem>>
        tpu.enqueue_dma source(%arg9 : memref<1250x8xf32, #tpu.memory_space<hbm>>) target(%arg19 : memref<1250x8xf32, #tpu.memory_space<vmem>>) target_semaphore(%run_scoped3A_103 : memref<!tpu.dma_semaphore, #tpu.memory_space<semaphore_mem>>)
        tpu.wait_dma2 semaphore(%run_scoped3A_103 : memref<!tpu.dma_semaphore, #tpu.memory_space<semaphore_mem>>) src(%arg9 : memref<1250x8xf32, #tpu.memory_space<hbm>>) dst(%arg19 : memref<1250x8xf32, #tpu.memory_space<vmem>>)
        tpu.yield
      }) : () -> ()
      %broadcast_in_dim3A = arith.constant 1.000000e+00 : f32
      %broadcast_in_dim3A_76 = vector.broadcast %broadcast_in_dim3A : f32 to vector<16xf32>
      %dma_start3A = arith.constant 0 : i32
      %dma_start3A_77 = arith.constant 0 : i32
      %dma_start3A_78 = arith.constant 0 : i32
      %dma_start3A_79 = tpu.memref_slice %arg15[%dma_start3A_77, %dma_start3A_78] : memref<250x80xi32, #tpu.memory_space<vmem>> -> memref<1x80xi32, #tpu.memory_space<vmem>>
      %dma_start3A_80 = tpu.memref_squeeze %dma_start3A_79 : memref<1x80xi32, #tpu.memory_space<vmem>> -> memref<80xi32, #tpu.memory_space<vmem>>
      %dma_start3A_81 = arith.constant 0 : i32
      %dma_start3A_82 = arith.constant 0 : i32
      %dma_start3A_83 = tpu.memref_slice %arg2[%dma_start3A, %dma_start3A_81, %dma_start3A_82] : memref<2x10000x64xf32, #tpu.memory_space<hbm>> -> memref<1x10000x64xf32, #tpu.memory_space<hbm>>
      %dma_start3A_84 = tpu.memref_squeeze %dma_start3A_83 : memref<1x10000x64xf32, #tpu.memory_space<hbm>> -> memref<10000x64xf32, #tpu.memory_space<hbm>>
      %dma_start3A_85 = arith.constant 0 : i32
      %dma_start3A_86 = arith.constant 0 : i32
      %dma_start3A_87 = tpu.memref_slice %dma_start3A_84[%dma_start3A_85, %dma_start3A_86] : memref<10000x64xf32, #tpu.memory_space<hbm>> -> memref<10000x64xf32, #tpu.memory_space<hbm>>
      tpu.enqueue_indirect_dma source(%dma_start3A_87 : memref<10000x64xf32, #tpu.memory_space<hbm>>) target(%arg17 : memref<80x64xf32, #tpu.memory_space<vmem>>) offsets(%dma_start3A_80 : memref<80xi32, #tpu.memory_space<vmem>>) semaphore(%arg23 : memref<!tpu.dma_semaphore, #tpu.memory_space<semaphore_mem>>)
      %scan3A = arith.constant 0 : i32
      %scan3A_88 = arith.constant 0 : i32
      %scan3A_89 = arith.constant 0 : i32
      %scan3A_90 = arith.constant 125 : i32
      %scan3A_91 = arith.addi %scan3A_89, %scan3A_90 : i32
      %scan3A_92 = arith.constant 1 : i32
      scf.for %scan3A_103 = %scan3A_89 to %scan3A_91 step %scan3A_92  : i32 {
        %mul3A_104 = arith.constant 2 : i32
        %mul3A_105 = arith.muli %mul3A_104, %scan3A_103 : i32
        %dma_wait3A = arith.constant 0 : i32
        %dma_wait3A_106 = arith.constant 0 : i32
        %dma_wait3A_107 = tpu.memref_slice %arg8[%dma_wait3A, %dma_wait3A_106] : memref<10000x64xf32, #tpu.memory_space<hbm>> -> memref<80x64xf32, #tpu.memory_space<hbm>>
        %dma_wait3A_108 = arith.constant 0 : i32
        %dma_wait3A_109 = arith.constant 0 : i32
        %dma_wait3A_110 = tpu.memref_slice %arg8[%dma_wait3A_108, %dma_wait3A_109] : memref<10000x64xf32, #tpu.memory_space<hbm>> -> memref<80x64xf32, #tpu.memory_space<hbm>>
        tpu.wait_dma2 semaphore(%arg23 : memref<!tpu.dma_semaphore, #tpu.memory_space<semaphore_mem>>) src(%dma_wait3A_110 : memref<80x64xf32, #tpu.memory_space<hbm>>) dst(%arg17 : memref<80x64xf32, #tpu.memory_space<vmem>>)
        %add3A = arith.constant 1 : i32
        %add3A_111 = arith.addi %mul3A_105, %add3A : i32
        %dma_start3A_112 = arith.constant 0 : i32
        %dma_start3A_113 = tpu.memref_slice %arg15[%add3A_111, %dma_start3A_112] : memref<250x80xi32, #tpu.memory_space<vmem>> -> memref<1x80xi32, #tpu.memory_space<vmem>>
        %dma_start3A_114 = tpu.memref_squeeze %dma_start3A_113 : memref<1x80xi32, #tpu.memory_space<vmem>> -> memref<80xi32, #tpu.memory_space<vmem>>
        %dma_start3A_115 = arith.constant 0 : i32
        %dma_start3A_116 = arith.constant 0 : i32
        %dma_start3A_117 = tpu.memref_slice %arg2[%scan3A_88, %dma_start3A_115, %dma_start3A_116] : memref<2x10000x64xf32, #tpu.memory_space<hbm>> -> memref<1x10000x64xf32, #tpu.memory_space<hbm>>
        %dma_start3A_118 = tpu.memref_squeeze %dma_start3A_117 : memref<1x10000x64xf32, #tpu.memory_space<hbm>> -> memref<10000x64xf32, #tpu.memory_space<hbm>>
        %dma_start3A_119 = arith.constant 0 : i32
        %dma_start3A_120 = arith.constant 0 : i32
        %dma_start3A_121 = tpu.memref_slice %dma_start3A_118[%dma_start3A_119, %dma_start3A_120] : memref<10000x64xf32, #tpu.memory_space<hbm>> -> memref<10000x64xf32, #tpu.memory_space<hbm>>
        tpu.enqueue_indirect_dma source(%dma_start3A_121 : memref<10000x64xf32, #tpu.memory_space<hbm>>) target(%arg18 : memref<80x64xf32, #tpu.memory_space<vmem>>) offsets(%dma_start3A_114 : memref<80xi32, #tpu.memory_space<vmem>>) semaphore(%arg24 : memref<!tpu.dma_semaphore, #tpu.memory_space<semaphore_mem>>)
        "tpu.region"() ({
          %run_scoped3A_222 = tpu.sem_alloc : memref<!tpu.dma_semaphore, #tpu.memory_space<semaphore_mem>>
          %dma_start3A_223 = arith.constant 0 : i32
          %dma_start3A_224 = tpu.memref_slice %arg16[%mul3A_105, %dma_start3A_223] : memref<250x80xi32, #tpu.memory_space<vmem>> -> memref<1x80xi32, #tpu.memory_space<vmem>>
          %dma_start3A_225 = tpu.memref_squeeze %dma_start3A_224 : memref<1x80xi32, #tpu.memory_space<vmem>> -> memref<80xi32, #tpu.memory_space<vmem>>
          %dma_start3A_226 = arith.constant 0 : i32
          %dma_start3A_227 = arith.constant 0 : i32
          %dma_start3A_228 = tpu.memref_slice %arg21[%dma_start3A_226, %dma_start3A_227] : memref<10000x64xf32, #tpu.memory_space<vmem_shared>> -> memref<10000x64xf32, #tpu.memory_space<vmem_shared>>
          tpu.enqueue_indirect_dma source(%arg17 : memref<80x64xf32, #tpu.memory_space<vmem>>) target(%dma_start3A_228 : memref<10000x64xf32, #tpu.memory_space<vmem_shared>>) offsets(%dma_start3A_225 : memref<80xi32, #tpu.memory_space<vmem>>) semaphore(%run_scoped3A_222 : memref<!tpu.dma_semaphore, #tpu.memory_space<semaphore_mem>>) {add = true}
          %dma_wait3A_229 = arith.constant 0 : i32
          %dma_wait3A_230 = tpu.memref_slice %arg16[%mul3A_105, %dma_wait3A_229] : memref<250x80xi32, #tpu.memory_space<vmem>> -> memref<1x80xi32, #tpu.memory_space<vmem>>
          %dma_wait3A_231 = tpu.memref_squeeze %dma_wait3A_230 : memref<1x80xi32, #tpu.memory_space<vmem>> -> memref<80xi32, #tpu.memory_space<vmem>>
          %dma_wait3A_232 = arith.constant 0 : i32
          %dma_wait3A_233 = arith.constant 0 : i32
          %dma_wait3A_234 = tpu.memref_slice %arg21[%dma_wait3A_232, %dma_wait3A_233] : memref<10000x64xf32, #tpu.memory_space<vmem_shared>> -> memref<10000x64xf32, #tpu.memory_space<vmem_shared>>
          tpu.wait_indirect_dma semaphore(%run_scoped3A_222 : memref<!tpu.dma_semaphore, #tpu.memory_space<semaphore_mem>>) src(%arg17 : memref<80x64xf32, #tpu.memory_space<vmem>>) dst(%dma_wait3A_234 : memref<10000x64xf32, #tpu.memory_space<vmem_shared>>)
          tpu.yield
        }) : () -> ()
        %get3A = arith.index_cast %mul3A_105 : i32 to index
        %get3A_122 = arith.constant 0 : index
        %get3A_123 = tpu.vector_load %arg16[%get3A, %get3A_122] {strides = array<i32>} : memref<250x80xi32, #tpu.memory_space<vmem>>, vector<16xi32>,
        %shift_right_logical3A = arith.constant 3 : i32
        %shift_right_logical3A_124 = vector.broadcast %shift_right_logical3A : i32 to vector<16xi32>
        %shift_right_logical3A_125 = arith.shrui %get3A_123, %shift_right_logical3A_124 : vector<16xi32>
        %and3A = arith.constant 7 : i32
        %and3A_126 = vector.broadcast %and3A : i32 to vector<16xi32>
        %and3A_127 = arith.andi %get3A_123, %and3A_126 : vector<16xi32>
        tpu.vector_store_idx %arg19[%shift_right_logical3A_125, %and3A_127], %broadcast_in_dim3A_76 {add = true} : memref<1250x8xf32, #tpu.memory_space<vmem>>[vector<16xi32>, vector<16xi32>], vector<16xf32>,
        %get3A_128 = arith.index_cast %mul3A_105 : i32 to index
        %get3A_129 = arith.constant 16 : index
        %get3A_130 = tpu.vector_load %arg16[%get3A_128, %get3A_129] {strides = array<i32>} : memref<250x80xi32, #tpu.memory_space<vmem>>, vector<16xi32>,
        %shift_right_logical3A_131 = arith.constant 3 : i32
        %shift_right_logical3A_132 = vector.broadcast %shift_right_logical3A_131 : i32 to vector<16xi32>
        %shift_right_logical3A_133 = arith.shrui %get3A_130, %shift_right_logical3A_132 : vector<16xi32>
        %and3A_134 = arith.constant 7 : i32
        %and3A_135 = vector.broadcast %and3A_134 : i32 to vector<16xi32>
        %and3A_136 = arith.andi %get3A_130, %and3A_135 : vector<16xi32>
        tpu.vector_store_idx %arg19[%shift_right_logical3A_133, %and3A_136], %broadcast_in_dim3A_76 {add = true} : memref<1250x8xf32, #tpu.memory_space<vmem>>[vector<16xi32>, vector<16xi32>], vector<16xf32>,
        %get3A_137 = arith.index_cast %mul3A_105 : i32 to index
        %get3A_138 = arith.constant 32 : index
        %get3A_139 = tpu.vector_load %arg16[%get3A_137, %get3A_138] {strides = array<i32>} : memref<250x80xi32, #tpu.memory_space<vmem>>, vector<16xi32>,
        %shift_right_logical3A_140 = arith.constant 3 : i32
        %shift_right_logical3A_141 = vector.broadcast %shift_right_logical3A_140 : i32 to vector<16xi32>
        %shift_right_logical3A_142 = arith.shrui %get3A_139, %shift_right_logical3A_141 : vector<16xi32>
        %and3A_143 = arith.constant 7 : i32
        %and3A_144 = vector.broadcast %and3A_143 : i32 to vector<16xi32>
        %and3A_145 = arith.andi %get3A_139, %and3A_144 : vector<16xi32>
        tpu.vector_store_idx %arg19[%shift_right_logical3A_142, %and3A_145], %broadcast_in_dim3A_76 {add = true} : memref<1250x8xf32, #tpu.memory_space<vmem>>[vector<16xi32>, vector<16xi32>], vector<16xf32>,
        %get3A_146 = arith.index_cast %mul3A_105 : i32 to index
        %get3A_147 = arith.constant 48 : index
        %get3A_148 = tpu.vector_load %arg16[%get3A_146, %get3A_147] {strides = array<i32>} : memref<250x80xi32, #tpu.memory_space<vmem>>, vector<16xi32>,
        %shift_right_logical3A_149 = arith.constant 3 : i32
        %shift_right_logical3A_150 = vector.broadcast %shift_right_logical3A_149 : i32 to vector<16xi32>
        %shift_right_logical3A_151 = arith.shrui %get3A_148, %shift_right_logical3A_150 : vector<16xi32>
        %and3A_152 = arith.constant 7 : i32
        %and3A_153 = vector.broadcast %and3A_152 : i32 to vector<16xi32>
        %and3A_154 = arith.andi %get3A_148, %and3A_153 : vector<16xi32>
        tpu.vector_store_idx %arg19[%shift_right_logical3A_151, %and3A_154], %broadcast_in_dim3A_76 {add = true} : memref<1250x8xf32, #tpu.memory_space<vmem>>[vector<16xi32>, vector<16xi32>], vector<16xf32>,
        %get3A_155 = arith.index_cast %mul3A_105 : i32 to index
        %get3A_156 = arith.constant 64 : index
        %get3A_157 = tpu.vector_load %arg16[%get3A_155, %get3A_156] {strides = array<i32>} : memref<250x80xi32, #tpu.memory_space<vmem>>, vector<16xi32>,
        %shift_right_logical3A_158 = arith.constant 3 : i32
        %shift_right_logical3A_159 = vector.broadcast %shift_right_logical3A_158 : i32 to vector<16xi32>
        %shift_right_logical3A_160 = arith.shrui %get3A_157, %shift_right_logical3A_159 : vector<16xi32>
        %and3A_161 = arith.constant 7 : i32
        %and3A_162 = vector.broadcast %and3A_161 : i32 to vector<16xi32>
        %and3A_163 = arith.andi %get3A_157, %and3A_162 : vector<16xi32>
        tpu.vector_store_idx %arg19[%shift_right_logical3A_160, %and3A_163], %broadcast_in_dim3A_76 {add = true} : memref<1250x8xf32, #tpu.memory_space<vmem>>[vector<16xi32>, vector<16xi32>], vector<16xf32>,
        %lt3A_164 = arith.constant 124 : i32
        %lt3A_165 = arith.cmpi slt, %scan3A_103, %lt3A_164 : i32
        %convert_element_type3A_166 = arith.extui %lt3A_165 : i1 to i32
        %cond3A_167 = arith.constant 0 : i32
        %cond3A_168 = arith.cmpi ne, %convert_element_type3A_166, %cond3A_167 : i32
        scf.if %cond3A_168 {
          %add3A_222 = arith.constant 2 : i32
          %add3A_223 = arith.addi %mul3A_105, %add3A_222 : i32
          %dma_start3A_224 = arith.constant 0 : i32
          %dma_start3A_225 = tpu.memref_slice %arg15[%add3A_223, %dma_start3A_224] : memref<250x80xi32, #tpu.memory_space<vmem>> -> memref<1x80xi32, #tpu.memory_space<vmem>>
          %dma_start3A_226 = tpu.memref_squeeze %dma_start3A_225 : memref<1x80xi32, #tpu.memory_space<vmem>> -> memref<80xi32, #tpu.memory_space<vmem>>
          %dma_start3A_227 = arith.constant 0 : i32
          %dma_start3A_228 = arith.constant 0 : i32
          %dma_start3A_229 = tpu.memref_slice %arg2[%scan3A_88, %dma_start3A_227, %dma_start3A_228] : memref<2x10000x64xf32, #tpu.memory_space<hbm>> -> memref<1x10000x64xf32, #tpu.memory_space<hbm>>
          %dma_start3A_230 = tpu.memref_squeeze %dma_start3A_229 : memref<1x10000x64xf32, #tpu.memory_space<hbm>> -> memref<10000x64xf32, #tpu.memory_space<hbm>>
          %dma_start3A_231 = arith.constant 0 : i32
          %dma_start3A_232 = arith.constant 0 : i32
          %dma_start3A_233 = tpu.memref_slice %dma_start3A_230[%dma_start3A_231, %dma_start3A_232] : memref<10000x64xf32, #tpu.memory_space<hbm>> -> memref<10000x64xf32, #tpu.memory_space<hbm>>
          tpu.enqueue_indirect_dma source(%dma_start3A_233 : memref<10000x64xf32, #tpu.memory_space<hbm>>) target(%arg17 : memref<80x64xf32, #tpu.memory_space<vmem>>) offsets(%dma_start3A_226 : memref<80xi32, #tpu.memory_space<vmem>>) semaphore(%arg23 : memref<!tpu.dma_semaphore, #tpu.memory_space<semaphore_mem>>)
        } else {
        }
        %dma_wait3A_169 = arith.constant 0 : i32
        %dma_wait3A_170 = arith.constant 0 : i32
        %dma_wait3A_171 = tpu.memref_slice %arg8[%dma_wait3A_169, %dma_wait3A_170] : memref<10000x64xf32, #tpu.memory_space<hbm>> -> memref<80x64xf32, #tpu.memory_space<hbm>>
        %dma_wait3A_172 = arith.constant 0 : i32
        %dma_wait3A_173 = arith.constant 0 : i32
        %dma_wait3A_174 = tpu.memref_slice %arg8[%dma_wait3A_172, %dma_wait3A_173] : memref<10000x64xf32, #tpu.memory_space<hbm>> -> memref<80x64xf32, #tpu.memory_space<hbm>>
        tpu.wait_dma2 semaphore(%arg24 : memref<!tpu.dma_semaphore, #tpu.memory_space<semaphore_mem>>) src(%dma_wait3A_174 : memref<80x64xf32, #tpu.memory_space<hbm>>) dst(%arg18 : memref<80x64xf32, #tpu.memory_space<vmem>>)
        %add3A_175 = arith.constant 1 : i32
        %add3A_176 = arith.addi %mul3A_105, %add3A_175 : i32
        "tpu.region"() ({
          %run_scoped3A_222 = tpu.sem_alloc : memref<!tpu.dma_semaphore, #tpu.memory_space<semaphore_mem>>
          %dma_start3A_223 = arith.constant 0 : i32
          %dma_start3A_224 = tpu.memref_slice %arg16[%add3A_176, %dma_start3A_223] : memref<250x80xi32, #tpu.memory_space<vmem>> -> memref<1x80xi32, #tpu.memory_space<vmem>>
          %dma_start3A_225 = tpu.memref_squeeze %dma_start3A_224 : memref<1x80xi32, #tpu.memory_space<vmem>> -> memref<80xi32, #tpu.memory_space<vmem>>
          %dma_start3A_226 = arith.constant 0 : i32
          %dma_start3A_227 = arith.constant 0 : i32
          %dma_start3A_228 = tpu.memref_slice %arg21[%dma_start3A_226, %dma_start3A_227] : memref<10000x64xf32, #tpu.memory_space<vmem_shared>> -> memref<10000x64xf32, #tpu.memory_space<vmem_shared>>
          tpu.enqueue_indirect_dma source(%arg18 : memref<80x64xf32, #tpu.memory_space<vmem>>) target(%dma_start3A_228 : memref<10000x64xf32, #tpu.memory_space<vmem_shared>>) offsets(%dma_start3A_225 : memref<80xi32, #tpu.memory_space<vmem>>) semaphore(%run_scoped3A_222 : memref<!tpu.dma_semaphore, #tpu.memory_space<semaphore_mem>>) {add = true}
          %dma_wait3A_229 = arith.constant 0 : i32
          %dma_wait3A_230 = tpu.memref_slice %arg16[%add3A_176, %dma_wait3A_229] : memref<250x80xi32, #tpu.memory_space<vmem>> -> memref<1x80xi32, #tpu.memory_space<vmem>>
          %dma_wait3A_231 = tpu.memref_squeeze %dma_wait3A_230 : memref<1x80xi32, #tpu.memory_space<vmem>> -> memref<80xi32, #tpu.memory_space<vmem>>
          %dma_wait3A_232 = arith.constant 0 : i32
          %dma_wait3A_233 = arith.constant 0 : i32
          %dma_wait3A_234 = tpu.memref_slice %arg21[%dma_wait3A_232, %dma_wait3A_233] : memref<10000x64xf32, #tpu.memory_space<vmem_shared>> -> memref<10000x64xf32, #tpu.memory_space<vmem_shared>>
          tpu.wait_indirect_dma semaphore(%run_scoped3A_222 : memref<!tpu.dma_semaphore, #tpu.memory_space<semaphore_mem>>) src(%arg18 : memref<80x64xf32, #tpu.memory_space<vmem>>) dst(%dma_wait3A_234 : memref<10000x64xf32, #tpu.memory_space<vmem_shared>>)
          tpu.yield
        }) : () -> ()
        %get3A_177 = arith.index_cast %add3A_176 : i32 to index
        %get3A_178 = arith.constant 0 : index
        %get3A_179 = tpu.vector_load %arg16[%get3A_177, %get3A_178] {strides = array<i32>} : memref<250x80xi32, #tpu.memory_space<vmem>>, vector<16xi32>,
        %shift_right_logical3A_180 = arith.constant 3 : i32
        %shift_right_logical3A_181 = vector.broadcast %shift_right_logical3A_180 : i32 to vector<16xi32>
        %shift_right_logical3A_182 = arith.shrui %get3A_179, %shift_right_logical3A_181 : vector<16xi32>
        %and3A_183 = arith.constant 7 : i32
        %and3A_184 = vector.broadcast %and3A_183 : i32 to vector<16xi32>
        %and3A_185 = arith.andi %get3A_179, %and3A_184 : vector<16xi32>
        tpu.vector_store_idx %arg19[%shift_right_logical3A_182, %and3A_185], %broadcast_in_dim3A_76 {add = true} : memref<1250x8xf32, #tpu.memory_space<vmem>>[vector<16xi32>, vector<16xi32>], vector<16xf32>,
        %get3A_186 = arith.index_cast %add3A_176 : i32 to index
        %get3A_187 = arith.constant 16 : index
        %get3A_188 = tpu.vector_load %arg16[%get3A_186, %get3A_187] {strides = array<i32>} : memref<250x80xi32, #tpu.memory_space<vmem>>, vector<16xi32>,
        %shift_right_logical3A_189 = arith.constant 3 : i32
        %shift_right_logical3A_190 = vector.broadcast %shift_right_logical3A_189 : i32 to vector<16xi32>
        %shift_right_logical3A_191 = arith.shrui %get3A_188, %shift_right_logical3A_190 : vector<16xi32>
        %and3A_192 = arith.constant 7 : i32
        %and3A_193 = vector.broadcast %and3A_192 : i32 to vector<16xi32>
        %and3A_194 = arith.andi %get3A_188, %and3A_193 : vector<16xi32>
        tpu.vector_store_idx %arg19[%shift_right_logical3A_191, %and3A_194], %broadcast_in_dim3A_76 {add = true} : memref<1250x8xf32, #tpu.memory_space<vmem>>[vector<16xi32>, vector<16xi32>], vector<16xf32>,
        %get3A_195 = arith.index_cast %add3A_176 : i32 to index
        %get3A_196 = arith.constant 32 : index
        %get3A_197 = tpu.vector_load %arg16[%get3A_195, %get3A_196] {strides = array<i32>} : memref<250x80xi32, #tpu.memory_space<vmem>>, vector<16xi32>,
        %shift_right_logical3A_198 = arith.constant 3 : i32
        %shift_right_logical3A_199 = vector.broadcast %shift_right_logical3A_198 : i32 to vector<16xi32>
        %shift_right_logical3A_200 = arith.shrui %get3A_197, %shift_right_logical3A_199 : vector<16xi32>
        %and3A_201 = arith.constant 7 : i32
        %and3A_202 = vector.broadcast %and3A_201 : i32 to vector<16xi32>
        %and3A_203 = arith.andi %get3A_197, %and3A_202 : vector<16xi32>
        tpu.vector_store_idx %arg19[%shift_right_logical3A_200, %and3A_203], %broadcast_in_dim3A_76 {add = true} : memref<1250x8xf32, #tpu.memory_space<vmem>>[vector<16xi32>, vector<16xi32>], vector<16xf32>,
        %get3A_204 = arith.index_cast %add3A_176 : i32 to index
        %get3A_205 = arith.constant 48 : index
        %get3A_206 = tpu.vector_load %arg16[%get3A_204, %get3A_205] {strides = array<i32>} : memref<250x80xi32, #tpu.memory_space<vmem>>, vector<16xi32>,
        %shift_right_logical3A_207 = arith.constant 3 : i32
        %shift_right_logical3A_208 = vector.broadcast %shift_right_logical3A_207 : i32 to vector<16xi32>
        %shift_right_logical3A_209 = arith.shrui %get3A_206, %shift_right_logical3A_208 : vector<16xi32>
        %and3A_210 = arith.constant 7 : i32
        %and3A_211 = vector.broadcast %and3A_210 : i32 to vector<16xi32>
        %and3A_212 = arith.andi %get3A_206, %and3A_211 : vector<16xi32>
        tpu.vector_store_idx %arg19[%shift_right_logical3A_209, %and3A_212], %broadcast_in_dim3A_76 {add = true} : memref<1250x8xf32, #tpu.memory_space<vmem>>[vector<16xi32>, vector<16xi32>], vector<16xf32>,
        %get3A_213 = arith.index_cast %add3A_176 : i32 to index
        %get3A_214 = arith.constant 64 : index
        %get3A_215 = tpu.vector_load %arg16[%get3A_213, %get3A_214] {strides = array<i32>} : memref<250x80xi32, #tpu.memory_space<vmem>>, vector<16xi32>,
        %shift_right_logical3A_216 = arith.constant 3 : i32
        %shift_right_logical3A_217 = vector.broadcast %shift_right_logical3A_216 : i32 to vector<16xi32>
        %shift_right_logical3A_218 = arith.shrui %get3A_215, %shift_right_logical3A_217 : vector<16xi32>
        %and3A_219 = arith.constant 7 : i32
        %and3A_220 = vector.broadcast %and3A_219 : i32 to vector<16xi32>
        %and3A_221 = arith.andi %get3A_215, %and3A_220 : vector<16xi32>
        tpu.vector_store_idx %arg19[%shift_right_logical3A_218, %and3A_221], %broadcast_in_dim3A_76 {add = true} : memref<1250x8xf32, #tpu.memory_space<vmem>>[vector<16xi32>, vector<16xi32>], vector<16xf32>,
      }
      %scan3A_93 = arith.constant 125 : i32
      %run_scoped3A = arith.constant 0 : i32
      "tpu.region"() ({
        %run_scoped3A_103 = tpu.sem_alloc : memref<!tpu.dma_semaphore, #tpu.memory_space<semaphore_mem>>
        %dma_start3A_104 = arith.constant 0 : i32
        %dma_start3A_105 = arith.constant 0 : i32
        %dma_start3A_106 = tpu.memref_slice %arg19[%dma_start3A_104, %dma_start3A_105] : memref<1250x8xf32, #tpu.memory_space<vmem>> -> memref<125x8xf32, #tpu.memory_space<vmem>>
        %dma_start3A_107 = arith.constant 0 : i32
        %dma_start3A_108 = tpu.memref_slice %arg20[%run_scoped3A, %dma_start3A_107] : memref<10x125xi32, #tpu.memory_space<vmem>> -> memref<1x125xi32, #tpu.memory_space<vmem>>
        %dma_start3A_109 = tpu.memref_squeeze %dma_start3A_108 : memref<1x125xi32, #tpu.memory_space<vmem>> -> memref<125xi32, #tpu.memory_space<vmem>>
        %dma_start3A_110 = arith.constant 0 : i32
        %dma_start3A_111 = arith.constant 0 : i32
        %dma_start3A_112 = tpu.memref_slice %arg22[%dma_start3A_110, %dma_start3A_111] : memref<1250x8xf32, #tpu.memory_space<vmem_shared>> -> memref<1250x8xf32, #tpu.memory_space<vmem_shared>>
        tpu.enqueue_indirect_dma source(%dma_start3A_106 : memref<125x8xf32, #tpu.memory_space<vmem>>) target(%dma_start3A_112 : memref<1250x8xf32, #tpu.memory_space<vmem_shared>>) offsets(%dma_start3A_109 : memref<125xi32, #tpu.memory_space<vmem>>) semaphore(%run_scoped3A_103 : memref<!tpu.dma_semaphore, #tpu.memory_space<semaphore_mem>>) {add = true}
        %dma_wait3A = arith.constant 0 : i32
        %dma_wait3A_113 = arith.constant 0 : i32
        %dma_wait3A_114 = tpu.memref_slice %arg19[%dma_wait3A, %dma_wait3A_113] : memref<1250x8xf32, #tpu.memory_space<vmem>> -> memref<125x8xf32, #tpu.memory_space<vmem>>
        %dma_wait3A_115 = arith.constant 0 : i32
        %dma_wait3A_116 = tpu.memref_slice %arg20[%run_scoped3A, %dma_wait3A_115] : memref<10x125xi32, #tpu.memory_space<vmem>> -> memref<1x125xi32, #tpu.memory_space<vmem>>
        %dma_wait3A_117 = tpu.memref_squeeze %dma_wait3A_116 : memref<1x125xi32, #tpu.memory_space<vmem>> -> memref<125xi32, #tpu.memory_space<vmem>>
        %dma_wait3A_118 = arith.constant 0 : i32
        %dma_wait3A_119 = arith.constant 0 : i32
        %dma_wait3A_120 = tpu.memref_slice %arg22[%dma_wait3A_118, %dma_wait3A_119] : memref<1250x8xf32, #tpu.memory_space<vmem_shared>> -> memref<1250x8xf32, #tpu.memory_space<vmem_shared>>
        tpu.wait_indirect_dma semaphore(%run_scoped3A_103 : memref<!tpu.dma_semaphore, #tpu.memory_space<semaphore_mem>>) src(%dma_wait3A_114 : memref<125x8xf32, #tpu.memory_space<vmem>>) dst(%dma_wait3A_120 : memref<1250x8xf32, #tpu.memory_space<vmem_shared>>)
        tpu.yield
      }) : () -> ()
      %run_scoped3A_94 = arith.constant 1 : i32
      "tpu.region"() ({
        %run_scoped3A_103 = tpu.sem_alloc : memref<!tpu.dma_semaphore, #tpu.memory_space<semaphore_mem>>
        %dma_start3A_104 = arith.constant 125 : i32
        %dma_start3A_105 = arith.constant 0 : i32
        %dma_start3A_106 = tpu.memref_slice %arg19[%dma_start3A_104, %dma_start3A_105] : memref<1250x8xf32, #tpu.memory_space<vmem>> -> memref<125x8xf32, #tpu.memory_space<vmem>>
        %dma_start3A_107 = arith.constant 0 : i32
        %dma_start3A_108 = tpu.memref_slice %arg20[%run_scoped3A_94, %dma_start3A_107] : memref<10x125xi32, #tpu.memory_space<vmem>> -> memref<1x125xi32, #tpu.memory_space<vmem>>
        %dma_start3A_109 = tpu.memref_squeeze %dma_start3A_108 : memref<1x125xi32, #tpu.memory_space<vmem>> -> memref<125xi32, #tpu.memory_space<vmem>>
        %dma_start3A_110 = arith.constant 0 : i32
        %dma_start3A_111 = arith.constant 0 : i32
        %dma_start3A_112 = tpu.memref_slice %arg22[%dma_start3A_110, %dma_start3A_111] : memref<1250x8xf32, #tpu.memory_space<vmem_shared>> -> memref<1250x8xf32, #tpu.memory_space<vmem_shared>>
        tpu.enqueue_indirect_dma source(%dma_start3A_106 : memref<125x8xf32, #tpu.memory_space<vmem>>) target(%dma_start3A_112 : memref<1250x8xf32, #tpu.memory_space<vmem_shared>>) offsets(%dma_start3A_109 : memref<125xi32, #tpu.memory_space<vmem>>) semaphore(%run_scoped3A_103 : memref<!tpu.dma_semaphore, #tpu.memory_space<semaphore_mem>>) {add = true}
        %dma_wait3A = arith.constant 125 : i32
        %dma_wait3A_113 = arith.constant 0 : i32
        %dma_wait3A_114 = tpu.memref_slice %arg19[%dma_wait3A, %dma_wait3A_113] : memref<1250x8xf32, #tpu.memory_space<vmem>> -> memref<125x8xf32, #tpu.memory_space<vmem>>
        %dma_wait3A_115 = arith.constant 0 : i32
        %dma_wait3A_116 = tpu.memref_slice %arg20[%run_scoped3A_94, %dma_wait3A_115] : memref<10x125xi32, #tpu.memory_space<vmem>> -> memref<1x125xi32, #tpu.memory_space<vmem>>
        %dma_wait3A_117 = tpu.memref_squeeze %dma_wait3A_116 : memref<1x125xi32, #tpu.memory_space<vmem>> -> memref<125xi32, #tpu.memory_space<vmem>>
        %dma_wait3A_118 = arith.constant 0 : i32
        %dma_wait3A_119 = arith.constant 0 : i32
        %dma_wait3A_120 = tpu.memref_slice %arg22[%dma_wait3A_118, %dma_wait3A_119] : memref<1250x8xf32, #tpu.memory_space<vmem_shared>> -> memref<1250x8xf32, #tpu.memory_space<vmem_shared>>
        tpu.wait_indirect_dma semaphore(%run_scoped3A_103 : memref<!tpu.dma_semaphore, #tpu.memory_space<semaphore_mem>>) src(%dma_wait3A_114 : memref<125x8xf32, #tpu.memory_space<vmem>>) dst(%dma_wait3A_120 : memref<1250x8xf32, #tpu.memory_space<vmem_shared>>)
        tpu.yield
      }) : () -> ()
      %run_scoped3A_95 = arith.constant 2 : i32
      "tpu.region"() ({
        %run_scoped3A_103 = tpu.sem_alloc : memref<!tpu.dma_semaphore, #tpu.memory_space<semaphore_mem>>
        %dma_start3A_104 = arith.constant 250 : i32
        %dma_start3A_105 = arith.constant 0 : i32
        %dma_start3A_106 = tpu.memref_slice %arg19[%dma_start3A_104, %dma_start3A_105] : memref<1250x8xf32, #tpu.memory_space<vmem>> -> memref<125x8xf32, #tpu.memory_space<vmem>>
        %dma_start3A_107 = arith.constant 0 : i32
        %dma_start3A_108 = tpu.memref_slice %arg20[%run_scoped3A_95, %dma_start3A_107] : memref<10x125xi32, #tpu.memory_space<vmem>> -> memref<1x125xi32, #tpu.memory_space<vmem>>
        %dma_start3A_109 = tpu.memref_squeeze %dma_start3A_108 : memref<1x125xi32, #tpu.memory_space<vmem>> -> memref<125xi32, #tpu.memory_space<vmem>>
        %dma_start3A_110 = arith.constant 0 : i32
        %dma_start3A_111 = arith.constant 0 : i32
        %dma_start3A_112 = tpu.memref_slice %arg22[%dma_start3A_110, %dma_start3A_111] : memref<1250x8xf32, #tpu.memory_space<vmem_shared>> -> memref<1250x8xf32, #tpu.memory_space<vmem_shared>>
        tpu.enqueue_indirect_dma source(%dma_start3A_106 : memref<125x8xf32, #tpu.memory_space<vmem>>) target(%dma_start3A_112 : memref<1250x8xf32, #tpu.memory_space<vmem_shared>>) offsets(%dma_start3A_109 : memref<125xi32, #tpu.memory_space<vmem>>) semaphore(%run_scoped3A_103 : memref<!tpu.dma_semaphore, #tpu.memory_space<semaphore_mem>>) {add = true}
        %dma_wait3A = arith.constant 250 : i32
        %dma_wait3A_113 = arith.constant 0 : i32
        %dma_wait3A_114 = tpu.memref_slice %arg19[%dma_wait3A, %dma_wait3A_113] : memref<1250x8xf32, #tpu.memory_space<vmem>> -> memref<125x8xf32, #tpu.memory_space<vmem>>
        %dma_wait3A_115 = arith.constant 0 : i32
        %dma_wait3A_116 = tpu.memref_slice %arg20[%run_scoped3A_95, %dma_wait3A_115] : memref<10x125xi32, #tpu.memory_space<vmem>> -> memref<1x125xi32, #tpu.memory_space<vmem>>
        %dma_wait3A_117 = tpu.memref_squeeze %dma_wait3A_116 : memref<1x125xi32, #tpu.memory_space<vmem>> -> memref<125xi32, #tpu.memory_space<vmem>>
        %dma_wait3A_118 = arith.constant 0 : i32
        %dma_wait3A_119 = arith.constant 0 : i32
        %dma_wait3A_120 = tpu.memref_slice %arg22[%dma_wait3A_118, %dma_wait3A_119] : memref<1250x8xf32, #tpu.memory_space<vmem_shared>> -> memref<1250x8xf32, #tpu.memory_space<vmem_shared>>
        tpu.wait_indirect_dma semaphore(%run_scoped3A_103 : memref<!tpu.dma_semaphore, #tpu.memory_space<semaphore_mem>>) src(%dma_wait3A_114 : memref<125x8xf32, #tpu.memory_space<vmem>>) dst(%dma_wait3A_120 : memref<1250x8xf32, #tpu.memory_space<vmem_shared>>)
        tpu.yield
      }) : () -> ()
      %run_scoped3A_96 = arith.constant 3 : i32
      "tpu.region"() ({
        %run_scoped3A_103 = tpu.sem_alloc : memref<!tpu.dma_semaphore, #tpu.memory_space<semaphore_mem>>
        %dma_start3A_104 = arith.constant 375 : i32
        %dma_start3A_105 = arith.constant 0 : i32
        %dma_start3A_106 = tpu.memref_slice %arg19[%dma_start3A_104, %dma_start3A_105] : memref<1250x8xf32, #tpu.memory_space<vmem>> -> memref<125x8xf32, #tpu.memory_space<vmem>>
        %dma_start3A_107 = arith.constant 0 : i32
        %dma_start3A_108 = tpu.memref_slice %arg20[%run_scoped3A_96, %dma_start3A_107] : memref<10x125xi32, #tpu.memory_space<vmem>> -> memref<1x125xi32, #tpu.memory_space<vmem>>
        %dma_start3A_109 = tpu.memref_squeeze %dma_start3A_108 : memref<1x125xi32, #tpu.memory_space<vmem>> -> memref<125xi32, #tpu.memory_space<vmem>>
        %dma_start3A_110 = arith.constant 0 : i32
        %dma_start3A_111 = arith.constant 0 : i32
        %dma_start3A_112 = tpu.memref_slice %arg22[%dma_start3A_110, %dma_start3A_111] : memref<1250x8xf32, #tpu.memory_space<vmem_shared>> -> memref<1250x8xf32, #tpu.memory_space<vmem_shared>>
        tpu.enqueue_indirect_dma source(%dma_start3A_106 : memref<125x8xf32, #tpu.memory_space<vmem>>) target(%dma_start3A_112 : memref<1250x8xf32, #tpu.memory_space<vmem_shared>>) offsets(%dma_start3A_109 : memref<125xi32, #tpu.memory_space<vmem>>) semaphore(%run_scoped3A_103 : memref<!tpu.dma_semaphore, #tpu.memory_space<semaphore_mem>>) {add = true}
        %dma_wait3A = arith.constant 375 : i32
        %dma_wait3A_113 = arith.constant 0 : i32
        %dma_wait3A_114 = tpu.memref_slice %arg19[%dma_wait3A, %dma_wait3A_113] : memref<1250x8xf32, #tpu.memory_space<vmem>> -> memref<125x8xf32, #tpu.memory_space<vmem>>
        %dma_wait3A_115 = arith.constant 0 : i32
        %dma_wait3A_116 = tpu.memref_slice %arg20[%run_scoped3A_96, %dma_wait3A_115] : memref<10x125xi32, #tpu.memory_space<vmem>> -> memref<1x125xi32, #tpu.memory_space<vmem>>
        %dma_wait3A_117 = tpu.memref_squeeze %dma_wait3A_116 : memref<1x125xi32, #tpu.memory_space<vmem>> -> memref<125xi32, #tpu.memory_space<vmem>>
        %dma_wait3A_118 = arith.constant 0 : i32
        %dma_wait3A_119 = arith.constant 0 : i32
        %dma_wait3A_120 = tpu.memref_slice %arg22[%dma_wait3A_118, %dma_wait3A_119] : memref<1250x8xf32, #tpu.memory_space<vmem_shared>> -> memref<1250x8xf32, #tpu.memory_space<vmem_shared>>
        tpu.wait_indirect_dma semaphore(%run_scoped3A_103 : memref<!tpu.dma_semaphore, #tpu.memory_space<semaphore_mem>>) src(%dma_wait3A_114 : memref<125x8xf32, #tpu.memory_space<vmem>>) dst(%dma_wait3A_120 : memref<1250x8xf32, #tpu.memory_space<vmem_shared>>)
        tpu.yield
      }) : () -> ()
      %run_scoped3A_97 = arith.constant 4 : i32
      "tpu.region"() ({
        %run_scoped3A_103 = tpu.sem_alloc : memref<!tpu.dma_semaphore, #tpu.memory_space<semaphore_mem>>
        %dma_start3A_104 = arith.constant 500 : i32
        %dma_start3A_105 = arith.constant 0 : i32
        %dma_start3A_106 = tpu.memref_slice %arg19[%dma_start3A_104, %dma_start3A_105] : memref<1250x8xf32, #tpu.memory_space<vmem>> -> memref<125x8xf32, #tpu.memory_space<vmem>>
        %dma_start3A_107 = arith.constant 0 : i32
        %dma_start3A_108 = tpu.memref_slice %arg20[%run_scoped3A_97, %dma_start3A_107] : memref<10x125xi32, #tpu.memory_space<vmem>> -> memref<1x125xi32, #tpu.memory_space<vmem>>
        %dma_start3A_109 = tpu.memref_squeeze %dma_start3A_108 : memref<1x125xi32, #tpu.memory_space<vmem>> -> memref<125xi32, #tpu.memory_space<vmem>>
        %dma_start3A_110 = arith.constant 0 : i32
        %dma_start3A_111 = arith.constant 0 : i32
        %dma_start3A_112 = tpu.memref_slice %arg22[%dma_start3A_110, %dma_start3A_111] : memref<1250x8xf32, #tpu.memory_space<vmem_shared>> -> memref<1250x8xf32, #tpu.memory_space<vmem_shared>>
        tpu.enqueue_indirect_dma source(%dma_start3A_106 : memref<125x8xf32, #tpu.memory_space<vmem>>) target(%dma_start3A_112 : memref<1250x8xf32, #tpu.memory_space<vmem_shared>>) offsets(%dma_start3A_109 : memref<125xi32, #tpu.memory_space<vmem>>) semaphore(%run_scoped3A_103 : memref<!tpu.dma_semaphore, #tpu.memory_space<semaphore_mem>>) {add = true}
        %dma_wait3A = arith.constant 500 : i32
        %dma_wait3A_113 = arith.constant 0 : i32
        %dma_wait3A_114 = tpu.memref_slice %arg19[%dma_wait3A, %dma_wait3A_113] : memref<1250x8xf32, #tpu.memory_space<vmem>> -> memref<125x8xf32, #tpu.memory_space<vmem>>
        %dma_wait3A_115 = arith.constant 0 : i32
        %dma_wait3A_116 = tpu.memref_slice %arg20[%run_scoped3A_97, %dma_wait3A_115] : memref<10x125xi32, #tpu.memory_space<vmem>> -> memref<1x125xi32, #tpu.memory_space<vmem>>
        %dma_wait3A_117 = tpu.memref_squeeze %dma_wait3A_116 : memref<1x125xi32, #tpu.memory_space<vmem>> -> memref<125xi32, #tpu.memory_space<vmem>>
        %dma_wait3A_118 = arith.constant 0 : i32
        %dma_wait3A_119 = arith.constant 0 : i32
        %dma_wait3A_120 = tpu.memref_slice %arg22[%dma_wait3A_118, %dma_wait3A_119] : memref<1250x8xf32, #tpu.memory_space<vmem_shared>> -> memref<1250x8xf32, #tpu.memory_space<vmem_shared>>
        tpu.wait_indirect_dma semaphore(%run_scoped3A_103 : memref<!tpu.dma_semaphore, #tpu.memory_space<semaphore_mem>>) src(%dma_wait3A_114 : memref<125x8xf32, #tpu.memory_space<vmem>>) dst(%dma_wait3A_120 : memref<1250x8xf32, #tpu.memory_space<vmem_shared>>)
        tpu.yield
      }) : () -> ()
      %run_scoped3A_98 = arith.constant 5 : i32
      "tpu.region"() ({
        %run_scoped3A_103 = tpu.sem_alloc : memref<!tpu.dma_semaphore, #tpu.memory_space<semaphore_mem>>
        %dma_start3A_104 = arith.constant 625 : i32
        %dma_start3A_105 = arith.constant 0 : i32
        %dma_start3A_106 = tpu.memref_slice %arg19[%dma_start3A_104, %dma_start3A_105] : memref<1250x8xf32, #tpu.memory_space<vmem>> -> memref<125x8xf32, #tpu.memory_space<vmem>>
        %dma_start3A_107 = arith.constant 0 : i32
        %dma_start3A_108 = tpu.memref_slice %arg20[%run_scoped3A_98, %dma_start3A_107] : memref<10x125xi32, #tpu.memory_space<vmem>> -> memref<1x125xi32, #tpu.memory_space<vmem>>
        %dma_start3A_109 = tpu.memref_squeeze %dma_start3A_108 : memref<1x125xi32, #tpu.memory_space<vmem>> -> memref<125xi32, #tpu.memory_space<vmem>>
        %dma_start3A_110 = arith.constant 0 : i32
        %dma_start3A_111 = arith.constant 0 : i32
        %dma_start3A_112 = tpu.memref_slice %arg22[%dma_start3A_110, %dma_start3A_111] : memref<1250x8xf32, #tpu.memory_space<vmem_shared>> -> memref<1250x8xf32, #tpu.memory_space<vmem_shared>>
        tpu.enqueue_indirect_dma source(%dma_start3A_106 : memref<125x8xf32, #tpu.memory_space<vmem>>) target(%dma_start3A_112 : memref<1250x8xf32, #tpu.memory_space<vmem_shared>>) offsets(%dma_start3A_109 : memref<125xi32, #tpu.memory_space<vmem>>) semaphore(%run_scoped3A_103 : memref<!tpu.dma_semaphore, #tpu.memory_space<semaphore_mem>>) {add = true}
        %dma_wait3A = arith.constant 625 : i32
        %dma_wait3A_113 = arith.constant 0 : i32
        %dma_wait3A_114 = tpu.memref_slice %arg19[%dma_wait3A, %dma_wait3A_113] : memref<1250x8xf32, #tpu.memory_space<vmem>> -> memref<125x8xf32, #tpu.memory_space<vmem>>
        %dma_wait3A_115 = arith.constant 0 : i32
        %dma_wait3A_116 = tpu.memref_slice %arg20[%run_scoped3A_98, %dma_wait3A_115] : memref<10x125xi32, #tpu.memory_space<vmem>> -> memref<1x125xi32, #tpu.memory_space<vmem>>
        %dma_wait3A_117 = tpu.memref_squeeze %dma_wait3A_116 : memref<1x125xi32, #tpu.memory_space<vmem>> -> memref<125xi32, #tpu.memory_space<vmem>>
        %dma_wait3A_118 = arith.constant 0 : i32
        %dma_wait3A_119 = arith.constant 0 : i32
        %dma_wait3A_120 = tpu.memref_slice %arg22[%dma_wait3A_118, %dma_wait3A_119] : memref<1250x8xf32, #tpu.memory_space<vmem_shared>> -> memref<1250x8xf32, #tpu.memory_space<vmem_shared>>
        tpu.wait_indirect_dma semaphore(%run_scoped3A_103 : memref<!tpu.dma_semaphore, #tpu.memory_space<semaphore_mem>>) src(%dma_wait3A_114 : memref<125x8xf32, #tpu.memory_space<vmem>>) dst(%dma_wait3A_120 : memref<1250x8xf32, #tpu.memory_space<vmem_shared>>)
        tpu.yield
      }) : () -> ()
      %run_scoped3A_99 = arith.constant 6 : i32
      "tpu.region"() ({
        %run_scoped3A_103 = tpu.sem_alloc : memref<!tpu.dma_semaphore, #tpu.memory_space<semaphore_mem>>
        %dma_start3A_104 = arith.constant 750 : i32
        %dma_start3A_105 = arith.constant 0 : i32
        %dma_start3A_106 = tpu.memref_slice %arg19[%dma_start3A_104, %dma_start3A_105] : memref<1250x8xf32, #tpu.memory_space<vmem>> -> memref<125x8xf32, #tpu.memory_space<vmem>>
        %dma_start3A_107 = arith.constant 0 : i32
        %dma_start3A_108 = tpu.memref_slice %arg20[%run_scoped3A_99, %dma_start3A_107] : memref<10x125xi32, #tpu.memory_space<vmem>> -> memref<1x125xi32, #tpu.memory_space<vmem>>
        %dma_start3A_109 = tpu.memref_squeeze %dma_start3A_108 : memref<1x125xi32, #tpu.memory_space<vmem>> -> memref<125xi32, #tpu.memory_space<vmem>>
        %dma_start3A_110 = arith.constant 0 : i32
        %dma_start3A_111 = arith.constant 0 : i32
        %dma_start3A_112 = tpu.memref_slice %arg22[%dma_start3A_110, %dma_start3A_111] : memref<1250x8xf32, #tpu.memory_space<vmem_shared>> -> memref<1250x8xf32, #tpu.memory_space<vmem_shared>>
        tpu.enqueue_indirect_dma source(%dma_start3A_106 : memref<125x8xf32, #tpu.memory_space<vmem>>) target(%dma_start3A_112 : memref<1250x8xf32, #tpu.memory_space<vmem_shared>>) offsets(%dma_start3A_109 : memref<125xi32, #tpu.memory_space<vmem>>) semaphore(%run_scoped3A_103 : memref<!tpu.dma_semaphore, #tpu.memory_space<semaphore_mem>>) {add = true}
        %dma_wait3A = arith.constant 750 : i32
        %dma_wait3A_113 = arith.constant 0 : i32
        %dma_wait3A_114 = tpu.memref_slice %arg19[%dma_wait3A, %dma_wait3A_113] : memref<1250x8xf32, #tpu.memory_space<vmem>> -> memref<125x8xf32, #tpu.memory_space<vmem>>
        %dma_wait3A_115 = arith.constant 0 : i32
        %dma_wait3A_116 = tpu.memref_slice %arg20[%run_scoped3A_99, %dma_wait3A_115] : memref<10x125xi32, #tpu.memory_space<vmem>> -> memref<1x125xi32, #tpu.memory_space<vmem>>
        %dma_wait3A_117 = tpu.memref_squeeze %dma_wait3A_116 : memref<1x125xi32, #tpu.memory_space<vmem>> -> memref<125xi32, #tpu.memory_space<vmem>>
        %dma_wait3A_118 = arith.constant 0 : i32
        %dma_wait3A_119 = arith.constant 0 : i32
        %dma_wait3A_120 = tpu.memref_slice %arg22[%dma_wait3A_118, %dma_wait3A_119] : memref<1250x8xf32, #tpu.memory_space<vmem_shared>> -> memref<1250x8xf32, #tpu.memory_space<vmem_shared>>
        tpu.wait_indirect_dma semaphore(%run_scoped3A_103 : memref<!tpu.dma_semaphore, #tpu.memory_space<semaphore_mem>>) src(%dma_wait3A_114 : memref<125x8xf32, #tpu.memory_space<vmem>>) dst(%dma_wait3A_120 : memref<1250x8xf32, #tpu.memory_space<vmem_shared>>)
        tpu.yield
      }) : () -> ()
      %run_scoped3A_100 = arith.constant 7 : i32
      "tpu.region"() ({
        %run_scoped3A_103 = tpu.sem_alloc : memref<!tpu.dma_semaphore, #tpu.memory_space<semaphore_mem>>
        %dma_start3A_104 = arith.constant 875 : i32
        %dma_start3A_105 = arith.constant 0 : i32
        %dma_start3A_106 = tpu.memref_slice %arg19[%dma_start3A_104, %dma_start3A_105] : memref<1250x8xf32, #tpu.memory_space<vmem>> -> memref<125x8xf32, #tpu.memory_space<vmem>>
        %dma_start3A_107 = arith.constant 0 : i32
        %dma_start3A_108 = tpu.memref_slice %arg20[%run_scoped3A_100, %dma_start3A_107] : memref<10x125xi32, #tpu.memory_space<vmem>> -> memref<1x125xi32, #tpu.memory_space<vmem>>
        %dma_start3A_109 = tpu.memref_squeeze %dma_start3A_108 : memref<1x125xi32, #tpu.memory_space<vmem>> -> memref<125xi32, #tpu.memory_space<vmem>>
        %dma_start3A_110 = arith.constant 0 : i32
        %dma_start3A_111 = arith.constant 0 : i32
        %dma_start3A_112 = tpu.memref_slice %arg22[%dma_start3A_110, %dma_start3A_111] : memref<1250x8xf32, #tpu.memory_space<vmem_shared>> -> memref<1250x8xf32, #tpu.memory_space<vmem_shared>>
        tpu.enqueue_indirect_dma source(%dma_start3A_106 : memref<125x8xf32, #tpu.memory_space<vmem>>) target(%dma_start3A_112 : memref<1250x8xf32, #tpu.memory_space<vmem_shared>>) offsets(%dma_start3A_109 : memref<125xi32, #tpu.memory_space<vmem>>) semaphore(%run_scoped3A_103 : memref<!tpu.dma_semaphore, #tpu.memory_space<semaphore_mem>>) {add = true}
        %dma_wait3A = arith.constant 875 : i32
        %dma_wait3A_113 = arith.constant 0 : i32
        %dma_wait3A_114 = tpu.memref_slice %arg19[%dma_wait3A, %dma_wait3A_113] : memref<1250x8xf32, #tpu.memory_space<vmem>> -> memref<125x8xf32, #tpu.memory_space<vmem>>
        %dma_wait3A_115 = arith.constant 0 : i32
        %dma_wait3A_116 = tpu.memref_slice %arg20[%run_scoped3A_100, %dma_wait3A_115] : memref<10x125xi32, #tpu.memory_space<vmem>> -> memref<1x125xi32, #tpu.memory_space<vmem>>
        %dma_wait3A_117 = tpu.memref_squeeze %dma_wait3A_116 : memref<1x125xi32, #tpu.memory_space<vmem>> -> memref<125xi32, #tpu.memory_space<vmem>>
        %dma_wait3A_118 = arith.constant 0 : i32
        %dma_wait3A_119 = arith.constant 0 : i32
        %dma_wait3A_120 = tpu.memref_slice %arg22[%dma_wait3A_118, %dma_wait3A_119] : memref<1250x8xf32, #tpu.memory_space<vmem_shared>> -> memref<1250x8xf32, #tpu.memory_space<vmem_shared>>
        tpu.wait_indirect_dma semaphore(%run_scoped3A_103 : memref<!tpu.dma_semaphore, #tpu.memory_space<semaphore_mem>>) src(%dma_wait3A_114 : memref<125x8xf32, #tpu.memory_space<vmem>>) dst(%dma_wait3A_120 : memref<1250x8xf32, #tpu.memory_space<vmem_shared>>)
        tpu.yield
      }) : () -> ()
      %run_scoped3A_101 = arith.constant 8 : i32
      "tpu.region"() ({
        %run_scoped3A_103 = tpu.sem_alloc : memref<!tpu.dma_semaphore, #tpu.memory_space<semaphore_mem>>
        %dma_start3A_104 = arith.constant 1000 : i32
        %dma_start3A_105 = arith.constant 0 : i32
        %dma_start3A_106 = tpu.memref_slice %arg19[%dma_start3A_104, %dma_start3A_105] : memref<1250x8xf32, #tpu.memory_space<vmem>> -> memref<125x8xf32, #tpu.memory_space<vmem>>
        %dma_start3A_107 = arith.constant 0 : i32
        %dma_start3A_108 = tpu.memref_slice %arg20[%run_scoped3A_101, %dma_start3A_107] : memref<10x125xi32, #tpu.memory_space<vmem>> -> memref<1x125xi32, #tpu.memory_space<vmem>>
        %dma_start3A_109 = tpu.memref_squeeze %dma_start3A_108 : memref<1x125xi32, #tpu.memory_space<vmem>> -> memref<125xi32, #tpu.memory_space<vmem>>
        %dma_start3A_110 = arith.constant 0 : i32
        %dma_start3A_111 = arith.constant 0 : i32
        %dma_start3A_112 = tpu.memref_slice %arg22[%dma_start3A_110, %dma_start3A_111] : memref<1250x8xf32, #tpu.memory_space<vmem_shared>> -> memref<1250x8xf32, #tpu.memory_space<vmem_shared>>
        tpu.enqueue_indirect_dma source(%dma_start3A_106 : memref<125x8xf32, #tpu.memory_space<vmem>>) target(%dma_start3A_112 : memref<1250x8xf32, #tpu.memory_space<vmem_shared>>) offsets(%dma_start3A_109 : memref<125xi32, #tpu.memory_space<vmem>>) semaphore(%run_scoped3A_103 : memref<!tpu.dma_semaphore, #tpu.memory_space<semaphore_mem>>) {add = true}
        %dma_wait3A = arith.constant 1000 : i32
        %dma_wait3A_113 = arith.constant 0 : i32
        %dma_wait3A_114 = tpu.memref_slice %arg19[%dma_wait3A, %dma_wait3A_113] : memref<1250x8xf32, #tpu.memory_space<vmem>> -> memref<125x8xf32, #tpu.memory_space<vmem>>
        %dma_wait3A_115 = arith.constant 0 : i32
        %dma_wait3A_116 = tpu.memref_slice %arg20[%run_scoped3A_101, %dma_wait3A_115] : memref<10x125xi32, #tpu.memory_space<vmem>> -> memref<1x125xi32, #tpu.memory_space<vmem>>
        %dma_wait3A_117 = tpu.memref_squeeze %dma_wait3A_116 : memref<1x125xi32, #tpu.memory_space<vmem>> -> memref<125xi32, #tpu.memory_space<vmem>>
        %dma_wait3A_118 = arith.constant 0 : i32
        %dma_wait3A_119 = arith.constant 0 : i32
        %dma_wait3A_120 = tpu.memref_slice %arg22[%dma_wait3A_118, %dma_wait3A_119] : memref<1250x8xf32, #tpu.memory_space<vmem_shared>> -> memref<1250x8xf32, #tpu.memory_space<vmem_shared>>
        tpu.wait_indirect_dma semaphore(%run_scoped3A_103 : memref<!tpu.dma_semaphore, #tpu.memory_space<semaphore_mem>>) src(%dma_wait3A_114 : memref<125x8xf32, #tpu.memory_space<vmem>>) dst(%dma_wait3A_120 : memref<1250x8xf32, #tpu.memory_space<vmem_shared>>)
        tpu.yield
      }) : () -> ()
      %run_scoped3A_102 = arith.constant 9 : i32
      "tpu.region"() ({
        %run_scoped3A_103 = tpu.sem_alloc : memref<!tpu.dma_semaphore, #tpu.memory_space<semaphore_mem>>
        %dma_start3A_104 = arith.constant 1125 : i32
        %dma_start3A_105 = arith.constant 0 : i32
        %dma_start3A_106 = tpu.memref_slice %arg19[%dma_start3A_104, %dma_start3A_105] : memref<1250x8xf32, #tpu.memory_space<vmem>> -> memref<125x8xf32, #tpu.memory_space<vmem>>
        %dma_start3A_107 = arith.constant 0 : i32
        %dma_start3A_108 = tpu.memref_slice %arg20[%run_scoped3A_102, %dma_start3A_107] : memref<10x125xi32, #tpu.memory_space<vmem>> -> memref<1x125xi32, #tpu.memory_space<vmem>>
        %dma_start3A_109 = tpu.memref_squeeze %dma_start3A_108 : memref<1x125xi32, #tpu.memory_space<vmem>> -> memref<125xi32, #tpu.memory_space<vmem>>
        %dma_start3A_110 = arith.constant 0 : i32
        %dma_start3A_111 = arith.constant 0 : i32
        %dma_start3A_112 = tpu.memref_slice %arg22[%dma_start3A_110, %dma_start3A_111] : memref<1250x8xf32, #tpu.memory_space<vmem_shared>> -> memref<1250x8xf32, #tpu.memory_space<vmem_shared>>
        tpu.enqueue_indirect_dma source(%dma_start3A_106 : memref<125x8xf32, #tpu.memory_space<vmem>>) target(%dma_start3A_112 : memref<1250x8xf32, #tpu.memory_space<vmem_shared>>) offsets(%dma_start3A_109 : memref<125xi32, #tpu.memory_space<vmem>>) semaphore(%run_scoped3A_103 : memref<!tpu.dma_semaphore, #tpu.memory_space<semaphore_mem>>) {add = true}
        %dma_wait3A = arith.constant 1125 : i32
        %dma_wait3A_113 = arith.constant 0 : i32
        %dma_wait3A_114 = tpu.memref_slice %arg19[%dma_wait3A, %dma_wait3A_113] : memref<1250x8xf32, #tpu.memory_space<vmem>> -> memref<125x8xf32, #tpu.memory_space<vmem>>
        %dma_wait3A_115 = arith.constant 0 : i32
        %dma_wait3A_116 = tpu.memref_slice %arg20[%run_scoped3A_102, %dma_wait3A_115] : memref<10x125xi32, #tpu.memory_space<vmem>> -> memref<1x125xi32, #tpu.memory_space<vmem>>
        %dma_wait3A_117 = tpu.memref_squeeze %dma_wait3A_116 : memref<1x125xi32, #tpu.memory_space<vmem>> -> memref<125xi32, #tpu.memory_space<vmem>>
        %dma_wait3A_118 = arith.constant 0 : i32
        %dma_wait3A_119 = arith.constant 0 : i32
        %dma_wait3A_120 = tpu.memref_slice %arg22[%dma_wait3A_118, %dma_wait3A_119] : memref<1250x8xf32, #tpu.memory_space<vmem_shared>> -> memref<1250x8xf32, #tpu.memory_space<vmem_shared>>
        tpu.wait_indirect_dma semaphore(%run_scoped3A_103 : memref<!tpu.dma_semaphore, #tpu.memory_space<semaphore_mem>>) src(%dma_wait3A_114 : memref<125x8xf32, #tpu.memory_space<vmem>>) dst(%dma_wait3A_120 : memref<1250x8xf32, #tpu.memory_space<vmem_shared>>)
        tpu.yield
      }) : () -> ()
    } else {
    }
    %ne3A = arith.constant 0 : i32
    %ne3A_17 = arith.cmpi ne, %arg0, %ne3A : i32
    %convert_element_type3A_18 = arith.extui %ne3A_17 : i1 to i32
    %cond3A_19 = arith.constant 0 : i32
    %cond3A_20 = arith.cmpi ne, %convert_element_type3A_18, %cond3A_19 : i32
    scf.if %cond3A_20 {
      "tpu.region"() ({
        %run_scoped3A = tpu.sem_alloc : memref<!tpu.dma_semaphore, #tpu.memory_space<semaphore_mem>>
        %dma_start3A_94 = arith.constant 0 : i32
        %dma_start3A_95 = arith.constant 0 : i32
        %dma_start3A_96 = tpu.memref_slice %arg4[%arg1, %dma_start3A_94, %dma_start3A_95] : memref<16x250x80xi32, #tpu.memory_space<hbm>> -> memref<1x250x80xi32, #tpu.memory_space<hbm>>
        %dma_start3A_97 = tpu.memref_squeeze %dma_start3A_96 : memref<1x250x80xi32, #tpu.memory_space<hbm>> -> memref<250x80xi32, #tpu.memory_space<hbm>>
        %dma_start3A_98 = arith.constant 0 : i32
        %dma_start3A_99 = arith.constant 0 : i32
        %dma_start3A_100 = tpu.memref_slice %arg4[%arg1, %dma_start3A_98, %dma_start3A_99] : memref<16x250x80xi32, #tpu.memory_space<hbm>> -> memref<1x250x80xi32, #tpu.memory_space<hbm>>
        %dma_start3A_101 = tpu.memref_squeeze %dma_start3A_100 : memref<1x250x80xi32, #tpu.memory_space<hbm>> -> memref<250x80xi32, #tpu.memory_space<hbm>>
        tpu.enqueue_dma source(%dma_start3A_101 : memref<250x80xi32, #tpu.memory_space<hbm>>) target(%arg15 : memref<250x80xi32, #tpu.memory_space<vmem>>) target_semaphore(%run_scoped3A : memref<!tpu.dma_semaphore, #tpu.memory_space<semaphore_mem>>)
        %dma_wait3A = arith.constant 0 : i32
        %dma_wait3A_102 = arith.constant 0 : i32
        %dma_wait3A_103 = tpu.memref_slice %arg4[%arg1, %dma_wait3A, %dma_wait3A_102] : memref<16x250x80xi32, #tpu.memory_space<hbm>> -> memref<1x250x80xi32, #tpu.memory_space<hbm>>
        %dma_wait3A_104 = tpu.memref_squeeze %dma_wait3A_103 : memref<1x250x80xi32, #tpu.memory_space<hbm>> -> memref<250x80xi32, #tpu.memory_space<hbm>>
        %dma_wait3A_105 = arith.constant 0 : i32
        %dma_wait3A_106 = arith.constant 0 : i32
        %dma_wait3A_107 = tpu.memref_slice %arg4[%arg1, %dma_wait3A_105, %dma_wait3A_106] : memref<16x250x80xi32, #tpu.memory_space<hbm>> -> memref<1x250x80xi32, #tpu.memory_space<hbm>>
        %dma_wait3A_108 = tpu.memref_squeeze %dma_wait3A_107 : memref<1x250x80xi32, #tpu.memory_space<hbm>> -> memref<250x80xi32, #tpu.memory_space<hbm>>
        tpu.wait_dma2 semaphore(%run_scoped3A : memref<!tpu.dma_semaphore, #tpu.memory_space<semaphore_mem>>) src(%dma_wait3A_108 : memref<250x80xi32, #tpu.memory_space<hbm>>) dst(%arg15 : memref<250x80xi32, #tpu.memory_space<vmem>>)
        tpu.yield
      }) : () -> ()
      "tpu.region"() ({
        %run_scoped3A = tpu.sem_alloc : memref<!tpu.dma_semaphore, #tpu.memory_space<semaphore_mem>>
        %dma_start3A_94 = arith.constant 0 : i32
        %dma_start3A_95 = arith.constant 0 : i32
        %dma_start3A_96 = tpu.memref_slice %arg5[%arg1, %dma_start3A_94, %dma_start3A_95] : memref<16x250x80xi32, #tpu.memory_space<hbm>> -> memref<1x250x80xi32, #tpu.memory_space<hbm>>
        %dma_start3A_97 = tpu.memref_squeeze %dma_start3A_96 : memref<1x250x80xi32, #tpu.memory_space<hbm>> -> memref<250x80xi32, #tpu.memory_space<hbm>>
        %dma_start3A_98 = arith.constant 0 : i32
        %dma_start3A_99 = arith.constant 0 : i32
        %dma_start3A_100 = tpu.memref_slice %arg5[%arg1, %dma_start3A_98, %dma_start3A_99] : memref<16x250x80xi32, #tpu.memory_space<hbm>> -> memref<1x250x80xi32, #tpu.memory_space<hbm>>
        %dma_start3A_101 = tpu.memref_squeeze %dma_start3A_100 : memref<1x250x80xi32, #tpu.memory_space<hbm>> -> memref<250x80xi32, #tpu.memory_space<hbm>>
        tpu.enqueue_dma source(%dma_start3A_101 : memref<250x80xi32, #tpu.memory_space<hbm>>) target(%arg16 : memref<250x80xi32, #tpu.memory_space<vmem>>) target_semaphore(%run_scoped3A : memref<!tpu.dma_semaphore, #tpu.memory_space<semaphore_mem>>)
        %dma_wait3A = arith.constant 0 : i32
        %dma_wait3A_102 = arith.constant 0 : i32
        %dma_wait3A_103 = tpu.memref_slice %arg5[%arg1, %dma_wait3A, %dma_wait3A_102] : memref<16x250x80xi32, #tpu.memory_space<hbm>> -> memref<1x250x80xi32, #tpu.memory_space<hbm>>
        %dma_wait3A_104 = tpu.memref_squeeze %dma_wait3A_103 : memref<1x250x80xi32, #tpu.memory_space<hbm>> -> memref<250x80xi32, #tpu.memory_space<hbm>>
        %dma_wait3A_105 = arith.constant 0 : i32
        %dma_wait3A_106 = arith.constant 0 : i32
        %dma_wait3A_107 = tpu.memref_slice %arg5[%arg1, %dma_wait3A_105, %dma_wait3A_106] : memref<16x250x80xi32, #tpu.memory_space<hbm>> -> memref<1x250x80xi32, #tpu.memory_space<hbm>>
        %dma_wait3A_108 = tpu.memref_squeeze %dma_wait3A_107 : memref<1x250x80xi32, #tpu.memory_space<hbm>> -> memref<250x80xi32, #tpu.memory_space<hbm>>
        tpu.wait_dma2 semaphore(%run_scoped3A : memref<!tpu.dma_semaphore, #tpu.memory_space<semaphore_mem>>) src(%dma_wait3A_108 : memref<250x80xi32, #tpu.memory_space<hbm>>) dst(%arg16 : memref<250x80xi32, #tpu.memory_space<vmem>>)
        tpu.yield
      }) : () -> ()
      %broadcast_in_dim3A = arith.constant 1.000000e+00 : f32
      %broadcast_in_dim3A_76 = vector.broadcast %broadcast_in_dim3A : f32 to vector<16xf32>
      %dma_start3A = arith.constant 1 : i32
      %dma_start3A_77 = arith.constant 0 : i32
      %dma_start3A_78 = arith.constant 0 : i32
      %dma_start3A_79 = tpu.memref_slice %arg15[%dma_start3A_77, %dma_start3A_78] : memref<250x80xi32, #tpu.memory_space<vmem>> -> memref<1x80xi32, #tpu.memory_space<vmem>>
      %dma_start3A_80 = tpu.memref_squeeze %dma_start3A_79 : memref<1x80xi32, #tpu.memory_space<vmem>> -> memref<80xi32, #tpu.memory_space<vmem>>
      %dma_start3A_81 = arith.constant 0 : i32
      %dma_start3A_82 = arith.constant 0 : i32
      %dma_start3A_83 = tpu.memref_slice %arg2[%dma_start3A, %dma_start3A_81, %dma_start3A_82] : memref<2x10000x64xf32, #tpu.memory_space<hbm>> -> memref<1x10000x64xf32, #tpu.memory_space<hbm>>
      %dma_start3A_84 = tpu.memref_squeeze %dma_start3A_83 : memref<1x10000x64xf32, #tpu.memory_space<hbm>> -> memref<10000x64xf32, #tpu.memory_space<hbm>>
      %dma_start3A_85 = arith.constant 0 : i32
      %dma_start3A_86 = arith.constant 0 : i32
      %dma_start3A_87 = tpu.memref_slice %dma_start3A_84[%dma_start3A_85, %dma_start3A_86] : memref<10000x64xf32, #tpu.memory_space<hbm>> -> memref<10000x64xf32, #tpu.memory_space<hbm>>
      tpu.enqueue_indirect_dma source(%dma_start3A_87 : memref<10000x64xf32, #tpu.memory_space<hbm>>) target(%arg17 : memref<80x64xf32, #tpu.memory_space<vmem>>) offsets(%dma_start3A_80 : memref<80xi32, #tpu.memory_space<vmem>>) semaphore(%arg23 : memref<!tpu.dma_semaphore, #tpu.memory_space<semaphore_mem>>)
      %scan3A = arith.constant 0 : i32
      %scan3A_88 = arith.constant 1 : i32
      %scan3A_89 = arith.constant 0 : i32
      %scan3A_90 = arith.constant 125 : i32
      %scan3A_91 = arith.addi %scan3A_89, %scan3A_90 : i32
      %scan3A_92 = arith.constant 1 : i32
      scf.for %scan3A_94 = %scan3A_89 to %scan3A_91 step %scan3A_92  : i32 {
        %mul3A_95 = arith.constant 2 : i32
        %mul3A_96 = arith.muli %mul3A_95, %scan3A_94 : i32
        %dma_wait3A = arith.constant 0 : i32
        %dma_wait3A_97 = arith.constant 0 : i32
        %dma_wait3A_98 = tpu.memref_slice %arg8[%dma_wait3A, %dma_wait3A_97] : memref<10000x64xf32, #tpu.memory_space<hbm>> -> memref<80x64xf32, #tpu.memory_space<hbm>>
        %dma_wait3A_99 = arith.constant 0 : i32
        %dma_wait3A_100 = arith.constant 0 : i32
        %dma_wait3A_101 = tpu.memref_slice %arg8[%dma_wait3A_99, %dma_wait3A_100] : memref<10000x64xf32, #tpu.memory_space<hbm>> -> memref<80x64xf32, #tpu.memory_space<hbm>>
        tpu.wait_dma2 semaphore(%arg23 : memref<!tpu.dma_semaphore, #tpu.memory_space<semaphore_mem>>) src(%dma_wait3A_101 : memref<80x64xf32, #tpu.memory_space<hbm>>) dst(%arg17 : memref<80x64xf32, #tpu.memory_space<vmem>>)
        %add3A = arith.constant 1 : i32
        %add3A_102 = arith.addi %mul3A_96, %add3A : i32
        %dma_start3A_103 = arith.constant 0 : i32
        %dma_start3A_104 = tpu.memref_slice %arg15[%add3A_102, %dma_start3A_103] : memref<250x80xi32, #tpu.memory_space<vmem>> -> memref<1x80xi32, #tpu.memory_space<vmem>>
        %dma_start3A_105 = tpu.memref_squeeze %dma_start3A_104 : memref<1x80xi32, #tpu.memory_space<vmem>> -> memref<80xi32, #tpu.memory_space<vmem>>
        %dma_start3A_106 = arith.constant 0 : i32
        %dma_start3A_107 = arith.constant 0 : i32
        %dma_start3A_108 = tpu.memref_slice %arg2[%scan3A_88, %dma_start3A_106, %dma_start3A_107] : memref<2x10000x64xf32, #tpu.memory_space<hbm>> -> memref<1x10000x64xf32, #tpu.memory_space<hbm>>
        %dma_start3A_109 = tpu.memref_squeeze %dma_start3A_108 : memref<1x10000x64xf32, #tpu.memory_space<hbm>> -> memref<10000x64xf32, #tpu.memory_space<hbm>>
        %dma_start3A_110 = arith.constant 0 : i32
        %dma_start3A_111 = arith.constant 0 : i32
        %dma_start3A_112 = tpu.memref_slice %dma_start3A_109[%dma_start3A_110, %dma_start3A_111] : memref<10000x64xf32, #tpu.memory_space<hbm>> -> memref<10000x64xf32, #tpu.memory_space<hbm>>
        tpu.enqueue_indirect_dma source(%dma_start3A_112 : memref<10000x64xf32, #tpu.memory_space<hbm>>) target(%arg18 : memref<80x64xf32, #tpu.memory_space<vmem>>) offsets(%dma_start3A_105 : memref<80xi32, #tpu.memory_space<vmem>>) semaphore(%arg24 : memref<!tpu.dma_semaphore, #tpu.memory_space<semaphore_mem>>)
        "tpu.region"() ({
          %run_scoped3A = tpu.sem_alloc : memref<!tpu.dma_semaphore, #tpu.memory_space<semaphore_mem>>
          %dma_start3A_126 = arith.constant 0 : i32
          %dma_start3A_127 = tpu.memref_slice %arg16[%mul3A_96, %dma_start3A_126] : memref<250x80xi32, #tpu.memory_space<vmem>> -> memref<1x80xi32, #tpu.memory_space<vmem>>
          %dma_start3A_128 = tpu.memref_squeeze %dma_start3A_127 : memref<1x80xi32, #tpu.memory_space<vmem>> -> memref<80xi32, #tpu.memory_space<vmem>>
          %dma_start3A_129 = arith.constant 0 : i32
          %dma_start3A_130 = arith.constant 0 : i32
          %dma_start3A_131 = tpu.memref_slice %arg21[%dma_start3A_129, %dma_start3A_130] : memref<10000x64xf32, #tpu.memory_space<vmem_shared>> -> memref<10000x64xf32, #tpu.memory_space<vmem_shared>>
          tpu.enqueue_indirect_dma source(%arg17 : memref<80x64xf32, #tpu.memory_space<vmem>>) target(%dma_start3A_131 : memref<10000x64xf32, #tpu.memory_space<vmem_shared>>) offsets(%dma_start3A_128 : memref<80xi32, #tpu.memory_space<vmem>>) semaphore(%run_scoped3A : memref<!tpu.dma_semaphore, #tpu.memory_space<semaphore_mem>>) {add = true}
          %dma_wait3A_132 = arith.constant 0 : i32
          %dma_wait3A_133 = tpu.memref_slice %arg16[%mul3A_96, %dma_wait3A_132] : memref<250x80xi32, #tpu.memory_space<vmem>> -> memref<1x80xi32, #tpu.memory_space<vmem>>
          %dma_wait3A_134 = tpu.memref_squeeze %dma_wait3A_133 : memref<1x80xi32, #tpu.memory_space<vmem>> -> memref<80xi32, #tpu.memory_space<vmem>>
          %dma_wait3A_135 = arith.constant 0 : i32
          %dma_wait3A_136 = arith.constant 0 : i32
          %dma_wait3A_137 = tpu.memref_slice %arg21[%dma_wait3A_135, %dma_wait3A_136] : memref<10000x64xf32, #tpu.memory_space<vmem_shared>> -> memref<10000x64xf32, #tpu.memory_space<vmem_shared>>
          tpu.wait_indirect_dma semaphore(%run_scoped3A : memref<!tpu.dma_semaphore, #tpu.memory_space<semaphore_mem>>) src(%arg17 : memref<80x64xf32, #tpu.memory_space<vmem>>) dst(%dma_wait3A_137 : memref<10000x64xf32, #tpu.memory_space<vmem_shared>>)
          tpu.yield
        }) : () -> ()
        %lt3A_113 = arith.constant 124 : i32
        %lt3A_114 = arith.cmpi slt, %scan3A_94, %lt3A_113 : i32
        %convert_element_type3A_115 = arith.extui %lt3A_114 : i1 to i32
        %cond3A_116 = arith.constant 0 : i32
        %cond3A_117 = arith.cmpi ne, %convert_element_type3A_115, %cond3A_116 : i32
        scf.if %cond3A_117 {
          %add3A_126 = arith.constant 2 : i32
          %add3A_127 = arith.addi %mul3A_96, %add3A_126 : i32
          %dma_start3A_128 = arith.constant 0 : i32
          %dma_start3A_129 = tpu.memref_slice %arg15[%add3A_127, %dma_start3A_128] : memref<250x80xi32, #tpu.memory_space<vmem>> -> memref<1x80xi32, #tpu.memory_space<vmem>>
          %dma_start3A_130 = tpu.memref_squeeze %dma_start3A_129 : memref<1x80xi32, #tpu.memory_space<vmem>> -> memref<80xi32, #tpu.memory_space<vmem>>
          %dma_start3A_131 = arith.constant 0 : i32
          %dma_start3A_132 = arith.constant 0 : i32
          %dma_start3A_133 = tpu.memref_slice %arg2[%scan3A_88, %dma_start3A_131, %dma_start3A_132] : memref<2x10000x64xf32, #tpu.memory_space<hbm>> -> memref<1x10000x64xf32, #tpu.memory_space<hbm>>
          %dma_start3A_134 = tpu.memref_squeeze %dma_start3A_133 : memref<1x10000x64xf32, #tpu.memory_space<hbm>> -> memref<10000x64xf32, #tpu.memory_space<hbm>>
          %dma_start3A_135 = arith.constant 0 : i32
          %dma_start3A_136 = arith.constant 0 : i32
          %dma_start3A_137 = tpu.memref_slice %dma_start3A_134[%dma_start3A_135, %dma_start3A_136] : memref<10000x64xf32, #tpu.memory_space<hbm>> -> memref<10000x64xf32, #tpu.memory_space<hbm>>
          tpu.enqueue_indirect_dma source(%dma_start3A_137 : memref<10000x64xf32, #tpu.memory_space<hbm>>) target(%arg17 : memref<80x64xf32, #tpu.memory_space<vmem>>) offsets(%dma_start3A_130 : memref<80xi32, #tpu.memory_space<vmem>>) semaphore(%arg23 : memref<!tpu.dma_semaphore, #tpu.memory_space<semaphore_mem>>)
        } else {
        }
        %dma_wait3A_118 = arith.constant 0 : i32
        %dma_wait3A_119 = arith.constant 0 : i32
        %dma_wait3A_120 = tpu.memref_slice %arg8[%dma_wait3A_118, %dma_wait3A_119] : memref<10000x64xf32, #tpu.memory_space<hbm>> -> memref<80x64xf32, #tpu.memory_space<hbm>>
        %dma_wait3A_121 = arith.constant 0 : i32
        %dma_wait3A_122 = arith.constant 0 : i32
        %dma_wait3A_123 = tpu.memref_slice %arg8[%dma_wait3A_121, %dma_wait3A_122] : memref<10000x64xf32, #tpu.memory_space<hbm>> -> memref<80x64xf32, #tpu.memory_space<hbm>>
        tpu.wait_dma2 semaphore(%arg24 : memref<!tpu.dma_semaphore, #tpu.memory_space<semaphore_mem>>) src(%dma_wait3A_123 : memref<80x64xf32, #tpu.memory_space<hbm>>) dst(%arg18 : memref<80x64xf32, #tpu.memory_space<vmem>>)
        %add3A_124 = arith.constant 1 : i32
        %add3A_125 = arith.addi %mul3A_96, %add3A_124 : i32
        "tpu.region"() ({
          %run_scoped3A = tpu.sem_alloc : memref<!tpu.dma_semaphore, #tpu.memory_space<semaphore_mem>>
          %dma_start3A_126 = arith.constant 0 : i32
          %dma_start3A_127 = tpu.memref_slice %arg16[%add3A_125, %dma_start3A_126] : memref<250x80xi32, #tpu.memory_space<vmem>> -> memref<1x80xi32, #tpu.memory_space<vmem>>
          %dma_start3A_128 = tpu.memref_squeeze %dma_start3A_127 : memref<1x80xi32, #tpu.memory_space<vmem>> -> memref<80xi32, #tpu.memory_space<vmem>>
          %dma_start3A_129 = arith.constant 0 : i32
          %dma_start3A_130 = arith.constant 0 : i32
          %dma_start3A_131 = tpu.memref_slice %arg21[%dma_start3A_129, %dma_start3A_130] : memref<10000x64xf32, #tpu.memory_space<vmem_shared>> -> memref<10000x64xf32, #tpu.memory_space<vmem_shared>>
          tpu.enqueue_indirect_dma source(%arg18 : memref<80x64xf32, #tpu.memory_space<vmem>>) target(%dma_start3A_131 : memref<10000x64xf32, #tpu.memory_space<vmem_shared>>) offsets(%dma_start3A_128 : memref<80xi32, #tpu.memory_space<vmem>>) semaphore(%run_scoped3A : memref<!tpu.dma_semaphore, #tpu.memory_space<semaphore_mem>>) {add = true}
          %dma_wait3A_132 = arith.constant 0 : i32
          %dma_wait3A_133 = tpu.memref_slice %arg16[%add3A_125, %dma_wait3A_132] : memref<250x80xi32, #tpu.memory_space<vmem>> -> memref<1x80xi32, #tpu.memory_space<vmem>>
          %dma_wait3A_134 = tpu.memref_squeeze %dma_wait3A_133 : memref<1x80xi32, #tpu.memory_space<vmem>> -> memref<80xi32, #tpu.memory_space<vmem>>
          %dma_wait3A_135 = arith.constant 0 : i32
          %dma_wait3A_136 = arith.constant 0 : i32
          %dma_wait3A_137 = tpu.memref_slice %arg21[%dma_wait3A_135, %dma_wait3A_136] : memref<10000x64xf32, #tpu.memory_space<vmem_shared>> -> memref<10000x64xf32, #tpu.memory_space<vmem_shared>>
          tpu.wait_indirect_dma semaphore(%run_scoped3A : memref<!tpu.dma_semaphore, #tpu.memory_space<semaphore_mem>>) src(%arg18 : memref<80x64xf32, #tpu.memory_space<vmem>>) dst(%dma_wait3A_137 : memref<10000x64xf32, #tpu.memory_space<vmem_shared>>)
          tpu.yield
        }) : () -> ()
      }
      %scan3A_93 = arith.constant 125 : i32
    } else {
    }
    %barrier3A_21 = arith.constant 0 : index
    tpu.barrier barrier_id(%barrier3A_21)
    %mul3A_22 = arith.constant 624 : i32
    %mul3A_23 = arith.muli %arg1, %mul3A_22 : i32
    "tpu.region"() ({
      %run_scoped3A = tpu.sem_alloc : memref<!tpu.dma_semaphore, #tpu.memory_space<semaphore_mem>>
      %dma_start3A = arith.constant 0 : i32
      %dma_start3A_76 = arith.constant 0 : i32
      %dma_start3A_77 = tpu.memref_slice %arg11[%arg0, %dma_start3A, %dma_start3A_76] : memref<2x10000x64xf32, #tpu.memory_space<hbm>> -> memref<1x10000x64xf32, #tpu.memory_space<hbm>>
      %dma_start3A_78 = tpu.memref_squeeze %dma_start3A_77 : memref<1x10000x64xf32, #tpu.memory_space<hbm>> -> memref<10000x64xf32, #tpu.memory_space<hbm>>
      %dma_start3A_79 = arith.constant 0 : i32
      %dma_start3A_80 = tpu.memref_slice %dma_start3A_78[%mul3A_23, %dma_start3A_79] : memref<10000x64xf32, #tpu.memory_space<hbm>> -> memref<624x64xf32, #tpu.memory_space<hbm>>
      %dma_start3A_81 = arith.constant 0 : i32
      %dma_start3A_82 = tpu.memref_slice %arg21[%mul3A_23, %dma_start3A_81] : memref<10000x64xf32, #tpu.memory_space<vmem_shared>> -> memref<624x64xf32, #tpu.memory_space<vmem_shared>>
      tpu.enqueue_dma source(%dma_start3A_82 : memref<624x64xf32, #tpu.memory_space<vmem_shared>>) target(%dma_start3A_80 : memref<624x64xf32, #tpu.memory_space<hbm>>) target_semaphore(%run_scoped3A : memref<!tpu.dma_semaphore, #tpu.memory_space<semaphore_mem>>)
      %dma_wait3A = arith.constant 0 : i32
      %dma_wait3A_83 = arith.constant 0 : i32
      %dma_wait3A_84 = tpu.memref_slice %arg11[%arg0, %dma_wait3A, %dma_wait3A_83] : memref<2x10000x64xf32, #tpu.memory_space<hbm>> -> memref<1x10000x64xf32, #tpu.memory_space<hbm>>
      %dma_wait3A_85 = tpu.memref_squeeze %dma_wait3A_84 : memref<1x10000x64xf32, #tpu.memory_space<hbm>> -> memref<10000x64xf32, #tpu.memory_space<hbm>>
      %dma_wait3A_86 = arith.constant 0 : i32
      %dma_wait3A_87 = tpu.memref_slice %dma_wait3A_85[%mul3A_23, %dma_wait3A_86] : memref<10000x64xf32, #tpu.memory_space<hbm>> -> memref<624x64xf32, #tpu.memory_space<hbm>>
      %dma_wait3A_88 = arith.constant 0 : i32
      %dma_wait3A_89 = tpu.memref_slice %arg21[%mul3A_23, %dma_wait3A_88] : memref<10000x64xf32, #tpu.memory_space<vmem_shared>> -> memref<624x64xf32, #tpu.memory_space<vmem_shared>>
      tpu.wait_dma2 semaphore(%run_scoped3A : memref<!tpu.dma_semaphore, #tpu.memory_space<semaphore_mem>>) src(%dma_wait3A_89 : memref<624x64xf32, #tpu.memory_space<vmem_shared>>) dst(%dma_wait3A_87 : memref<624x64xf32, #tpu.memory_space<hbm>>)
      tpu.yield
    }) : () -> ()
    %eq3A_24 = arith.constant 15 : i32
    %eq3A_25 = arith.cmpi eq, %arg1, %eq3A_24 : i32
    %convert_element_type3A_26 = arith.extui %eq3A_25 : i1 to i32
    %cond3A_27 = arith.constant 0 : i32
    %cond3A_28 = arith.cmpi ne, %convert_element_type3A_26, %cond3A_27 : i32
    scf.if %cond3A_28 {
      "tpu.region"() ({
        %run_scoped3A = tpu.sem_alloc : memref<!tpu.dma_semaphore, #tpu.memory_space<semaphore_mem>>
        %dma_start3A = arith.constant 0 : i32
        %dma_start3A_76 = arith.constant 0 : i32
        %dma_start3A_77 = tpu.memref_slice %arg11[%arg0, %dma_start3A, %dma_start3A_76] : memref<2x10000x64xf32, #tpu.memory_space<hbm>> -> memref<1x10000x64xf32, #tpu.memory_space<hbm>>
        %dma_start3A_78 = tpu.memref_squeeze %dma_start3A_77 : memref<1x10000x64xf32, #tpu.memory_space<hbm>> -> memref<10000x64xf32, #tpu.memory_space<hbm>>
        %dma_start3A_79 = arith.constant 9984 : i32
        %dma_start3A_80 = arith.constant 0 : i32
        %dma_start3A_81 = tpu.memref_slice %dma_start3A_78[%dma_start3A_79, %dma_start3A_80] : memref<10000x64xf32, #tpu.memory_space<hbm>> -> memref<16x64xf32, #tpu.memory_space<hbm>>
        %dma_start3A_82 = arith.constant 9984 : i32
        %dma_start3A_83 = arith.constant 0 : i32
        %dma_start3A_84 = tpu.memref_slice %arg21[%dma_start3A_82, %dma_start3A_83] : memref<10000x64xf32, #tpu.memory_space<vmem_shared>> -> memref<16x64xf32, #tpu.memory_space<vmem_shared>>
        tpu.enqueue_dma source(%dma_start3A_84 : memref<16x64xf32, #tpu.memory_space<vmem_shared>>) target(%dma_start3A_81 : memref<16x64xf32, #tpu.memory_space<hbm>>) target_semaphore(%run_scoped3A : memref<!tpu.dma_semaphore, #tpu.memory_space<semaphore_mem>>)
        %dma_wait3A = arith.constant 0 : i32
        %dma_wait3A_85 = arith.constant 0 : i32
        %dma_wait3A_86 = tpu.memref_slice %arg11[%arg0, %dma_wait3A, %dma_wait3A_85] : memref<2x10000x64xf32, #tpu.memory_space<hbm>> -> memref<1x10000x64xf32, #tpu.memory_space<hbm>>
        %dma_wait3A_87 = tpu.memref_squeeze %dma_wait3A_86 : memref<1x10000x64xf32, #tpu.memory_space<hbm>> -> memref<10000x64xf32, #tpu.memory_space<hbm>>
        %dma_wait3A_88 = arith.constant 9984 : i32
        %dma_wait3A_89 = arith.constant 0 : i32
        %dma_wait3A_90 = tpu.memref_slice %dma_wait3A_87[%dma_wait3A_88, %dma_wait3A_89] : memref<10000x64xf32, #tpu.memory_space<hbm>> -> memref<16x64xf32, #tpu.memory_space<hbm>>
        %dma_wait3A_91 = arith.constant 9984 : i32
        %dma_wait3A_92 = arith.constant 0 : i32
        %dma_wait3A_93 = tpu.memref_slice %arg21[%dma_wait3A_91, %dma_wait3A_92] : memref<10000x64xf32, #tpu.memory_space<vmem_shared>> -> memref<16x64xf32, #tpu.memory_space<vmem_shared>>
        tpu.wait_dma2 semaphore(%run_scoped3A : memref<!tpu.dma_semaphore, #tpu.memory_space<semaphore_mem>>) src(%dma_wait3A_93 : memref<16x64xf32, #tpu.memory_space<vmem_shared>>) dst(%dma_wait3A_90 : memref<16x64xf32, #tpu.memory_space<hbm>>)
        tpu.yield
      }) : () -> ()
    } else {
    }
    %eq3A_29 = arith.constant 0 : i32
    %eq3A_30 = arith.cmpi eq, %arg0, %eq3A_29 : i32
    %convert_element_type3A_31 = arith.extui %eq3A_30 : i1 to i32
    %cond3A_32 = arith.constant 0 : i32
    %cond3A_33 = arith.cmpi ne, %convert_element_type3A_31, %cond3A_32 : i32
    scf.if %cond3A_33 {
      %lt3A_76 = arith.constant 15 : i32
      %lt3A_77 = arith.cmpi slt, %arg1, %lt3A_76 : i32
      %convert_element_type3A_78 = arith.extui %lt3A_77 : i1 to i32
      %cond3A_79 = arith.constant 0 : i32
      %cond3A_80 = arith.cmpi ne, %convert_element_type3A_78, %cond3A_79 : i32
      scf.if %cond3A_80 {
        %mul3A_86 = arith.constant 80 : i32
        %mul3A_87 = arith.muli %arg1, %mul3A_86 : i32
        %mul3A_88 = arith.constant 80 : i32
        %mul3A_89 = arith.muli %arg1, %mul3A_88 : i32
        "tpu.region"() ({
          %run_scoped3A = tpu.sem_alloc : memref<!tpu.dma_semaphore, #tpu.memory_space<semaphore_mem>>
          %dma_start3A = arith.constant 0 : i32
          %dma_start3A_90 = tpu.memref_slice %arg13[%mul3A_89, %dma_start3A] : memref<1250x8xf32, #tpu.memory_space<hbm>> -> memref<80x8xf32, #tpu.memory_space<hbm>>
          %dma_start3A_91 = arith.constant 0 : i32
          %dma_start3A_92 = tpu.memref_slice %arg22[%mul3A_87, %dma_start3A_91] : memref<1250x8xf32, #tpu.memory_space<vmem_shared>> -> memref<80x8xf32, #tpu.memory_space<vmem_shared>>
          tpu.enqueue_dma source(%dma_start3A_92 : memref<80x8xf32, #tpu.memory_space<vmem_shared>>) target(%dma_start3A_90 : memref<80x8xf32, #tpu.memory_space<hbm>>) target_semaphore(%run_scoped3A : memref<!tpu.dma_semaphore, #tpu.memory_space<semaphore_mem>>)
          %dma_wait3A = arith.constant 0 : i32
          %dma_wait3A_93 = tpu.memref_slice %arg13[%mul3A_89, %dma_wait3A] : memref<1250x8xf32, #tpu.memory_space<hbm>> -> memref<80x8xf32, #tpu.memory_space<hbm>>
          %dma_wait3A_94 = arith.constant 0 : i32
          %dma_wait3A_95 = tpu.memref_slice %arg22[%mul3A_87, %dma_wait3A_94] : memref<1250x8xf32, #tpu.memory_space<vmem_shared>> -> memref<80x8xf32, #tpu.memory_space<vmem_shared>>
          tpu.wait_dma2 semaphore(%run_scoped3A : memref<!tpu.dma_semaphore, #tpu.memory_space<semaphore_mem>>) src(%dma_wait3A_95 : memref<80x8xf32, #tpu.memory_space<vmem_shared>>) dst(%dma_wait3A_93 : memref<80x8xf32, #tpu.memory_space<hbm>>)
          tpu.yield
        }) : () -> ()
      } else {
      }
      %eq3A_81 = arith.constant 15 : i32
      %eq3A_82 = arith.cmpi eq, %arg1, %eq3A_81 : i32
      %convert_element_type3A_83 = arith.extui %eq3A_82 : i1 to i32
      %cond3A_84 = arith.constant 0 : i32
      %cond3A_85 = arith.cmpi ne, %convert_element_type3A_83, %cond3A_84 : i32
      scf.if %cond3A_85 {
        "tpu.region"() ({
          %run_scoped3A = tpu.sem_alloc : memref<!tpu.dma_semaphore, #tpu.memory_space<semaphore_mem>>
          %dma_start3A = arith.constant 1200 : i32
          %dma_start3A_86 = arith.constant 0 : i32
          %dma_start3A_87 = tpu.memref_slice %arg13[%dma_start3A, %dma_start3A_86] : memref<1250x8xf32, #tpu.memory_space<hbm>> -> memref<50x8xf32, #tpu.memory_space<hbm>>
          %dma_start3A_88 = arith.constant 1200 : i32
          %dma_start3A_89 = arith.constant 0 : i32
          %dma_start3A_90 = tpu.memref_slice %arg22[%dma_start3A_88, %dma_start3A_89] : memref<1250x8xf32, #tpu.memory_space<vmem_shared>> -> memref<50x8xf32, #tpu.memory_space<vmem_shared>>
          tpu.enqueue_dma source(%dma_start3A_90 : memref<50x8xf32, #tpu.memory_space<vmem_shared>>) target(%dma_start3A_87 : memref<50x8xf32, #tpu.memory_space<hbm>>) target_semaphore(%run_scoped3A : memref<!tpu.dma_semaphore, #tpu.memory_space<semaphore_mem>>)
          %dma_wait3A = arith.constant 1200 : i32
          %dma_wait3A_91 = arith.constant 0 : i32
          %dma_wait3A_92 = tpu.memref_slice %arg13[%dma_wait3A, %dma_wait3A_91] : memref<1250x8xf32, #tpu.memory_space<hbm>> -> memref<50x8xf32, #tpu.memory_space<hbm>>
          %dma_wait3A_93 = arith.constant 1200 : i32
          %dma_wait3A_94 = arith.constant 0 : i32
          %dma_wait3A_95 = tpu.memref_slice %arg22[%dma_wait3A_93, %dma_wait3A_94] : memref<1250x8xf32, #tpu.memory_space<vmem_shared>> -> memref<50x8xf32, #tpu.memory_space<vmem_shared>>
          tpu.wait_dma2 semaphore(%run_scoped3A : memref<!tpu.dma_semaphore, #tpu.memory_space<semaphore_mem>>) src(%dma_wait3A_95 : memref<50x8xf32, #tpu.memory_space<vmem_shared>>) dst(%dma_wait3A_92 : memref<50x8xf32, #tpu.memory_space<hbm>>)
          tpu.yield
        }) : () -> ()
      } else {
      }
    } else {
    }
    %barrier3A_34 = arith.constant 0 : index
    tpu.barrier barrier_id(%barrier3A_34)
    %mul3A_35 = arith.constant 624 : i32
    %mul3A_36 = arith.muli %arg1, %mul3A_35 : i32
    "tpu.region"() ({
      %run_scoped3A = tpu.sem_alloc : memref<!tpu.dma_semaphore, #tpu.memory_space<semaphore_mem>>
      %dma_start3A = arith.constant 0 : i32
      %dma_start3A_76 = tpu.memref_slice %arg21[%mul3A_36, %dma_start3A] : memref<10000x64xf32, #tpu.memory_space<vmem_shared>> -> memref<624x64xf32, #tpu.memory_space<vmem_shared>>
      %dma_start3A_77 = arith.constant 0 : i32
      %dma_start3A_78 = tpu.memref_slice %arg8[%mul3A_36, %dma_start3A_77] : memref<10000x64xf32, #tpu.memory_space<hbm>> -> memref<624x64xf32, #tpu.memory_space<hbm>>
      tpu.enqueue_dma source(%dma_start3A_78 : memref<624x64xf32, #tpu.memory_space<hbm>>) target(%dma_start3A_76 : memref<624x64xf32, #tpu.memory_space<vmem_shared>>) target_semaphore(%run_scoped3A : memref<!tpu.dma_semaphore, #tpu.memory_space<semaphore_mem>>)
      %dma_wait3A = arith.constant 0 : i32
      %dma_wait3A_79 = tpu.memref_slice %arg21[%mul3A_36, %dma_wait3A] : memref<10000x64xf32, #tpu.memory_space<vmem_shared>> -> memref<624x64xf32, #tpu.memory_space<vmem_shared>>
      %dma_wait3A_80 = arith.constant 0 : i32
      %dma_wait3A_81 = tpu.memref_slice %arg8[%mul3A_36, %dma_wait3A_80] : memref<10000x64xf32, #tpu.memory_space<hbm>> -> memref<624x64xf32, #tpu.memory_space<hbm>>
      tpu.wait_dma2 semaphore(%run_scoped3A : memref<!tpu.dma_semaphore, #tpu.memory_space<semaphore_mem>>) src(%dma_wait3A_81 : memref<624x64xf32, #tpu.memory_space<hbm>>) dst(%dma_wait3A_79 : memref<624x64xf32, #tpu.memory_space<vmem_shared>>)
      tpu.yield
    }) : () -> ()
    %eq3A_37 = arith.constant 15 : i32
    %eq3A_38 = arith.cmpi eq, %arg1, %eq3A_37 : i32
    %convert_element_type3A_39 = arith.extui %eq3A_38 : i1 to i32
    %cond3A_40 = arith.constant 0 : i32
    %cond3A_41 = arith.cmpi ne, %convert_element_type3A_39, %cond3A_40 : i32
    scf.if %cond3A_41 {
      "tpu.region"() ({
        %run_scoped3A = tpu.sem_alloc : memref<!tpu.dma_semaphore, #tpu.memory_space<semaphore_mem>>
        %dma_start3A = arith.constant 9984 : i32
        %dma_start3A_76 = arith.constant 0 : i32
        %dma_start3A_77 = tpu.memref_slice %arg21[%dma_start3A, %dma_start3A_76] : memref<10000x64xf32, #tpu.memory_space<vmem_shared>> -> memref<16x64xf32, #tpu.memory_space<vmem_shared>>
        %dma_start3A_78 = arith.constant 9984 : i32
        %dma_start3A_79 = arith.constant 0 : i32
        %dma_start3A_80 = tpu.memref_slice %arg8[%dma_start3A_78, %dma_start3A_79] : memref<10000x64xf32, #tpu.memory_space<hbm>> -> memref<16x64xf32, #tpu.memory_space<hbm>>
        tpu.enqueue_dma source(%dma_start3A_80 : memref<16x64xf32, #tpu.memory_space<hbm>>) target(%dma_start3A_77 : memref<16x64xf32, #tpu.memory_space<vmem_shared>>) target_semaphore(%run_scoped3A : memref<!tpu.dma_semaphore, #tpu.memory_space<semaphore_mem>>)
        %dma_wait3A = arith.constant 9984 : i32
        %dma_wait3A_81 = arith.constant 0 : i32
        %dma_wait3A_82 = tpu.memref_slice %arg21[%dma_wait3A, %dma_wait3A_81] : memref<10000x64xf32, #tpu.memory_space<vmem_shared>> -> memref<16x64xf32, #tpu.memory_space<vmem_shared>>
        %dma_wait3A_83 = arith.constant 9984 : i32
        %dma_wait3A_84 = arith.constant 0 : i32
        %dma_wait3A_85 = tpu.memref_slice %arg8[%dma_wait3A_83, %dma_wait3A_84] : memref<10000x64xf32, #tpu.memory_space<hbm>> -> memref<16x64xf32, #tpu.memory_space<hbm>>
        tpu.wait_dma2 semaphore(%run_scoped3A : memref<!tpu.dma_semaphore, #tpu.memory_space<semaphore_mem>>) src(%dma_wait3A_85 : memref<16x64xf32, #tpu.memory_space<hbm>>) dst(%dma_wait3A_82 : memref<16x64xf32, #tpu.memory_space<vmem_shared>>)
        tpu.yield
      }) : () -> ()
    } else {
    }
    %lt3A_42 = arith.constant 15 : i32
    %lt3A_43 = arith.cmpi slt, %arg1, %lt3A_42 : i32
    %convert_element_type3A_44 = arith.extui %lt3A_43 : i1 to i32
    %cond3A_45 = arith.constant 0 : i32
    %cond3A_46 = arith.cmpi ne, %convert_element_type3A_44, %cond3A_45 : i32
    scf.if %cond3A_46 {
      %mul3A_76 = arith.constant 80 : i32
      %mul3A_77 = arith.muli %arg1, %mul3A_76 : i32
      %mul3A_78 = arith.constant 80 : i32
      %mul3A_79 = arith.muli %arg1, %mul3A_78 : i32
      "tpu.region"() ({
        %run_scoped3A = tpu.sem_alloc : memref<!tpu.dma_semaphore, #tpu.memory_space<semaphore_mem>>
        %dma_start3A = arith.constant 0 : i32
        %dma_start3A_80 = tpu.memref_slice %arg22[%mul3A_79, %dma_start3A] : memref<1250x8xf32, #tpu.memory_space<vmem_shared>> -> memref<80x8xf32, #tpu.memory_space<vmem_shared>>
        %dma_start3A_81 = arith.constant 0 : i32
        %dma_start3A_82 = tpu.memref_slice %arg9[%mul3A_77, %dma_start3A_81] : memref<1250x8xf32, #tpu.memory_space<hbm>> -> memref<80x8xf32, #tpu.memory_space<hbm>>
        tpu.enqueue_dma source(%dma_start3A_82 : memref<80x8xf32, #tpu.memory_space<hbm>>) target(%dma_start3A_80 : memref<80x8xf32, #tpu.memory_space<vmem_shared>>) target_semaphore(%run_scoped3A : memref<!tpu.dma_semaphore, #tpu.memory_space<semaphore_mem>>)
        %dma_wait3A = arith.constant 0 : i32
        %dma_wait3A_83 = tpu.memref_slice %arg22[%mul3A_79, %dma_wait3A] : memref<1250x8xf32, #tpu.memory_space<vmem_shared>> -> memref<80x8xf32, #tpu.memory_space<vmem_shared>>
        %dma_wait3A_84 = arith.constant 0 : i32
        %dma_wait3A_85 = tpu.memref_slice %arg9[%mul3A_77, %dma_wait3A_84] : memref<1250x8xf32, #tpu.memory_space<hbm>> -> memref<80x8xf32, #tpu.memory_space<hbm>>
        tpu.wait_dma2 semaphore(%run_scoped3A : memref<!tpu.dma_semaphore, #tpu.memory_space<semaphore_mem>>) src(%dma_wait3A_85 : memref<80x8xf32, #tpu.memory_space<hbm>>) dst(%dma_wait3A_83 : memref<80x8xf32, #tpu.memory_space<vmem_shared>>)
        tpu.yield
      }) : () -> ()
    } else {
    }
    %eq3A_47 = arith.constant 15 : i32
    %eq3A_48 = arith.cmpi eq, %arg1, %eq3A_47 : i32
    %convert_element_type3A_49 = arith.extui %eq3A_48 : i1 to i32
    %cond3A_50 = arith.constant 0 : i32
    %cond3A_51 = arith.cmpi ne, %convert_element_type3A_49, %cond3A_50 : i32
    scf.if %cond3A_51 {
      "tpu.region"() ({
        %run_scoped3A = tpu.sem_alloc : memref<!tpu.dma_semaphore, #tpu.memory_space<semaphore_mem>>
        %dma_start3A = arith.constant 1200 : i32
        %dma_start3A_76 = arith.constant 0 : i32
        %dma_start3A_77 = tpu.memref_slice %arg22[%dma_start3A, %dma_start3A_76] : memref<1250x8xf32, #tpu.memory_space<vmem_shared>> -> memref<50x8xf32, #tpu.memory_space<vmem_shared>>
        %dma_start3A_78 = arith.constant 1200 : i32
        %dma_start3A_79 = arith.constant 0 : i32
        %dma_start3A_80 = tpu.memref_slice %arg9[%dma_start3A_78, %dma_start3A_79] : memref<1250x8xf32, #tpu.memory_space<hbm>> -> memref<50x8xf32, #tpu.memory_space<hbm>>
        tpu.enqueue_dma source(%dma_start3A_80 : memref<50x8xf32, #tpu.memory_space<hbm>>) target(%dma_start3A_77 : memref<50x8xf32, #tpu.memory_space<vmem_shared>>) target_semaphore(%run_scoped3A : memref<!tpu.dma_semaphore, #tpu.memory_space<semaphore_mem>>)
        %dma_wait3A = arith.constant 1200 : i32
        %dma_wait3A_81 = arith.constant 0 : i32
        %dma_wait3A_82 = tpu.memref_slice %arg22[%dma_wait3A, %dma_wait3A_81] : memref<1250x8xf32, #tpu.memory_space<vmem_shared>> -> memref<50x8xf32, #tpu.memory_space<vmem_shared>>
        %dma_wait3A_83 = arith.constant 1200 : i32
        %dma_wait3A_84 = arith.constant 0 : i32
        %dma_wait3A_85 = tpu.memref_slice %arg9[%dma_wait3A_83, %dma_wait3A_84] : memref<1250x8xf32, #tpu.memory_space<hbm>> -> memref<50x8xf32, #tpu.memory_space<hbm>>
        tpu.wait_dma2 semaphore(%run_scoped3A : memref<!tpu.dma_semaphore, #tpu.memory_space<semaphore_mem>>) src(%dma_wait3A_85 : memref<50x8xf32, #tpu.memory_space<hbm>>) dst(%dma_wait3A_82 : memref<50x8xf32, #tpu.memory_space<vmem_shared>>)
        tpu.yield
      }) : () -> ()
    } else {
    }
    %barrier3A_52 = arith.constant 0 : index
    tpu.barrier barrier_id(%barrier3A_52)
    %eq3A_53 = arith.constant 0 : i32
    %eq3A_54 = arith.cmpi eq, %arg0, %eq3A_53 : i32
    %convert_element_type3A_55 = arith.extui %eq3A_54 : i1 to i32
    %cond3A_56 = arith.constant 0 : i32
    %cond3A_57 = arith.cmpi ne, %convert_element_type3A_55, %cond3A_56 : i32
    scf.if %cond3A_57 {
      "tpu.region"() ({
        %run_scoped3A = tpu.sem_alloc : memref<!tpu.dma_semaphore, #tpu.memory_space<semaphore_mem>>
        %dma_start3A_94 = arith.constant 0 : i32
        %dma_start3A_95 = arith.constant 0 : i32
        %dma_start3A_96 = tpu.memref_slice %arg6[%arg1, %dma_start3A_94, %dma_start3A_95] : memref<16x250x80xi32, #tpu.memory_space<hbm>> -> memref<1x250x80xi32, #tpu.memory_space<hbm>>
        %dma_start3A_97 = tpu.memref_squeeze %dma_start3A_96 : memref<1x250x80xi32, #tpu.memory_space<hbm>> -> memref<250x80xi32, #tpu.memory_space<hbm>>
        %dma_start3A_98 = arith.constant 0 : i32
        %dma_start3A_99 = arith.constant 0 : i32
        %dma_start3A_100 = tpu.memref_slice %arg6[%arg1, %dma_start3A_98, %dma_start3A_99] : memref<16x250x80xi32, #tpu.memory_space<hbm>> -> memref<1x250x80xi32, #tpu.memory_space<hbm>>
        %dma_start3A_101 = tpu.memref_squeeze %dma_start3A_100 : memref<1x250x80xi32, #tpu.memory_space<hbm>> -> memref<250x80xi32, #tpu.memory_space<hbm>>
        tpu.enqueue_dma source(%dma_start3A_101 : memref<250x80xi32, #tpu.memory_space<hbm>>) target(%arg15 : memref<250x80xi32, #tpu.memory_space<vmem>>) target_semaphore(%run_scoped3A : memref<!tpu.dma_semaphore, #tpu.memory_space<semaphore_mem>>)
        %dma_wait3A = arith.constant 0 : i32
        %dma_wait3A_102 = arith.constant 0 : i32
        %dma_wait3A_103 = tpu.memref_slice %arg6[%arg1, %dma_wait3A, %dma_wait3A_102] : memref<16x250x80xi32, #tpu.memory_space<hbm>> -> memref<1x250x80xi32, #tpu.memory_space<hbm>>
        %dma_wait3A_104 = tpu.memref_squeeze %dma_wait3A_103 : memref<1x250x80xi32, #tpu.memory_space<hbm>> -> memref<250x80xi32, #tpu.memory_space<hbm>>
        %dma_wait3A_105 = arith.constant 0 : i32
        %dma_wait3A_106 = arith.constant 0 : i32
        %dma_wait3A_107 = tpu.memref_slice %arg6[%arg1, %dma_wait3A_105, %dma_wait3A_106] : memref<16x250x80xi32, #tpu.memory_space<hbm>> -> memref<1x250x80xi32, #tpu.memory_space<hbm>>
        %dma_wait3A_108 = tpu.memref_squeeze %dma_wait3A_107 : memref<1x250x80xi32, #tpu.memory_space<hbm>> -> memref<250x80xi32, #tpu.memory_space<hbm>>
        tpu.wait_dma2 semaphore(%run_scoped3A : memref<!tpu.dma_semaphore, #tpu.memory_space<semaphore_mem>>) src(%dma_wait3A_108 : memref<250x80xi32, #tpu.memory_space<hbm>>) dst(%arg15 : memref<250x80xi32, #tpu.memory_space<vmem>>)
        tpu.yield
      }) : () -> ()
      "tpu.region"() ({
        %run_scoped3A = tpu.sem_alloc : memref<!tpu.dma_semaphore, #tpu.memory_space<semaphore_mem>>
        %dma_start3A_94 = arith.constant 0 : i32
        %dma_start3A_95 = arith.constant 0 : i32
        %dma_start3A_96 = tpu.memref_slice %arg7[%arg1, %dma_start3A_94, %dma_start3A_95] : memref<16x250x80xi32, #tpu.memory_space<hbm>> -> memref<1x250x80xi32, #tpu.memory_space<hbm>>
        %dma_start3A_97 = tpu.memref_squeeze %dma_start3A_96 : memref<1x250x80xi32, #tpu.memory_space<hbm>> -> memref<250x80xi32, #tpu.memory_space<hbm>>
        %dma_start3A_98 = arith.constant 0 : i32
        %dma_start3A_99 = arith.constant 0 : i32
        %dma_start3A_100 = tpu.memref_slice %arg7[%arg1, %dma_start3A_98, %dma_start3A_99] : memref<16x250x80xi32, #tpu.memory_space<hbm>> -> memref<1x250x80xi32, #tpu.memory_space<hbm>>
        %dma_start3A_101 = tpu.memref_squeeze %dma_start3A_100 : memref<1x250x80xi32, #tpu.memory_space<hbm>> -> memref<250x80xi32, #tpu.memory_space<hbm>>
        tpu.enqueue_dma source(%dma_start3A_101 : memref<250x80xi32, #tpu.memory_space<hbm>>) target(%arg16 : memref<250x80xi32, #tpu.memory_space<vmem>>) target_semaphore(%run_scoped3A : memref<!tpu.dma_semaphore, #tpu.memory_space<semaphore_mem>>)
        %dma_wait3A = arith.constant 0 : i32
        %dma_wait3A_102 = arith.constant 0 : i32
        %dma_wait3A_103 = tpu.memref_slice %arg7[%arg1, %dma_wait3A, %dma_wait3A_102] : memref<16x250x80xi32, #tpu.memory_space<hbm>> -> memref<1x250x80xi32, #tpu.memory_space<hbm>>
        %dma_wait3A_104 = tpu.memref_squeeze %dma_wait3A_103 : memref<1x250x80xi32, #tpu.memory_space<hbm>> -> memref<250x80xi32, #tpu.memory_space<hbm>>
        %dma_wait3A_105 = arith.constant 0 : i32
        %dma_wait3A_106 = arith.constant 0 : i32
        %dma_wait3A_107 = tpu.memref_slice %arg7[%arg1, %dma_wait3A_105, %dma_wait3A_106] : memref<16x250x80xi32, #tpu.memory_space<hbm>> -> memref<1x250x80xi32, #tpu.memory_space<hbm>>
        %dma_wait3A_108 = tpu.memref_squeeze %dma_wait3A_107 : memref<1x250x80xi32, #tpu.memory_space<hbm>> -> memref<250x80xi32, #tpu.memory_space<hbm>>
        tpu.wait_dma2 semaphore(%run_scoped3A : memref<!tpu.dma_semaphore, #tpu.memory_space<semaphore_mem>>) src(%dma_wait3A_108 : memref<250x80xi32, #tpu.memory_space<hbm>>) dst(%arg16 : memref<250x80xi32, #tpu.memory_space<vmem>>)
        tpu.yield
      }) : () -> ()
      %broadcast_in_dim3A = arith.constant 1.000000e+00 : f32
      %broadcast_in_dim3A_76 = vector.broadcast %broadcast_in_dim3A : f32 to vector<16xf32>
      %dma_start3A = arith.constant 0 : i32
      %dma_start3A_77 = arith.constant 0 : i32
      %dma_start3A_78 = arith.constant 0 : i32
      %dma_start3A_79 = tpu.memref_slice %arg15[%dma_start3A_77, %dma_start3A_78] : memref<250x80xi32, #tpu.memory_space<vmem>> -> memref<1x80xi32, #tpu.memory_space<vmem>>
      %dma_start3A_80 = tpu.memref_squeeze %dma_start3A_79 : memref<1x80xi32, #tpu.memory_space<vmem>> -> memref<80xi32, #tpu.memory_space<vmem>>
      %dma_start3A_81 = arith.constant 0 : i32
      %dma_start3A_82 = arith.constant 0 : i32
      %dma_start3A_83 = tpu.memref_slice %arg3[%dma_start3A, %dma_start3A_81, %dma_start3A_82] : memref<2x10000x64xf32, #tpu.memory_space<hbm>> -> memref<1x10000x64xf32, #tpu.memory_space<hbm>>
      %dma_start3A_84 = tpu.memref_squeeze %dma_start3A_83 : memref<1x10000x64xf32, #tpu.memory_space<hbm>> -> memref<10000x64xf32, #tpu.memory_space<hbm>>
      %dma_start3A_85 = arith.constant 0 : i32
      %dma_start3A_86 = arith.constant 0 : i32
      %dma_start3A_87 = tpu.memref_slice %dma_start3A_84[%dma_start3A_85, %dma_start3A_86] : memref<10000x64xf32, #tpu.memory_space<hbm>> -> memref<10000x64xf32, #tpu.memory_space<hbm>>
      tpu.enqueue_indirect_dma source(%dma_start3A_87 : memref<10000x64xf32, #tpu.memory_space<hbm>>) target(%arg17 : memref<80x64xf32, #tpu.memory_space<vmem>>) offsets(%dma_start3A_80 : memref<80xi32, #tpu.memory_space<vmem>>) semaphore(%arg23 : memref<!tpu.dma_semaphore, #tpu.memory_space<semaphore_mem>>)
      %scan3A = arith.constant 0 : i32
      %scan3A_88 = arith.constant 0 : i32
      %scan3A_89 = arith.constant 0 : i32
      %scan3A_90 = arith.constant 125 : i32
      %scan3A_91 = arith.addi %scan3A_89, %scan3A_90 : i32
      %scan3A_92 = arith.constant 1 : i32
      scf.for %scan3A_94 = %scan3A_89 to %scan3A_91 step %scan3A_92  : i32 {
        %mul3A_95 = arith.constant 2 : i32
        %mul3A_96 = arith.muli %mul3A_95, %scan3A_94 : i32
        %dma_wait3A = arith.constant 0 : i32
        %dma_wait3A_97 = arith.constant 0 : i32
        %dma_wait3A_98 = tpu.memref_slice %arg8[%dma_wait3A, %dma_wait3A_97] : memref<10000x64xf32, #tpu.memory_space<hbm>> -> memref<80x64xf32, #tpu.memory_space<hbm>>
        %dma_wait3A_99 = arith.constant 0 : i32
        %dma_wait3A_100 = arith.constant 0 : i32
        %dma_wait3A_101 = tpu.memref_slice %arg8[%dma_wait3A_99, %dma_wait3A_100] : memref<10000x64xf32, #tpu.memory_space<hbm>> -> memref<80x64xf32, #tpu.memory_space<hbm>>
        tpu.wait_dma2 semaphore(%arg23 : memref<!tpu.dma_semaphore, #tpu.memory_space<semaphore_mem>>) src(%dma_wait3A_101 : memref<80x64xf32, #tpu.memory_space<hbm>>) dst(%arg17 : memref<80x64xf32, #tpu.memory_space<vmem>>)
        %add3A = arith.constant 1 : i32
        %add3A_102 = arith.addi %mul3A_96, %add3A : i32
        %dma_start3A_103 = arith.constant 0 : i32
        %dma_start3A_104 = tpu.memref_slice %arg15[%add3A_102, %dma_start3A_103] : memref<250x80xi32, #tpu.memory_space<vmem>> -> memref<1x80xi32, #tpu.memory_space<vmem>>
        %dma_start3A_105 = tpu.memref_squeeze %dma_start3A_104 : memref<1x80xi32, #tpu.memory_space<vmem>> -> memref<80xi32, #tpu.memory_space<vmem>>
        %dma_start3A_106 = arith.constant 0 : i32
        %dma_start3A_107 = arith.constant 0 : i32
        %dma_start3A_108 = tpu.memref_slice %arg3[%scan3A_88, %dma_start3A_106, %dma_start3A_107] : memref<2x10000x64xf32, #tpu.memory_space<hbm>> -> memref<1x10000x64xf32, #tpu.memory_space<hbm>>
        %dma_start3A_109 = tpu.memref_squeeze %dma_start3A_108 : memref<1x10000x64xf32, #tpu.memory_space<hbm>> -> memref<10000x64xf32, #tpu.memory_space<hbm>>
        %dma_start3A_110 = arith.constant 0 : i32
        %dma_start3A_111 = arith.constant 0 : i32
        %dma_start3A_112 = tpu.memref_slice %dma_start3A_109[%dma_start3A_110, %dma_start3A_111] : memref<10000x64xf32, #tpu.memory_space<hbm>> -> memref<10000x64xf32, #tpu.memory_space<hbm>>
        tpu.enqueue_indirect_dma source(%dma_start3A_112 : memref<10000x64xf32, #tpu.memory_space<hbm>>) target(%arg18 : memref<80x64xf32, #tpu.memory_space<vmem>>) offsets(%dma_start3A_105 : memref<80xi32, #tpu.memory_space<vmem>>) semaphore(%arg24 : memref<!tpu.dma_semaphore, #tpu.memory_space<semaphore_mem>>)
        "tpu.region"() ({
          %run_scoped3A = tpu.sem_alloc : memref<!tpu.dma_semaphore, #tpu.memory_space<semaphore_mem>>
          %dma_start3A_126 = arith.constant 0 : i32
          %dma_start3A_127 = tpu.memref_slice %arg16[%mul3A_96, %dma_start3A_126] : memref<250x80xi32, #tpu.memory_space<vmem>> -> memref<1x80xi32, #tpu.memory_space<vmem>>
          %dma_start3A_128 = tpu.memref_squeeze %dma_start3A_127 : memref<1x80xi32, #tpu.memory_space<vmem>> -> memref<80xi32, #tpu.memory_space<vmem>>
          %dma_start3A_129 = arith.constant 0 : i32
          %dma_start3A_130 = arith.constant 0 : i32
          %dma_start3A_131 = tpu.memref_slice %arg21[%dma_start3A_129, %dma_start3A_130] : memref<10000x64xf32, #tpu.memory_space<vmem_shared>> -> memref<10000x64xf32, #tpu.memory_space<vmem_shared>>
          tpu.enqueue_indirect_dma source(%arg17 : memref<80x64xf32, #tpu.memory_space<vmem>>) target(%dma_start3A_131 : memref<10000x64xf32, #tpu.memory_space<vmem_shared>>) offsets(%dma_start3A_128 : memref<80xi32, #tpu.memory_space<vmem>>) semaphore(%run_scoped3A : memref<!tpu.dma_semaphore, #tpu.memory_space<semaphore_mem>>) {add = true}
          %dma_wait3A_132 = arith.constant 0 : i32
          %dma_wait3A_133 = tpu.memref_slice %arg16[%mul3A_96, %dma_wait3A_132] : memref<250x80xi32, #tpu.memory_space<vmem>> -> memref<1x80xi32, #tpu.memory_space<vmem>>
          %dma_wait3A_134 = tpu.memref_squeeze %dma_wait3A_133 : memref<1x80xi32, #tpu.memory_space<vmem>> -> memref<80xi32, #tpu.memory_space<vmem>>
          %dma_wait3A_135 = arith.constant 0 : i32
          %dma_wait3A_136 = arith.constant 0 : i32
          %dma_wait3A_137 = tpu.memref_slice %arg21[%dma_wait3A_135, %dma_wait3A_136] : memref<10000x64xf32, #tpu.memory_space<vmem_shared>> -> memref<10000x64xf32, #tpu.memory_space<vmem_shared>>
          tpu.wait_indirect_dma semaphore(%run_scoped3A : memref<!tpu.dma_semaphore, #tpu.memory_space<semaphore_mem>>) src(%arg17 : memref<80x64xf32, #tpu.memory_space<vmem>>) dst(%dma_wait3A_137 : memref<10000x64xf32, #tpu.memory_space<vmem_shared>>)
          tpu.yield
        }) : () -> ()
        %lt3A_113 = arith.constant 124 : i32
        %lt3A_114 = arith.cmpi slt, %scan3A_94, %lt3A_113 : i32
        %convert_element_type3A_115 = arith.extui %lt3A_114 : i1 to i32
        %cond3A_116 = arith.constant 0 : i32
        %cond3A_117 = arith.cmpi ne, %convert_element_type3A_115, %cond3A_116 : i32
        scf.if %cond3A_117 {
          %add3A_126 = arith.constant 2 : i32
          %add3A_127 = arith.addi %mul3A_96, %add3A_126 : i32
          %dma_start3A_128 = arith.constant 0 : i32
          %dma_start3A_129 = tpu.memref_slice %arg15[%add3A_127, %dma_start3A_128] : memref<250x80xi32, #tpu.memory_space<vmem>> -> memref<1x80xi32, #tpu.memory_space<vmem>>
          %dma_start3A_130 = tpu.memref_squeeze %dma_start3A_129 : memref<1x80xi32, #tpu.memory_space<vmem>> -> memref<80xi32, #tpu.memory_space<vmem>>
          %dma_start3A_131 = arith.constant 0 : i32
          %dma_start3A_132 = arith.constant 0 : i32
          %dma_start3A_133 = tpu.memref_slice %arg3[%scan3A_88, %dma_start3A_131, %dma_start3A_132] : memref<2x10000x64xf32, #tpu.memory_space<hbm>> -> memref<1x10000x64xf32, #tpu.memory_space<hbm>>
          %dma_start3A_134 = tpu.memref_squeeze %dma_start3A_133 : memref<1x10000x64xf32, #tpu.memory_space<hbm>> -> memref<10000x64xf32, #tpu.memory_space<hbm>>
          %dma_start3A_135 = arith.constant 0 : i32
          %dma_start3A_136 = arith.constant 0 : i32
          %dma_start3A_137 = tpu.memref_slice %dma_start3A_134[%dma_start3A_135, %dma_start3A_136] : memref<10000x64xf32, #tpu.memory_space<hbm>> -> memref<10000x64xf32, #tpu.memory_space<hbm>>
          tpu.enqueue_indirect_dma source(%dma_start3A_137 : memref<10000x64xf32, #tpu.memory_space<hbm>>) target(%arg17 : memref<80x64xf32, #tpu.memory_space<vmem>>) offsets(%dma_start3A_130 : memref<80xi32, #tpu.memory_space<vmem>>) semaphore(%arg23 : memref<!tpu.dma_semaphore, #tpu.memory_space<semaphore_mem>>)
        } else {
        }
        %dma_wait3A_118 = arith.constant 0 : i32
        %dma_wait3A_119 = arith.constant 0 : i32
        %dma_wait3A_120 = tpu.memref_slice %arg8[%dma_wait3A_118, %dma_wait3A_119] : memref<10000x64xf32, #tpu.memory_space<hbm>> -> memref<80x64xf32, #tpu.memory_space<hbm>>
        %dma_wait3A_121 = arith.constant 0 : i32
        %dma_wait3A_122 = arith.constant 0 : i32
        %dma_wait3A_123 = tpu.memref_slice %arg8[%dma_wait3A_121, %dma_wait3A_122] : memref<10000x64xf32, #tpu.memory_space<hbm>> -> memref<80x64xf32, #tpu.memory_space<hbm>>
        tpu.wait_dma2 semaphore(%arg24 : memref<!tpu.dma_semaphore, #tpu.memory_space<semaphore_mem>>) src(%dma_wait3A_123 : memref<80x64xf32, #tpu.memory_space<hbm>>) dst(%arg18 : memref<80x64xf32, #tpu.memory_space<vmem>>)
        %add3A_124 = arith.constant 1 : i32
        %add3A_125 = arith.addi %mul3A_96, %add3A_124 : i32
        "tpu.region"() ({
          %run_scoped3A = tpu.sem_alloc : memref<!tpu.dma_semaphore, #tpu.memory_space<semaphore_mem>>
          %dma_start3A_126 = arith.constant 0 : i32
          %dma_start3A_127 = tpu.memref_slice %arg16[%add3A_125, %dma_start3A_126] : memref<250x80xi32, #tpu.memory_space<vmem>> -> memref<1x80xi32, #tpu.memory_space<vmem>>
          %dma_start3A_128 = tpu.memref_squeeze %dma_start3A_127 : memref<1x80xi32, #tpu.memory_space<vmem>> -> memref<80xi32, #tpu.memory_space<vmem>>
          %dma_start3A_129 = arith.constant 0 : i32
          %dma_start3A_130 = arith.constant 0 : i32
          %dma_start3A_131 = tpu.memref_slice %arg21[%dma_start3A_129, %dma_start3A_130] : memref<10000x64xf32, #tpu.memory_space<vmem_shared>> -> memref<10000x64xf32, #tpu.memory_space<vmem_shared>>
          tpu.enqueue_indirect_dma source(%arg18 : memref<80x64xf32, #tpu.memory_space<vmem>>) target(%dma_start3A_131 : memref<10000x64xf32, #tpu.memory_space<vmem_shared>>) offsets(%dma_start3A_128 : memref<80xi32, #tpu.memory_space<vmem>>) semaphore(%run_scoped3A : memref<!tpu.dma_semaphore, #tpu.memory_space<semaphore_mem>>) {add = true}
          %dma_wait3A_132 = arith.constant 0 : i32
          %dma_wait3A_133 = tpu.memref_slice %arg16[%add3A_125, %dma_wait3A_132] : memref<250x80xi32, #tpu.memory_space<vmem>> -> memref<1x80xi32, #tpu.memory_space<vmem>>
          %dma_wait3A_134 = tpu.memref_squeeze %dma_wait3A_133 : memref<1x80xi32, #tpu.memory_space<vmem>> -> memref<80xi32, #tpu.memory_space<vmem>>
          %dma_wait3A_135 = arith.constant 0 : i32
          %dma_wait3A_136 = arith.constant 0 : i32
          %dma_wait3A_137 = tpu.memref_slice %arg21[%dma_wait3A_135, %dma_wait3A_136] : memref<10000x64xf32, #tpu.memory_space<vmem_shared>> -> memref<10000x64xf32, #tpu.memory_space<vmem_shared>>
          tpu.wait_indirect_dma semaphore(%run_scoped3A : memref<!tpu.dma_semaphore, #tpu.memory_space<semaphore_mem>>) src(%arg18 : memref<80x64xf32, #tpu.memory_space<vmem>>) dst(%dma_wait3A_137 : memref<10000x64xf32, #tpu.memory_space<vmem_shared>>)
          tpu.yield
        }) : () -> ()
      }
      %scan3A_93 = arith.constant 125 : i32
    } else {
    }
    %ne3A_58 = arith.constant 0 : i32
    %ne3A_59 = arith.cmpi ne, %arg0, %ne3A_58 : i32
    %convert_element_type3A_60 = arith.extui %ne3A_59 : i1 to i32
    %cond3A_61 = arith.constant 0 : i32
    %cond3A_62 = arith.cmpi ne, %convert_element_type3A_60, %cond3A_61 : i32
    scf.if %cond3A_62 {
      "tpu.region"() ({
        %run_scoped3A_103 = tpu.sem_alloc : memref<!tpu.dma_semaphore, #tpu.memory_space<semaphore_mem>>
        %dma_start3A_104 = arith.constant 0 : i32
        %dma_start3A_105 = arith.constant 0 : i32
        %dma_start3A_106 = tpu.memref_slice %arg6[%arg1, %dma_start3A_104, %dma_start3A_105] : memref<16x250x80xi32, #tpu.memory_space<hbm>> -> memref<1x250x80xi32, #tpu.memory_space<hbm>>
        %dma_start3A_107 = tpu.memref_squeeze %dma_start3A_106 : memref<1x250x80xi32, #tpu.memory_space<hbm>> -> memref<250x80xi32, #tpu.memory_space<hbm>>
        %dma_start3A_108 = arith.constant 0 : i32
        %dma_start3A_109 = arith.constant 0 : i32
        %dma_start3A_110 = tpu.memref_slice %arg6[%arg1, %dma_start3A_108, %dma_start3A_109] : memref<16x250x80xi32, #tpu.memory_space<hbm>> -> memref<1x250x80xi32, #tpu.memory_space<hbm>>
        %dma_start3A_111 = tpu.memref_squeeze %dma_start3A_110 : memref<1x250x80xi32, #tpu.memory_space<hbm>> -> memref<250x80xi32, #tpu.memory_space<hbm>>
        tpu.enqueue_dma source(%dma_start3A_111 : memref<250x80xi32, #tpu.memory_space<hbm>>) target(%arg15 : memref<250x80xi32, #tpu.memory_space<vmem>>) target_semaphore(%run_scoped3A_103 : memref<!tpu.dma_semaphore, #tpu.memory_space<semaphore_mem>>)
        %dma_wait3A = arith.constant 0 : i32
        %dma_wait3A_112 = arith.constant 0 : i32
        %dma_wait3A_113 = tpu.memref_slice %arg6[%arg1, %dma_wait3A, %dma_wait3A_112] : memref<16x250x80xi32, #tpu.memory_space<hbm>> -> memref<1x250x80xi32, #tpu.memory_space<hbm>>
        %dma_wait3A_114 = tpu.memref_squeeze %dma_wait3A_113 : memref<1x250x80xi32, #tpu.memory_space<hbm>> -> memref<250x80xi32, #tpu.memory_space<hbm>>
        %dma_wait3A_115 = arith.constant 0 : i32
        %dma_wait3A_116 = arith.constant 0 : i32
        %dma_wait3A_117 = tpu.memref_slice %arg6[%arg1, %dma_wait3A_115, %dma_wait3A_116] : memref<16x250x80xi32, #tpu.memory_space<hbm>> -> memref<1x250x80xi32, #tpu.memory_space<hbm>>
        %dma_wait3A_118 = tpu.memref_squeeze %dma_wait3A_117 : memref<1x250x80xi32, #tpu.memory_space<hbm>> -> memref<250x80xi32, #tpu.memory_space<hbm>>
        tpu.wait_dma2 semaphore(%run_scoped3A_103 : memref<!tpu.dma_semaphore, #tpu.memory_space<semaphore_mem>>) src(%dma_wait3A_118 : memref<250x80xi32, #tpu.memory_space<hbm>>) dst(%arg15 : memref<250x80xi32, #tpu.memory_space<vmem>>)
        tpu.yield
      }) : () -> ()
      "tpu.region"() ({
        %run_scoped3A_103 = tpu.sem_alloc : memref<!tpu.dma_semaphore, #tpu.memory_space<semaphore_mem>>
        %dma_start3A_104 = arith.constant 0 : i32
        %dma_start3A_105 = arith.constant 0 : i32
        %dma_start3A_106 = tpu.memref_slice %arg7[%arg1, %dma_start3A_104, %dma_start3A_105] : memref<16x250x80xi32, #tpu.memory_space<hbm>> -> memref<1x250x80xi32, #tpu.memory_space<hbm>>
        %dma_start3A_107 = tpu.memref_squeeze %dma_start3A_106 : memref<1x250x80xi32, #tpu.memory_space<hbm>> -> memref<250x80xi32, #tpu.memory_space<hbm>>
        %dma_start3A_108 = arith.constant 0 : i32
        %dma_start3A_109 = arith.constant 0 : i32
        %dma_start3A_110 = tpu.memref_slice %arg7[%arg1, %dma_start3A_108, %dma_start3A_109] : memref<16x250x80xi32, #tpu.memory_space<hbm>> -> memref<1x250x80xi32, #tpu.memory_space<hbm>>
        %dma_start3A_111 = tpu.memref_squeeze %dma_start3A_110 : memref<1x250x80xi32, #tpu.memory_space<hbm>> -> memref<250x80xi32, #tpu.memory_space<hbm>>
        tpu.enqueue_dma source(%dma_start3A_111 : memref<250x80xi32, #tpu.memory_space<hbm>>) target(%arg16 : memref<250x80xi32, #tpu.memory_space<vmem>>) target_semaphore(%run_scoped3A_103 : memref<!tpu.dma_semaphore, #tpu.memory_space<semaphore_mem>>)
        %dma_wait3A = arith.constant 0 : i32
        %dma_wait3A_112 = arith.constant 0 : i32
        %dma_wait3A_113 = tpu.memref_slice %arg7[%arg1, %dma_wait3A, %dma_wait3A_112] : memref<16x250x80xi32, #tpu.memory_space<hbm>> -> memref<1x250x80xi32, #tpu.memory_space<hbm>>
        %dma_wait3A_114 = tpu.memref_squeeze %dma_wait3A_113 : memref<1x250x80xi32, #tpu.memory_space<hbm>> -> memref<250x80xi32, #tpu.memory_space<hbm>>
        %dma_wait3A_115 = arith.constant 0 : i32
        %dma_wait3A_116 = arith.constant 0 : i32
        %dma_wait3A_117 = tpu.memref_slice %arg7[%arg1, %dma_wait3A_115, %dma_wait3A_116] : memref<16x250x80xi32, #tpu.memory_space<hbm>> -> memref<1x250x80xi32, #tpu.memory_space<hbm>>
        %dma_wait3A_118 = tpu.memref_squeeze %dma_wait3A_117 : memref<1x250x80xi32, #tpu.memory_space<hbm>> -> memref<250x80xi32, #tpu.memory_space<hbm>>
        tpu.wait_dma2 semaphore(%run_scoped3A_103 : memref<!tpu.dma_semaphore, #tpu.memory_space<semaphore_mem>>) src(%dma_wait3A_118 : memref<250x80xi32, #tpu.memory_space<hbm>>) dst(%arg16 : memref<250x80xi32, #tpu.memory_space<vmem>>)
        tpu.yield
      }) : () -> ()
      "tpu.region"() ({
        %run_scoped3A_103 = tpu.sem_alloc : memref<!tpu.dma_semaphore, #tpu.memory_space<semaphore_mem>>
        tpu.enqueue_dma source(%arg9 : memref<1250x8xf32, #tpu.memory_space<hbm>>) target(%arg19 : memref<1250x8xf32, #tpu.memory_space<vmem>>) target_semaphore(%run_scoped3A_103 : memref<!tpu.dma_semaphore, #tpu.memory_space<semaphore_mem>>)
        tpu.wait_dma2 semaphore(%run_scoped3A_103 : memref<!tpu.dma_semaphore, #tpu.memory_space<semaphore_mem>>) src(%arg9 : memref<1250x8xf32, #tpu.memory_space<hbm>>) dst(%arg19 : memref<1250x8xf32, #tpu.memory_space<vmem>>)
        tpu.yield
      }) : () -> ()
      %broadcast_in_dim3A = arith.constant 1.000000e+00 : f32
      %broadcast_in_dim3A_76 = vector.broadcast %broadcast_in_dim3A : f32 to vector<16xf32>
      %dma_start3A = arith.constant 1 : i32
      %dma_start3A_77 = arith.constant 0 : i32
      %dma_start3A_78 = arith.constant 0 : i32
      %dma_start3A_79 = tpu.memref_slice %arg15[%dma_start3A_77, %dma_start3A_78] : memref<250x80xi32, #tpu.memory_space<vmem>> -> memref<1x80xi32, #tpu.memory_space<vmem>>
      %dma_start3A_80 = tpu.memref_squeeze %dma_start3A_79 : memref<1x80xi32, #tpu.memory_space<vmem>> -> memref<80xi32, #tpu.memory_space<vmem>>
      %dma_start3A_81 = arith.constant 0 : i32
      %dma_start3A_82 = arith.constant 0 : i32
      %dma_start3A_83 = tpu.memref_slice %arg3[%dma_start3A, %dma_start3A_81, %dma_start3A_82] : memref<2x10000x64xf32, #tpu.memory_space<hbm>> -> memref<1x10000x64xf32, #tpu.memory_space<hbm>>
      %dma_start3A_84 = tpu.memref_squeeze %dma_start3A_83 : memref<1x10000x64xf32, #tpu.memory_space<hbm>> -> memref<10000x64xf32, #tpu.memory_space<hbm>>
      %dma_start3A_85 = arith.constant 0 : i32
      %dma_start3A_86 = arith.constant 0 : i32
      %dma_start3A_87 = tpu.memref_slice %dma_start3A_84[%dma_start3A_85, %dma_start3A_86] : memref<10000x64xf32, #tpu.memory_space<hbm>> -> memref<10000x64xf32, #tpu.memory_space<hbm>>
      tpu.enqueue_indirect_dma source(%dma_start3A_87 : memref<10000x64xf32, #tpu.memory_space<hbm>>) target(%arg17 : memref<80x64xf32, #tpu.memory_space<vmem>>) offsets(%dma_start3A_80 : memref<80xi32, #tpu.memory_space<vmem>>) semaphore(%arg23 : memref<!tpu.dma_semaphore, #tpu.memory_space<semaphore_mem>>)
      %scan3A = arith.constant 0 : i32
      %scan3A_88 = arith.constant 1 : i32
      %scan3A_89 = arith.constant 0 : i32
      %scan3A_90 = arith.constant 125 : i32
      %scan3A_91 = arith.addi %scan3A_89, %scan3A_90 : i32
      %scan3A_92 = arith.constant 1 : i32
      scf.for %scan3A_103 = %scan3A_89 to %scan3A_91 step %scan3A_92  : i32 {
        %mul3A_104 = arith.constant 2 : i32
        %mul3A_105 = arith.muli %mul3A_104, %scan3A_103 : i32
        %dma_wait3A = arith.constant 0 : i32
        %dma_wait3A_106 = arith.constant 0 : i32
        %dma_wait3A_107 = tpu.memref_slice %arg8[%dma_wait3A, %dma_wait3A_106] : memref<10000x64xf32, #tpu.memory_space<hbm>> -> memref<80x64xf32, #tpu.memory_space<hbm>>
        %dma_wait3A_108 = arith.constant 0 : i32
        %dma_wait3A_109 = arith.constant 0 : i32
        %dma_wait3A_110 = tpu.memref_slice %arg8[%dma_wait3A_108, %dma_wait3A_109] : memref<10000x64xf32, #tpu.memory_space<hbm>> -> memref<80x64xf32, #tpu.memory_space<hbm>>
        tpu.wait_dma2 semaphore(%arg23 : memref<!tpu.dma_semaphore, #tpu.memory_space<semaphore_mem>>) src(%dma_wait3A_110 : memref<80x64xf32, #tpu.memory_space<hbm>>) dst(%arg17 : memref<80x64xf32, #tpu.memory_space<vmem>>)
        %add3A = arith.constant 1 : i32
        %add3A_111 = arith.addi %mul3A_105, %add3A : i32
        %dma_start3A_112 = arith.constant 0 : i32
        %dma_start3A_113 = tpu.memref_slice %arg15[%add3A_111, %dma_start3A_112] : memref<250x80xi32, #tpu.memory_space<vmem>> -> memref<1x80xi32, #tpu.memory_space<vmem>>
        %dma_start3A_114 = tpu.memref_squeeze %dma_start3A_113 : memref<1x80xi32, #tpu.memory_space<vmem>> -> memref<80xi32, #tpu.memory_space<vmem>>
        %dma_start3A_115 = arith.constant 0 : i32
        %dma_start3A_116 = arith.constant 0 : i32
        %dma_start3A_117 = tpu.memref_slice %arg3[%scan3A_88, %dma_start3A_115, %dma_start3A_116] : memref<2x10000x64xf32, #tpu.memory_space<hbm>> -> memref<1x10000x64xf32, #tpu.memory_space<hbm>>
        %dma_start3A_118 = tpu.memref_squeeze %dma_start3A_117 : memref<1x10000x64xf32, #tpu.memory_space<hbm>> -> memref<10000x64xf32, #tpu.memory_space<hbm>>
        %dma_start3A_119 = arith.constant 0 : i32
        %dma_start3A_120 = arith.constant 0 : i32
        %dma_start3A_121 = tpu.memref_slice %dma_start3A_118[%dma_start3A_119, %dma_start3A_120] : memref<10000x64xf32, #tpu.memory_space<hbm>> -> memref<10000x64xf32, #tpu.memory_space<hbm>>
        tpu.enqueue_indirect_dma source(%dma_start3A_121 : memref<10000x64xf32, #tpu.memory_space<hbm>>) target(%arg18 : memref<80x64xf32, #tpu.memory_space<vmem>>) offsets(%dma_start3A_114 : memref<80xi32, #tpu.memory_space<vmem>>) semaphore(%arg24 : memref<!tpu.dma_semaphore, #tpu.memory_space<semaphore_mem>>)
        "tpu.region"() ({
          %run_scoped3A_222 = tpu.sem_alloc : memref<!tpu.dma_semaphore, #tpu.memory_space<semaphore_mem>>
          %dma_start3A_223 = arith.constant 0 : i32
          %dma_start3A_224 = tpu.memref_slice %arg16[%mul3A_105, %dma_start3A_223] : memref<250x80xi32, #tpu.memory_space<vmem>> -> memref<1x80xi32, #tpu.memory_space<vmem>>
          %dma_start3A_225 = tpu.memref_squeeze %dma_start3A_224 : memref<1x80xi32, #tpu.memory_space<vmem>> -> memref<80xi32, #tpu.memory_space<vmem>>
          %dma_start3A_226 = arith.constant 0 : i32
          %dma_start3A_227 = arith.constant 0 : i32
          %dma_start3A_228 = tpu.memref_slice %arg21[%dma_start3A_226, %dma_start3A_227] : memref<10000x64xf32, #tpu.memory_space<vmem_shared>> -> memref<10000x64xf32, #tpu.memory_space<vmem_shared>>
          tpu.enqueue_indirect_dma source(%arg17 : memref<80x64xf32, #tpu.memory_space<vmem>>) target(%dma_start3A_228 : memref<10000x64xf32, #tpu.memory_space<vmem_shared>>) offsets(%dma_start3A_225 : memref<80xi32, #tpu.memory_space<vmem>>) semaphore(%run_scoped3A_222 : memref<!tpu.dma_semaphore, #tpu.memory_space<semaphore_mem>>) {add = true}
          %dma_wait3A_229 = arith.constant 0 : i32
          %dma_wait3A_230 = tpu.memref_slice %arg16[%mul3A_105, %dma_wait3A_229] : memref<250x80xi32, #tpu.memory_space<vmem>> -> memref<1x80xi32, #tpu.memory_space<vmem>>
          %dma_wait3A_231 = tpu.memref_squeeze %dma_wait3A_230 : memref<1x80xi32, #tpu.memory_space<vmem>> -> memref<80xi32, #tpu.memory_space<vmem>>
          %dma_wait3A_232 = arith.constant 0 : i32
          %dma_wait3A_233 = arith.constant 0 : i32
          %dma_wait3A_234 = tpu.memref_slice %arg21[%dma_wait3A_232, %dma_wait3A_233] : memref<10000x64xf32, #tpu.memory_space<vmem_shared>> -> memref<10000x64xf32, #tpu.memory_space<vmem_shared>>
          tpu.wait_indirect_dma semaphore(%run_scoped3A_222 : memref<!tpu.dma_semaphore, #tpu.memory_space<semaphore_mem>>) src(%arg17 : memref<80x64xf32, #tpu.memory_space<vmem>>) dst(%dma_wait3A_234 : memref<10000x64xf32, #tpu.memory_space<vmem_shared>>)
          tpu.yield
        }) : () -> ()
        %get3A = arith.index_cast %mul3A_105 : i32 to index
        %get3A_122 = arith.constant 0 : index
        %get3A_123 = tpu.vector_load %arg16[%get3A, %get3A_122] {strides = array<i32>} : memref<250x80xi32, #tpu.memory_space<vmem>>, vector<16xi32>,
        %shift_right_logical3A = arith.constant 3 : i32
        %shift_right_logical3A_124 = vector.broadcast %shift_right_logical3A : i32 to vector<16xi32>
        %shift_right_logical3A_125 = arith.shrui %get3A_123, %shift_right_logical3A_124 : vector<16xi32>
        %and3A = arith.constant 7 : i32
        %and3A_126 = vector.broadcast %and3A : i32 to vector<16xi32>
        %and3A_127 = arith.andi %get3A_123, %and3A_126 : vector<16xi32>
        tpu.vector_store_idx %arg19[%shift_right_logical3A_125, %and3A_127], %broadcast_in_dim3A_76 {add = true} : memref<1250x8xf32, #tpu.memory_space<vmem>>[vector<16xi32>, vector<16xi32>], vector<16xf32>,
        %get3A_128 = arith.index_cast %mul3A_105 : i32 to index
        %get3A_129 = arith.constant 16 : index
        %get3A_130 = tpu.vector_load %arg16[%get3A_128, %get3A_129] {strides = array<i32>} : memref<250x80xi32, #tpu.memory_space<vmem>>, vector<16xi32>,
        %shift_right_logical3A_131 = arith.constant 3 : i32
        %shift_right_logical3A_132 = vector.broadcast %shift_right_logical3A_131 : i32 to vector<16xi32>
        %shift_right_logical3A_133 = arith.shrui %get3A_130, %shift_right_logical3A_132 : vector<16xi32>
        %and3A_134 = arith.constant 7 : i32
        %and3A_135 = vector.broadcast %and3A_134 : i32 to vector<16xi32>
        %and3A_136 = arith.andi %get3A_130, %and3A_135 : vector<16xi32>
        tpu.vector_store_idx %arg19[%shift_right_logical3A_133, %and3A_136], %broadcast_in_dim3A_76 {add = true} : memref<1250x8xf32, #tpu.memory_space<vmem>>[vector<16xi32>, vector<16xi32>], vector<16xf32>,
        %get3A_137 = arith.index_cast %mul3A_105 : i32 to index
        %get3A_138 = arith.constant 32 : index
        %get3A_139 = tpu.vector_load %arg16[%get3A_137, %get3A_138] {strides = array<i32>} : memref<250x80xi32, #tpu.memory_space<vmem>>, vector<16xi32>,
        %shift_right_logical3A_140 = arith.constant 3 : i32
        %shift_right_logical3A_141 = vector.broadcast %shift_right_logical3A_140 : i32 to vector<16xi32>
        %shift_right_logical3A_142 = arith.shrui %get3A_139, %shift_right_logical3A_141 : vector<16xi32>
        %and3A_143 = arith.constant 7 : i32
        %and3A_144 = vector.broadcast %and3A_143 : i32 to vector<16xi32>
        %and3A_145 = arith.andi %get3A_139, %and3A_144 : vector<16xi32>
        tpu.vector_store_idx %arg19[%shift_right_logical3A_142, %and3A_145], %broadcast_in_dim3A_76 {add = true} : memref<1250x8xf32, #tpu.memory_space<vmem>>[vector<16xi32>, vector<16xi32>], vector<16xf32>,
        %get3A_146 = arith.index_cast %mul3A_105 : i32 to index
        %get3A_147 = arith.constant 48 : index
        %get3A_148 = tpu.vector_load %arg16[%get3A_146, %get3A_147] {strides = array<i32>} : memref<250x80xi32, #tpu.memory_space<vmem>>, vector<16xi32>,
        %shift_right_logical3A_149 = arith.constant 3 : i32
        %shift_right_logical3A_150 = vector.broadcast %shift_right_logical3A_149 : i32 to vector<16xi32>
        %shift_right_logical3A_151 = arith.shrui %get3A_148, %shift_right_logical3A_150 : vector<16xi32>
        %and3A_152 = arith.constant 7 : i32
        %and3A_153 = vector.broadcast %and3A_152 : i32 to vector<16xi32>
        %and3A_154 = arith.andi %get3A_148, %and3A_153 : vector<16xi32>
        tpu.vector_store_idx %arg19[%shift_right_logical3A_151, %and3A_154], %broadcast_in_dim3A_76 {add = true} : memref<1250x8xf32, #tpu.memory_space<vmem>>[vector<16xi32>, vector<16xi32>], vector<16xf32>,
        %get3A_155 = arith.index_cast %mul3A_105 : i32 to index
        %get3A_156 = arith.constant 64 : index
        %get3A_157 = tpu.vector_load %arg16[%get3A_155, %get3A_156] {strides = array<i32>} : memref<250x80xi32, #tpu.memory_space<vmem>>, vector<16xi32>,
        %shift_right_logical3A_158 = arith.constant 3 : i32
        %shift_right_logical3A_159 = vector.broadcast %shift_right_logical3A_158 : i32 to vector<16xi32>
        %shift_right_logical3A_160 = arith.shrui %get3A_157, %shift_right_logical3A_159 : vector<16xi32>
        %and3A_161 = arith.constant 7 : i32
        %and3A_162 = vector.broadcast %and3A_161 : i32 to vector<16xi32>
        %and3A_163 = arith.andi %get3A_157, %and3A_162 : vector<16xi32>
        tpu.vector_store_idx %arg19[%shift_right_logical3A_160, %and3A_163], %broadcast_in_dim3A_76 {add = true} : memref<1250x8xf32, #tpu.memory_space<vmem>>[vector<16xi32>, vector<16xi32>], vector<16xf32>,
        %lt3A_164 = arith.constant 124 : i32
        %lt3A_165 = arith.cmpi slt, %scan3A_103, %lt3A_164 : i32
        %convert_element_type3A_166 = arith.extui %lt3A_165 : i1 to i32
        %cond3A_167 = arith.constant 0 : i32
        %cond3A_168 = arith.cmpi ne, %convert_element_type3A_166, %cond3A_167 : i32
        scf.if %cond3A_168 {
          %add3A_222 = arith.constant 2 : i32
          %add3A_223 = arith.addi %mul3A_105, %add3A_222 : i32
          %dma_start3A_224 = arith.constant 0 : i32
          %dma_start3A_225 = tpu.memref_slice %arg15[%add3A_223, %dma_start3A_224] : memref<250x80xi32, #tpu.memory_space<vmem>> -> memref<1x80xi32, #tpu.memory_space<vmem>>
          %dma_start3A_226 = tpu.memref_squeeze %dma_start3A_225 : memref<1x80xi32, #tpu.memory_space<vmem>> -> memref<80xi32, #tpu.memory_space<vmem>>
          %dma_start3A_227 = arith.constant 0 : i32
          %dma_start3A_228 = arith.constant 0 : i32
          %dma_start3A_229 = tpu.memref_slice %arg3[%scan3A_88, %dma_start3A_227, %dma_start3A_228] : memref<2x10000x64xf32, #tpu.memory_space<hbm>> -> memref<1x10000x64xf32, #tpu.memory_space<hbm>>
          %dma_start3A_230 = tpu.memref_squeeze %dma_start3A_229 : memref<1x10000x64xf32, #tpu.memory_space<hbm>> -> memref<10000x64xf32, #tpu.memory_space<hbm>>
          %dma_start3A_231 = arith.constant 0 : i32
          %dma_start3A_232 = arith.constant 0 : i32
          %dma_start3A_233 = tpu.memref_slice %dma_start3A_230[%dma_start3A_231, %dma_start3A_232] : memref<10000x64xf32, #tpu.memory_space<hbm>> -> memref<10000x64xf32, #tpu.memory_space<hbm>>
          tpu.enqueue_indirect_dma source(%dma_start3A_233 : memref<10000x64xf32, #tpu.memory_space<hbm>>) target(%arg17 : memref<80x64xf32, #tpu.memory_space<vmem>>) offsets(%dma_start3A_226 : memref<80xi32, #tpu.memory_space<vmem>>) semaphore(%arg23 : memref<!tpu.dma_semaphore, #tpu.memory_space<semaphore_mem>>)
        } else {
        }
        %dma_wait3A_169 = arith.constant 0 : i32
        %dma_wait3A_170 = arith.constant 0 : i32
        %dma_wait3A_171 = tpu.memref_slice %arg8[%dma_wait3A_169, %dma_wait3A_170] : memref<10000x64xf32, #tpu.memory_space<hbm>> -> memref<80x64xf32, #tpu.memory_space<hbm>>
        %dma_wait3A_172 = arith.constant 0 : i32
        %dma_wait3A_173 = arith.constant 0 : i32
        %dma_wait3A_174 = tpu.memref_slice %arg8[%dma_wait3A_172, %dma_wait3A_173] : memref<10000x64xf32, #tpu.memory_space<hbm>> -> memref<80x64xf32, #tpu.memory_space<hbm>>
        tpu.wait_dma2 semaphore(%arg24 : memref<!tpu.dma_semaphore, #tpu.memory_space<semaphore_mem>>) src(%dma_wait3A_174 : memref<80x64xf32, #tpu.memory_space<hbm>>) dst(%arg18 : memref<80x64xf32, #tpu.memory_space<vmem>>)
        %add3A_175 = arith.constant 1 : i32
        %add3A_176 = arith.addi %mul3A_105, %add3A_175 : i32
        "tpu.region"() ({
          %run_scoped3A_222 = tpu.sem_alloc : memref<!tpu.dma_semaphore, #tpu.memory_space<semaphore_mem>>
          %dma_start3A_223 = arith.constant 0 : i32
          %dma_start3A_224 = tpu.memref_slice %arg16[%add3A_176, %dma_start3A_223] : memref<250x80xi32, #tpu.memory_space<vmem>> -> memref<1x80xi32, #tpu.memory_space<vmem>>
          %dma_start3A_225 = tpu.memref_squeeze %dma_start3A_224 : memref<1x80xi32, #tpu.memory_space<vmem>> -> memref<80xi32, #tpu.memory_space<vmem>>
          %dma_start3A_226 = arith.constant 0 : i32
          %dma_start3A_227 = arith.constant 0 : i32
          %dma_start3A_228 = tpu.memref_slice %arg21[%dma_start3A_226, %dma_start3A_227] : memref<10000x64xf32, #tpu.memory_space<vmem_shared>> -> memref<10000x64xf32, #tpu.memory_space<vmem_shared>>
          tpu.enqueue_indirect_dma source(%arg18 : memref<80x64xf32, #tpu.memory_space<vmem>>) target(%dma_start3A_228 : memref<10000x64xf32, #tpu.memory_space<vmem_shared>>) offsets(%dma_start3A_225 : memref<80xi32, #tpu.memory_space<vmem>>) semaphore(%run_scoped3A_222 : memref<!tpu.dma_semaphore, #tpu.memory_space<semaphore_mem>>) {add = true}
          %dma_wait3A_229 = arith.constant 0 : i32
          %dma_wait3A_230 = tpu.memref_slice %arg16[%add3A_176, %dma_wait3A_229] : memref<250x80xi32, #tpu.memory_space<vmem>> -> memref<1x80xi32, #tpu.memory_space<vmem>>
          %dma_wait3A_231 = tpu.memref_squeeze %dma_wait3A_230 : memref<1x80xi32, #tpu.memory_space<vmem>> -> memref<80xi32, #tpu.memory_space<vmem>>
          %dma_wait3A_232 = arith.constant 0 : i32
          %dma_wait3A_233 = arith.constant 0 : i32
          %dma_wait3A_234 = tpu.memref_slice %arg21[%dma_wait3A_232, %dma_wait3A_233] : memref<10000x64xf32, #tpu.memory_space<vmem_shared>> -> memref<10000x64xf32, #tpu.memory_space<vmem_shared>>
          tpu.wait_indirect_dma semaphore(%run_scoped3A_222 : memref<!tpu.dma_semaphore, #tpu.memory_space<semaphore_mem>>) src(%arg18 : memref<80x64xf32, #tpu.memory_space<vmem>>) dst(%dma_wait3A_234 : memref<10000x64xf32, #tpu.memory_space<vmem_shared>>)
          tpu.yield
        }) : () -> ()
        %get3A_177 = arith.index_cast %add3A_176 : i32 to index
        %get3A_178 = arith.constant 0 : index
        %get3A_179 = tpu.vector_load %arg16[%get3A_177, %get3A_178] {strides = array<i32>} : memref<250x80xi32, #tpu.memory_space<vmem>>, vector<16xi32>,
        %shift_right_logical3A_180 = arith.constant 3 : i32
        %shift_right_logical3A_181 = vector.broadcast %shift_right_logical3A_180 : i32 to vector<16xi32>
        %shift_right_logical3A_182 = arith.shrui %get3A_179, %shift_right_logical3A_181 : vector<16xi32>
        %and3A_183 = arith.constant 7 : i32
        %and3A_184 = vector.broadcast %and3A_183 : i32 to vector<16xi32>
        %and3A_185 = arith.andi %get3A_179, %and3A_184 : vector<16xi32>
        tpu.vector_store_idx %arg19[%shift_right_logical3A_182, %and3A_185], %broadcast_in_dim3A_76 {add = true} : memref<1250x8xf32, #tpu.memory_space<vmem>>[vector<16xi32>, vector<16xi32>], vector<16xf32>,
        %get3A_186 = arith.index_cast %add3A_176 : i32 to index
        %get3A_187 = arith.constant 16 : index
        %get3A_188 = tpu.vector_load %arg16[%get3A_186, %get3A_187] {strides = array<i32>} : memref<250x80xi32, #tpu.memory_space<vmem>>, vector<16xi32>,
        %shift_right_logical3A_189 = arith.constant 3 : i32
        %shift_right_logical3A_190 = vector.broadcast %shift_right_logical3A_189 : i32 to vector<16xi32>
        %shift_right_logical3A_191 = arith.shrui %get3A_188, %shift_right_logical3A_190 : vector<16xi32>
        %and3A_192 = arith.constant 7 : i32
        %and3A_193 = vector.broadcast %and3A_192 : i32 to vector<16xi32>
        %and3A_194 = arith.andi %get3A_188, %and3A_193 : vector<16xi32>
        tpu.vector_store_idx %arg19[%shift_right_logical3A_191, %and3A_194], %broadcast_in_dim3A_76 {add = true} : memref<1250x8xf32, #tpu.memory_space<vmem>>[vector<16xi32>, vector<16xi32>], vector<16xf32>,
        %get3A_195 = arith.index_cast %add3A_176 : i32 to index
        %get3A_196 = arith.constant 32 : index
        %get3A_197 = tpu.vector_load %arg16[%get3A_195, %get3A_196] {strides = array<i32>} : memref<250x80xi32, #tpu.memory_space<vmem>>, vector<16xi32>,
        %shift_right_logical3A_198 = arith.constant 3 : i32
        %shift_right_logical3A_199 = vector.broadcast %shift_right_logical3A_198 : i32 to vector<16xi32>
        %shift_right_logical3A_200 = arith.shrui %get3A_197, %shift_right_logical3A_199 : vector<16xi32>
        %and3A_201 = arith.constant 7 : i32
        %and3A_202 = vector.broadcast %and3A_201 : i32 to vector<16xi32>
        %and3A_203 = arith.andi %get3A_197, %and3A_202 : vector<16xi32>
        tpu.vector_store_idx %arg19[%shift_right_logical3A_200, %and3A_203], %broadcast_in_dim3A_76 {add = true} : memref<1250x8xf32, #tpu.memory_space<vmem>>[vector<16xi32>, vector<16xi32>], vector<16xf32>,
        %get3A_204 = arith.index_cast %add3A_176 : i32 to index
        %get3A_205 = arith.constant 48 : index
        %get3A_206 = tpu.vector_load %arg16[%get3A_204, %get3A_205] {strides = array<i32>} : memref<250x80xi32, #tpu.memory_space<vmem>>, vector<16xi32>,
        %shift_right_logical3A_207 = arith.constant 3 : i32
        %shift_right_logical3A_208 = vector.broadcast %shift_right_logical3A_207 : i32 to vector<16xi32>
        %shift_right_logical3A_209 = arith.shrui %get3A_206, %shift_right_logical3A_208 : vector<16xi32>
        %and3A_210 = arith.constant 7 : i32
        %and3A_211 = vector.broadcast %and3A_210 : i32 to vector<16xi32>
        %and3A_212 = arith.andi %get3A_206, %and3A_211 : vector<16xi32>
        tpu.vector_store_idx %arg19[%shift_right_logical3A_209, %and3A_212], %broadcast_in_dim3A_76 {add = true} : memref<1250x8xf32, #tpu.memory_space<vmem>>[vector<16xi32>, vector<16xi32>], vector<16xf32>,
        %get3A_213 = arith.index_cast %add3A_176 : i32 to index
        %get3A_214 = arith.constant 64 : index
        %get3A_215 = tpu.vector_load %arg16[%get3A_213, %get3A_214] {strides = array<i32>} : memref<250x80xi32, #tpu.memory_space<vmem>>, vector<16xi32>,
        %shift_right_logical3A_216 = arith.constant 3 : i32
        %shift_right_logical3A_217 = vector.broadcast %shift_right_logical3A_216 : i32 to vector<16xi32>
        %shift_right_logical3A_218 = arith.shrui %get3A_215, %shift_right_logical3A_217 : vector<16xi32>
        %and3A_219 = arith.constant 7 : i32
        %and3A_220 = vector.broadcast %and3A_219 : i32 to vector<16xi32>
        %and3A_221 = arith.andi %get3A_215, %and3A_220 : vector<16xi32>
        tpu.vector_store_idx %arg19[%shift_right_logical3A_218, %and3A_221], %broadcast_in_dim3A_76 {add = true} : memref<1250x8xf32, #tpu.memory_space<vmem>>[vector<16xi32>, vector<16xi32>], vector<16xf32>,
      }
      %scan3A_93 = arith.constant 125 : i32
      %run_scoped3A = arith.constant 0 : i32
      "tpu.region"() ({
        %run_scoped3A_103 = tpu.sem_alloc : memref<!tpu.dma_semaphore, #tpu.memory_space<semaphore_mem>>
        %dma_start3A_104 = arith.constant 0 : i32
        %dma_start3A_105 = arith.constant 0 : i32
        %dma_start3A_106 = tpu.memref_slice %arg19[%dma_start3A_104, %dma_start3A_105] : memref<1250x8xf32, #tpu.memory_space<vmem>> -> memref<125x8xf32, #tpu.memory_space<vmem>>
        %dma_start3A_107 = arith.constant 0 : i32
        %dma_start3A_108 = tpu.memref_slice %arg20[%run_scoped3A, %dma_start3A_107] : memref<10x125xi32, #tpu.memory_space<vmem>> -> memref<1x125xi32, #tpu.memory_space<vmem>>
        %dma_start3A_109 = tpu.memref_squeeze %dma_start3A_108 : memref<1x125xi32, #tpu.memory_space<vmem>> -> memref<125xi32, #tpu.memory_space<vmem>>
        %dma_start3A_110 = arith.constant 0 : i32
        %dma_start3A_111 = arith.constant 0 : i32
        %dma_start3A_112 = tpu.memref_slice %arg22[%dma_start3A_110, %dma_start3A_111] : memref<1250x8xf32, #tpu.memory_space<vmem_shared>> -> memref<1250x8xf32, #tpu.memory_space<vmem_shared>>
        tpu.enqueue_indirect_dma source(%dma_start3A_106 : memref<125x8xf32, #tpu.memory_space<vmem>>) target(%dma_start3A_112 : memref<1250x8xf32, #tpu.memory_space<vmem_shared>>) offsets(%dma_start3A_109 : memref<125xi32, #tpu.memory_space<vmem>>) semaphore(%run_scoped3A_103 : memref<!tpu.dma_semaphore, #tpu.memory_space<semaphore_mem>>) {add = true}
        %dma_wait3A = arith.constant 0 : i32
        %dma_wait3A_113 = arith.constant 0 : i32
        %dma_wait3A_114 = tpu.memref_slice %arg19[%dma_wait3A, %dma_wait3A_113] : memref<1250x8xf32, #tpu.memory_space<vmem>> -> memref<125x8xf32, #tpu.memory_space<vmem>>
        %dma_wait3A_115 = arith.constant 0 : i32
        %dma_wait3A_116 = tpu.memref_slice %arg20[%run_scoped3A, %dma_wait3A_115] : memref<10x125xi32, #tpu.memory_space<vmem>> -> memref<1x125xi32, #tpu.memory_space<vmem>>
        %dma_wait3A_117 = tpu.memref_squeeze %dma_wait3A_116 : memref<1x125xi32, #tpu.memory_space<vmem>> -> memref<125xi32, #tpu.memory_space<vmem>>
        %dma_wait3A_118 = arith.constant 0 : i32
        %dma_wait3A_119 = arith.constant 0 : i32
        %dma_wait3A_120 = tpu.memref_slice %arg22[%dma_wait3A_118, %dma_wait3A_119] : memref<1250x8xf32, #tpu.memory_space<vmem_shared>> -> memref<1250x8xf32, #tpu.memory_space<vmem_shared>>
        tpu.wait_indirect_dma semaphore(%run_scoped3A_103 : memref<!tpu.dma_semaphore, #tpu.memory_space<semaphore_mem>>) src(%dma_wait3A_114 : memref<125x8xf32, #tpu.memory_space<vmem>>) dst(%dma_wait3A_120 : memref<1250x8xf32, #tpu.memory_space<vmem_shared>>)
        tpu.yield
      }) : () -> ()
      %run_scoped3A_94 = arith.constant 1 : i32
      "tpu.region"() ({
        %run_scoped3A_103 = tpu.sem_alloc : memref<!tpu.dma_semaphore, #tpu.memory_space<semaphore_mem>>
        %dma_start3A_104 = arith.constant 125 : i32
        %dma_start3A_105 = arith.constant 0 : i32
        %dma_start3A_106 = tpu.memref_slice %arg19[%dma_start3A_104, %dma_start3A_105] : memref<1250x8xf32, #tpu.memory_space<vmem>> -> memref<125x8xf32, #tpu.memory_space<vmem>>
        %dma_start3A_107 = arith.constant 0 : i32
        %dma_start3A_108 = tpu.memref_slice %arg20[%run_scoped3A_94, %dma_start3A_107] : memref<10x125xi32, #tpu.memory_space<vmem>> -> memref<1x125xi32, #tpu.memory_space<vmem>>
        %dma_start3A_109 = tpu.memref_squeeze %dma_start3A_108 : memref<1x125xi32, #tpu.memory_space<vmem>> -> memref<125xi32, #tpu.memory_space<vmem>>
        %dma_start3A_110 = arith.constant 0 : i32
        %dma_start3A_111 = arith.constant 0 : i32
        %dma_start3A_112 = tpu.memref_slice %arg22[%dma_start3A_110, %dma_start3A_111] : memref<1250x8xf32, #tpu.memory_space<vmem_shared>> -> memref<1250x8xf32, #tpu.memory_space<vmem_shared>>
        tpu.enqueue_indirect_dma source(%dma_start3A_106 : memref<125x8xf32, #tpu.memory_space<vmem>>) target(%dma_start3A_112 : memref<1250x8xf32, #tpu.memory_space<vmem_shared>>) offsets(%dma_start3A_109 : memref<125xi32, #tpu.memory_space<vmem>>) semaphore(%run_scoped3A_103 : memref<!tpu.dma_semaphore, #tpu.memory_space<semaphore_mem>>) {add = true}
        %dma_wait3A = arith.constant 125 : i32
        %dma_wait3A_113 = arith.constant 0 : i32
        %dma_wait3A_114 = tpu.memref_slice %arg19[%dma_wait3A, %dma_wait3A_113] : memref<1250x8xf32, #tpu.memory_space<vmem>> -> memref<125x8xf32, #tpu.memory_space<vmem>>
        %dma_wait3A_115 = arith.constant 0 : i32
        %dma_wait3A_116 = tpu.memref_slice %arg20[%run_scoped3A_94, %dma_wait3A_115] : memref<10x125xi32, #tpu.memory_space<vmem>> -> memref<1x125xi32, #tpu.memory_space<vmem>>
        %dma_wait3A_117 = tpu.memref_squeeze %dma_wait3A_116 : memref<1x125xi32, #tpu.memory_space<vmem>> -> memref<125xi32, #tpu.memory_space<vmem>>
        %dma_wait3A_118 = arith.constant 0 : i32
        %dma_wait3A_119 = arith.constant 0 : i32
        %dma_wait3A_120 = tpu.memref_slice %arg22[%dma_wait3A_118, %dma_wait3A_119] : memref<1250x8xf32, #tpu.memory_space<vmem_shared>> -> memref<1250x8xf32, #tpu.memory_space<vmem_shared>>
        tpu.wait_indirect_dma semaphore(%run_scoped3A_103 : memref<!tpu.dma_semaphore, #tpu.memory_space<semaphore_mem>>) src(%dma_wait3A_114 : memref<125x8xf32, #tpu.memory_space<vmem>>) dst(%dma_wait3A_120 : memref<1250x8xf32, #tpu.memory_space<vmem_shared>>)
        tpu.yield
      }) : () -> ()
      %run_scoped3A_95 = arith.constant 2 : i32
      "tpu.region"() ({
        %run_scoped3A_103 = tpu.sem_alloc : memref<!tpu.dma_semaphore, #tpu.memory_space<semaphore_mem>>
        %dma_start3A_104 = arith.constant 250 : i32
        %dma_start3A_105 = arith.constant 0 : i32
        %dma_start3A_106 = tpu.memref_slice %arg19[%dma_start3A_104, %dma_start3A_105] : memref<1250x8xf32, #tpu.memory_space<vmem>> -> memref<125x8xf32, #tpu.memory_space<vmem>>
        %dma_start3A_107 = arith.constant 0 : i32
        %dma_start3A_108 = tpu.memref_slice %arg20[%run_scoped3A_95, %dma_start3A_107] : memref<10x125xi32, #tpu.memory_space<vmem>> -> memref<1x125xi32, #tpu.memory_space<vmem>>
        %dma_start3A_109 = tpu.memref_squeeze %dma_start3A_108 : memref<1x125xi32, #tpu.memory_space<vmem>> -> memref<125xi32, #tpu.memory_space<vmem>>
        %dma_start3A_110 = arith.constant 0 : i32
        %dma_start3A_111 = arith.constant 0 : i32
        %dma_start3A_112 = tpu.memref_slice %arg22[%dma_start3A_110, %dma_start3A_111] : memref<1250x8xf32, #tpu.memory_space<vmem_shared>> -> memref<1250x8xf32, #tpu.memory_space<vmem_shared>>
        tpu.enqueue_indirect_dma source(%dma_start3A_106 : memref<125x8xf32, #tpu.memory_space<vmem>>) target(%dma_start3A_112 : memref<1250x8xf32, #tpu.memory_space<vmem_shared>>) offsets(%dma_start3A_109 : memref<125xi32, #tpu.memory_space<vmem>>) semaphore(%run_scoped3A_103 : memref<!tpu.dma_semaphore, #tpu.memory_space<semaphore_mem>>) {add = true}
        %dma_wait3A = arith.constant 250 : i32
        %dma_wait3A_113 = arith.constant 0 : i32
        %dma_wait3A_114 = tpu.memref_slice %arg19[%dma_wait3A, %dma_wait3A_113] : memref<1250x8xf32, #tpu.memory_space<vmem>> -> memref<125x8xf32, #tpu.memory_space<vmem>>
        %dma_wait3A_115 = arith.constant 0 : i32
        %dma_wait3A_116 = tpu.memref_slice %arg20[%run_scoped3A_95, %dma_wait3A_115] : memref<10x125xi32, #tpu.memory_space<vmem>> -> memref<1x125xi32, #tpu.memory_space<vmem>>
        %dma_wait3A_117 = tpu.memref_squeeze %dma_wait3A_116 : memref<1x125xi32, #tpu.memory_space<vmem>> -> memref<125xi32, #tpu.memory_space<vmem>>
        %dma_wait3A_118 = arith.constant 0 : i32
        %dma_wait3A_119 = arith.constant 0 : i32
        %dma_wait3A_120 = tpu.memref_slice %arg22[%dma_wait3A_118, %dma_wait3A_119] : memref<1250x8xf32, #tpu.memory_space<vmem_shared>> -> memref<1250x8xf32, #tpu.memory_space<vmem_shared>>
        tpu.wait_indirect_dma semaphore(%run_scoped3A_103 : memref<!tpu.dma_semaphore, #tpu.memory_space<semaphore_mem>>) src(%dma_wait3A_114 : memref<125x8xf32, #tpu.memory_space<vmem>>) dst(%dma_wait3A_120 : memref<1250x8xf32, #tpu.memory_space<vmem_shared>>)
        tpu.yield
      }) : () -> ()
      %run_scoped3A_96 = arith.constant 3 : i32
      "tpu.region"() ({
        %run_scoped3A_103 = tpu.sem_alloc : memref<!tpu.dma_semaphore, #tpu.memory_space<semaphore_mem>>
        %dma_start3A_104 = arith.constant 375 : i32
        %dma_start3A_105 = arith.constant 0 : i32
        %dma_start3A_106 = tpu.memref_slice %arg19[%dma_start3A_104, %dma_start3A_105] : memref<1250x8xf32, #tpu.memory_space<vmem>> -> memref<125x8xf32, #tpu.memory_space<vmem>>
        %dma_start3A_107 = arith.constant 0 : i32
        %dma_start3A_108 = tpu.memref_slice %arg20[%run_scoped3A_96, %dma_start3A_107] : memref<10x125xi32, #tpu.memory_space<vmem>> -> memref<1x125xi32, #tpu.memory_space<vmem>>
        %dma_start3A_109 = tpu.memref_squeeze %dma_start3A_108 : memref<1x125xi32, #tpu.memory_space<vmem>> -> memref<125xi32, #tpu.memory_space<vmem>>
        %dma_start3A_110 = arith.constant 0 : i32
        %dma_start3A_111 = arith.constant 0 : i32
        %dma_start3A_112 = tpu.memref_slice %arg22[%dma_start3A_110, %dma_start3A_111] : memref<1250x8xf32, #tpu.memory_space<vmem_shared>> -> memref<1250x8xf32, #tpu.memory_space<vmem_shared>>
        tpu.enqueue_indirect_dma source(%dma_start3A_106 : memref<125x8xf32, #tpu.memory_space<vmem>>) target(%dma_start3A_112 : memref<1250x8xf32, #tpu.memory_space<vmem_shared>>) offsets(%dma_start3A_109 : memref<125xi32, #tpu.memory_space<vmem>>) semaphore(%run_scoped3A_103 : memref<!tpu.dma_semaphore, #tpu.memory_space<semaphore_mem>>) {add = true}
        %dma_wait3A = arith.constant 375 : i32
        %dma_wait3A_113 = arith.constant 0 : i32
        %dma_wait3A_114 = tpu.memref_slice %arg19[%dma_wait3A, %dma_wait3A_113] : memref<1250x8xf32, #tpu.memory_space<vmem>> -> memref<125x8xf32, #tpu.memory_space<vmem>>
        %dma_wait3A_115 = arith.constant 0 : i32
        %dma_wait3A_116 = tpu.memref_slice %arg20[%run_scoped3A_96, %dma_wait3A_115] : memref<10x125xi32, #tpu.memory_space<vmem>> -> memref<1x125xi32, #tpu.memory_space<vmem>>
        %dma_wait3A_117 = tpu.memref_squeeze %dma_wait3A_116 : memref<1x125xi32, #tpu.memory_space<vmem>> -> memref<125xi32, #tpu.memory_space<vmem>>
        %dma_wait3A_118 = arith.constant 0 : i32
        %dma_wait3A_119 = arith.constant 0 : i32
        %dma_wait3A_120 = tpu.memref_slice %arg22[%dma_wait3A_118, %dma_wait3A_119] : memref<1250x8xf32, #tpu.memory_space<vmem_shared>> -> memref<1250x8xf32, #tpu.memory_space<vmem_shared>>
        tpu.wait_indirect_dma semaphore(%run_scoped3A_103 : memref<!tpu.dma_semaphore, #tpu.memory_space<semaphore_mem>>) src(%dma_wait3A_114 : memref<125x8xf32, #tpu.memory_space<vmem>>) dst(%dma_wait3A_120 : memref<1250x8xf32, #tpu.memory_space<vmem_shared>>)
        tpu.yield
      }) : () -> ()
      %run_scoped3A_97 = arith.constant 4 : i32
      "tpu.region"() ({
        %run_scoped3A_103 = tpu.sem_alloc : memref<!tpu.dma_semaphore, #tpu.memory_space<semaphore_mem>>
        %dma_start3A_104 = arith.constant 500 : i32
        %dma_start3A_105 = arith.constant 0 : i32
        %dma_start3A_106 = tpu.memref_slice %arg19[%dma_start3A_104, %dma_start3A_105] : memref<1250x8xf32, #tpu.memory_space<vmem>> -> memref<125x8xf32, #tpu.memory_space<vmem>>
        %dma_start3A_107 = arith.constant 0 : i32
        %dma_start3A_108 = tpu.memref_slice %arg20[%run_scoped3A_97, %dma_start3A_107] : memref<10x125xi32, #tpu.memory_space<vmem>> -> memref<1x125xi32, #tpu.memory_space<vmem>>
        %dma_start3A_109 = tpu.memref_squeeze %dma_start3A_108 : memref<1x125xi32, #tpu.memory_space<vmem>> -> memref<125xi32, #tpu.memory_space<vmem>>
        %dma_start3A_110 = arith.constant 0 : i32
        %dma_start3A_111 = arith.constant 0 : i32
        %dma_start3A_112 = tpu.memref_slice %arg22[%dma_start3A_110, %dma_start3A_111] : memref<1250x8xf32, #tpu.memory_space<vmem_shared>> -> memref<1250x8xf32, #tpu.memory_space<vmem_shared>>
        tpu.enqueue_indirect_dma source(%dma_start3A_106 : memref<125x8xf32, #tpu.memory_space<vmem>>) target(%dma_start3A_112 : memref<1250x8xf32, #tpu.memory_space<vmem_shared>>) offsets(%dma_start3A_109 : memref<125xi32, #tpu.memory_space<vmem>>) semaphore(%run_scoped3A_103 : memref<!tpu.dma_semaphore, #tpu.memory_space<semaphore_mem>>) {add = true}
        %dma_wait3A = arith.constant 500 : i32
        %dma_wait3A_113 = arith.constant 0 : i32
        %dma_wait3A_114 = tpu.memref_slice %arg19[%dma_wait3A, %dma_wait3A_113] : memref<1250x8xf32, #tpu.memory_space<vmem>> -> memref<125x8xf32, #tpu.memory_space<vmem>>
        %dma_wait3A_115 = arith.constant 0 : i32
        %dma_wait3A_116 = tpu.memref_slice %arg20[%run_scoped3A_97, %dma_wait3A_115] : memref<10x125xi32, #tpu.memory_space<vmem>> -> memref<1x125xi32, #tpu.memory_space<vmem>>
        %dma_wait3A_117 = tpu.memref_squeeze %dma_wait3A_116 : memref<1x125xi32, #tpu.memory_space<vmem>> -> memref<125xi32, #tpu.memory_space<vmem>>
        %dma_wait3A_118 = arith.constant 0 : i32
        %dma_wait3A_119 = arith.constant 0 : i32
        %dma_wait3A_120 = tpu.memref_slice %arg22[%dma_wait3A_118, %dma_wait3A_119] : memref<1250x8xf32, #tpu.memory_space<vmem_shared>> -> memref<1250x8xf32, #tpu.memory_space<vmem_shared>>
        tpu.wait_indirect_dma semaphore(%run_scoped3A_103 : memref<!tpu.dma_semaphore, #tpu.memory_space<semaphore_mem>>) src(%dma_wait3A_114 : memref<125x8xf32, #tpu.memory_space<vmem>>) dst(%dma_wait3A_120 : memref<1250x8xf32, #tpu.memory_space<vmem_shared>>)
        tpu.yield
      }) : () -> ()
      %run_scoped3A_98 = arith.constant 5 : i32
      "tpu.region"() ({
        %run_scoped3A_103 = tpu.sem_alloc : memref<!tpu.dma_semaphore, #tpu.memory_space<semaphore_mem>>
        %dma_start3A_104 = arith.constant 625 : i32
        %dma_start3A_105 = arith.constant 0 : i32
        %dma_start3A_106 = tpu.memref_slice %arg19[%dma_start3A_104, %dma_start3A_105] : memref<1250x8xf32, #tpu.memory_space<vmem>> -> memref<125x8xf32, #tpu.memory_space<vmem>>
        %dma_start3A_107 = arith.constant 0 : i32
        %dma_start3A_108 = tpu.memref_slice %arg20[%run_scoped3A_98, %dma_start3A_107] : memref<10x125xi32, #tpu.memory_space<vmem>> -> memref<1x125xi32, #tpu.memory_space<vmem>>
        %dma_start3A_109 = tpu.memref_squeeze %dma_start3A_108 : memref<1x125xi32, #tpu.memory_space<vmem>> -> memref<125xi32, #tpu.memory_space<vmem>>
        %dma_start3A_110 = arith.constant 0 : i32
        %dma_start3A_111 = arith.constant 0 : i32
        %dma_start3A_112 = tpu.memref_slice %arg22[%dma_start3A_110, %dma_start3A_111] : memref<1250x8xf32, #tpu.memory_space<vmem_shared>> -> memref<1250x8xf32, #tpu.memory_space<vmem_shared>>
        tpu.enqueue_indirect_dma source(%dma_start3A_106 : memref<125x8xf32, #tpu.memory_space<vmem>>) target(%dma_start3A_112 : memref<1250x8xf32, #tpu.memory_space<vmem_shared>>) offsets(%dma_start3A_109 : memref<125xi32, #tpu.memory_space<vmem>>) semaphore(%run_scoped3A_103 : memref<!tpu.dma_semaphore, #tpu.memory_space<semaphore_mem>>) {add = true}
        %dma_wait3A = arith.constant 625 : i32
        %dma_wait3A_113 = arith.constant 0 : i32
        %dma_wait3A_114 = tpu.memref_slice %arg19[%dma_wait3A, %dma_wait3A_113] : memref<1250x8xf32, #tpu.memory_space<vmem>> -> memref<125x8xf32, #tpu.memory_space<vmem>>
        %dma_wait3A_115 = arith.constant 0 : i32
        %dma_wait3A_116 = tpu.memref_slice %arg20[%run_scoped3A_98, %dma_wait3A_115] : memref<10x125xi32, #tpu.memory_space<vmem>> -> memref<1x125xi32, #tpu.memory_space<vmem>>
        %dma_wait3A_117 = tpu.memref_squeeze %dma_wait3A_116 : memref<1x125xi32, #tpu.memory_space<vmem>> -> memref<125xi32, #tpu.memory_space<vmem>>
        %dma_wait3A_118 = arith.constant 0 : i32
        %dma_wait3A_119 = arith.constant 0 : i32
        %dma_wait3A_120 = tpu.memref_slice %arg22[%dma_wait3A_118, %dma_wait3A_119] : memref<1250x8xf32, #tpu.memory_space<vmem_shared>> -> memref<1250x8xf32, #tpu.memory_space<vmem_shared>>
        tpu.wait_indirect_dma semaphore(%run_scoped3A_103 : memref<!tpu.dma_semaphore, #tpu.memory_space<semaphore_mem>>) src(%dma_wait3A_114 : memref<125x8xf32, #tpu.memory_space<vmem>>) dst(%dma_wait3A_120 : memref<1250x8xf32, #tpu.memory_space<vmem_shared>>)
        tpu.yield
      }) : () -> ()
      %run_scoped3A_99 = arith.constant 6 : i32
      "tpu.region"() ({
        %run_scoped3A_103 = tpu.sem_alloc : memref<!tpu.dma_semaphore, #tpu.memory_space<semaphore_mem>>
        %dma_start3A_104 = arith.constant 750 : i32
        %dma_start3A_105 = arith.constant 0 : i32
        %dma_start3A_106 = tpu.memref_slice %arg19[%dma_start3A_104, %dma_start3A_105] : memref<1250x8xf32, #tpu.memory_space<vmem>> -> memref<125x8xf32, #tpu.memory_space<vmem>>
        %dma_start3A_107 = arith.constant 0 : i32
        %dma_start3A_108 = tpu.memref_slice %arg20[%run_scoped3A_99, %dma_start3A_107] : memref<10x125xi32, #tpu.memory_space<vmem>> -> memref<1x125xi32, #tpu.memory_space<vmem>>
        %dma_start3A_109 = tpu.memref_squeeze %dma_start3A_108 : memref<1x125xi32, #tpu.memory_space<vmem>> -> memref<125xi32, #tpu.memory_space<vmem>>
        %dma_start3A_110 = arith.constant 0 : i32
        %dma_start3A_111 = arith.constant 0 : i32
        %dma_start3A_112 = tpu.memref_slice %arg22[%dma_start3A_110, %dma_start3A_111] : memref<1250x8xf32, #tpu.memory_space<vmem_shared>> -> memref<1250x8xf32, #tpu.memory_space<vmem_shared>>
        tpu.enqueue_indirect_dma source(%dma_start3A_106 : memref<125x8xf32, #tpu.memory_space<vmem>>) target(%dma_start3A_112 : memref<1250x8xf32, #tpu.memory_space<vmem_shared>>) offsets(%dma_start3A_109 : memref<125xi32, #tpu.memory_space<vmem>>) semaphore(%run_scoped3A_103 : memref<!tpu.dma_semaphore, #tpu.memory_space<semaphore_mem>>) {add = true}
        %dma_wait3A = arith.constant 750 : i32
        %dma_wait3A_113 = arith.constant 0 : i32
        %dma_wait3A_114 = tpu.memref_slice %arg19[%dma_wait3A, %dma_wait3A_113] : memref<1250x8xf32, #tpu.memory_space<vmem>> -> memref<125x8xf32, #tpu.memory_space<vmem>>
        %dma_wait3A_115 = arith.constant 0 : i32
        %dma_wait3A_116 = tpu.memref_slice %arg20[%run_scoped3A_99, %dma_wait3A_115] : memref<10x125xi32, #tpu.memory_space<vmem>> -> memref<1x125xi32, #tpu.memory_space<vmem>>
        %dma_wait3A_117 = tpu.memref_squeeze %dma_wait3A_116 : memref<1x125xi32, #tpu.memory_space<vmem>> -> memref<125xi32, #tpu.memory_space<vmem>>
        %dma_wait3A_118 = arith.constant 0 : i32
        %dma_wait3A_119 = arith.constant 0 : i32
        %dma_wait3A_120 = tpu.memref_slice %arg22[%dma_wait3A_118, %dma_wait3A_119] : memref<1250x8xf32, #tpu.memory_space<vmem_shared>> -> memref<1250x8xf32, #tpu.memory_space<vmem_shared>>
        tpu.wait_indirect_dma semaphore(%run_scoped3A_103 : memref<!tpu.dma_semaphore, #tpu.memory_space<semaphore_mem>>) src(%dma_wait3A_114 : memref<125x8xf32, #tpu.memory_space<vmem>>) dst(%dma_wait3A_120 : memref<1250x8xf32, #tpu.memory_space<vmem_shared>>)
        tpu.yield
      }) : () -> ()
      %run_scoped3A_100 = arith.constant 7 : i32
      "tpu.region"() ({
        %run_scoped3A_103 = tpu.sem_alloc : memref<!tpu.dma_semaphore, #tpu.memory_space<semaphore_mem>>
        %dma_start3A_104 = arith.constant 875 : i32
        %dma_start3A_105 = arith.constant 0 : i32
        %dma_start3A_106 = tpu.memref_slice %arg19[%dma_start3A_104, %dma_start3A_105] : memref<1250x8xf32, #tpu.memory_space<vmem>> -> memref<125x8xf32, #tpu.memory_space<vmem>>
        %dma_start3A_107 = arith.constant 0 : i32
        %dma_start3A_108 = tpu.memref_slice %arg20[%run_scoped3A_100, %dma_start3A_107] : memref<10x125xi32, #tpu.memory_space<vmem>> -> memref<1x125xi32, #tpu.memory_space<vmem>>
        %dma_start3A_109 = tpu.memref_squeeze %dma_start3A_108 : memref<1x125xi32, #tpu.memory_space<vmem>> -> memref<125xi32, #tpu.memory_space<vmem>>
        %dma_start3A_110 = arith.constant 0 : i32
        %dma_start3A_111 = arith.constant 0 : i32
        %dma_start3A_112 = tpu.memref_slice %arg22[%dma_start3A_110, %dma_start3A_111] : memref<1250x8xf32, #tpu.memory_space<vmem_shared>> -> memref<1250x8xf32, #tpu.memory_space<vmem_shared>>
        tpu.enqueue_indirect_dma source(%dma_start3A_106 : memref<125x8xf32, #tpu.memory_space<vmem>>) target(%dma_start3A_112 : memref<1250x8xf32, #tpu.memory_space<vmem_shared>>) offsets(%dma_start3A_109 : memref<125xi32, #tpu.memory_space<vmem>>) semaphore(%run_scoped3A_103 : memref<!tpu.dma_semaphore, #tpu.memory_space<semaphore_mem>>) {add = true}
        %dma_wait3A = arith.constant 875 : i32
        %dma_wait3A_113 = arith.constant 0 : i32
        %dma_wait3A_114 = tpu.memref_slice %arg19[%dma_wait3A, %dma_wait3A_113] : memref<1250x8xf32, #tpu.memory_space<vmem>> -> memref<125x8xf32, #tpu.memory_space<vmem>>
        %dma_wait3A_115 = arith.constant 0 : i32
        %dma_wait3A_116 = tpu.memref_slice %arg20[%run_scoped3A_100, %dma_wait3A_115] : memref<10x125xi32, #tpu.memory_space<vmem>> -> memref<1x125xi32, #tpu.memory_space<vmem>>
        %dma_wait3A_117 = tpu.memref_squeeze %dma_wait3A_116 : memref<1x125xi32, #tpu.memory_space<vmem>> -> memref<125xi32, #tpu.memory_space<vmem>>
        %dma_wait3A_118 = arith.constant 0 : i32
        %dma_wait3A_119 = arith.constant 0 : i32
        %dma_wait3A_120 = tpu.memref_slice %arg22[%dma_wait3A_118, %dma_wait3A_119] : memref<1250x8xf32, #tpu.memory_space<vmem_shared>> -> memref<1250x8xf32, #tpu.memory_space<vmem_shared>>
        tpu.wait_indirect_dma semaphore(%run_scoped3A_103 : memref<!tpu.dma_semaphore, #tpu.memory_space<semaphore_mem>>) src(%dma_wait3A_114 : memref<125x8xf32, #tpu.memory_space<vmem>>) dst(%dma_wait3A_120 : memref<1250x8xf32, #tpu.memory_space<vmem_shared>>)
        tpu.yield
      }) : () -> ()
      %run_scoped3A_101 = arith.constant 8 : i32
      "tpu.region"() ({
        %run_scoped3A_103 = tpu.sem_alloc : memref<!tpu.dma_semaphore, #tpu.memory_space<semaphore_mem>>
        %dma_start3A_104 = arith.constant 1000 : i32
        %dma_start3A_105 = arith.constant 0 : i32
        %dma_start3A_106 = tpu.memref_slice %arg19[%dma_start3A_104, %dma_start3A_105] : memref<1250x8xf32, #tpu.memory_space<vmem>> -> memref<125x8xf32, #tpu.memory_space<vmem>>
        %dma_start3A_107 = arith.constant 0 : i32
        %dma_start3A_108 = tpu.memref_slice %arg20[%run_scoped3A_101, %dma_start3A_107] : memref<10x125xi32, #tpu.memory_space<vmem>> -> memref<1x125xi32, #tpu.memory_space<vmem>>
        %dma_start3A_109 = tpu.memref_squeeze %dma_start3A_108 : memref<1x125xi32, #tpu.memory_space<vmem>> -> memref<125xi32, #tpu.memory_space<vmem>>
        %dma_start3A_110 = arith.constant 0 : i32
        %dma_start3A_111 = arith.constant 0 : i32
        %dma_start3A_112 = tpu.memref_slice %arg22[%dma_start3A_110, %dma_start3A_111] : memref<1250x8xf32, #tpu.memory_space<vmem_shared>> -> memref<1250x8xf32, #tpu.memory_space<vmem_shared>>
        tpu.enqueue_indirect_dma source(%dma_start3A_106 : memref<125x8xf32, #tpu.memory_space<vmem>>) target(%dma_start3A_112 : memref<1250x8xf32, #tpu.memory_space<vmem_shared>>) offsets(%dma_start3A_109 : memref<125xi32, #tpu.memory_space<vmem>>) semaphore(%run_scoped3A_103 : memref<!tpu.dma_semaphore, #tpu.memory_space<semaphore_mem>>) {add = true}
        %dma_wait3A = arith.constant 1000 : i32
        %dma_wait3A_113 = arith.constant 0 : i32
        %dma_wait3A_114 = tpu.memref_slice %arg19[%dma_wait3A, %dma_wait3A_113] : memref<1250x8xf32, #tpu.memory_space<vmem>> -> memref<125x8xf32, #tpu.memory_space<vmem>>
        %dma_wait3A_115 = arith.constant 0 : i32
        %dma_wait3A_116 = tpu.memref_slice %arg20[%run_scoped3A_101, %dma_wait3A_115] : memref<10x125xi32, #tpu.memory_space<vmem>> -> memref<1x125xi32, #tpu.memory_space<vmem>>
        %dma_wait3A_117 = tpu.memref_squeeze %dma_wait3A_116 : memref<1x125xi32, #tpu.memory_space<vmem>> -> memref<125xi32, #tpu.memory_space<vmem>>
        %dma_wait3A_118 = arith.constant 0 : i32
        %dma_wait3A_119 = arith.constant 0 : i32
        %dma_wait3A_120 = tpu.memref_slice %arg22[%dma_wait3A_118, %dma_wait3A_119] : memref<1250x8xf32, #tpu.memory_space<vmem_shared>> -> memref<1250x8xf32, #tpu.memory_space<vmem_shared>>
        tpu.wait_indirect_dma semaphore(%run_scoped3A_103 : memref<!tpu.dma_semaphore, #tpu.memory_space<semaphore_mem>>) src(%dma_wait3A_114 : memref<125x8xf32, #tpu.memory_space<vmem>>) dst(%dma_wait3A_120 : memref<1250x8xf32, #tpu.memory_space<vmem_shared>>)
        tpu.yield
      }) : () -> ()
      %run_scoped3A_102 = arith.constant 9 : i32
      "tpu.region"() ({
        %run_scoped3A_103 = tpu.sem_alloc : memref<!tpu.dma_semaphore, #tpu.memory_space<semaphore_mem>>
        %dma_start3A_104 = arith.constant 1125 : i32
        %dma_start3A_105 = arith.constant 0 : i32
        %dma_start3A_106 = tpu.memref_slice %arg19[%dma_start3A_104, %dma_start3A_105] : memref<1250x8xf32, #tpu.memory_space<vmem>> -> memref<125x8xf32, #tpu.memory_space<vmem>>
        %dma_start3A_107 = arith.constant 0 : i32
        %dma_start3A_108 = tpu.memref_slice %arg20[%run_scoped3A_102, %dma_start3A_107] : memref<10x125xi32, #tpu.memory_space<vmem>> -> memref<1x125xi32, #tpu.memory_space<vmem>>
        %dma_start3A_109 = tpu.memref_squeeze %dma_start3A_108 : memref<1x125xi32, #tpu.memory_space<vmem>> -> memref<125xi32, #tpu.memory_space<vmem>>
        %dma_start3A_110 = arith.constant 0 : i32
        %dma_start3A_111 = arith.constant 0 : i32
        %dma_start3A_112 = tpu.memref_slice %arg22[%dma_start3A_110, %dma_start3A_111] : memref<1250x8xf32, #tpu.memory_space<vmem_shared>> -> memref<1250x8xf32, #tpu.memory_space<vmem_shared>>
        tpu.enqueue_indirect_dma source(%dma_start3A_106 : memref<125x8xf32, #tpu.memory_space<vmem>>) target(%dma_start3A_112 : memref<1250x8xf32, #tpu.memory_space<vmem_shared>>) offsets(%dma_start3A_109 : memref<125xi32, #tpu.memory_space<vmem>>) semaphore(%run_scoped3A_103 : memref<!tpu.dma_semaphore, #tpu.memory_space<semaphore_mem>>) {add = true}
        %dma_wait3A = arith.constant 1125 : i32
        %dma_wait3A_113 = arith.constant 0 : i32
        %dma_wait3A_114 = tpu.memref_slice %arg19[%dma_wait3A, %dma_wait3A_113] : memref<1250x8xf32, #tpu.memory_space<vmem>> -> memref<125x8xf32, #tpu.memory_space<vmem>>
        %dma_wait3A_115 = arith.constant 0 : i32
        %dma_wait3A_116 = tpu.memref_slice %arg20[%run_scoped3A_102, %dma_wait3A_115] : memref<10x125xi32, #tpu.memory_space<vmem>> -> memref<1x125xi32, #tpu.memory_space<vmem>>
        %dma_wait3A_117 = tpu.memref_squeeze %dma_wait3A_116 : memref<1x125xi32, #tpu.memory_space<vmem>> -> memref<125xi32, #tpu.memory_space<vmem>>
        %dma_wait3A_118 = arith.constant 0 : i32
        %dma_wait3A_119 = arith.constant 0 : i32
        %dma_wait3A_120 = tpu.memref_slice %arg22[%dma_wait3A_118, %dma_wait3A_119] : memref<1250x8xf32, #tpu.memory_space<vmem_shared>> -> memref<1250x8xf32, #tpu.memory_space<vmem_shared>>
        tpu.wait_indirect_dma semaphore(%run_scoped3A_103 : memref<!tpu.dma_semaphore, #tpu.memory_space<semaphore_mem>>) src(%dma_wait3A_114 : memref<125x8xf32, #tpu.memory_space<vmem>>) dst(%dma_wait3A_120 : memref<1250x8xf32, #tpu.memory_space<vmem_shared>>)
        tpu.yield
      }) : () -> ()
    } else {
    }
    %barrier3A_63 = arith.constant 0 : index
    tpu.barrier barrier_id(%barrier3A_63)
    %mul3A_64 = arith.constant 624 : i32
    %mul3A_65 = arith.muli %arg1, %mul3A_64 : i32
    "tpu.region"() ({
      %run_scoped3A = tpu.sem_alloc : memref<!tpu.dma_semaphore, #tpu.memory_space<semaphore_mem>>
      %dma_start3A = arith.constant 0 : i32
      %dma_start3A_76 = arith.constant 0 : i32
      %dma_start3A_77 = tpu.memref_slice %arg12[%arg0, %dma_start3A, %dma_start3A_76] : memref<2x10000x64xf32, #tpu.memory_space<hbm>> -> memref<1x10000x64xf32, #tpu.memory_space<hbm>>
      %dma_start3A_78 = tpu.memref_squeeze %dma_start3A_77 : memref<1x10000x64xf32, #tpu.memory_space<hbm>> -> memref<10000x64xf32, #tpu.memory_space<hbm>>
      %dma_start3A_79 = arith.constant 0 : i32
      %dma_start3A_80 = tpu.memref_slice %dma_start3A_78[%mul3A_65, %dma_start3A_79] : memref<10000x64xf32, #tpu.memory_space<hbm>> -> memref<624x64xf32, #tpu.memory_space<hbm>>
      %dma_start3A_81 = arith.constant 0 : i32
      %dma_start3A_82 = tpu.memref_slice %arg21[%mul3A_65, %dma_start3A_81] : memref<10000x64xf32, #tpu.memory_space<vmem_shared>> -> memref<624x64xf32, #tpu.memory_space<vmem_shared>>
      tpu.enqueue_dma source(%dma_start3A_82 : memref<624x64xf32, #tpu.memory_space<vmem_shared>>) target(%dma_start3A_80 : memref<624x64xf32, #tpu.memory_space<hbm>>) target_semaphore(%run_scoped3A : memref<!tpu.dma_semaphore, #tpu.memory_space<semaphore_mem>>)
      %dma_wait3A = arith.constant 0 : i32
      %dma_wait3A_83 = arith.constant 0 : i32
      %dma_wait3A_84 = tpu.memref_slice %arg12[%arg0, %dma_wait3A, %dma_wait3A_83] : memref<2x10000x64xf32, #tpu.memory_space<hbm>> -> memref<1x10000x64xf32, #tpu.memory_space<hbm>>
      %dma_wait3A_85 = tpu.memref_squeeze %dma_wait3A_84 : memref<1x10000x64xf32, #tpu.memory_space<hbm>> -> memref<10000x64xf32, #tpu.memory_space<hbm>>
      %dma_wait3A_86 = arith.constant 0 : i32
      %dma_wait3A_87 = tpu.memref_slice %dma_wait3A_85[%mul3A_65, %dma_wait3A_86] : memref<10000x64xf32, #tpu.memory_space<hbm>> -> memref<624x64xf32, #tpu.memory_space<hbm>>
      %dma_wait3A_88 = arith.constant 0 : i32
      %dma_wait3A_89 = tpu.memref_slice %arg21[%mul3A_65, %dma_wait3A_88] : memref<10000x64xf32, #tpu.memory_space<vmem_shared>> -> memref<624x64xf32, #tpu.memory_space<vmem_shared>>
      tpu.wait_dma2 semaphore(%run_scoped3A : memref<!tpu.dma_semaphore, #tpu.memory_space<semaphore_mem>>) src(%dma_wait3A_89 : memref<624x64xf32, #tpu.memory_space<vmem_shared>>) dst(%dma_wait3A_87 : memref<624x64xf32, #tpu.memory_space<hbm>>)
      tpu.yield
    }) : () -> ()
    %eq3A_66 = arith.constant 15 : i32
    %eq3A_67 = arith.cmpi eq, %arg1, %eq3A_66 : i32
    %convert_element_type3A_68 = arith.extui %eq3A_67 : i1 to i32
    %cond3A_69 = arith.constant 0 : i32
    %cond3A_70 = arith.cmpi ne, %convert_element_type3A_68, %cond3A_69 : i32
    scf.if %cond3A_70 {
      "tpu.region"() ({
        %run_scoped3A = tpu.sem_alloc : memref<!tpu.dma_semaphore, #tpu.memory_space<semaphore_mem>>
        %dma_start3A = arith.constant 0 : i32
        %dma_start3A_76 = arith.constant 0 : i32
        %dma_start3A_77 = tpu.memref_slice %arg12[%arg0, %dma_start3A, %dma_start3A_76] : memref<2x10000x64xf32, #tpu.memory_space<hbm>> -> memref<1x10000x64xf32, #tpu.memory_space<hbm>>
        %dma_start3A_78 = tpu.memref_squeeze %dma_start3A_77 : memref<1x10000x64xf32, #tpu.memory_space<hbm>> -> memref<10000x64xf32, #tpu.memory_space<hbm>>
        %dma_start3A_79 = arith.constant 9984 : i32
        %dma_start3A_80 = arith.constant 0 : i32
        %dma_start3A_81 = tpu.memref_slice %dma_start3A_78[%dma_start3A_79, %dma_start3A_80] : memref<10000x64xf32, #tpu.memory_space<hbm>> -> memref<16x64xf32, #tpu.memory_space<hbm>>
        %dma_start3A_82 = arith.constant 9984 : i32
        %dma_start3A_83 = arith.constant 0 : i32
        %dma_start3A_84 = tpu.memref_slice %arg21[%dma_start3A_82, %dma_start3A_83] : memref<10000x64xf32, #tpu.memory_space<vmem_shared>> -> memref<16x64xf32, #tpu.memory_space<vmem_shared>>
        tpu.enqueue_dma source(%dma_start3A_84 : memref<16x64xf32, #tpu.memory_space<vmem_shared>>) target(%dma_start3A_81 : memref<16x64xf32, #tpu.memory_space<hbm>>) target_semaphore(%run_scoped3A : memref<!tpu.dma_semaphore, #tpu.memory_space<semaphore_mem>>)
        %dma_wait3A = arith.constant 0 : i32
        %dma_wait3A_85 = arith.constant 0 : i32
        %dma_wait3A_86 = tpu.memref_slice %arg12[%arg0, %dma_wait3A, %dma_wait3A_85] : memref<2x10000x64xf32, #tpu.memory_space<hbm>> -> memref<1x10000x64xf32, #tpu.memory_space<hbm>>
        %dma_wait3A_87 = tpu.memref_squeeze %dma_wait3A_86 : memref<1x10000x64xf32, #tpu.memory_space<hbm>> -> memref<10000x64xf32, #tpu.memory_space<hbm>>
        %dma_wait3A_88 = arith.constant 9984 : i32
        %dma_wait3A_89 = arith.constant 0 : i32
        %dma_wait3A_90 = tpu.memref_slice %dma_wait3A_87[%dma_wait3A_88, %dma_wait3A_89] : memref<10000x64xf32, #tpu.memory_space<hbm>> -> memref<16x64xf32, #tpu.memory_space<hbm>>
        %dma_wait3A_91 = arith.constant 9984 : i32
        %dma_wait3A_92 = arith.constant 0 : i32
        %dma_wait3A_93 = tpu.memref_slice %arg21[%dma_wait3A_91, %dma_wait3A_92] : memref<10000x64xf32, #tpu.memory_space<vmem_shared>> -> memref<16x64xf32, #tpu.memory_space<vmem_shared>>
        tpu.wait_dma2 semaphore(%run_scoped3A : memref<!tpu.dma_semaphore, #tpu.memory_space<semaphore_mem>>) src(%dma_wait3A_93 : memref<16x64xf32, #tpu.memory_space<vmem_shared>>) dst(%dma_wait3A_90 : memref<16x64xf32, #tpu.memory_space<hbm>>)
        tpu.yield
      }) : () -> ()
    } else {
    }
    %eq3A_71 = arith.constant 1 : i32
    %eq3A_72 = arith.cmpi eq, %arg0, %eq3A_71 : i32
    %convert_element_type3A_73 = arith.extui %eq3A_72 : i1 to i32
    %cond3A_74 = arith.constant 0 : i32
    %cond3A_75 = arith.cmpi ne, %convert_element_type3A_73, %cond3A_74 : i32
    scf.if %cond3A_75 {
      %lt3A_76 = arith.constant 15 : i32
      %lt3A_77 = arith.cmpi slt, %arg1, %lt3A_76 : i32
      %convert_element_type3A_78 = arith.extui %lt3A_77 : i1 to i32
      %cond3A_79 = arith.constant 0 : i32
      %cond3A_80 = arith.cmpi ne, %convert_element_type3A_78, %cond3A_79 : i32
      scf.if %cond3A_80 {
        %mul3A_86 = arith.constant 80 : i32
        %mul3A_87 = arith.muli %arg1, %mul3A_86 : i32
        %mul3A_88 = arith.constant 80 : i32
        %mul3A_89 = arith.muli %arg1, %mul3A_88 : i32
        "tpu.region"() ({
          %run_scoped3A = tpu.sem_alloc : memref<!tpu.dma_semaphore, #tpu.memory_space<semaphore_mem>>
          %dma_start3A = arith.constant 0 : i32
          %dma_start3A_90 = tpu.memref_slice %arg14[%mul3A_89, %dma_start3A] : memref<1250x8xf32, #tpu.memory_space<hbm>> -> memref<80x8xf32, #tpu.memory_space<hbm>>
          %dma_start3A_91 = arith.constant 0 : i32
          %dma_start3A_92 = tpu.memref_slice %arg22[%mul3A_87, %dma_start3A_91] : memref<1250x8xf32, #tpu.memory_space<vmem_shared>> -> memref<80x8xf32, #tpu.memory_space<vmem_shared>>
          tpu.enqueue_dma source(%dma_start3A_92 : memref<80x8xf32, #tpu.memory_space<vmem_shared>>) target(%dma_start3A_90 : memref<80x8xf32, #tpu.memory_space<hbm>>) target_semaphore(%run_scoped3A : memref<!tpu.dma_semaphore, #tpu.memory_space<semaphore_mem>>)
          %dma_wait3A = arith.constant 0 : i32
          %dma_wait3A_93 = tpu.memref_slice %arg14[%mul3A_89, %dma_wait3A] : memref<1250x8xf32, #tpu.memory_space<hbm>> -> memref<80x8xf32, #tpu.memory_space<hbm>>
          %dma_wait3A_94 = arith.constant 0 : i32
          %dma_wait3A_95 = tpu.memref_slice %arg22[%mul3A_87, %dma_wait3A_94] : memref<1250x8xf32, #tpu.memory_space<vmem_shared>> -> memref<80x8xf32, #tpu.memory_space<vmem_shared>>
          tpu.wait_dma2 semaphore(%run_scoped3A : memref<!tpu.dma_semaphore, #tpu.memory_space<semaphore_mem>>) src(%dma_wait3A_95 : memref<80x8xf32, #tpu.memory_space<vmem_shared>>) dst(%dma_wait3A_93 : memref<80x8xf32, #tpu.memory_space<hbm>>)
          tpu.yield
        }) : () -> ()
      } else {
      }
      %eq3A_81 = arith.constant 15 : i32
      %eq3A_82 = arith.cmpi eq, %arg1, %eq3A_81 : i32
      %convert_element_type3A_83 = arith.extui %eq3A_82 : i1 to i32
      %cond3A_84 = arith.constant 0 : i32
      %cond3A_85 = arith.cmpi ne, %convert_element_type3A_83, %cond3A_84 : i32
      scf.if %cond3A_85 {
        "tpu.region"() ({
          %run_scoped3A = tpu.sem_alloc : memref<!tpu.dma_semaphore, #tpu.memory_space<semaphore_mem>>
          %dma_start3A = arith.constant 1200 : i32
          %dma_start3A_86 = arith.constant 0 : i32
          %dma_start3A_87 = tpu.memref_slice %arg14[%dma_start3A, %dma_start3A_86] : memref<1250x8xf32, #tpu.memory_space<hbm>> -> memref<50x8xf32, #tpu.memory_space<hbm>>
          %dma_start3A_88 = arith.constant 1200 : i32
          %dma_start3A_89 = arith.constant 0 : i32
          %dma_start3A_90 = tpu.memref_slice %arg22[%dma_start3A_88, %dma_start3A_89] : memref<1250x8xf32, #tpu.memory_space<vmem_shared>> -> memref<50x8xf32, #tpu.memory_space<vmem_shared>>
          tpu.enqueue_dma source(%dma_start3A_90 : memref<50x8xf32, #tpu.memory_space<vmem_shared>>) target(%dma_start3A_87 : memref<50x8xf32, #tpu.memory_space<hbm>>) target_semaphore(%run_scoped3A : memref<!tpu.dma_semaphore, #tpu.memory_space<semaphore_mem>>)
          %dma_wait3A = arith.constant 1200 : i32
          %dma_wait3A_91 = arith.constant 0 : i32
          %dma_wait3A_92 = tpu.memref_slice %arg14[%dma_wait3A, %dma_wait3A_91] : memref<1250x8xf32, #tpu.memory_space<hbm>> -> memref<50x8xf32, #tpu.memory_space<hbm>>
          %dma_wait3A_93 = arith.constant 1200 : i32
          %dma_wait3A_94 = arith.constant 0 : i32
          %dma_wait3A_95 = tpu.memref_slice %arg22[%dma_wait3A_93, %dma_wait3A_94] : memref<1250x8xf32, #tpu.memory_space<vmem_shared>> -> memref<50x8xf32, #tpu.memory_space<vmem_shared>>
          tpu.wait_dma2 semaphore(%run_scoped3A : memref<!tpu.dma_semaphore, #tpu.memory_space<semaphore_mem>>) src(%dma_wait3A_95 : memref<50x8xf32, #tpu.memory_space<vmem_shared>>) dst(%dma_wait3A_92 : memref<50x8xf32, #tpu.memory_space<hbm>>)
          tpu.yield
        }) : () -> ()
      } else {
      }
    } else {
    }
    return
  }
}

#map = affine_map<(d0, d1) -> (0, 0)>
#map1 = affine_map<(d0, d1) -> (0, 0, 0)>
module attributes {stable_mosaic.version = 14 : i64} {
  func.func @_seg_sum_l2(%arg0: i32, %arg1: i32, %arg2: memref<10000x64xf32, #tpu.memory_space<hbm>>, %arg3: memref<10000x64xf32, #tpu.memory_space<hbm>>, %arg4: memref<16x250x80xi32, #tpu.memory_space<hbm>>, %arg5: memref<16x250x80xi32, #tpu.memory_space<hbm>>, %arg6: memref<16x250x80xi32, #tpu.memory_space<hbm>>, %arg7: memref<16x250x80xi32, #tpu.memory_space<hbm>>, %arg8: memref<10000x64xf32, #tpu.memory_space<hbm>>, %arg9: memref<10000x64xf32, #tpu.memory_space<hbm>>, %arg10: memref<10000x64xf32, #tpu.memory_space<hbm>>, %arg11: memref<250x80xi32, #tpu.memory_space<vmem>>, %arg12: memref<250x80xi32, #tpu.memory_space<vmem>>, %arg13: memref<80x64xf32, #tpu.memory_space<vmem>>, %arg14: memref<80x64xf32, #tpu.memory_space<vmem>>, %arg15: memref<10000x64xf32, #tpu.memory_space<vmem_shared>>, %arg16: memref<!tpu.dma_semaphore, #tpu.memory_space<semaphore_mem>>, %arg17: memref<!tpu.dma_semaphore, #tpu.memory_space<semaphore_mem>>) attributes {dimension_semantics = [#tpu.dimension_semantics<core_parallel>, #tpu.dimension_semantics<subcore_parallel>], iteration_bounds = array<i64: 2, 16>, scalar_prefetch = 0 : i64, scratch_operands = 7 : i64, tpu.core_type = #tpu.core_type<sc_vector_subcore>, window_params = [{transform_indices = #map}, {transform_indices = #map}, {transform_indices = #map1}, {transform_indices = #map1}, {transform_indices = #map1}, {transform_indices = #map1}, {transform_indices = #map}, {transform_indices = #map}, {transform_indices = #map}]} {
    %mul3A = arith.constant 624 : i32
    %mul3A_0 = arith.muli %arg1, %mul3A : i32
    "tpu.region"() ({
      %run_scoped3A = tpu.sem_alloc : memref<!tpu.dma_semaphore, #tpu.memory_space<semaphore_mem>>
      %dma_start3A = arith.constant 0 : i32
      %dma_start3A_23 = tpu.memref_slice %arg15[%mul3A_0, %dma_start3A] : memref<10000x64xf32, #tpu.memory_space<vmem_shared>> -> memref<624x64xf32, #tpu.memory_space<vmem_shared>>
      %dma_start3A_24 = arith.constant 0 : i32
      %dma_start3A_25 = tpu.memref_slice %arg8[%mul3A_0, %dma_start3A_24] : memref<10000x64xf32, #tpu.memory_space<hbm>> -> memref<624x64xf32, #tpu.memory_space<hbm>>
      tpu.enqueue_dma source(%dma_start3A_25 : memref<624x64xf32, #tpu.memory_space<hbm>>) target(%dma_start3A_23 : memref<624x64xf32, #tpu.memory_space<vmem_shared>>) target_semaphore(%run_scoped3A : memref<!tpu.dma_semaphore, #tpu.memory_space<semaphore_mem>>)
      %dma_wait3A = arith.constant 0 : i32
      %dma_wait3A_26 = tpu.memref_slice %arg15[%mul3A_0, %dma_wait3A] : memref<10000x64xf32, #tpu.memory_space<vmem_shared>> -> memref<624x64xf32, #tpu.memory_space<vmem_shared>>
      %dma_wait3A_27 = arith.constant 0 : i32
      %dma_wait3A_28 = tpu.memref_slice %arg8[%mul3A_0, %dma_wait3A_27] : memref<10000x64xf32, #tpu.memory_space<hbm>> -> memref<624x64xf32, #tpu.memory_space<hbm>>
      tpu.wait_dma2 semaphore(%run_scoped3A : memref<!tpu.dma_semaphore, #tpu.memory_space<semaphore_mem>>) src(%dma_wait3A_28 : memref<624x64xf32, #tpu.memory_space<hbm>>) dst(%dma_wait3A_26 : memref<624x64xf32, #tpu.memory_space<vmem_shared>>)
      tpu.yield
    }) : () -> ()
    %eq3A = arith.constant 15 : i32
    %eq3A_1 = arith.cmpi eq, %arg1, %eq3A : i32
    %convert_element_type3A = arith.extui %eq3A_1 : i1 to i32
    %cond3A = arith.constant 0 : i32
    %cond3A_2 = arith.cmpi ne, %convert_element_type3A, %cond3A : i32
    scf.if %cond3A_2 {
      "tpu.region"() ({
        %run_scoped3A = tpu.sem_alloc : memref<!tpu.dma_semaphore, #tpu.memory_space<semaphore_mem>>
        %dma_start3A = arith.constant 9984 : i32
        %dma_start3A_23 = arith.constant 0 : i32
        %dma_start3A_24 = tpu.memref_slice %arg15[%dma_start3A, %dma_start3A_23] : memref<10000x64xf32, #tpu.memory_space<vmem_shared>> -> memref<16x64xf32, #tpu.memory_space<vmem_shared>>
        %dma_start3A_25 = arith.constant 9984 : i32
        %dma_start3A_26 = arith.constant 0 : i32
        %dma_start3A_27 = tpu.memref_slice %arg8[%dma_start3A_25, %dma_start3A_26] : memref<10000x64xf32, #tpu.memory_space<hbm>> -> memref<16x64xf32, #tpu.memory_space<hbm>>
        tpu.enqueue_dma source(%dma_start3A_27 : memref<16x64xf32, #tpu.memory_space<hbm>>) target(%dma_start3A_24 : memref<16x64xf32, #tpu.memory_space<vmem_shared>>) target_semaphore(%run_scoped3A : memref<!tpu.dma_semaphore, #tpu.memory_space<semaphore_mem>>)
        %dma_wait3A = arith.constant 9984 : i32
        %dma_wait3A_28 = arith.constant 0 : i32
        %dma_wait3A_29 = tpu.memref_slice %arg15[%dma_wait3A, %dma_wait3A_28] : memref<10000x64xf32, #tpu.memory_space<vmem_shared>> -> memref<16x64xf32, #tpu.memory_space<vmem_shared>>
        %dma_wait3A_30 = arith.constant 9984 : i32
        %dma_wait3A_31 = arith.constant 0 : i32
        %dma_wait3A_32 = tpu.memref_slice %arg8[%dma_wait3A_30, %dma_wait3A_31] : memref<10000x64xf32, #tpu.memory_space<hbm>> -> memref<16x64xf32, #tpu.memory_space<hbm>>
        tpu.wait_dma2 semaphore(%run_scoped3A : memref<!tpu.dma_semaphore, #tpu.memory_space<semaphore_mem>>) src(%dma_wait3A_32 : memref<16x64xf32, #tpu.memory_space<hbm>>) dst(%dma_wait3A_29 : memref<16x64xf32, #tpu.memory_space<vmem_shared>>)
        tpu.yield
      }) : () -> ()
    } else {
    }
    %barrier3A = arith.constant 0 : index
    tpu.barrier barrier_id(%barrier3A)
    %eq3A_3 = arith.constant 0 : i32
    %eq3A_4 = arith.cmpi eq, %arg0, %eq3A_3 : i32
    %convert_element_type3A_5 = arith.extui %eq3A_4 : i1 to i32
    %cond3A_6 = arith.constant 0 : i32
    %cond3A_7 = arith.cmpi ne, %convert_element_type3A_5, %cond3A_6 : i32
    scf.if %cond3A_7 {
      "tpu.region"() ({
        %run_scoped3A = tpu.sem_alloc : memref<!tpu.dma_semaphore, #tpu.memory_space<semaphore_mem>>
        %dma_start3A_35 = arith.constant 0 : i32
        %dma_start3A_36 = arith.constant 0 : i32
        %dma_start3A_37 = tpu.memref_slice %arg4[%arg1, %dma_start3A_35, %dma_start3A_36] : memref<16x250x80xi32, #tpu.memory_space<hbm>> -> memref<1x250x80xi32, #tpu.memory_space<hbm>>
        %dma_start3A_38 = tpu.memref_squeeze %dma_start3A_37 : memref<1x250x80xi32, #tpu.memory_space<hbm>> -> memref<250x80xi32, #tpu.memory_space<hbm>>
        %dma_start3A_39 = arith.constant 0 : i32
        %dma_start3A_40 = arith.constant 0 : i32
        %dma_start3A_41 = tpu.memref_slice %arg4[%arg1, %dma_start3A_39, %dma_start3A_40] : memref<16x250x80xi32, #tpu.memory_space<hbm>> -> memref<1x250x80xi32, #tpu.memory_space<hbm>>
        %dma_start3A_42 = tpu.memref_squeeze %dma_start3A_41 : memref<1x250x80xi32, #tpu.memory_space<hbm>> -> memref<250x80xi32, #tpu.memory_space<hbm>>
        tpu.enqueue_dma source(%dma_start3A_42 : memref<250x80xi32, #tpu.memory_space<hbm>>) target(%arg11 : memref<250x80xi32, #tpu.memory_space<vmem>>) target_semaphore(%run_scoped3A : memref<!tpu.dma_semaphore, #tpu.memory_space<semaphore_mem>>)
        %dma_wait3A = arith.constant 0 : i32
        %dma_wait3A_43 = arith.constant 0 : i32
        %dma_wait3A_44 = tpu.memref_slice %arg4[%arg1, %dma_wait3A, %dma_wait3A_43] : memref<16x250x80xi32, #tpu.memory_space<hbm>> -> memref<1x250x80xi32, #tpu.memory_space<hbm>>
        %dma_wait3A_45 = tpu.memref_squeeze %dma_wait3A_44 : memref<1x250x80xi32, #tpu.memory_space<hbm>> -> memref<250x80xi32, #tpu.memory_space<hbm>>
        %dma_wait3A_46 = arith.constant 0 : i32
        %dma_wait3A_47 = arith.constant 0 : i32
        %dma_wait3A_48 = tpu.memref_slice %arg4[%arg1, %dma_wait3A_46, %dma_wait3A_47] : memref<16x250x80xi32, #tpu.memory_space<hbm>> -> memref<1x250x80xi32, #tpu.memory_space<hbm>>
        %dma_wait3A_49 = tpu.memref_squeeze %dma_wait3A_48 : memref<1x250x80xi32, #tpu.memory_space<hbm>> -> memref<250x80xi32, #tpu.memory_space<hbm>>
        tpu.wait_dma2 semaphore(%run_scoped3A : memref<!tpu.dma_semaphore, #tpu.memory_space<semaphore_mem>>) src(%dma_wait3A_49 : memref<250x80xi32, #tpu.memory_space<hbm>>) dst(%arg11 : memref<250x80xi32, #tpu.memory_space<vmem>>)
        tpu.yield
      }) : () -> ()
      "tpu.region"() ({
        %run_scoped3A = tpu.sem_alloc : memref<!tpu.dma_semaphore, #tpu.memory_space<semaphore_mem>>
        %dma_start3A_35 = arith.constant 0 : i32
        %dma_start3A_36 = arith.constant 0 : i32
        %dma_start3A_37 = tpu.memref_slice %arg5[%arg1, %dma_start3A_35, %dma_start3A_36] : memref<16x250x80xi32, #tpu.memory_space<hbm>> -> memref<1x250x80xi32, #tpu.memory_space<hbm>>
        %dma_start3A_38 = tpu.memref_squeeze %dma_start3A_37 : memref<1x250x80xi32, #tpu.memory_space<hbm>> -> memref<250x80xi32, #tpu.memory_space<hbm>>
        %dma_start3A_39 = arith.constant 0 : i32
        %dma_start3A_40 = arith.constant 0 : i32
        %dma_start3A_41 = tpu.memref_slice %arg5[%arg1, %dma_start3A_39, %dma_start3A_40] : memref<16x250x80xi32, #tpu.memory_space<hbm>> -> memref<1x250x80xi32, #tpu.memory_space<hbm>>
        %dma_start3A_42 = tpu.memref_squeeze %dma_start3A_41 : memref<1x250x80xi32, #tpu.memory_space<hbm>> -> memref<250x80xi32, #tpu.memory_space<hbm>>
        tpu.enqueue_dma source(%dma_start3A_42 : memref<250x80xi32, #tpu.memory_space<hbm>>) target(%arg12 : memref<250x80xi32, #tpu.memory_space<vmem>>) target_semaphore(%run_scoped3A : memref<!tpu.dma_semaphore, #tpu.memory_space<semaphore_mem>>)
        %dma_wait3A = arith.constant 0 : i32
        %dma_wait3A_43 = arith.constant 0 : i32
        %dma_wait3A_44 = tpu.memref_slice %arg5[%arg1, %dma_wait3A, %dma_wait3A_43] : memref<16x250x80xi32, #tpu.memory_space<hbm>> -> memref<1x250x80xi32, #tpu.memory_space<hbm>>
        %dma_wait3A_45 = tpu.memref_squeeze %dma_wait3A_44 : memref<1x250x80xi32, #tpu.memory_space<hbm>> -> memref<250x80xi32, #tpu.memory_space<hbm>>
        %dma_wait3A_46 = arith.constant 0 : i32
        %dma_wait3A_47 = arith.constant 0 : i32
        %dma_wait3A_48 = tpu.memref_slice %arg5[%arg1, %dma_wait3A_46, %dma_wait3A_47] : memref<16x250x80xi32, #tpu.memory_space<hbm>> -> memref<1x250x80xi32, #tpu.memory_space<hbm>>
        %dma_wait3A_49 = tpu.memref_squeeze %dma_wait3A_48 : memref<1x250x80xi32, #tpu.memory_space<hbm>> -> memref<250x80xi32, #tpu.memory_space<hbm>>
        tpu.wait_dma2 semaphore(%run_scoped3A : memref<!tpu.dma_semaphore, #tpu.memory_space<semaphore_mem>>) src(%dma_wait3A_49 : memref<250x80xi32, #tpu.memory_space<hbm>>) dst(%arg12 : memref<250x80xi32, #tpu.memory_space<vmem>>)
        tpu.yield
      }) : () -> ()
      %broadcast_in_dim3A = arith.constant 1.000000e+00 : f32
      %broadcast_in_dim3A_23 = vector.broadcast %broadcast_in_dim3A : f32 to vector<16xf32>
      %dma_start3A = arith.constant 0 : i32
      %dma_start3A_24 = arith.constant 0 : i32
      %dma_start3A_25 = tpu.memref_slice %arg11[%dma_start3A, %dma_start3A_24] : memref<250x80xi32, #tpu.memory_space<vmem>> -> memref<1x80xi32, #tpu.memory_space<vmem>>
      %dma_start3A_26 = tpu.memref_squeeze %dma_start3A_25 : memref<1x80xi32, #tpu.memory_space<vmem>> -> memref<80xi32, #tpu.memory_space<vmem>>
      %dma_start3A_27 = arith.constant 0 : i32
      %dma_start3A_28 = arith.constant 0 : i32
      %dma_start3A_29 = tpu.memref_slice %arg2[%dma_start3A_27, %dma_start3A_28] : memref<10000x64xf32, #tpu.memory_space<hbm>> -> memref<10000x64xf32, #tpu.memory_space<hbm>>
      tpu.enqueue_indirect_dma source(%dma_start3A_29 : memref<10000x64xf32, #tpu.memory_space<hbm>>) target(%arg13 : memref<80x64xf32, #tpu.memory_space<vmem>>) offsets(%dma_start3A_26 : memref<80xi32, #tpu.memory_space<vmem>>) semaphore(%arg16 : memref<!tpu.dma_semaphore, #tpu.memory_space<semaphore_mem>>)
      %scan3A = arith.constant 0 : i32
      %scan3A_30 = arith.constant 0 : i32
      %scan3A_31 = arith.constant 125 : i32
      %scan3A_32 = arith.addi %scan3A_30, %scan3A_31 : i32
      %scan3A_33 = arith.constant 1 : i32
      scf.for %scan3A_35 = %scan3A_30 to %scan3A_32 step %scan3A_33  : i32 {
        %mul3A_36 = arith.constant 2 : i32
        %mul3A_37 = arith.muli %mul3A_36, %scan3A_35 : i32
        %dma_wait3A = arith.constant 0 : i32
        %dma_wait3A_38 = arith.constant 0 : i32
        %dma_wait3A_39 = tpu.memref_slice %arg8[%dma_wait3A, %dma_wait3A_38] : memref<10000x64xf32, #tpu.memory_space<hbm>> -> memref<80x64xf32, #tpu.memory_space<hbm>>
        %dma_wait3A_40 = arith.constant 0 : i32
        %dma_wait3A_41 = arith.constant 0 : i32
        %dma_wait3A_42 = tpu.memref_slice %arg8[%dma_wait3A_40, %dma_wait3A_41] : memref<10000x64xf32, #tpu.memory_space<hbm>> -> memref<80x64xf32, #tpu.memory_space<hbm>>
        tpu.wait_dma2 semaphore(%arg16 : memref<!tpu.dma_semaphore, #tpu.memory_space<semaphore_mem>>) src(%dma_wait3A_42 : memref<80x64xf32, #tpu.memory_space<hbm>>) dst(%arg13 : memref<80x64xf32, #tpu.memory_space<vmem>>)
        %add3A = arith.constant 1 : i32
        %add3A_43 = arith.addi %mul3A_37, %add3A : i32
        %dma_start3A_44 = arith.constant 0 : i32
        %dma_start3A_45 = tpu.memref_slice %arg11[%add3A_43, %dma_start3A_44] : memref<250x80xi32, #tpu.memory_space<vmem>> -> memref<1x80xi32, #tpu.memory_space<vmem>>
        %dma_start3A_46 = tpu.memref_squeeze %dma_start3A_45 : memref<1x80xi32, #tpu.memory_space<vmem>> -> memref<80xi32, #tpu.memory_space<vmem>>
        %dma_start3A_47 = arith.constant 0 : i32
        %dma_start3A_48 = arith.constant 0 : i32
        %dma_start3A_49 = tpu.memref_slice %arg2[%dma_start3A_47, %dma_start3A_48] : memref<10000x64xf32, #tpu.memory_space<hbm>> -> memref<10000x64xf32, #tpu.memory_space<hbm>>
        tpu.enqueue_indirect_dma source(%dma_start3A_49 : memref<10000x64xf32, #tpu.memory_space<hbm>>) target(%arg14 : memref<80x64xf32, #tpu.memory_space<vmem>>) offsets(%dma_start3A_46 : memref<80xi32, #tpu.memory_space<vmem>>) semaphore(%arg17 : memref<!tpu.dma_semaphore, #tpu.memory_space<semaphore_mem>>)
        "tpu.region"() ({
          %run_scoped3A = tpu.sem_alloc : memref<!tpu.dma_semaphore, #tpu.memory_space<semaphore_mem>>
          %dma_start3A_62 = arith.constant 0 : i32
          %dma_start3A_63 = tpu.memref_slice %arg12[%mul3A_37, %dma_start3A_62] : memref<250x80xi32, #tpu.memory_space<vmem>> -> memref<1x80xi32, #tpu.memory_space<vmem>>
          %dma_start3A_64 = tpu.memref_squeeze %dma_start3A_63 : memref<1x80xi32, #tpu.memory_space<vmem>> -> memref<80xi32, #tpu.memory_space<vmem>>
          %dma_start3A_65 = arith.constant 0 : i32
          %dma_start3A_66 = arith.constant 0 : i32
          %dma_start3A_67 = tpu.memref_slice %arg15[%dma_start3A_65, %dma_start3A_66] : memref<10000x64xf32, #tpu.memory_space<vmem_shared>> -> memref<10000x64xf32, #tpu.memory_space<vmem_shared>>
          tpu.enqueue_indirect_dma source(%arg13 : memref<80x64xf32, #tpu.memory_space<vmem>>) target(%dma_start3A_67 : memref<10000x64xf32, #tpu.memory_space<vmem_shared>>) offsets(%dma_start3A_64 : memref<80xi32, #tpu.memory_space<vmem>>) semaphore(%run_scoped3A : memref<!tpu.dma_semaphore, #tpu.memory_space<semaphore_mem>>) {add = true}
          %dma_wait3A_68 = arith.constant 0 : i32
          %dma_wait3A_69 = tpu.memref_slice %arg12[%mul3A_37, %dma_wait3A_68] : memref<250x80xi32, #tpu.memory_space<vmem>> -> memref<1x80xi32, #tpu.memory_space<vmem>>
          %dma_wait3A_70 = tpu.memref_squeeze %dma_wait3A_69 : memref<1x80xi32, #tpu.memory_space<vmem>> -> memref<80xi32, #tpu.memory_space<vmem>>
          %dma_wait3A_71 = arith.constant 0 : i32
          %dma_wait3A_72 = arith.constant 0 : i32
          %dma_wait3A_73 = tpu.memref_slice %arg15[%dma_wait3A_71, %dma_wait3A_72] : memref<10000x64xf32, #tpu.memory_space<vmem_shared>> -> memref<10000x64xf32, #tpu.memory_space<vmem_shared>>
          tpu.wait_indirect_dma semaphore(%run_scoped3A : memref<!tpu.dma_semaphore, #tpu.memory_space<semaphore_mem>>) src(%arg13 : memref<80x64xf32, #tpu.memory_space<vmem>>) dst(%dma_wait3A_73 : memref<10000x64xf32, #tpu.memory_space<vmem_shared>>)
          tpu.yield
        }) : () -> ()
        %lt3A = arith.constant 124 : i32
        %lt3A_50 = arith.cmpi slt, %scan3A_35, %lt3A : i32
        %convert_element_type3A_51 = arith.extui %lt3A_50 : i1 to i32
        %cond3A_52 = arith.constant 0 : i32
        %cond3A_53 = arith.cmpi ne, %convert_element_type3A_51, %cond3A_52 : i32
        scf.if %cond3A_53 {
          %add3A_62 = arith.constant 2 : i32
          %add3A_63 = arith.addi %mul3A_37, %add3A_62 : i32
          %dma_start3A_64 = arith.constant 0 : i32
          %dma_start3A_65 = tpu.memref_slice %arg11[%add3A_63, %dma_start3A_64] : memref<250x80xi32, #tpu.memory_space<vmem>> -> memref<1x80xi32, #tpu.memory_space<vmem>>
          %dma_start3A_66 = tpu.memref_squeeze %dma_start3A_65 : memref<1x80xi32, #tpu.memory_space<vmem>> -> memref<80xi32, #tpu.memory_space<vmem>>
          %dma_start3A_67 = arith.constant 0 : i32
          %dma_start3A_68 = arith.constant 0 : i32
          %dma_start3A_69 = tpu.memref_slice %arg2[%dma_start3A_67, %dma_start3A_68] : memref<10000x64xf32, #tpu.memory_space<hbm>> -> memref<10000x64xf32, #tpu.memory_space<hbm>>
          tpu.enqueue_indirect_dma source(%dma_start3A_69 : memref<10000x64xf32, #tpu.memory_space<hbm>>) target(%arg13 : memref<80x64xf32, #tpu.memory_space<vmem>>) offsets(%dma_start3A_66 : memref<80xi32, #tpu.memory_space<vmem>>) semaphore(%arg16 : memref<!tpu.dma_semaphore, #tpu.memory_space<semaphore_mem>>)
        } else {
        }
        %dma_wait3A_54 = arith.constant 0 : i32
        %dma_wait3A_55 = arith.constant 0 : i32
        %dma_wait3A_56 = tpu.memref_slice %arg8[%dma_wait3A_54, %dma_wait3A_55] : memref<10000x64xf32, #tpu.memory_space<hbm>> -> memref<80x64xf32, #tpu.memory_space<hbm>>
        %dma_wait3A_57 = arith.constant 0 : i32
        %dma_wait3A_58 = arith.constant 0 : i32
        %dma_wait3A_59 = tpu.memref_slice %arg8[%dma_wait3A_57, %dma_wait3A_58] : memref<10000x64xf32, #tpu.memory_space<hbm>> -> memref<80x64xf32, #tpu.memory_space<hbm>>
        tpu.wait_dma2 semaphore(%arg17 : memref<!tpu.dma_semaphore, #tpu.memory_space<semaphore_mem>>) src(%dma_wait3A_59 : memref<80x64xf32, #tpu.memory_space<hbm>>) dst(%arg14 : memref<80x64xf32, #tpu.memory_space<vmem>>)
        %add3A_60 = arith.constant 1 : i32
        %add3A_61 = arith.addi %mul3A_37, %add3A_60 : i32
        "tpu.region"() ({
          %run_scoped3A = tpu.sem_alloc : memref<!tpu.dma_semaphore, #tpu.memory_space<semaphore_mem>>
          %dma_start3A_62 = arith.constant 0 : i32
          %dma_start3A_63 = tpu.memref_slice %arg12[%add3A_61, %dma_start3A_62] : memref<250x80xi32, #tpu.memory_space<vmem>> -> memref<1x80xi32, #tpu.memory_space<vmem>>
          %dma_start3A_64 = tpu.memref_squeeze %dma_start3A_63 : memref<1x80xi32, #tpu.memory_space<vmem>> -> memref<80xi32, #tpu.memory_space<vmem>>
          %dma_start3A_65 = arith.constant 0 : i32
          %dma_start3A_66 = arith.constant 0 : i32
          %dma_start3A_67 = tpu.memref_slice %arg15[%dma_start3A_65, %dma_start3A_66] : memref<10000x64xf32, #tpu.memory_space<vmem_shared>> -> memref<10000x64xf32, #tpu.memory_space<vmem_shared>>
          tpu.enqueue_indirect_dma source(%arg14 : memref<80x64xf32, #tpu.memory_space<vmem>>) target(%dma_start3A_67 : memref<10000x64xf32, #tpu.memory_space<vmem_shared>>) offsets(%dma_start3A_64 : memref<80xi32, #tpu.memory_space<vmem>>) semaphore(%run_scoped3A : memref<!tpu.dma_semaphore, #tpu.memory_space<semaphore_mem>>) {add = true}
          %dma_wait3A_68 = arith.constant 0 : i32
          %dma_wait3A_69 = tpu.memref_slice %arg12[%add3A_61, %dma_wait3A_68] : memref<250x80xi32, #tpu.memory_space<vmem>> -> memref<1x80xi32, #tpu.memory_space<vmem>>
          %dma_wait3A_70 = tpu.memref_squeeze %dma_wait3A_69 : memref<1x80xi32, #tpu.memory_space<vmem>> -> memref<80xi32, #tpu.memory_space<vmem>>
          %dma_wait3A_71 = arith.constant 0 : i32
          %dma_wait3A_72 = arith.constant 0 : i32
          %dma_wait3A_73 = tpu.memref_slice %arg15[%dma_wait3A_71, %dma_wait3A_72] : memref<10000x64xf32, #tpu.memory_space<vmem_shared>> -> memref<10000x64xf32, #tpu.memory_space<vmem_shared>>
          tpu.wait_indirect_dma semaphore(%run_scoped3A : memref<!tpu.dma_semaphore, #tpu.memory_space<semaphore_mem>>) src(%arg14 : memref<80x64xf32, #tpu.memory_space<vmem>>) dst(%dma_wait3A_73 : memref<10000x64xf32, #tpu.memory_space<vmem_shared>>)
          tpu.yield
        }) : () -> ()
      }
      %scan3A_34 = arith.constant 125 : i32
    } else {
    }
    %ne3A = arith.constant 0 : i32
    %ne3A_8 = arith.cmpi ne, %arg0, %ne3A : i32
    %convert_element_type3A_9 = arith.extui %ne3A_8 : i1 to i32
    %cond3A_10 = arith.constant 0 : i32
    %cond3A_11 = arith.cmpi ne, %convert_element_type3A_9, %cond3A_10 : i32
    scf.if %cond3A_11 {
      "tpu.region"() ({
        %run_scoped3A = tpu.sem_alloc : memref<!tpu.dma_semaphore, #tpu.memory_space<semaphore_mem>>
        %dma_start3A_35 = arith.constant 0 : i32
        %dma_start3A_36 = arith.constant 0 : i32
        %dma_start3A_37 = tpu.memref_slice %arg6[%arg1, %dma_start3A_35, %dma_start3A_36] : memref<16x250x80xi32, #tpu.memory_space<hbm>> -> memref<1x250x80xi32, #tpu.memory_space<hbm>>
        %dma_start3A_38 = tpu.memref_squeeze %dma_start3A_37 : memref<1x250x80xi32, #tpu.memory_space<hbm>> -> memref<250x80xi32, #tpu.memory_space<hbm>>
        %dma_start3A_39 = arith.constant 0 : i32
        %dma_start3A_40 = arith.constant 0 : i32
        %dma_start3A_41 = tpu.memref_slice %arg6[%arg1, %dma_start3A_39, %dma_start3A_40] : memref<16x250x80xi32, #tpu.memory_space<hbm>> -> memref<1x250x80xi32, #tpu.memory_space<hbm>>
        %dma_start3A_42 = tpu.memref_squeeze %dma_start3A_41 : memref<1x250x80xi32, #tpu.memory_space<hbm>> -> memref<250x80xi32, #tpu.memory_space<hbm>>
        tpu.enqueue_dma source(%dma_start3A_42 : memref<250x80xi32, #tpu.memory_space<hbm>>) target(%arg11 : memref<250x80xi32, #tpu.memory_space<vmem>>) target_semaphore(%run_scoped3A : memref<!tpu.dma_semaphore, #tpu.memory_space<semaphore_mem>>)
        %dma_wait3A = arith.constant 0 : i32
        %dma_wait3A_43 = arith.constant 0 : i32
        %dma_wait3A_44 = tpu.memref_slice %arg6[%arg1, %dma_wait3A, %dma_wait3A_43] : memref<16x250x80xi32, #tpu.memory_space<hbm>> -> memref<1x250x80xi32, #tpu.memory_space<hbm>>
        %dma_wait3A_45 = tpu.memref_squeeze %dma_wait3A_44 : memref<1x250x80xi32, #tpu.memory_space<hbm>> -> memref<250x80xi32, #tpu.memory_space<hbm>>
        %dma_wait3A_46 = arith.constant 0 : i32
        %dma_wait3A_47 = arith.constant 0 : i32
        %dma_wait3A_48 = tpu.memref_slice %arg6[%arg1, %dma_wait3A_46, %dma_wait3A_47] : memref<16x250x80xi32, #tpu.memory_space<hbm>> -> memref<1x250x80xi32, #tpu.memory_space<hbm>>
        %dma_wait3A_49 = tpu.memref_squeeze %dma_wait3A_48 : memref<1x250x80xi32, #tpu.memory_space<hbm>> -> memref<250x80xi32, #tpu.memory_space<hbm>>
        tpu.wait_dma2 semaphore(%run_scoped3A : memref<!tpu.dma_semaphore, #tpu.memory_space<semaphore_mem>>) src(%dma_wait3A_49 : memref<250x80xi32, #tpu.memory_space<hbm>>) dst(%arg11 : memref<250x80xi32, #tpu.memory_space<vmem>>)
        tpu.yield
      }) : () -> ()
      "tpu.region"() ({
        %run_scoped3A = tpu.sem_alloc : memref<!tpu.dma_semaphore, #tpu.memory_space<semaphore_mem>>
        %dma_start3A_35 = arith.constant 0 : i32
        %dma_start3A_36 = arith.constant 0 : i32
        %dma_start3A_37 = tpu.memref_slice %arg7[%arg1, %dma_start3A_35, %dma_start3A_36] : memref<16x250x80xi32, #tpu.memory_space<hbm>> -> memref<1x250x80xi32, #tpu.memory_space<hbm>>
        %dma_start3A_38 = tpu.memref_squeeze %dma_start3A_37 : memref<1x250x80xi32, #tpu.memory_space<hbm>> -> memref<250x80xi32, #tpu.memory_space<hbm>>
        %dma_start3A_39 = arith.constant 0 : i32
        %dma_start3A_40 = arith.constant 0 : i32
        %dma_start3A_41 = tpu.memref_slice %arg7[%arg1, %dma_start3A_39, %dma_start3A_40] : memref<16x250x80xi32, #tpu.memory_space<hbm>> -> memref<1x250x80xi32, #tpu.memory_space<hbm>>
        %dma_start3A_42 = tpu.memref_squeeze %dma_start3A_41 : memref<1x250x80xi32, #tpu.memory_space<hbm>> -> memref<250x80xi32, #tpu.memory_space<hbm>>
        tpu.enqueue_dma source(%dma_start3A_42 : memref<250x80xi32, #tpu.memory_space<hbm>>) target(%arg12 : memref<250x80xi32, #tpu.memory_space<vmem>>) target_semaphore(%run_scoped3A : memref<!tpu.dma_semaphore, #tpu.memory_space<semaphore_mem>>)
        %dma_wait3A = arith.constant 0 : i32
        %dma_wait3A_43 = arith.constant 0 : i32
        %dma_wait3A_44 = tpu.memref_slice %arg7[%arg1, %dma_wait3A, %dma_wait3A_43] : memref<16x250x80xi32, #tpu.memory_space<hbm>> -> memref<1x250x80xi32, #tpu.memory_space<hbm>>
        %dma_wait3A_45 = tpu.memref_squeeze %dma_wait3A_44 : memref<1x250x80xi32, #tpu.memory_space<hbm>> -> memref<250x80xi32, #tpu.memory_space<hbm>>
        %dma_wait3A_46 = arith.constant 0 : i32
        %dma_wait3A_47 = arith.constant 0 : i32
        %dma_wait3A_48 = tpu.memref_slice %arg7[%arg1, %dma_wait3A_46, %dma_wait3A_47] : memref<16x250x80xi32, #tpu.memory_space<hbm>> -> memref<1x250x80xi32, #tpu.memory_space<hbm>>
        %dma_wait3A_49 = tpu.memref_squeeze %dma_wait3A_48 : memref<1x250x80xi32, #tpu.memory_space<hbm>> -> memref<250x80xi32, #tpu.memory_space<hbm>>
        tpu.wait_dma2 semaphore(%run_scoped3A : memref<!tpu.dma_semaphore, #tpu.memory_space<semaphore_mem>>) src(%dma_wait3A_49 : memref<250x80xi32, #tpu.memory_space<hbm>>) dst(%arg12 : memref<250x80xi32, #tpu.memory_space<vmem>>)
        tpu.yield
      }) : () -> ()
      %broadcast_in_dim3A = arith.constant 1.000000e+00 : f32
      %broadcast_in_dim3A_23 = vector.broadcast %broadcast_in_dim3A : f32 to vector<16xf32>
      %dma_start3A = arith.constant 0 : i32
      %dma_start3A_24 = arith.constant 0 : i32
      %dma_start3A_25 = tpu.memref_slice %arg11[%dma_start3A, %dma_start3A_24] : memref<250x80xi32, #tpu.memory_space<vmem>> -> memref<1x80xi32, #tpu.memory_space<vmem>>
      %dma_start3A_26 = tpu.memref_squeeze %dma_start3A_25 : memref<1x80xi32, #tpu.memory_space<vmem>> -> memref<80xi32, #tpu.memory_space<vmem>>
      %dma_start3A_27 = arith.constant 0 : i32
      %dma_start3A_28 = arith.constant 0 : i32
      %dma_start3A_29 = tpu.memref_slice %arg3[%dma_start3A_27, %dma_start3A_28] : memref<10000x64xf32, #tpu.memory_space<hbm>> -> memref<10000x64xf32, #tpu.memory_space<hbm>>
      tpu.enqueue_indirect_dma source(%dma_start3A_29 : memref<10000x64xf32, #tpu.memory_space<hbm>>) target(%arg13 : memref<80x64xf32, #tpu.memory_space<vmem>>) offsets(%dma_start3A_26 : memref<80xi32, #tpu.memory_space<vmem>>) semaphore(%arg16 : memref<!tpu.dma_semaphore, #tpu.memory_space<semaphore_mem>>)
      %scan3A = arith.constant 0 : i32
      %scan3A_30 = arith.constant 0 : i32
      %scan3A_31 = arith.constant 125 : i32
      %scan3A_32 = arith.addi %scan3A_30, %scan3A_31 : i32
      %scan3A_33 = arith.constant 1 : i32
      scf.for %scan3A_35 = %scan3A_30 to %scan3A_32 step %scan3A_33  : i32 {
        %mul3A_36 = arith.constant 2 : i32
        %mul3A_37 = arith.muli %mul3A_36, %scan3A_35 : i32
        %dma_wait3A = arith.constant 0 : i32
        %dma_wait3A_38 = arith.constant 0 : i32
        %dma_wait3A_39 = tpu.memref_slice %arg8[%dma_wait3A, %dma_wait3A_38] : memref<10000x64xf32, #tpu.memory_space<hbm>> -> memref<80x64xf32, #tpu.memory_space<hbm>>
        %dma_wait3A_40 = arith.constant 0 : i32
        %dma_wait3A_41 = arith.constant 0 : i32
        %dma_wait3A_42 = tpu.memref_slice %arg8[%dma_wait3A_40, %dma_wait3A_41] : memref<10000x64xf32, #tpu.memory_space<hbm>> -> memref<80x64xf32, #tpu.memory_space<hbm>>
        tpu.wait_dma2 semaphore(%arg16 : memref<!tpu.dma_semaphore, #tpu.memory_space<semaphore_mem>>) src(%dma_wait3A_42 : memref<80x64xf32, #tpu.memory_space<hbm>>) dst(%arg13 : memref<80x64xf32, #tpu.memory_space<vmem>>)
        %add3A = arith.constant 1 : i32
        %add3A_43 = arith.addi %mul3A_37, %add3A : i32
        %dma_start3A_44 = arith.constant 0 : i32
        %dma_start3A_45 = tpu.memref_slice %arg11[%add3A_43, %dma_start3A_44] : memref<250x80xi32, #tpu.memory_space<vmem>> -> memref<1x80xi32, #tpu.memory_space<vmem>>
        %dma_start3A_46 = tpu.memref_squeeze %dma_start3A_45 : memref<1x80xi32, #tpu.memory_space<vmem>> -> memref<80xi32, #tpu.memory_space<vmem>>
        %dma_start3A_47 = arith.constant 0 : i32
        %dma_start3A_48 = arith.constant 0 : i32
        %dma_start3A_49 = tpu.memref_slice %arg3[%dma_start3A_47, %dma_start3A_48] : memref<10000x64xf32, #tpu.memory_space<hbm>> -> memref<10000x64xf32, #tpu.memory_space<hbm>>
        tpu.enqueue_indirect_dma source(%dma_start3A_49 : memref<10000x64xf32, #tpu.memory_space<hbm>>) target(%arg14 : memref<80x64xf32, #tpu.memory_space<vmem>>) offsets(%dma_start3A_46 : memref<80xi32, #tpu.memory_space<vmem>>) semaphore(%arg17 : memref<!tpu.dma_semaphore, #tpu.memory_space<semaphore_mem>>)
        "tpu.region"() ({
          %run_scoped3A = tpu.sem_alloc : memref<!tpu.dma_semaphore, #tpu.memory_space<semaphore_mem>>
          %dma_start3A_62 = arith.constant 0 : i32
          %dma_start3A_63 = tpu.memref_slice %arg12[%mul3A_37, %dma_start3A_62] : memref<250x80xi32, #tpu.memory_space<vmem>> -> memref<1x80xi32, #tpu.memory_space<vmem>>
          %dma_start3A_64 = tpu.memref_squeeze %dma_start3A_63 : memref<1x80xi32, #tpu.memory_space<vmem>> -> memref<80xi32, #tpu.memory_space<vmem>>
          %dma_start3A_65 = arith.constant 0 : i32
          %dma_start3A_66 = arith.constant 0 : i32
          %dma_start3A_67 = tpu.memref_slice %arg15[%dma_start3A_65, %dma_start3A_66] : memref<10000x64xf32, #tpu.memory_space<vmem_shared>> -> memref<10000x64xf32, #tpu.memory_space<vmem_shared>>
          tpu.enqueue_indirect_dma source(%arg13 : memref<80x64xf32, #tpu.memory_space<vmem>>) target(%dma_start3A_67 : memref<10000x64xf32, #tpu.memory_space<vmem_shared>>) offsets(%dma_start3A_64 : memref<80xi32, #tpu.memory_space<vmem>>) semaphore(%run_scoped3A : memref<!tpu.dma_semaphore, #tpu.memory_space<semaphore_mem>>) {add = true}
          %dma_wait3A_68 = arith.constant 0 : i32
          %dma_wait3A_69 = tpu.memref_slice %arg12[%mul3A_37, %dma_wait3A_68] : memref<250x80xi32, #tpu.memory_space<vmem>> -> memref<1x80xi32, #tpu.memory_space<vmem>>
          %dma_wait3A_70 = tpu.memref_squeeze %dma_wait3A_69 : memref<1x80xi32, #tpu.memory_space<vmem>> -> memref<80xi32, #tpu.memory_space<vmem>>
          %dma_wait3A_71 = arith.constant 0 : i32
          %dma_wait3A_72 = arith.constant 0 : i32
          %dma_wait3A_73 = tpu.memref_slice %arg15[%dma_wait3A_71, %dma_wait3A_72] : memref<10000x64xf32, #tpu.memory_space<vmem_shared>> -> memref<10000x64xf32, #tpu.memory_space<vmem_shared>>
          tpu.wait_indirect_dma semaphore(%run_scoped3A : memref<!tpu.dma_semaphore, #tpu.memory_space<semaphore_mem>>) src(%arg13 : memref<80x64xf32, #tpu.memory_space<vmem>>) dst(%dma_wait3A_73 : memref<10000x64xf32, #tpu.memory_space<vmem_shared>>)
          tpu.yield
        }) : () -> ()
        %lt3A = arith.constant 124 : i32
        %lt3A_50 = arith.cmpi slt, %scan3A_35, %lt3A : i32
        %convert_element_type3A_51 = arith.extui %lt3A_50 : i1 to i32
        %cond3A_52 = arith.constant 0 : i32
        %cond3A_53 = arith.cmpi ne, %convert_element_type3A_51, %cond3A_52 : i32
        scf.if %cond3A_53 {
          %add3A_62 = arith.constant 2 : i32
          %add3A_63 = arith.addi %mul3A_37, %add3A_62 : i32
          %dma_start3A_64 = arith.constant 0 : i32
          %dma_start3A_65 = tpu.memref_slice %arg11[%add3A_63, %dma_start3A_64] : memref<250x80xi32, #tpu.memory_space<vmem>> -> memref<1x80xi32, #tpu.memory_space<vmem>>
          %dma_start3A_66 = tpu.memref_squeeze %dma_start3A_65 : memref<1x80xi32, #tpu.memory_space<vmem>> -> memref<80xi32, #tpu.memory_space<vmem>>
          %dma_start3A_67 = arith.constant 0 : i32
          %dma_start3A_68 = arith.constant 0 : i32
          %dma_start3A_69 = tpu.memref_slice %arg3[%dma_start3A_67, %dma_start3A_68] : memref<10000x64xf32, #tpu.memory_space<hbm>> -> memref<10000x64xf32, #tpu.memory_space<hbm>>
          tpu.enqueue_indirect_dma source(%dma_start3A_69 : memref<10000x64xf32, #tpu.memory_space<hbm>>) target(%arg13 : memref<80x64xf32, #tpu.memory_space<vmem>>) offsets(%dma_start3A_66 : memref<80xi32, #tpu.memory_space<vmem>>) semaphore(%arg16 : memref<!tpu.dma_semaphore, #tpu.memory_space<semaphore_mem>>)
        } else {
        }
        %dma_wait3A_54 = arith.constant 0 : i32
        %dma_wait3A_55 = arith.constant 0 : i32
        %dma_wait3A_56 = tpu.memref_slice %arg8[%dma_wait3A_54, %dma_wait3A_55] : memref<10000x64xf32, #tpu.memory_space<hbm>> -> memref<80x64xf32, #tpu.memory_space<hbm>>
        %dma_wait3A_57 = arith.constant 0 : i32
        %dma_wait3A_58 = arith.constant 0 : i32
        %dma_wait3A_59 = tpu.memref_slice %arg8[%dma_wait3A_57, %dma_wait3A_58] : memref<10000x64xf32, #tpu.memory_space<hbm>> -> memref<80x64xf32, #tpu.memory_space<hbm>>
        tpu.wait_dma2 semaphore(%arg17 : memref<!tpu.dma_semaphore, #tpu.memory_space<semaphore_mem>>) src(%dma_wait3A_59 : memref<80x64xf32, #tpu.memory_space<hbm>>) dst(%arg14 : memref<80x64xf32, #tpu.memory_space<vmem>>)
        %add3A_60 = arith.constant 1 : i32
        %add3A_61 = arith.addi %mul3A_37, %add3A_60 : i32
        "tpu.region"() ({
          %run_scoped3A = tpu.sem_alloc : memref<!tpu.dma_semaphore, #tpu.memory_space<semaphore_mem>>
          %dma_start3A_62 = arith.constant 0 : i32
          %dma_start3A_63 = tpu.memref_slice %arg12[%add3A_61, %dma_start3A_62] : memref<250x80xi32, #tpu.memory_space<vmem>> -> memref<1x80xi32, #tpu.memory_space<vmem>>
          %dma_start3A_64 = tpu.memref_squeeze %dma_start3A_63 : memref<1x80xi32, #tpu.memory_space<vmem>> -> memref<80xi32, #tpu.memory_space<vmem>>
          %dma_start3A_65 = arith.constant 0 : i32
          %dma_start3A_66 = arith.constant 0 : i32
          %dma_start3A_67 = tpu.memref_slice %arg15[%dma_start3A_65, %dma_start3A_66] : memref<10000x64xf32, #tpu.memory_space<vmem_shared>> -> memref<10000x64xf32, #tpu.memory_space<vmem_shared>>
          tpu.enqueue_indirect_dma source(%arg14 : memref<80x64xf32, #tpu.memory_space<vmem>>) target(%dma_start3A_67 : memref<10000x64xf32, #tpu.memory_space<vmem_shared>>) offsets(%dma_start3A_64 : memref<80xi32, #tpu.memory_space<vmem>>) semaphore(%run_scoped3A : memref<!tpu.dma_semaphore, #tpu.memory_space<semaphore_mem>>) {add = true}
          %dma_wait3A_68 = arith.constant 0 : i32
          %dma_wait3A_69 = tpu.memref_slice %arg12[%add3A_61, %dma_wait3A_68] : memref<250x80xi32, #tpu.memory_space<vmem>> -> memref<1x80xi32, #tpu.memory_space<vmem>>
          %dma_wait3A_70 = tpu.memref_squeeze %dma_wait3A_69 : memref<1x80xi32, #tpu.memory_space<vmem>> -> memref<80xi32, #tpu.memory_space<vmem>>
          %dma_wait3A_71 = arith.constant 0 : i32
          %dma_wait3A_72 = arith.constant 0 : i32
          %dma_wait3A_73 = tpu.memref_slice %arg15[%dma_wait3A_71, %dma_wait3A_72] : memref<10000x64xf32, #tpu.memory_space<vmem_shared>> -> memref<10000x64xf32, #tpu.memory_space<vmem_shared>>
          tpu.wait_indirect_dma semaphore(%run_scoped3A : memref<!tpu.dma_semaphore, #tpu.memory_space<semaphore_mem>>) src(%arg14 : memref<80x64xf32, #tpu.memory_space<vmem>>) dst(%dma_wait3A_73 : memref<10000x64xf32, #tpu.memory_space<vmem_shared>>)
          tpu.yield
        }) : () -> ()
      }
      %scan3A_34 = arith.constant 125 : i32
    } else {
    }
    %barrier3A_12 = arith.constant 0 : index
    tpu.barrier barrier_id(%barrier3A_12)
    %eq3A_13 = arith.constant 0 : i32
    %eq3A_14 = arith.cmpi eq, %arg0, %eq3A_13 : i32
    %convert_element_type3A_15 = arith.extui %eq3A_14 : i1 to i32
    %cond3A_16 = arith.constant 0 : i32
    %cond3A_17 = arith.cmpi ne, %convert_element_type3A_15, %cond3A_16 : i32
    scf.if %cond3A_17 {
      %mul3A_23 = arith.constant 624 : i32
      %mul3A_24 = arith.muli %arg1, %mul3A_23 : i32
      "tpu.region"() ({
        %run_scoped3A = tpu.sem_alloc : memref<!tpu.dma_semaphore, #tpu.memory_space<semaphore_mem>>
        %dma_start3A = arith.constant 0 : i32
        %dma_start3A_30 = tpu.memref_slice %arg9[%mul3A_24, %dma_start3A] : memref<10000x64xf32, #tpu.memory_space<hbm>> -> memref<624x64xf32, #tpu.memory_space<hbm>>
        %dma_start3A_31 = arith.constant 0 : i32
        %dma_start3A_32 = tpu.memref_slice %arg15[%mul3A_24, %dma_start3A_31] : memref<10000x64xf32, #tpu.memory_space<vmem_shared>> -> memref<624x64xf32, #tpu.memory_space<vmem_shared>>
        tpu.enqueue_dma source(%dma_start3A_32 : memref<624x64xf32, #tpu.memory_space<vmem_shared>>) target(%dma_start3A_30 : memref<624x64xf32, #tpu.memory_space<hbm>>) target_semaphore(%run_scoped3A : memref<!tpu.dma_semaphore, #tpu.memory_space<semaphore_mem>>)
        %dma_wait3A = arith.constant 0 : i32
        %dma_wait3A_33 = tpu.memref_slice %arg9[%mul3A_24, %dma_wait3A] : memref<10000x64xf32, #tpu.memory_space<hbm>> -> memref<624x64xf32, #tpu.memory_space<hbm>>
        %dma_wait3A_34 = arith.constant 0 : i32
        %dma_wait3A_35 = tpu.memref_slice %arg15[%mul3A_24, %dma_wait3A_34] : memref<10000x64xf32, #tpu.memory_space<vmem_shared>> -> memref<624x64xf32, #tpu.memory_space<vmem_shared>>
        tpu.wait_dma2 semaphore(%run_scoped3A : memref<!tpu.dma_semaphore, #tpu.memory_space<semaphore_mem>>) src(%dma_wait3A_35 : memref<624x64xf32, #tpu.memory_space<vmem_shared>>) dst(%dma_wait3A_33 : memref<624x64xf32, #tpu.memory_space<hbm>>)
        tpu.yield
      }) : () -> ()
      %eq3A_25 = arith.constant 15 : i32
      %eq3A_26 = arith.cmpi eq, %arg1, %eq3A_25 : i32
      %convert_element_type3A_27 = arith.extui %eq3A_26 : i1 to i32
      %cond3A_28 = arith.constant 0 : i32
      %cond3A_29 = arith.cmpi ne, %convert_element_type3A_27, %cond3A_28 : i32
      scf.if %cond3A_29 {
        "tpu.region"() ({
          %run_scoped3A = tpu.sem_alloc : memref<!tpu.dma_semaphore, #tpu.memory_space<semaphore_mem>>
          %dma_start3A = arith.constant 9984 : i32
          %dma_start3A_30 = arith.constant 0 : i32
          %dma_start3A_31 = tpu.memref_slice %arg9[%dma_start3A, %dma_start3A_30] : memref<10000x64xf32, #tpu.memory_space<hbm>> -> memref<16x64xf32, #tpu.memory_space<hbm>>
          %dma_start3A_32 = arith.constant 9984 : i32
          %dma_start3A_33 = arith.constant 0 : i32
          %dma_start3A_34 = tpu.memref_slice %arg15[%dma_start3A_32, %dma_start3A_33] : memref<10000x64xf32, #tpu.memory_space<vmem_shared>> -> memref<16x64xf32, #tpu.memory_space<vmem_shared>>
          tpu.enqueue_dma source(%dma_start3A_34 : memref<16x64xf32, #tpu.memory_space<vmem_shared>>) target(%dma_start3A_31 : memref<16x64xf32, #tpu.memory_space<hbm>>) target_semaphore(%run_scoped3A : memref<!tpu.dma_semaphore, #tpu.memory_space<semaphore_mem>>)
          %dma_wait3A = arith.constant 9984 : i32
          %dma_wait3A_35 = arith.constant 0 : i32
          %dma_wait3A_36 = tpu.memref_slice %arg9[%dma_wait3A, %dma_wait3A_35] : memref<10000x64xf32, #tpu.memory_space<hbm>> -> memref<16x64xf32, #tpu.memory_space<hbm>>
          %dma_wait3A_37 = arith.constant 9984 : i32
          %dma_wait3A_38 = arith.constant 0 : i32
          %dma_wait3A_39 = tpu.memref_slice %arg15[%dma_wait3A_37, %dma_wait3A_38] : memref<10000x64xf32, #tpu.memory_space<vmem_shared>> -> memref<16x64xf32, #tpu.memory_space<vmem_shared>>
          tpu.wait_dma2 semaphore(%run_scoped3A : memref<!tpu.dma_semaphore, #tpu.memory_space<semaphore_mem>>) src(%dma_wait3A_39 : memref<16x64xf32, #tpu.memory_space<vmem_shared>>) dst(%dma_wait3A_36 : memref<16x64xf32, #tpu.memory_space<hbm>>)
          tpu.yield
        }) : () -> ()
      } else {
      }
    } else {
    }
    %ne3A_18 = arith.constant 0 : i32
    %ne3A_19 = arith.cmpi ne, %arg0, %ne3A_18 : i32
    %convert_element_type3A_20 = arith.extui %ne3A_19 : i1 to i32
    %cond3A_21 = arith.constant 0 : i32
    %cond3A_22 = arith.cmpi ne, %convert_element_type3A_20, %cond3A_21 : i32
    scf.if %cond3A_22 {
      %mul3A_23 = arith.constant 624 : i32
      %mul3A_24 = arith.muli %arg1, %mul3A_23 : i32
      "tpu.region"() ({
        %run_scoped3A = tpu.sem_alloc : memref<!tpu.dma_semaphore, #tpu.memory_space<semaphore_mem>>
        %dma_start3A = arith.constant 0 : i32
        %dma_start3A_30 = tpu.memref_slice %arg10[%mul3A_24, %dma_start3A] : memref<10000x64xf32, #tpu.memory_space<hbm>> -> memref<624x64xf32, #tpu.memory_space<hbm>>
        %dma_start3A_31 = arith.constant 0 : i32
        %dma_start3A_32 = tpu.memref_slice %arg15[%mul3A_24, %dma_start3A_31] : memref<10000x64xf32, #tpu.memory_space<vmem_shared>> -> memref<624x64xf32, #tpu.memory_space<vmem_shared>>
        tpu.enqueue_dma source(%dma_start3A_32 : memref<624x64xf32, #tpu.memory_space<vmem_shared>>) target(%dma_start3A_30 : memref<624x64xf32, #tpu.memory_space<hbm>>) target_semaphore(%run_scoped3A : memref<!tpu.dma_semaphore, #tpu.memory_space<semaphore_mem>>)
        %dma_wait3A = arith.constant 0 : i32
        %dma_wait3A_33 = tpu.memref_slice %arg10[%mul3A_24, %dma_wait3A] : memref<10000x64xf32, #tpu.memory_space<hbm>> -> memref<624x64xf32, #tpu.memory_space<hbm>>
        %dma_wait3A_34 = arith.constant 0 : i32
        %dma_wait3A_35 = tpu.memref_slice %arg15[%mul3A_24, %dma_wait3A_34] : memref<10000x64xf32, #tpu.memory_space<vmem_shared>> -> memref<624x64xf32, #tpu.memory_space<vmem_shared>>
        tpu.wait_dma2 semaphore(%run_scoped3A : memref<!tpu.dma_semaphore, #tpu.memory_space<semaphore_mem>>) src(%dma_wait3A_35 : memref<624x64xf32, #tpu.memory_space<vmem_shared>>) dst(%dma_wait3A_33 : memref<624x64xf32, #tpu.memory_space<hbm>>)
        tpu.yield
      }) : () -> ()
      %eq3A_25 = arith.constant 15 : i32
      %eq3A_26 = arith.cmpi eq, %arg1, %eq3A_25 : i32
      %convert_element_type3A_27 = arith.extui %eq3A_26 : i1 to i32
      %cond3A_28 = arith.constant 0 : i32
      %cond3A_29 = arith.cmpi ne, %convert_element_type3A_27, %cond3A_28 : i32
      scf.if %cond3A_29 {
        "tpu.region"() ({
          %run_scoped3A = tpu.sem_alloc : memref<!tpu.dma_semaphore, #tpu.memory_space<semaphore_mem>>
          %dma_start3A = arith.constant 9984 : i32
          %dma_start3A_30 = arith.constant 0 : i32
          %dma_start3A_31 = tpu.memref_slice %arg10[%dma_start3A, %dma_start3A_30] : memref<10000x64xf32, #tpu.memory_space<hbm>> -> memref<16x64xf32, #tpu.memory_space<hbm>>
          %dma_start3A_32 = arith.constant 9984 : i32
          %dma_start3A_33 = arith.constant 0 : i32
          %dma_start3A_34 = tpu.memref_slice %arg15[%dma_start3A_32, %dma_start3A_33] : memref<10000x64xf32, #tpu.memory_space<vmem_shared>> -> memref<16x64xf32, #tpu.memory_space<vmem_shared>>
          tpu.enqueue_dma source(%dma_start3A_34 : memref<16x64xf32, #tpu.memory_space<vmem_shared>>) target(%dma_start3A_31 : memref<16x64xf32, #tpu.memory_space<hbm>>) target_semaphore(%run_scoped3A : memref<!tpu.dma_semaphore, #tpu.memory_space<semaphore_mem>>)
          %dma_wait3A = arith.constant 9984 : i32
          %dma_wait3A_35 = arith.constant 0 : i32
          %dma_wait3A_36 = tpu.memref_slice %arg10[%dma_wait3A, %dma_wait3A_35] : memref<10000x64xf32, #tpu.memory_space<hbm>> -> memref<16x64xf32, #tpu.memory_space<hbm>>
          %dma_wait3A_37 = arith.constant 9984 : i32
          %dma_wait3A_38 = arith.constant 0 : i32
          %dma_wait3A_39 = tpu.memref_slice %arg15[%dma_wait3A_37, %dma_wait3A_38] : memref<10000x64xf32, #tpu.memory_space<vmem_shared>> -> memref<16x64xf32, #tpu.memory_space<vmem_shared>>
          tpu.wait_dma2 semaphore(%run_scoped3A : memref<!tpu.dma_semaphore, #tpu.memory_space<semaphore_mem>>) src(%dma_wait3A_39 : memref<16x64xf32, #tpu.memory_space<vmem_shared>>) dst(%dma_wait3A_36 : memref<16x64xf32, #tpu.memory_space<hbm>>)
          tpu.yield
        }) : () -> ()
      } else {
      }
    } else {
    }
    return
  }
}

module attributes {stable_mosaic.version = 14 : i64} {
  func.func @_hidden_tc_body(%arg0: i32, %arg1: memref<1000x64xf32, #tpu.memory_space<vmem>>, %arg2: memref<1000x64xf32, #tpu.memory_space<vmem>>, %arg3: memref<1000x1xf32, #tpu.memory_space<vmem>>, %arg4: memref<1000x128xf32, #tpu.memory_space<vmem>>, %arg5: memref<1000x64xf32, #tpu.memory_space<vmem>>, %arg6: memref<1000x64xf32, #tpu.memory_space<vmem>>, %arg7: memref<1000x1xf32, #tpu.memory_space<vmem>>, %arg8: memref<1000x128xf32, #tpu.memory_space<vmem>>, %arg9: memref<128x128xf32, #tpu.memory_space<vmem>>, %arg10: memref<128x128xf32, #tpu.memory_space<vmem>>, %arg11: memref<1x128xf32, #tpu.memory_space<vmem>>, %arg12: memref<128x128xf32, #tpu.memory_space<vmem>>, %arg13: memref<128x128xf32, #tpu.memory_space<vmem>>, %arg14: memref<1x128xf32, #tpu.memory_space<vmem>>, %arg15: memref<64x128xf32, #tpu.memory_space<vmem>>, %arg16: memref<64x128xf32, #tpu.memory_space<vmem>>, %arg17: memref<64x128xf32, #tpu.memory_space<vmem>>, %arg18: memref<1x64xf32, #tpu.memory_space<vmem>>, %arg19: memref<64x128xf32, #tpu.memory_space<vmem>>, %arg20: memref<1x64xf32, #tpu.memory_space<vmem>>, %arg21: memref<1000x64xf32, #tpu.memory_space<vmem>>, %arg22: memref<1000x64xf32, #tpu.memory_space<vmem>>, %arg23: memref<1000x64xf32, #tpu.memory_space<vmem>>, %arg24: memref<1000x64xf32, #tpu.memory_space<vmem>>) attributes {dimension_semantics = [#tpu.dimension_semantics<arbitrary>], iteration_bounds = array<i64: 10>, scalar_prefetch = 0 : i64, scratch_operands = 0 : i64, tpu.core_type = #tpu.core_type<tc>, window_params = [{transform_indices = @transform_0, window_bounds = array<i64: 1000, 64>}, {transform_indices = @transform_1, window_bounds = array<i64: 1000, 64>}, {transform_indices = @transform_2, window_bounds = array<i64: 1000, 1>}, {transform_indices = @transform_3, window_bounds = array<i64: 1000, 128>}, {transform_indices = @transform_4, window_bounds = array<i64: 1000, 64>}, {transform_indices = @transform_5, window_bounds = array<i64: 1000, 64>}, {transform_indices = @transform_6, window_bounds = array<i64: 1000, 1>}, {transform_indices = @transform_7, window_bounds = array<i64: 1000, 128>}, {pipeline_mode = #tpu.pipeline_mode<synchronous>, transform_indices = @transform_8, window_bounds = array<i64: 128, 128>}, {pipeline_mode = #tpu.pipeline_mode<synchronous>, transform_indices = @transform_9, window_bounds = array<i64: 128, 128>}, {pipeline_mode = #tpu.pipeline_mode<synchronous>, transform_indices = @transform_10, window_bounds = array<i64: 1, 128>}, {pipeline_mode = #tpu.pipeline_mode<synchronous>, transform_indices = @transform_11, window_bounds = array<i64: 128, 128>}, {pipeline_mode = #tpu.pipeline_mode<synchronous>, transform_indices = @transform_12, window_bounds = array<i64: 128, 128>}, {pipeline_mode = #tpu.pipeline_mode<synchronous>, transform_indices = @transform_13, window_bounds = array<i64: 1, 128>}, {pipeline_mode = #tpu.pipeline_mode<synchronous>, transform_indices = @transform_14, window_bounds = array<i64: 64, 128>}, {pipeline_mode = #tpu.pipeline_mode<synchronous>, transform_indices = @transform_15, window_bounds = array<i64: 64, 128>}, {pipeline_mode = #tpu.pipeline_mode<synchronous>, transform_indices = @transform_16, window_bounds = array<i64: 64, 128>}, {pipeline_mode = #tpu.pipeline_mode<synchronous>, transform_indices = @transform_17, window_bounds = array<i64: 1, 64>}, {pipeline_mode = #tpu.pipeline_mode<synchronous>, transform_indices = @transform_18, window_bounds = array<i64: 64, 128>}, {pipeline_mode = #tpu.pipeline_mode<synchronous>, transform_indices = @transform_19, window_bounds = array<i64: 1, 64>}, {transform_indices = @transform_20, window_bounds = array<i64: 1000, 64>}, {transform_indices = @transform_21, window_bounds = array<i64: 1000, 64>}, {transform_indices = @transform_22, window_bounds = array<i64: 1000, 64>}, {transform_indices = @transform_23, window_bounds = array<i64: 1000, 64>}]} {
    %get3A = arith.constant 0 : index
    %get3A_0 = arith.constant 0 : index
    %get3A_1 = vector.load %arg3[%get3A, %get3A_0] : memref<1000x1xf32, #tpu.memory_space<vmem>>, vector<1000x1xf32>
    %max3A = arith.constant 1.000000e+00 : f32
    %max3A_2 = vector.broadcast %max3A : f32 to vector<1000x1xf32>
    %max3A_3 = arith.maximumf %get3A_1, %max3A_2 : vector<1000x1xf32>
    %div3A = arith.constant 1.000000e+00 : f32
    %div3A_4 = vector.broadcast %div3A : f32 to vector<1000x1xf32>
    %div3A_5 = arith.divf %div3A_4, %max3A_3 : vector<1000x1xf32>
    %get3A_6 = arith.constant 0 : index
    %get3A_7 = arith.constant 0 : index
    %get3A_8 = vector.load %arg7[%get3A_6, %get3A_7] : memref<1000x1xf32, #tpu.memory_space<vmem>>, vector<1000x1xf32>
    %max3A_9 = arith.constant 1.000000e+00 : f32
    %max3A_10 = vector.broadcast %max3A_9 : f32 to vector<1000x1xf32>
    %max3A_11 = arith.maximumf %get3A_8, %max3A_10 : vector<1000x1xf32>
    %div3A_12 = arith.constant 1.000000e+00 : f32
    %div3A_13 = vector.broadcast %div3A_12 : f32 to vector<1000x1xf32>
    %div3A_14 = arith.divf %div3A_13, %max3A_11 : vector<1000x1xf32>
    %get3A_15 = arith.constant 0 : index
    %get3A_16 = arith.constant 0 : index
    %get3A_17 = vector.load %arg1[%get3A_15, %get3A_16] : memref<1000x64xf32, #tpu.memory_space<vmem>>, vector<1000x64xf32>
    %get3A_18 = arith.constant 0 : index
    %get3A_19 = arith.constant 0 : index
    %get3A_20 = vector.load %arg2[%get3A_18, %get3A_19] : memref<1000x64xf32, #tpu.memory_space<vmem>>, vector<1000x64xf32>
    %concatenate3A = tpu.concatenate %get3A_17, %get3A_20 in 1 : vector<1000x64xf32>, vector<1000x64xf32> -> vector<1000x128xf32>
    %get3A_21 = arith.constant 0 : index
    %get3A_22 = arith.constant 0 : index
    %get3A_23 = vector.load %arg5[%get3A_21, %get3A_22] : memref<1000x64xf32, #tpu.memory_space<vmem>>, vector<1000x64xf32>
    %get3A_24 = arith.constant 0 : index
    %get3A_25 = arith.constant 0 : index
    %get3A_26 = vector.load %arg6[%get3A_24, %get3A_25] : memref<1000x64xf32, #tpu.memory_space<vmem>>, vector<1000x64xf32>
    %concatenate3A_27 = tpu.concatenate %get3A_23, %get3A_26 in 1 : vector<1000x64xf32>, vector<1000x64xf32> -> vector<1000x128xf32>
    %mul3A = vector.broadcast %div3A_5 : vector<1000x1xf32> to vector<1000x128xf32>
    %mul3A_28 = arith.mulf %concatenate3A, %mul3A : vector<1000x128xf32>
    %get3A_29 = arith.constant 0 : index
    %get3A_30 = arith.constant 0 : index
    %get3A_31 = vector.load %arg9[%get3A_29, %get3A_30] : memref<128x128xf32, #tpu.memory_space<vmem>>, vector<128x128xf32>
    %dot_general3A = arith.constant dense<0.000000e+00> : vector<1000x128xf32>
    %dot_general3A_32 = tpu.matmul %mul3A_28, %get3A_31, %dot_general3A {dimension_numbers = #tpu.dot_dimension_numbers<[1], [1], [0], [0], [0, 0, 1, 0], [], []>, transpose_lhs_hint = false} : vector<1000x128xf32>, vector<128x128xf32>, vector<1000x128xf32> -> vector<1000x128xf32>
    %get3A_33 = arith.constant 0 : index
    %get3A_34 = arith.constant 0 : index
    %get3A_35 = vector.load %arg4[%get3A_33, %get3A_34] : memref<1000x128xf32, #tpu.memory_space<vmem>>, vector<1000x128xf32>
    %get3A_36 = arith.constant 0 : index
    %get3A_37 = arith.constant 0 : index
    %get3A_38 = vector.load %arg10[%get3A_36, %get3A_37] : memref<128x128xf32, #tpu.memory_space<vmem>>, vector<128x128xf32>
    %dot_general3A_39 = arith.constant dense<0.000000e+00> : vector<1000x128xf32>
    %dot_general3A_40 = tpu.matmul %get3A_35, %get3A_38, %dot_general3A_39 {dimension_numbers = #tpu.dot_dimension_numbers<[1], [1], [0], [0], [0, 0, 1, 0], [], []>, transpose_lhs_hint = false} : vector<1000x128xf32>, vector<128x128xf32>, vector<1000x128xf32> -> vector<1000x128xf32>
    %add3A = arith.addf %dot_general3A_32, %dot_general3A_40 : vector<1000x128xf32>
    %get3A_41 = arith.constant 0 : index
    %get3A_42 = arith.constant 0 : index
    %get3A_43 = vector.load %arg11[%get3A_41, %get3A_42] : memref<1x128xf32, #tpu.memory_space<vmem>>, vector<1x128xf32>
    %add3A_44 = vector.broadcast %get3A_43 : vector<1x128xf32> to vector<1000x128xf32>
    %add3A_45 = arith.addf %add3A, %add3A_44 : vector<1000x128xf32>
    %max3A_46 = arith.constant 0.000000e+00 : f32
    %max3A_47 = vector.broadcast %max3A_46 : f32 to vector<1000x128xf32>
    %max3A_48 = arith.maximumf %add3A_45, %max3A_47 : vector<1000x128xf32>
    %mul3A_49 = vector.broadcast %div3A_14 : vector<1000x1xf32> to vector<1000x128xf32>
    %mul3A_50 = arith.mulf %concatenate3A_27, %mul3A_49 : vector<1000x128xf32>
    %get3A_51 = arith.constant 0 : index
    %get3A_52 = arith.constant 0 : index
    %get3A_53 = vector.load %arg12[%get3A_51, %get3A_52] : memref<128x128xf32, #tpu.memory_space<vmem>>, vector<128x128xf32>
    %dot_general3A_54 = arith.constant dense<0.000000e+00> : vector<1000x128xf32>
    %dot_general3A_55 = tpu.matmul %mul3A_50, %get3A_53, %dot_general3A_54 {dimension_numbers = #tpu.dot_dimension_numbers<[1], [1], [0], [0], [0, 0, 1, 0], [], []>, transpose_lhs_hint = false} : vector<1000x128xf32>, vector<128x128xf32>, vector<1000x128xf32> -> vector<1000x128xf32>
    %get3A_56 = arith.constant 0 : index
    %get3A_57 = arith.constant 0 : index
    %get3A_58 = vector.load %arg8[%get3A_56, %get3A_57] : memref<1000x128xf32, #tpu.memory_space<vmem>>, vector<1000x128xf32>
    %get3A_59 = arith.constant 0 : index
    %get3A_60 = arith.constant 0 : index
    %get3A_61 = vector.load %arg13[%get3A_59, %get3A_60] : memref<128x128xf32, #tpu.memory_space<vmem>>, vector<128x128xf32>
    %dot_general3A_62 = arith.constant dense<0.000000e+00> : vector<1000x128xf32>
    %dot_general3A_63 = tpu.matmul %get3A_58, %get3A_61, %dot_general3A_62 {dimension_numbers = #tpu.dot_dimension_numbers<[1], [1], [0], [0], [0, 0, 1, 0], [], []>, transpose_lhs_hint = false} : vector<1000x128xf32>, vector<128x128xf32>, vector<1000x128xf32> -> vector<1000x128xf32>
    %add3A_64 = arith.addf %dot_general3A_55, %dot_general3A_63 : vector<1000x128xf32>
    %get3A_65 = arith.constant 0 : index
    %get3A_66 = arith.constant 0 : index
    %get3A_67 = vector.load %arg14[%get3A_65, %get3A_66] : memref<1x128xf32, #tpu.memory_space<vmem>>, vector<1x128xf32>
    %add3A_68 = vector.broadcast %get3A_67 : vector<1x128xf32> to vector<1000x128xf32>
    %add3A_69 = arith.addf %add3A_64, %add3A_68 : vector<1000x128xf32>
    %max3A_70 = arith.constant 0.000000e+00 : f32
    %max3A_71 = vector.broadcast %max3A_70 : f32 to vector<1000x128xf32>
    %max3A_72 = arith.maximumf %add3A_69, %max3A_71 : vector<1000x128xf32>
    %get3A_73 = arith.constant 0 : index
    %get3A_74 = arith.constant 0 : index
    %get3A_75 = vector.load %arg15[%get3A_73, %get3A_74] : memref<64x128xf32, #tpu.memory_space<vmem>>, vector<64x128xf32>
    %dot_general3A_76 = arith.constant dense<0.000000e+00> : vector<1000x64xf32>
    %dot_general3A_77 = tpu.matmul %max3A_72, %get3A_75, %dot_general3A_76 {dimension_numbers = #tpu.dot_dimension_numbers<[1], [1], [0], [0], [0, 0, 1, 0], [], []>, transpose_lhs_hint = false} : vector<1000x128xf32>, vector<64x128xf32>, vector<1000x64xf32> -> vector<1000x64xf32>
    %swap3A = arith.constant 0 : index
    %swap3A_78 = arith.constant 0 : index
    %swap3A_79 = vector.load %arg21[%swap3A, %swap3A_78] : memref<1000x64xf32, #tpu.memory_space<vmem>>, vector<1000x64xf32>
    tpu.vector_store %arg21[%swap3A, %swap3A_78], %dot_general3A_77 {strides = array<i32>} : memref<1000x64xf32, #tpu.memory_space<vmem>>, vector<1000x64xf32>,
    %get3A_80 = arith.constant 0 : index
    %get3A_81 = arith.constant 0 : index
    %get3A_82 = vector.load %arg16[%get3A_80, %get3A_81] : memref<64x128xf32, #tpu.memory_space<vmem>>, vector<64x128xf32>
    %dot_general3A_83 = arith.constant dense<0.000000e+00> : vector<1000x64xf32>
    %dot_general3A_84 = tpu.matmul %max3A_48, %get3A_82, %dot_general3A_83 {dimension_numbers = #tpu.dot_dimension_numbers<[1], [1], [0], [0], [0, 0, 1, 0], [], []>, transpose_lhs_hint = false} : vector<1000x128xf32>, vector<64x128xf32>, vector<1000x64xf32> -> vector<1000x64xf32>
    %swap3A_85 = arith.constant 0 : index
    %swap3A_86 = arith.constant 0 : index
    %swap3A_87 = vector.load %arg22[%swap3A_85, %swap3A_86] : memref<1000x64xf32, #tpu.memory_space<vmem>>, vector<1000x64xf32>
    tpu.vector_store %arg22[%swap3A_85, %swap3A_86], %dot_general3A_84 {strides = array<i32>} : memref<1000x64xf32, #tpu.memory_space<vmem>>, vector<1000x64xf32>,
    %get3A_88 = arith.constant 0 : index
    %get3A_89 = arith.constant 0 : index
    %get3A_90 = vector.load %arg17[%get3A_88, %get3A_89] : memref<64x128xf32, #tpu.memory_space<vmem>>, vector<64x128xf32>
    %dot_general3A_91 = arith.constant dense<0.000000e+00> : vector<1000x64xf32>
    %dot_general3A_92 = tpu.matmul %max3A_48, %get3A_90, %dot_general3A_91 {dimension_numbers = #tpu.dot_dimension_numbers<[1], [1], [0], [0], [0, 0, 1, 0], [], []>, transpose_lhs_hint = false} : vector<1000x128xf32>, vector<64x128xf32>, vector<1000x64xf32> -> vector<1000x64xf32>
    %get3A_93 = arith.constant 0 : index
    %get3A_94 = arith.constant 0 : index
    %get3A_95 = vector.load %arg18[%get3A_93, %get3A_94] : memref<1x64xf32, #tpu.memory_space<vmem>>, vector<1x64xf32>
    %add3A_96 = vector.broadcast %get3A_95 : vector<1x64xf32> to vector<1000x64xf32>
    %add3A_97 = arith.addf %dot_general3A_92, %add3A_96 : vector<1000x64xf32>
    %swap3A_98 = arith.constant 0 : index
    %swap3A_99 = arith.constant 0 : index
    %swap3A_100 = vector.load %arg23[%swap3A_98, %swap3A_99] : memref<1000x64xf32, #tpu.memory_space<vmem>>, vector<1000x64xf32>
    tpu.vector_store %arg23[%swap3A_98, %swap3A_99], %add3A_97 {strides = array<i32>} : memref<1000x64xf32, #tpu.memory_space<vmem>>, vector<1000x64xf32>,
    %get3A_101 = arith.constant 0 : index
    %get3A_102 = arith.constant 0 : index
    %get3A_103 = vector.load %arg19[%get3A_101, %get3A_102] : memref<64x128xf32, #tpu.memory_space<vmem>>, vector<64x128xf32>
    %dot_general3A_104 = arith.constant dense<0.000000e+00> : vector<1000x64xf32>
    %dot_general3A_105 = tpu.matmul %max3A_72, %get3A_103, %dot_general3A_104 {dimension_numbers = #tpu.dot_dimension_numbers<[1], [1], [0], [0], [0, 0, 1, 0], [], []>, transpose_lhs_hint = false} : vector<1000x128xf32>, vector<64x128xf32>, vector<1000x64xf32> -> vector<1000x64xf32>
    %get3A_106 = arith.constant 0 : index
    %get3A_107 = arith.constant 0 : index
    %get3A_108 = vector.load %arg20[%get3A_106, %get3A_107] : memref<1x64xf32, #tpu.memory_space<vmem>>, vector<1x64xf32>
    %add3A_109 = vector.broadcast %get3A_108 : vector<1x64xf32> to vector<1000x64xf32>
    %add3A_110 = arith.addf %dot_general3A_105, %add3A_109 : vector<1000x64xf32>
    %swap3A_111 = arith.constant 0 : index
    %swap3A_112 = arith.constant 0 : index
    %swap3A_113 = vector.load %arg24[%swap3A_111, %swap3A_112] : memref<1000x64xf32, #tpu.memory_space<vmem>>, vector<1000x64xf32>
    tpu.vector_store %arg24[%swap3A_111, %swap3A_112], %add3A_110 {strides = array<i32>} : memref<1000x64xf32, #tpu.memory_space<vmem>>, vector<1000x64xf32>,
    return
  }
  func.func @transform_0(%arg0: i32) -> (i32, i32) {
    %c0_i32 = arith.constant 0 : i32
    %c0_i32_0 = arith.constant 0 : i32
    return %arg0, %c0_i32 : i32, i32
  }
  func.func @transform_1(%arg0: i32) -> (i32, i32) {
    %c0_i32 = arith.constant 0 : i32
    %c0_i32_0 = arith.constant 0 : i32
    return %arg0, %c0_i32 : i32, i32
  }
  func.func @transform_2(%arg0: i32) -> (i32, i32) {
    %c0_i32 = arith.constant 0 : i32
    %c0_i32_0 = arith.constant 0 : i32
    return %arg0, %c0_i32 : i32, i32
  }
  func.func @transform_3(%arg0: i32) -> (i32, i32) {
    %c0_i32 = arith.constant 0 : i32
    %c0_i32_0 = arith.constant 0 : i32
    return %arg0, %c0_i32 : i32, i32
  }
  func.func @transform_4(%arg0: i32) -> (i32, i32) {
    %c0_i32 = arith.constant 0 : i32
    %c0_i32_0 = arith.constant 0 : i32
    return %arg0, %c0_i32 : i32, i32
  }
  func.func @transform_5(%arg0: i32) -> (i32, i32) {
    %c0_i32 = arith.constant 0 : i32
    %c0_i32_0 = arith.constant 0 : i32
    return %arg0, %c0_i32 : i32, i32
  }
  func.func @transform_6(%arg0: i32) -> (i32, i32) {
    %c0_i32 = arith.constant 0 : i32
    %c0_i32_0 = arith.constant 0 : i32
    return %arg0, %c0_i32 : i32, i32
  }
  func.func @transform_7(%arg0: i32) -> (i32, i32) {
    %c0_i32 = arith.constant 0 : i32
    %c0_i32_0 = arith.constant 0 : i32
    return %arg0, %c0_i32 : i32, i32
  }
  func.func @transform_8(%arg0: i32) -> (i32, i32) {
    %c0_i32 = arith.constant 0 : i32
    %c0_i32_0 = arith.constant 0 : i32
    %c0_i32_1 = arith.constant 0 : i32
    return %c0_i32, %c0_i32_0 : i32, i32
  }
  func.func @transform_9(%arg0: i32) -> (i32, i32) {
    %c0_i32 = arith.constant 0 : i32
    %c0_i32_0 = arith.constant 0 : i32
    %c0_i32_1 = arith.constant 0 : i32
    return %c0_i32, %c0_i32_0 : i32, i32
  }
  func.func @transform_10(%arg0: i32) -> (i32, i32) {
    %c0_i32 = arith.constant 0 : i32
    %c0_i32_0 = arith.constant 0 : i32
    %c0_i32_1 = arith.constant 0 : i32
    return %c0_i32, %c0_i32_0 : i32, i32
  }
  func.func @transform_11(%arg0: i32) -> (i32, i32) {
    %c0_i32 = arith.constant 0 : i32
    %c0_i32_0 = arith.constant 0 : i32
    %c0_i32_1 = arith.constant 0 : i32
    return %c0_i32, %c0_i32_0 : i32, i32
  }
  func.func @transform_12(%arg0: i32) -> (i32, i32) {
    %c0_i32 = arith.constant 0 : i32
    %c0_i32_0 = arith.constant 0 : i32
    %c0_i32_1 = arith.constant 0 : i32
    return %c0_i32, %c0_i32_0 : i32, i32
  }
  func.func @transform_13(%arg0: i32) -> (i32, i32) {
    %c0_i32 = arith.constant 0 : i32
    %c0_i32_0 = arith.constant 0 : i32
    %c0_i32_1 = arith.constant 0 : i32
    return %c0_i32, %c0_i32_0 : i32, i32
  }
  func.func @transform_14(%arg0: i32) -> (i32, i32) {
    %c0_i32 = arith.constant 0 : i32
    %c0_i32_0 = arith.constant 0 : i32
    %c0_i32_1 = arith.constant 0 : i32
    return %c0_i32, %c0_i32_0 : i32, i32
  }
  func.func @transform_15(%arg0: i32) -> (i32, i32) {
    %c0_i32 = arith.constant 0 : i32
    %c0_i32_0 = arith.constant 0 : i32
    %c0_i32_1 = arith.constant 0 : i32
    return %c0_i32, %c0_i32_0 : i32, i32
  }
  func.func @transform_16(%arg0: i32) -> (i32, i32) {
    %c0_i32 = arith.constant 0 : i32
    %c0_i32_0 = arith.constant 0 : i32
    %c0_i32_1 = arith.constant 0 : i32
    return %c0_i32, %c0_i32_0 : i32, i32
  }
  func.func @transform_17(%arg0: i32) -> (i32, i32) {
    %c0_i32 = arith.constant 0 : i32
    %c0_i32_0 = arith.constant 0 : i32
    %c0_i32_1 = arith.constant 0 : i32
    return %c0_i32, %c0_i32_0 : i32, i32
  }
  func.func @transform_18(%arg0: i32) -> (i32, i32) {
    %c0_i32 = arith.constant 0 : i32
    %c0_i32_0 = arith.constant 0 : i32
    %c0_i32_1 = arith.constant 0 : i32
    return %c0_i32, %c0_i32_0 : i32, i32
  }
  func.func @transform_19(%arg0: i32) -> (i32, i32) {
    %c0_i32 = arith.constant 0 : i32
    %c0_i32_0 = arith.constant 0 : i32
    %c0_i32_1 = arith.constant 0 : i32
    return %c0_i32, %c0_i32_0 : i32, i32
  }
  func.func @transform_20(%arg0: i32) -> (i32, i32) {
    %c0_i32 = arith.constant 0 : i32
    %c0_i32_0 = arith.constant 0 : i32
    return %arg0, %c0_i32 : i32, i32
  }
  func.func @transform_21(%arg0: i32) -> (i32, i32) {
    %c0_i32 = arith.constant 0 : i32
    %c0_i32_0 = arith.constant 0 : i32
    return %arg0, %c0_i32 : i32, i32
  }
  func.func @transform_22(%arg0: i32) -> (i32, i32) {
    %c0_i32 = arith.constant 0 : i32
    %c0_i32_0 = arith.constant 0 : i32
    return %arg0, %c0_i32 : i32, i32
  }
  func.func @transform_23(%arg0: i32) -> (i32, i32) {
    %c0_i32 = arith.constant 0 : i32
    %c0_i32_0 = arith.constant 0 : i32
    return %arg0, %c0_i32 : i32, i32
  }
}

module attributes {stable_mosaic.version = 14 : i64} {
  func.func @_final_tc_body(%arg0: i32, %arg1: memref<1000x64xf32, #tpu.memory_space<vmem>>, %arg2: memref<1000x1xf32, #tpu.memory_space<vmem>>, %arg3: memref<1000x64xf32, #tpu.memory_space<vmem>>, %arg4: memref<1000x64xf32, #tpu.memory_space<vmem>>, %arg5: memref<1000x1xf32, #tpu.memory_space<vmem>>, %arg6: memref<1000x64xf32, #tpu.memory_space<vmem>>, %arg7: memref<1000x64xf32, #tpu.memory_space<vmem>>, %arg8: memref<1000x64xf32, #tpu.memory_space<vmem>>) attributes {dimension_semantics = [#tpu.dimension_semantics<arbitrary>], iteration_bounds = array<i64: 10>, scalar_prefetch = 0 : i64, scratch_operands = 0 : i64, tpu.core_type = #tpu.core_type<tc>, window_params = [{transform_indices = @transform_0, window_bounds = array<i64: 1000, 64>}, {transform_indices = @transform_1, window_bounds = array<i64: 1000, 1>}, {transform_indices = @transform_2, window_bounds = array<i64: 1000, 64>}, {transform_indices = @transform_3, window_bounds = array<i64: 1000, 64>}, {transform_indices = @transform_4, window_bounds = array<i64: 1000, 1>}, {transform_indices = @transform_5, window_bounds = array<i64: 1000, 64>}, {transform_indices = @transform_6, window_bounds = array<i64: 1000, 64>}, {transform_indices = @transform_7, window_bounds = array<i64: 1000, 64>}]} {
    %get3A = arith.constant 0 : index
    %get3A_0 = arith.constant 0 : index
    %get3A_1 = vector.load %arg2[%get3A, %get3A_0] : memref<1000x1xf32, #tpu.memory_space<vmem>>, vector<1000x1xf32>
    %max3A = arith.constant 1.000000e+00 : f32
    %max3A_2 = vector.broadcast %max3A : f32 to vector<1000x1xf32>
    %max3A_3 = arith.maximumf %get3A_1, %max3A_2 : vector<1000x1xf32>
    %div3A = arith.constant 1.000000e+00 : f32
    %div3A_4 = vector.broadcast %div3A : f32 to vector<1000x1xf32>
    %div3A_5 = arith.divf %div3A_4, %max3A_3 : vector<1000x1xf32>
    %get3A_6 = arith.constant 0 : index
    %get3A_7 = arith.constant 0 : index
    %get3A_8 = vector.load %arg5[%get3A_6, %get3A_7] : memref<1000x1xf32, #tpu.memory_space<vmem>>, vector<1000x1xf32>
    %max3A_9 = arith.constant 1.000000e+00 : f32
    %max3A_10 = vector.broadcast %max3A_9 : f32 to vector<1000x1xf32>
    %max3A_11 = arith.maximumf %get3A_8, %max3A_10 : vector<1000x1xf32>
    %div3A_12 = arith.constant 1.000000e+00 : f32
    %div3A_13 = vector.broadcast %div3A_12 : f32 to vector<1000x1xf32>
    %div3A_14 = arith.divf %div3A_13, %max3A_11 : vector<1000x1xf32>
    %get3A_15 = arith.constant 0 : index
    %get3A_16 = arith.constant 0 : index
    %get3A_17 = vector.load %arg1[%get3A_15, %get3A_16] : memref<1000x64xf32, #tpu.memory_space<vmem>>, vector<1000x64xf32>
    %mul3A = vector.broadcast %div3A_5 : vector<1000x1xf32> to vector<1000x64xf32>
    %mul3A_18 = arith.mulf %get3A_17, %mul3A : vector<1000x64xf32>
    %get3A_19 = arith.constant 0 : index
    %get3A_20 = arith.constant 0 : index
    %get3A_21 = vector.load %arg3[%get3A_19, %get3A_20] : memref<1000x64xf32, #tpu.memory_space<vmem>>, vector<1000x64xf32>
    %add3A = arith.addf %mul3A_18, %get3A_21 : vector<1000x64xf32>
    %swap3A = arith.constant 0 : index
    %swap3A_22 = arith.constant 0 : index
    %swap3A_23 = vector.load %arg7[%swap3A, %swap3A_22] : memref<1000x64xf32, #tpu.memory_space<vmem>>, vector<1000x64xf32>
    tpu.vector_store %arg7[%swap3A, %swap3A_22], %add3A {strides = array<i32>} : memref<1000x64xf32, #tpu.memory_space<vmem>>, vector<1000x64xf32>,
    %get3A_24 = arith.constant 0 : index
    %get3A_25 = arith.constant 0 : index
    %get3A_26 = vector.load %arg4[%get3A_24, %get3A_25] : memref<1000x64xf32, #tpu.memory_space<vmem>>, vector<1000x64xf32>
    %mul3A_27 = vector.broadcast %div3A_14 : vector<1000x1xf32> to vector<1000x64xf32>
    %mul3A_28 = arith.mulf %get3A_26, %mul3A_27 : vector<1000x64xf32>
    %get3A_29 = arith.constant 0 : index
    %get3A_30 = arith.constant 0 : index
    %get3A_31 = vector.load %arg6[%get3A_29, %get3A_30] : memref<1000x64xf32, #tpu.memory_space<vmem>>, vector<1000x64xf32>
    %add3A_32 = arith.addf %mul3A_28, %get3A_31 : vector<1000x64xf32>
    %swap3A_33 = arith.constant 0 : index
    %swap3A_34 = arith.constant 0 : index
    %swap3A_35 = vector.load %arg8[%swap3A_33, %swap3A_34] : memref<1000x64xf32, #tpu.memory_space<vmem>>, vector<1000x64xf32>
    tpu.vector_store %arg8[%swap3A_33, %swap3A_34], %add3A_32 {strides = array<i32>} : memref<1000x64xf32, #tpu.memory_space<vmem>>, vector<1000x64xf32>,
    return
  }
  func.func @transform_0(%arg0: i32) -> (i32, i32) {
    %c0_i32 = arith.constant 0 : i32
    %c0_i32_0 = arith.constant 0 : i32
    return %arg0, %c0_i32 : i32, i32
  }
  func.func @transform_1(%arg0: i32) -> (i32, i32) {
    %c0_i32 = arith.constant 0 : i32
    %c0_i32_0 = arith.constant 0 : i32
    return %arg0, %c0_i32 : i32, i32
  }
  func.func @transform_2(%arg0: i32) -> (i32, i32) {
    %c0_i32 = arith.constant 0 : i32
    %c0_i32_0 = arith.constant 0 : i32
    return %arg0, %c0_i32 : i32, i32
  }
  func.func @transform_3(%arg0: i32) -> (i32, i32) {
    %c0_i32 = arith.constant 0 : i32
    %c0_i32_0 = arith.constant 0 : i32
    return %arg0, %c0_i32 : i32, i32
  }
  func.func @transform_4(%arg0: i32) -> (i32, i32) {
    %c0_i32 = arith.constant 0 : i32
    %c0_i32_0 = arith.constant 0 : i32
    return %arg0, %c0_i32 : i32, i32
  }
  func.func @transform_5(%arg0: i32) -> (i32, i32) {
    %c0_i32 = arith.constant 0 : i32
    %c0_i32_0 = arith.constant 0 : i32
    return %arg0, %c0_i32 : i32, i32
  }
  func.func @transform_6(%arg0: i32) -> (i32, i32) {
    %c0_i32 = arith.constant 0 : i32
    %c0_i32_0 = arith.constant 0 : i32
    return %arg0, %c0_i32 : i32, i32
  }
  func.func @transform_7(%arg0: i32) -> (i32, i32) {
    %c0_i32 = arith.constant 0 : i32
    %c0_i32_0 = arith.constant 0 : i32
    return %arg0, %c0_i32 : i32, i32
  }
}

module attributes {stable_mosaic.version = 14 : i64} {
  func.func @_pair_dot_body(%arg0: i32, %arg1: memref<1024x16xf32, #tpu.memory_space<vmem>>, %arg2: memref<1024xf32, #tpu.memory_space<vmem>>) attributes {dimension_semantics = [#tpu.dimension_semantics<arbitrary>], iteration_bounds = array<i64: 100>, scalar_prefetch = 0 : i64, scratch_operands = 0 : i64, tpu.core_type = #tpu.core_type<tc>, window_params = [{transform_indices = @transform_0, window_bounds = array<i64: 1024, 16>}, {transform_indices = @transform_1, window_bounds = array<i64: 1024>}]} {
    %get3A = arith.constant 0 : index
    %get3A_0 = arith.constant 0 : index
    %get3A_1 = vector.load %arg1[%get3A, %get3A_0] : memref<1024x16xf32, #tpu.memory_space<vmem>>, vector<1024x16xf32>
    %reduce_sum3A = arith.constant dense<0.000000e+00> : vector<1024xf32>
    %reduce_sum3A_2 = vector.multi_reduction <add>, %get3A_1, %reduce_sum3A [1] : vector<1024x16xf32> to vector<1024xf32>
    %swap3A = arith.constant 0 : index
    %swap3A_3 = vector.load %arg2[%swap3A] : memref<1024xf32, #tpu.memory_space<vmem>>, vector<1024xf32>
    tpu.vector_store %arg2[%swap3A], %reduce_sum3A_2 {strides = array<i32>} : memref<1024xf32, #tpu.memory_space<vmem>>, vector<1024xf32>,
    return
  }
  func.func @transform_0(%arg0: i32) -> (i32, i32) {
    %c0_i32 = arith.constant 0 : i32
    %c0_i32_0 = arith.constant 0 : i32
    return %arg0, %c0_i32 : i32, i32
  }
  func.func @transform_1(%arg0: i32) -> i32 {
    %c0_i32 = arith.constant 0 : i32
    return %arg0 : i32
  }
}

</mosaic_0001>

<sc_bundles>
// kernel: kernel.11.cloned.1.call-start
scs
__scs_entry_jumppad:
0x0: {  	(pc) =	sbr.rel $0x88, $3  }
0x1: {  	(tag) =	ssettag $0x0;
	lr =	simm.s32 $0x1  }
0x2: {  	[smem:$0x3F90] =	sst lr;
	_ =	strace $0xD0000000  }
0x3: {  	_ = 	snop  }
0x4: {  	_ = 	snop  }
0x5: {  	_ = 	snop  }
0x6: {  	_ = 	snop  }
0x7: {  	_ = 	snop  }
__scs_overlays_trampoline_lowered:
0x8: {  	[smem:$0x3F9F] =	sst s0  }
0x9: {  	[smem:$0x3FA0] =	sst s1  }
0xa: {  	[smem:$0x3FA1] =	sst s2  }
0xb: {  	[smem:$0x3FA2] =	sst s3  }
0xc: {  	[smem:$0x3FA3] =	sst s4  }
0xd: {  	[smem:$0x3FA4] =	sst s5  }
0xe: {  	[smem:$0x3FA5] =	sst s6  }
0xf: {  	[smem:$0x3FA6] =	sst s7  }
0x10: {  	[smem:$0x3FA7] =	sst s8  }
0x11: {  	[smem:$0x3FA8] =	sst s9;
	s0 =	simm.s32 @!p0 $0x0  }
0x12: {  	s1 =	sld [smem:$0x3F8E];
	s0 =	simm.s32 @p0 $0x1  }
0x13: {  	[smem:$0x3FA9] =	sst s0;
	s0 =	simm.s32 @!p1 $0x0  }
0x14: {  	s2 =	sld [smem:$0x3F8D];
	s0 =	simm.s32 @p1 $0x1  }
0x15: {  	[smem:$0x3FAA] =	sst s0;
	s0 =	simm.s32 @!p2 $0x0  }
0x16: {  	s3 =	sld [smem:$0x3FDB];
	s0 =	simm.s32 @p2 $0x1  }
0x17: {  	s4 =	simm.s32 $0x1BF5;
	[smem:$0x3FAC] =	sst s0  }
0x18: {  	s0 =	sld [smem:$0x3F8F];
	_ =	swait.ge [sflag:s4], $0x0  }
0x19: {  	s7 =	sld [smem:$0x3F90]  }
0x1a: {  	s8 =	sadd.s32 $0xFFFFE003, lr  }
0x1b: {  	s9 =	sadd.s32 $0xFFFFFEF7, lr;
	s5 =	simm.s32 $0xFFFFFFFF;
	p2 =	slt.u32 s8, $0xFFFFF086  }
0x1c: {  	p1 =	slt.u32 s9, $0xF7A;
	s5 =	simm.s32 @!p2 $0x0  }
0x1d: {  	s5 =	simm.s32 @p1 $0x1;
	p0 =	seq.s32 s7, s2  }
0x1e: {  	s7 =	smul.u32 @!p0 $0xF7A, s2;
	p2 =	seq.s32 @!p0 s5, $0x0  }
0x1f: {  	s9 =	smul.u32 $0xF7A, s1;
	s8 =	simm.s32 @!p0 $0x1BF5;
	p2 =	por !p2, p0  }
0x20: {  	[sflag:s8] =	ssyncset.s32 @!p0 $0xFFFFF086;
	s6 =	sadd.s32 @!p0 s3, s7;
	s7 =	simm.s32 @!p0 $0x108  }
0x21: {  	s3 =	sadd.s32 s3, s9;
	s6 =	sadd.s32 @!p0 $0x88, s6;
	s7 =	simm.s32 @p2 $0x1082  }
0x22: {  	[simem:s7], [sflag:s8] =	dma.local @!p0 [hbm:s6], $0xF7A  }
0x23: {  	s9 =	sor.u32 $0xD0000000, s2;
	s6 =	simm.s32 $0x108;
	_ =	swait.ge @!p0 [sflag:s8], $0x0  }
0x24: {  	s3 =	sadd.s32 $0x88, s3;
	s6 =	simm.s32 @!p1 $0x1082;
	[sflag:s4] =	ssyncset.s32 $0xFFFFF086  }
0x25: {  	[simem:s6], [sflag:s4] =	dma.local [hbm:s3], $0xF7A  }
0x26: {  	[smem:$0x3F90] =	sst s1;
	(tag) =	ssettag s2;
	_ =	strace s9  }
0x27: {  	s1 =	sld [smem:$0x3FA0]  }
0x28: {  	s2 =	sld [smem:$0x3FA1]  }
0x29: {  	s4 =	sld [smem:$0x3FA3]  }
0x2a: {  	p0 =	seq.s32 s5, $0x0;
	s5 =	sld [smem:$0x3FA4]  }
0x2b: {  	s6 =	sld [smem:$0x3FA5]  }
0x2c: {  	s7 =	sld [smem:$0x3FA6]  }
0x2d: {  	s3 =	simm.s32 $0x108;
	s8 =	sld [smem:$0x3FA7]  }
0x2e: {  	s3 =	simm.s32 @!p0 $0x1082;
	s9 =	sld [smem:$0x3FA8]  }
0x2f: {  	lr =	sadd.s32 s0, s3;
	s0 =	sld [smem:$0x3F9F]  }
0x30: {  	s3 =	sld [smem:$0x3FA2]  }
0x31: {  	[smem:$0x3FAB] =	sst s10  }
0x32: {  	s10 =	sld [smem:$0x3FA9];
	_ =	sdelay $0x3  }
0x33: {  	p0 =	seq.s32 s10, $0x1;
	s10 =	sld [smem:$0x3FAB];
	_ =	sdelay $0x3  }
0x34: {  	[smem:$0x3FAB] =	sst s10  }
0x35: {  	s10 =	sld [smem:$0x3FAA];
	_ =	sdelay $0x3  }
0x36: {  	p1 =	seq.s32 s10, $0x1;
	s10 =	sld [smem:$0x3FAB];
	_ =	sdelay $0x3  }
0x37: {  	[smem:$0x3FAB] =	sst s10  }
0x38: {  	s10 =	sld [smem:$0x3FAC]  }
0x39: {  	_ = 	snop;
	(pc) =	sbr.ind lr, $3  }
0x3a: {  	_ = 	snop  }
0x3b: {  	_ = 	snop  }
0x3c: {  	p2 =	seq.s32 s10, $0x1;
	s10 =	sld [smem:$0x3FAB]  }
0x3d: {  	_ =	shalt  }
0x3e: {  	_ =	shalt  }
0x3f: {  	_ =	shalt  }
0x40: {  	_ =	shalt  }
0x41: {  	_ =	shalt  }
0x42: {  	_ =	shalt  }
0x43: {  	_ =	shalt  }
0x44: {  	_ =	shalt  }
0x45: {  	_ =	shalt  }
0x46: {  	_ =	shalt  }
0x47: {  	_ =	shalt  }
0x48: {  	_ =	shalt  }
0x49: {  	_ =	shalt  }
0x4a: {  	_ =	shalt  }
0x4b: {  	_ =	shalt  }
0x4c: {  	_ =	shalt  }
0x4d: {  	_ =	shalt  }
0x4e: {  	_ =	shalt  }
0x4f: {  	_ =	shalt  }
0x50: {  	_ =	shalt  }
0x51: {  	_ =	shalt  }
0x52: {  	_ =	shalt  }
0x53: {  	_ =	shalt  }
0x54: {  	_ =	shalt  }
0x55: {  	_ =	shalt  }
0x56: {  	_ =	shalt  }
0x57: {  	_ =	shalt  }
0x58: {  	_ =	shalt  }
0x59: {  	_ =	shalt  }
0x5a: {  	_ =	shalt  }
0x5b: {  	_ =	shalt  }
0x5c: {  	_ =	shalt  }
0x5d: {  	_ =	shalt  }
0x5e: {  	_ =	shalt  }
0x5f: {  	_ =	shalt  }
0x60: {  	_ =	shalt  }
0x61: {  	_ =	shalt  }
0x62: {  	_ =	shalt  }
0x63: {  	_ =	shalt  }
0x64: {  	_ =	shalt  }
0x65: {  	_ =	shalt  }
0x66: {  	_ =	shalt  }
0x67: {  	_ =	shalt  }
0x68: {  	_ =	shalt  }
0x69: {  	_ =	shalt  }
0x6a: {  	_ =	shalt  }
0x6b: {  	_ =	shalt  }
0x6c: {  	_ =	shalt  }
0x6d: {  	_ =	shalt  }
0x6e: {  	_ =	shalt  }
0x6f: {  	_ =	shalt  }
0x70: {  	_ =	shalt  }
0x71: {  	_ =	shalt  }
0x72: {  	_ =	shalt  }
0x73: {  	_ =	shalt  }
0x74: {  	_ =	shalt  }
0x75: {  	_ =	shalt  }
0x76: {  	_ =	shalt  }
0x77: {  	_ =	shalt  }
0x78: {  	_ =	shalt  }
0x79: {  	_ =	shalt  }
0x7a: {  	_ =	shalt  }
0x7b: {  	_ =	shalt  }
0x7c: {  	_ =	shalt  }
0x7d: {  	_ =	shalt  }
0x7e: {  	_ =	shalt  }
0x7f: {  	_ =	shalt  }
0x80: {  	_ =	shalt  }
0x81: {  	_ =	shalt  }
0x82: {  	_ =	shalt  }
0x83: {  	_ =	shalt  }
0x84: {  	_ =	shalt  }
0x85: {  	_ =	shalt  }
0x86: {  	_ =	shalt  }
0x87: {  	_ =	shalt  }
.Lfunc_end0:
.L_simem_size_0:
called_computation.1_lowered:
.L_overlay_start_0:
0x88: {  	s2 =	sld [smem:$0x3FD9]  }
0x89: {  	s3 =	sld [smem:$0x3FFE];
	_ =	sdelay $0x1  }
0x8a: {  	s1 =	srdreg.scid  }
0x8b: {  	s0 =	sand.u32 $0x1, s1  }
0x8c: {  	s16 =	sshll.u32 s0, $0xA;
	s2 =	sadd.s32 s3, s2  }
0x8d: {  	s2 =	sadd.s32 s2, s16  }
0x8e: {  	[smem:$0x3FB7] =	sst s2  }
0x8f: {  	_ = 	snop  }
0x90: {  	(tm) =	ssettm $0x1  }
0x91: {  	s17 =	sld [smem:$0x3FFB];
	_ =	sdelay $0x3  }
0x92: {  	_ =	strace s17  }
0x93: {  	s2 =	sld [smem:$0x3FFC];
	_ =	sdelay $0x3  }
0x94: {  	_ =	strace s2  }
0x95: {  	s2 =	sld [smem:$0x3FFD];
	_ =	sdelay $0x3  }
0x96: {  	_ =	strace s2  }
0x97: {  	_ =	strace $0x8FFFFFFF  }
0x98: {  	s18 =	sld [smem:$0x3FDB];
	_ =	sdelay $0x1  }
0x99: {  	s19 =	simm.s32 $_scs_section_size  }
0x9a: {  	s4 =	simm.s32 $_size__tile_overlayer_lowered;
	s5 =	simm.s32 $_tile_overlayer_lowered  }
0x9b: {  	s22 =	simm.s32 $0x1BFF;
	s21 =	sshll.u32 s5, $0x1;
	s2 =	sadd.s32 s19, s18  }
0x9c: {  	s6 =	simm.s32 $0x0;
	s20 =	sshll.u32 s4, $0x1;
	s4 =	sadd.s32 s21, s2  }
0x9d: {  	[timem:s6], [sflag:s22] =	dma.local [hbm:s4], s20  }
0x9e: {  	_ =	swait.ge [sflag:s22], s20  }
0x9f: {  	s3 =	ssub.s32 $0x0, s20;
	[sflag:s22] =	ssyncset.done $0x0  }
0xa0: {  	[sflag:s22] =	ssyncadd.s32 s3;
	_ =	sdelay $0x1  }
0xa1: {  	s23 =	simm.s32 $0x1B8B  }
0xa2: {  	_ =	swait.ge [sflag:s23], $0x1  }
0xa3: {  	[sflag:s23] =	ssyncset.done $0x0  }
0xa4: {  	s25 =	simm.s32 $0x1B8E;
	s24 =	sld [smem:$0x3FFE];
	[sflag:s23] =	ssyncadd.s32 $0xFFFFFFFF  }
0xa5: {  	s26 =	simm.s32 $execute0_lowered;
	[smem:$0x3FD2] =	sst s25  }
0xa6: {  	s4 =	sshll.u32 s26, $0x1;
	_ =	strace $0x80000049;
	[dreg:$0x1] =	wrdreg $0xFFFFFFFF  }
0xa7: {  	s28 =	simm.s32 $_size_execute0_lowered;
	s2 =	sadd.s32 s2, s4;
	[dreg:$0x0] =	wrdreg $0x0  }
0xa8: {  	s4 =	sshll.u32 s28, $0x1;
	[dreg:$0x2] =	wrdreg s2  }
0xa9: {  	[dreg:$0x3] =	wrdreg s4  }
0xaa: {  	[dreg:$0x4] =	wrdreg $0xC0  }
0xab: {  	_ =	task [dreg:s6], $0x5FFFF  }
0xac: {  	[dreg:$0x1] =	wrdreg $0xFFFFFFFF  }
0xad: {  	[dreg:$0x0] =	wrdreg $0x60  }
0xae: {  	[dreg:$0x2] =	wrdreg s24  }
0xaf: {  	[dreg:$0x3] =	wrdreg $0xC4400  }
0xb0: {  	[dreg:$0x4] =	wrdreg $0x9  }
0xb1: {  	_ =	task.clear_ibuf [dreg:s6], $0x5FFFF;
	_ =	strace $0x90000049  }
0xb2: {  	s29 =	simm.s32 $0x9;
	_ =	strace $0x8000004B  }
0xb3: {  	_ =	swait.ge [sflag:s29], $0x1  }
0xb4: {  	[sflag:s29] =	ssyncadd.s32 $0xFFFFFFFF  }
0xb5: {  	_ =	strace $0x9000004B  }
0xb6: {  	_ =	sfence  }
0xb7: {  	s30 =	sld [smem:$0x0];
	_ =	sdelay $0x2  }
0xb8: {  	s31 =	sshll.u32 s1, $0xD;
	s1 =	sshrl.u32 s1, $0x2  }
0xb9: {  	s3 =	sand.u32 $0x4000, s31;
	s1 =	sadd.s32 s1, s30  }
0xba: {  	s0 =	sor.u32 s3, s0;
	s1 =	sshll.u32 s1, $0x11  }
0xbb: {  	s0 =	sor.u32 s1, s0  }
0xbc: {  	s0 =	sadd.s32 $0x8F2B, s0  }
0xbd: {  	[sflag:s0] =	ssyncadd.remote.s32 $0x1  }
0xbe: {  	_ =	sfence.sel $0xFFFF  }
0xbf: {  	[dreg:$0x0] =	wrdreg $0xFFFFFFFF;
	(pc) =	sbr.abs _section_cstart, $3  }
0xc0: {  	[dreg:$0x1] =	wrdreg $0xFFFFFFFF  }
0xc1: {  	_ =	task.clear_ibuf [dreg:s6], $0x2FFFF;
	_ =	strace $0x9FFFFFFF  }
0xc2: {  	(tm) =	ssettm $0x7FFFFFFF  }
0xc3: {  	_ =	shalt  }
tec
execute0_lowered:
.L_overlay_start_1:
0x0: {  	(tag) =	ssettag $0x1  }
0x1: {  	s0 =	rddreg [dreg:$0x0]  }
0x2: {  	s2 =	rddreg [dreg:$0x1]  }
0x3: {  	s3 =	simm.s32 $0x0;
	s1 =	stileid.u32;
	s7 =	srdreg.scid  }
0x4: {  	s20 =	simm.s32 $0x3;
	s23 =	simm.s32 $0x50;
	s24 =	simm.s32 $0x9C40  }
0x5: {  	s28 =	simm.s32 $0x2;
	s29 =	simm.s32 $0x4DD0;
	s30 =	simm.s32 $0x9BA0  }
0x6: {  	s31 =	simm.s32 $0x9BF0;
	[smem:$0x7FF] =	sst s3;
	s6 =	smul.u32 $0x9C4, s1  }
0x7: {  	s8 =	smul.u32 $0x9C00, s1;
	s4 =	sadd.s32 $0xEF400, s0;
	s5 =	sadd.s32 $0xDBA00, s0  }
0x8: {  	s22 =	sand.u32 $0x1, s7;
	s7 =	sadd.s32 $0x102E00, s0;
	s25 =	sshll.u32 s1, $0x6  }
0x9: {  	p0 =	sne.s32 s1, $0xF;
	p2 =	seq.s32 s1, $0xF;
	_ =	strace $0x8000004A  }
0xa: {  	s9 =	ssub.s32 $0x2, s22;
	p1 =	sne.s32 s22, $0x0;
	s22 =	simm.s32 $0x4E20  }
0xb: {  	s16 =	sadd.s32 s6, s0;
	s17 =	sshrl.u32 s8, $0x3;
	s6 =	sadd.s32 $0x116800, s0  }
0xc: {  	s11 =	sshrl.u32 s9, $0x1;
	s19 =	sadd.s32 s8, s2;
	s10 =	sadd.s32 s17, s0  }
0xd: {  	s18 =	ssub.s32 s9, s11;
	s9 =	sor.u32 $0x1C03, s25;
	s11 =	sadd.s32 $0x8D400, s0  }
.Ltmp0:
0xe: {  	s26 =	sadd.s32 $0xDC00, s16;
	s13 =	sadd.s32 $0x3E00, s16;
	(pc) =	sbr.rel .LBB2_1-.Ltmp0, $4  }
0xf: {  	s14 =	sadd.s32 s7, s17;
	s15 =	sadd.s32 $0x21800, s16;
	s16 =	sadd.s32 $0x17A00, s16  }
0x10: {  	s17 =	sadd.s32 s6, s17;
	s19 =	sshrl.u32 s19, $0x3;
	s25 =	simm.s32 $0x1  }
0x11: {  	s8 =	sadd.s32 $0x79C00, s10;
	s10 =	sadd.s32 $0x9C000, s2;
	[dreg:$0x3] =	wrdreg s26  }
0x12: {  	s18 =	smax.u32 s18, $0x1;
	s26 =	simm.s32 $0xB040;
	s21 =	sshrl.u32 @!p0 s10, $0x3  }
.LBB2_8:
0x13: {  	s0 =	sadd.s32 $0x13800, s0;
	s1 =	sshrl.u32 s10, $0x3  }
0x14: {  	[hbm:s0], [sflag:s9] =	dma.local [spmem:s1], $0x80  }
0x15: {  	_ =	swait.ge [sflag:s20], $0x80  }
0x16: {  	[sflag:s20] =	ssyncset.done $0x0  }
0x17: {  	[sflag:s20] =	ssyncadd.s32 $0xFFFFFF80  }
.LBB2_9:
0x18: {  	s3 =	sadd.s32 $0x1, s3  }
0x19: {  	p3 =	sne.s32 s3, s18  }
.Ltmp1:
0x1a: {  	_ = 	snop;
	(pc) =	sbr.rel @!p3 .LBB2_10-.Ltmp1, $1  }
0x1b: {  	_ =	sdelay $0x3  }
.LBB2_1:
0x1c: {  	[spmem:s19], [sflag:s9] =	dma.local [hbm:s8], $0x1380  }
0x1d: {  	_ =	swait.ge [sflag:s20], $0x1380  }
0x1e: {  	[sflag:s20] =	ssyncset.done $0x0  }
0x1f: {  	s0 =	simm.s32 @!p0 $0x3;
	[sflag:s20] =	ssyncadd.s32 $0xFFFFEC80  }
0x20: {  	[spmem:s21], [sflag:s9] =	dma.local @!p0 [hbm:s11], $0x80  }
.Ltmp2:
0x21: {  	_ =	swait.ge @!p0 [sflag:s0], $0x80;
	(pc) =	sbr.rel @p1 .LBB2_5-.Ltmp2, $4  }
0x22: {  	[sflag:s0] =	ssyncset.done @!p0 $0x0  }
0x23: {  	[sflag:s0] =	ssyncadd.s32 @!p0 $0xFFFFFF80  }
0x24: {  	[bflag:$0x0] =	sbarrier.arrive $0xFFFF  }
0x25: {  	s0 =	simm.s32 $0x0  }
0x26: {  	[tilespmem:s0], [sflag:$0x3] =	stream.linear.gather [hbm4b:s15+s0], $0x4E20, $0x38;
	[tilespmem:$0x16080] =	vst v63  }
0x27: {  	_ =	swait.ge [sflag:s20], $0x4E20  }
0x28: {  	[sflag:s20] =	ssyncset.done $0x0  }
0x29: {  	[sflag:s20] =	ssyncadd.s32 $0xFFFFB1E0  }
0x2a: {  	[tilespmem:s22], [sflag:$0x3] =	stream.linear.gather [hbm4b:s16+s0], $0x4E20, $0x38;
	[tilespmem:$0x16080] =	vst v63  }
0x2b: {  	_ =	swait.ge [sflag:s20], $0x4E20  }
0x2c: {  	[sflag:s20] =	ssyncset.done $0x0  }
0x2d: {  	[sflag:s20] =	ssyncadd.s32 $0xFFFFB1E0  }
0x2e: {  	[tilespmem:s24], [sflag:$0x1] =	stream.indirect.gather [hbm4b:s4+s23], $0x40, s0, s23, $0xb8;
	[tilespmem:$0x16080] =	vst v63  }
0x2f: {  	_ =	swait.ge [sflag:s25], $0x1400  }
0x30: {  	[sflag:s25] =	ssyncset.done $0x0  }
0x31: {  	s1 =	simm.s32 $0x50;
	[sflag:s25] =	ssyncadd.s32 $0xFFFFEC00  }
0x32: {  	[tilespmem:s26], [sflag:$0x2] =	stream.indirect.gather [hbm4b:s4+s23], $0x40, s1, s23, $0xb8;
	[tilespmem:$0x16080] =	vst v63  }
0x33: {  	s12 =	simm.s32 $0x4E20  }
0x34: {  	[spmem:s2] =	stream.indirect.scatter.add.f32 [tilespmem:s24], [sflag:$0x3], $0x40, s12, s23, $0xb8;
	[tilespmem:$0x16080] =	vst v63  }
0x35: {  	_ =	swait.ge [sflag:s20], $0x1400  }
0x36: {  	[sflag:s20] =	ssyncset.done $0x0  }
0x37: {  	s1 =	simm.s32 $0xA0;
	[sflag:s20] =	ssyncadd.s32 $0xFFFFEC00  }
0x38: {  	[tilespmem:s24], [sflag:$0x1] =	stream.indirect.gather [hbm4b:s4+s23], $0x40, s1, s23, $0xb8;
	[tilespmem:$0x16080] =	vst v63  }
0x39: {  	_ =	swait.ge [sflag:s28], $0x1400  }
0x3a: {  	[sflag:s28] =	ssyncset.done $0x0  }
0x3b: {  	s12 =	simm.s32 $0x4E70;
	[sflag:s28] =	ssyncadd.s32 $0xFFFFEC00  }
0x3c: {  	[spmem:s2] =	stream.indirect.scatter.add.f32 [tilespmem:s26], [sflag:$0x3], $0x40, s12, s23, $0xb8;
	[tilespmem:$0x16080] =	vst v63  }
0x3d: {  	_ =	swait.ge [sflag:s20], $0x1400  }
0x3e: {  	s0 =	simm.s32 $0x280;
	[sflag:s20] =	ssyncset.done $0x0  }
.LBB2_3:
0x3f: {  	p3 =	sne.s32 s0, $0x13380  }
0x40: {  	[sflag:s20] =	ssyncadd.s32 $0xFFFFEC00;
	s1 =	smov.u32 s0;
	s0 =	sadd.s32 $0x280, s0  }
0x41: {  	_ =	swait.ge [sflag:s25], $0x1400  }
0x42: {  	s1 =	sshra.s32 s1, $0x2;
	[sflag:s25] =	ssyncset.done $0x0  }
0x43: {  	s12 =	sadd.s32 $0x50, s1;
	[sflag:s25] =	ssyncadd.s32 $0xFFFFEC00  }
0x44: {  	[tilespmem:s26], [sflag:$0x2] =	stream.indirect.gather [hbm4b:s4+s23], $0x40, s12, s23, $0xb8;
	[tilespmem:$0x16080] =	vst v63  }
0x45: {  	s12 =	sadd.s32 $0x4E20, s1  }
0x46: {  	[spmem:s2] =	stream.indirect.scatter.add.f32 [tilespmem:s24], [sflag:$0x3], $0x40, s12, s23, $0xb8;
	[tilespmem:$0x16080] =	vst v63  }
0x47: {  	_ =	swait.ge [sflag:s20], $0x1400  }
0x48: {  	[sflag:s20] =	ssyncset.done $0x0  }
0x49: {  	s12 =	sadd.s32 $0xA0, s1;
	[sflag:s20] =	ssyncadd.s32 $0xFFFFEC00  }
0x4a: {  	[tilespmem:s24], [sflag:$0x1] =	stream.indirect.gather [hbm4b:s4+s23], $0x40, s12, s23, $0xb8;
	[tilespmem:$0x16080] =	vst v63  }
0x4b: {  	_ =	swait.ge [sflag:s28], $0x1400  }
.Ltmp3:
0x4c: {  	[sflag:s28] =	ssyncset.done $0x0;
	(pc) =	sbr.rel @p3 .LBB2_3-.Ltmp3, $4  }
0x4d: {  	s1 =	sadd.s32 $0x4E70, s1;
	[sflag:s28] =	ssyncadd.s32 $0xFFFFEC00  }
0x4e: {  	[spmem:s2] =	stream.indirect.scatter.add.f32 [tilespmem:s26], [sflag:$0x3], $0x40, s1, s23, $0xb8;
	[tilespmem:$0x16080] =	vst v63  }
0x4f: {  	_ =	swait.ge [sflag:s20], $0x1400  }
0x50: {  	[sflag:s20] =	ssyncset.done $0x0  }
0x51: {  	[sflag:s20] =	ssyncadd.s32 $0xFFFFEC00  }
0x52: {  	_ =	swait.ge [sflag:s25], $0x1400  }
0x53: {  	[sflag:s25] =	ssyncset.done $0x0  }
0x54: {  	[sflag:s25] =	ssyncadd.s32 $0xFFFFEC00  }
0x55: {  	[tilespmem:s26], [sflag:$0x2] =	stream.indirect.gather [hbm4b:s4+s23], $0x40, s29, s23, $0xb8;
	[tilespmem:$0x16080] =	vst v63  }
0x56: {  	_ = 	snop  }
0x57: {  	[spmem:s2] =	stream.indirect.scatter.add.f32 [tilespmem:s24], [sflag:$0x3], $0x40, s30, s23, $0xb8;
	[tilespmem:$0x16080] =	vst v63  }
0x58: {  	_ =	swait.ge [sflag:s20], $0x1400  }
0x59: {  	[sflag:s20] =	ssyncset.done $0x0  }
0x5a: {  	[sflag:s20] =	ssyncadd.s32 $0xFFFFEC00  }
0x5b: {  	_ =	swait.ge [sflag:s28], $0x1400  }
0x5c: {  	[sflag:s28] =	ssyncset.done $0x0  }
0x5d: {  	[sflag:s28] =	ssyncadd.s32 $0xFFFFEC00  }
0x5e: {  	[spmem:s2] =	stream.indirect.scatter.add.f32 [tilespmem:s26], [sflag:$0x3], $0x40, s31, s23, $0xb8;
	[tilespmem:$0x16080] =	vst v63  }
0x5f: {  	_ =	swait.ge [sflag:s20], $0x1400  }
0x60: {  	[sflag:s20] =	ssyncset.done $0x0  }
0x61: {  	[sflag:s20] =	ssyncadd.s32 $0xFFFFEC00  }
0x62: {  	[bflag:$0x0] =	sbarrier.arrive $0xFFFF  }
0x63: {  	[hbm:s17], [sflag:s9] =	dma.local [spmem:s19], $0x1380  }
.Ltmp4:
0x64: {  	_ = 	snop;
	(pc) =	sbr.rel @p2 .LBB2_8-.Ltmp4, $4  }
.Ltmp5:
0x65: {  	_ = 	snop;
	(pc) =	sbr.rel @!p2 .LBB2_9-.Ltmp5, $4  }
0x66: {  	_ =	swait.ge [sflag:s20], $0x1380  }
0x67: {  	[sflag:s20] =	ssyncset.done $0x0  }
0x68: {  	s0 =	smov.u32 s6;
	[sflag:s20] =	ssyncadd.s32 $0xFFFFEC80  }
0x69: {  	_ = 	snop  }
.LBB2_5:
0x6a: {  	s1 =	rddreg [dreg:$0x3]  }
0x6b: {  	[tilespmem:s0], [sflag:$0x3] =	stream.linear.gather [hbm4b:s1+s0], $0x4E20, $0x38;
	[tilespmem:$0x16080] =	vst v63  }
0x6c: {  	_ =	swait.ge [sflag:s20], $0x4E20  }
0x6d: {  	[sflag:s20] =	ssyncset.done $0x0  }
0x6e: {  	[sflag:s20] =	ssyncadd.s32 $0xFFFFB1E0  }
0x6f: {  	[tilespmem:s22], [sflag:$0x3] =	stream.linear.gather [hbm4b:s13+s0], $0x4E20, $0x38;
	[tilespmem:$0x16080] =	vst v63  }
0x70: {  	_ =	swait.ge [sflag:s20], $0x4E20  }
0x71: {  	[sflag:s20] =	ssyncset.done $0x0  }
0x72: {  	[sflag:s20] =	ssyncadd.s32 $0xFFFFB1E0  }
0x73: {  	[tilespmem:s24], [sflag:$0x1] =	stream.indirect.gather [hbm4b:s5+s23], $0x40, s0, s23, $0xb8;
	[tilespmem:$0x16080] =	vst v63  }
0x74: {  	_ =	swait.ge [sflag:s25], $0x1400  }
0x75: {  	[sflag:s25] =	ssyncset.done $0x0  }
0x76: {  	s1 =	simm.s32 $0x50;
	[sflag:s25] =	ssyncadd.s32 $0xFFFFEC00  }
0x77: {  	[tilespmem:s26], [sflag:$0x2] =	stream.indirect.gather [hbm4b:s5+s23], $0x40, s1, s23, $0xb8;
	[tilespmem:$0x16080] =	vst v63  }
0x78: {  	s12 =	simm.s32 $0x4E20  }
0x79: {  	[spmem:s2] =	stream.indirect.scatter.add.f32 [tilespmem:s24], [sflag:$0x3], $0x40, s12, s23, $0xb8;
	[tilespmem:$0x16080] =	vst v63  }
0x7a: {  	_ =	swait.ge [sflag:s20], $0x1400  }
0x7b: {  	[sflag:s20] =	ssyncset.done $0x0  }
0x7c: {  	s1 =	simm.s32 $0xA0;
	[sflag:s20] =	ssyncadd.s32 $0xFFFFEC00  }
0x7d: {  	[tilespmem:s24], [sflag:$0x1] =	stream.indirect.gather [hbm4b:s5+s23], $0x40, s1, s23, $0xb8;
	[tilespmem:$0x16080] =	vst v63  }
0x7e: {  	_ =	swait.ge [sflag:s28], $0x1400  }
0x7f: {  	[sflag:s28] =	ssyncset.done $0x0  }
0x80: {  	s12 =	simm.s32 $0x4E70;
	[sflag:s28] =	ssyncadd.s32 $0xFFFFEC00  }
0x81: {  	[spmem:s2] =	stream.indirect.scatter.add.f32 [tilespmem:s26], [sflag:$0x3], $0x40, s12, s23, $0xb8;
	[tilespmem:$0x16080] =	vst v63  }
0x82: {  	_ =	swait.ge [sflag:s20], $0x1400  }
0x83: {  	s0 =	simm.s32 $0x280;
	[sflag:s20] =	ssyncset.done $0x0  }
.LBB2_6:
0x84: {  	p3 =	sne.s32 s0, $0x13380  }
0x85: {  	[sflag:s20] =	ssyncadd.s32 $0xFFFFEC00;
	s1 =	smov.u32 s0;
	s0 =	sadd.s32 $0x280, s0  }
0x86: {  	_ =	swait.ge [sflag:s25], $0x1400  }
0x87: {  	s1 =	sshra.s32 s1, $0x2;
	[sflag:s25] =	ssyncset.done $0x0  }
0x88: {  	s12 =	sadd.s32 $0x50, s1;
	[sflag:s25] =	ssyncadd.s32 $0xFFFFEC00  }
0x89: {  	[tilespmem:s26], [sflag:$0x2] =	stream.indirect.gather [hbm4b:s5+s23], $0x40, s12, s23, $0xb8;
	[tilespmem:$0x16080] =	vst v63  }
0x8a: {  	s12 =	sadd.s32 $0x4E20, s1  }
0x8b: {  	[spmem:s2] =	stream.indirect.scatter.add.f32 [tilespmem:s24], [sflag:$0x3], $0x40, s12, s23, $0xb8;
	[tilespmem:$0x16080] =	vst v63  }
0x8c: {  	_ =	swait.ge [sflag:s20], $0x1400  }
0x8d: {  	[sflag:s20] =	ssyncset.done $0x0  }
0x8e: {  	s12 =	sadd.s32 $0xA0, s1;
	[sflag:s20] =	ssyncadd.s32 $0xFFFFEC00  }
0x8f: {  	[tilespmem:s24], [sflag:$0x1] =	stream.indirect.gather [hbm4b:s5+s23], $0x40, s12, s23, $0xb8;
	[tilespmem:$0x16080] =	vst v63  }
0x90: {  	_ =	swait.ge [sflag:s28], $0x1400  }
.Ltmp6:
0x91: {  	[sflag:s28] =	ssyncset.done $0x0;
	(pc) =	sbr.rel @p3 .LBB2_6-.Ltmp6, $4  }
0x92: {  	s1 =	sadd.s32 $0x4E70, s1;
	[sflag:s28] =	ssyncadd.s32 $0xFFFFEC00  }
0x93: {  	[spmem:s2] =	stream.indirect.scatter.add.f32 [tilespmem:s26], [sflag:$0x3], $0x40, s1, s23, $0xb8;
	[tilespmem:$0x16080] =	vst v63  }
0x94: {  	_ =	swait.ge [sflag:s20], $0x1400  }
0x95: {  	[sflag:s20] =	ssyncset.done $0x0  }
0x96: {  	[sflag:s20] =	ssyncadd.s32 $0xFFFFEC00  }
0x97: {  	_ =	swait.ge [sflag:s25], $0x1400  }
0x98: {  	[sflag:s25] =	ssyncset.done $0x0  }
0x99: {  	[sflag:s25] =	ssyncadd.s32 $0xFFFFEC00  }
0x9a: {  	[tilespmem:s26], [sflag:$0x2] =	stream.indirect.gather [hbm4b:s5+s23], $0x40, s29, s23, $0xb8;
	[tilespmem:$0x16080] =	vst v63  }
0x9b: {  	_ = 	snop  }
0x9c: {  	[spmem:s2] =	stream.indirect.scatter.add.f32 [tilespmem:s24], [sflag:$0x3], $0x40, s30, s23, $0xb8;
	[tilespmem:$0x16080] =	vst v63  }
0x9d: {  	_ =	swait.ge [sflag:s20], $0x1400  }
0x9e: {  	[sflag:s20] =	ssyncset.done $0x0  }
0x9f: {  	[sflag:s20] =	ssyncadd.s32 $0xFFFFEC00  }
0xa0: {  	_ =	swait.ge [sflag:s28], $0x1400  }
0xa1: {  	[sflag:s28] =	ssyncset.done $0x0  }
0xa2: {  	[sflag:s28] =	ssyncadd.s32 $0xFFFFEC00  }
0xa3: {  	[spmem:s2] =	stream.indirect.scatter.add.f32 [tilespmem:s26], [sflag:$0x3], $0x40, s31, s23, $0xb8;
	[tilespmem:$0x16080] =	vst v63  }
0xa4: {  	_ =	swait.ge [sflag:s20], $0x1400  }
0xa5: {  	[sflag:s20] =	ssyncset.done $0x0  }
0xa6: {  	[sflag:s20] =	ssyncadd.s32 $0xFFFFEC00  }
0xa7: {  	[bflag:$0x0] =	sbarrier.arrive $0xFFFF  }
0xa8: {  	[hbm:s14], [sflag:s9] =	dma.local [spmem:s19], $0x1380  }
.Ltmp7:
0xa9: {  	_ = 	snop;
	(pc) =	sbr.rel @p0 .LBB2_9-.Ltmp7, $4  }
.Ltmp8:
0xaa: {  	_ = 	snop;
	(pc) =	sbr.rel @!p0 .LBB2_8-.Ltmp8, $4  }
0xab: {  	_ =	swait.ge [sflag:s20], $0x1380  }
0xac: {  	[sflag:s20] =	ssyncset.done $0x0  }
0xad: {  	s0 =	smov.u32 s7;
	[sflag:s20] =	ssyncadd.s32 $0xFFFFEC80  }
0xae: {  	_ = 	snop  }
.LBB2_10:
0xaf: {  	_ =	sfence.sel $0x180000  }
0xb0: {  	[bflag:$0x0] =	sbarrier.arrive $0xFFFF  }
0xb1: {  	_ =	strace $0x9000004A  }
0xb2: {  	s0 =	stileid.u32;
	[bflag:$0x2] =	sbarrier.arrive $0xFFFF  }
0xb3: {  	p0 =	sne.s32 s0, $0x0;
	s0 =	rddreg [dreg:$0x2]  }
0xb4: {  	s0 =	sadd.s32 @!p0 $0x100000, s0  }
0xb5: {  	[sflag:s0] =	ssyncadd.tile.s32 @!p0 $0x1;
	_ =	shalt  }
.Lfunc_end2:
_tile_overlayer_lowered:
.L_overlay_start_2:
0xb6: {  	(tag) =	ssettag $0x2  }
0xb7: {  	s0 =	rddreg [dreg:$0x0];
	s2 =	stileid.u32  }
0xb8: {  	s1 =	rddreg [dreg:$0x1];
	p0 =	sne.s32 s2, $0x0  }
0xb9: {  	s3 =	rddreg [dreg:$0x2];
	[bflag:$0x3] =	sbarrier.arrive $0xFFFF;
	s2 =	simm.s32 @!p0 $0x1C03  }
0xba: {  	[timem:s3], [sflag:s2] =	dma.local @!p0 [hbm:s0], s1  }
0xbb: {  	s0 =	simm.s32 @!p0 $0x3  }
0xbc: {  	_ =	swait.ge @!p0 [sflag:s0], s1  }
0xbd: {  	s1 =	ssub.s32 @!p0 $0x0, s1;
	[sflag:s0] =	ssyncset.done @!p0 $0x0  }
0xbe: {  	[sflag:s0] =	ssyncadd.s32 @!p0 s1  }
0xbf: {  	[bflag:$0x3] =	sbarrier.arrive $0xFFFF  }
0xc0: {  	_ =	shalt  }

// kernel: kernel.14.cloned.1.call-start
scs
__scs_entry_jumppad:
0x0: {  	(pc) =	sbr.rel $0x88, $3  }
0x1: {  	(tag) =	ssettag $0x0;
	lr =	simm.s32 $0x1  }
0x2: {  	[smem:$0x3F90] =	sst lr;
	_ =	strace $0xD0000000  }
0x3: {  	_ = 	snop  }
0x4: {  	_ = 	snop  }
0x5: {  	_ = 	snop  }
0x6: {  	_ = 	snop  }
0x7: {  	_ = 	snop  }
__scs_overlays_trampoline_lowered:
0x8: {  	[smem:$0x3F9F] =	sst s0  }
0x9: {  	[smem:$0x3FA0] =	sst s1  }
0xa: {  	[smem:$0x3FA1] =	sst s2  }
0xb: {  	[smem:$0x3FA2] =	sst s3  }
0xc: {  	[smem:$0x3FA3] =	sst s4  }
0xd: {  	[smem:$0x3FA4] =	sst s5  }
0xe: {  	[smem:$0x3FA5] =	sst s6  }
0xf: {  	[smem:$0x3FA6] =	sst s7  }
0x10: {  	[smem:$0x3FA7] =	sst s8  }
0x11: {  	[smem:$0x3FA8] =	sst s9;
	s0 =	simm.s32 @!p0 $0x0  }
0x12: {  	s1 =	sld [smem:$0x3F8E];
	s0 =	simm.s32 @p0 $0x1  }
0x13: {  	[smem:$0x3FA9] =	sst s0;
	s0 =	simm.s32 @!p1 $0x0  }
0x14: {  	s2 =	sld [smem:$0x3F8D];
	s0 =	simm.s32 @p1 $0x1  }
0x15: {  	[smem:$0x3FAA] =	sst s0;
	s0 =	simm.s32 @!p2 $0x0  }
0x16: {  	s3 =	sld [smem:$0x3FDB];
	s0 =	simm.s32 @p2 $0x1  }
0x17: {  	s4 =	simm.s32 $0x1BF5;
	[smem:$0x3FAC] =	sst s0  }
0x18: {  	s0 =	sld [smem:$0x3F8F];
	_ =	swait.ge [sflag:s4], $0x0  }
0x19: {  	s7 =	sld [smem:$0x3F90]  }
0x1a: {  	s8 =	sadd.s32 $0xFFFFE003, lr  }
0x1b: {  	s9 =	sadd.s32 $0xFFFFFEF7, lr;
	s5 =	simm.s32 $0xFFFFFFFF;
	p2 =	slt.u32 s8, $0xFFFFF086  }
0x1c: {  	p1 =	slt.u32 s9, $0xF7A;
	s5 =	simm.s32 @!p2 $0x0  }
0x1d: {  	s5 =	simm.s32 @p1 $0x1;
	p0 =	seq.s32 s7, s2  }
0x1e: {  	s7 =	smul.u32 @!p0 $0xF7A, s2;
	p2 =	seq.s32 @!p0 s5, $0x0  }
0x1f: {  	s9 =	smul.u32 $0xF7A, s1;
	s8 =	simm.s32 @!p0 $0x1BF5;
	p2 =	por !p2, p0  }
0x20: {  	[sflag:s8] =	ssyncset.s32 @!p0 $0xFFFFF086;
	s6 =	sadd.s32 @!p0 s3, s7;
	s7 =	simm.s32 @!p0 $0x108  }
0x21: {  	s3 =	sadd.s32 s3, s9;
	s6 =	sadd.s32 @!p0 $0x88, s6;
	s7 =	simm.s32 @p2 $0x1082  }
0x22: {  	[simem:s7], [sflag:s8] =	dma.local @!p0 [hbm:s6], $0xF7A  }
0x23: {  	s9 =	sor.u32 $0xD0000000, s2;
	s6 =	simm.s32 $0x108;
	_ =	swait.ge @!p0 [sflag:s8], $0x0  }
0x24: {  	s3 =	sadd.s32 $0x88, s3;
	s6 =	simm.s32 @!p1 $0x1082;
	[sflag:s4] =	ssyncset.s32 $0xFFFFF086  }
0x25: {  	[simem:s6], [sflag:s4] =	dma.local [hbm:s3], $0xF7A  }
0x26: {  	[smem:$0x3F90] =	sst s1;
	(tag) =	ssettag s2;
	_ =	strace s9  }
0x27: {  	s1 =	sld [smem:$0x3FA0]  }
0x28: {  	s2 =	sld [smem:$0x3FA1]  }
0x29: {  	s4 =	sld [smem:$0x3FA3]  }
0x2a: {  	p0 =	seq.s32 s5, $0x0;
	s5 =	sld [smem:$0x3FA4]  }
0x2b: {  	s6 =	sld [smem:$0x3FA5]  }
0x2c: {  	s7 =	sld [smem:$0x3FA6]  }
0x2d: {  	s3 =	simm.s32 $0x108;
	s8 =	sld [smem:$0x3FA7]  }
0x2e: {  	s3 =	simm.s32 @!p0 $0x1082;
	s9 =	sld [smem:$0x3FA8]  }
0x2f: {  	lr =	sadd.s32 s0, s3;
	s0 =	sld [smem:$0x3F9F]  }
0x30: {  	s3 =	sld [smem:$0x3FA2]  }
0x31: {  	[smem:$0x3FAB] =	sst s10  }
0x32: {  	s10 =	sld [smem:$0x3FA9];
	_ =	sdelay $0x3  }
0x33: {  	p0 =	seq.s32 s10, $0x1;
	s10 =	sld [smem:$0x3FAB];
	_ =	sdelay $0x3  }
0x34: {  	[smem:$0x3FAB] =	sst s10  }
0x35: {  	s10 =	sld [smem:$0x3FAA];
	_ =	sdelay $0x3  }
0x36: {  	p1 =	seq.s32 s10, $0x1;
	s10 =	sld [smem:$0x3FAB];
	_ =	sdelay $0x3  }
0x37: {  	[smem:$0x3FAB] =	sst s10  }
0x38: {  	s10 =	sld [smem:$0x3FAC]  }
0x39: {  	_ = 	snop;
	(pc) =	sbr.ind lr, $3  }
0x3a: {  	_ = 	snop  }
0x3b: {  	_ = 	snop  }
0x3c: {  	p2 =	seq.s32 s10, $0x1;
	s10 =	sld [smem:$0x3FAB]  }
0x3d: {  	_ =	shalt  }
0x3e: {  	_ =	shalt  }
0x3f: {  	_ =	shalt  }
0x40: {  	_ =	shalt  }
0x41: {  	_ =	shalt  }
0x42: {  	_ =	shalt  }
0x43: {  	_ =	shalt  }
0x44: {  	_ =	shalt  }
0x45: {  	_ =	shalt  }
0x46: {  	_ =	shalt  }
0x47: {  	_ =	shalt  }
0x48: {  	_ =	shalt  }
0x49: {  	_ =	shalt  }
0x4a: {  	_ =	shalt  }
0x4b: {  	_ =	shalt  }
0x4c: {  	_ =	shalt  }
0x4d: {  	_ =	shalt  }
0x4e: {  	_ =	shalt  }
0x4f: {  	_ =	shalt  }
0x50: {  	_ =	shalt  }
0x51: {  	_ =	shalt  }
0x52: {  	_ =	shalt  }
0x53: {  	_ =	shalt  }
0x54: {  	_ =	shalt  }
0x55: {  	_ =	shalt  }
0x56: {  	_ =	shalt  }
0x57: {  	_ =	shalt  }
0x58: {  	_ =	shalt  }
0x59: {  	_ =	shalt  }
0x5a: {  	_ =	shalt  }
0x5b: {  	_ =	shalt  }
0x5c: {  	_ =	shalt  }
0x5d: {  	_ =	shalt  }
0x5e: {  	_ =	shalt  }
0x5f: {  	_ =	shalt  }
0x60: {  	_ =	shalt  }
0x61: {  	_ =	shalt  }
0x62: {  	_ =	shalt  }
0x63: {  	_ =	shalt  }
0x64: {  	_ =	shalt  }
0x65: {  	_ =	shalt  }
0x66: {  	_ =	shalt  }
0x67: {  	_ =	shalt  }
0x68: {  	_ =	shalt  }
0x69: {  	_ =	shalt  }
0x6a: {  	_ =	shalt  }
0x6b: {  	_ =	shalt  }
0x6c: {  	_ =	shalt  }
0x6d: {  	_ =	shalt  }
0x6e: {  	_ =	shalt  }
0x6f: {  	_ =	shalt  }
0x70: {  	_ =	shalt  }
0x71: {  	_ =	shalt  }
0x72: {  	_ =	shalt  }
0x73: {  	_ =	shalt  }
0x74: {  	_ =	shalt  }
0x75: {  	_ =	shalt  }
0x76: {  	_ =	shalt  }
0x77: {  	_ =	shalt  }
0x78: {  	_ =	shalt  }
0x79: {  	_ =	shalt  }
0x7a: {  	_ =	shalt  }
0x7b: {  	_ =	shalt  }
0x7c: {  	_ =	shalt  }
0x7d: {  	_ =	shalt  }
0x7e: {  	_ =	shalt  }
0x7f: {  	_ =	shalt  }
0x80: {  	_ =	shalt  }
0x81: {  	_ =	shalt  }
0x82: {  	_ =	shalt  }
0x83: {  	_ =	shalt  }
0x84: {  	_ =	shalt  }
0x85: {  	_ =	shalt  }
0x86: {  	_ =	shalt  }
0x87: {  	_ =	shalt  }
.Lfunc_end0:
.L_simem_size_0:
called_computation.2_lowered:
.L_overlay_start_0:
0x88: {  	s2 =	sld [smem:$0x3FD9]  }
0x89: {  	s3 =	sld [smem:$0x3FFE];
	_ =	sdelay $0x1  }
0x8a: {  	s1 =	srdreg.scid  }
0x8b: {  	s0 =	sand.u32 $0x1, s1  }
0x8c: {  	s16 =	sshll.u32 s0, $0xA;
	s2 =	sadd.s32 s3, s2  }
0x8d: {  	s2 =	sadd.s32 s2, s16  }
0x8e: {  	[smem:$0x3FB7] =	sst s2  }
0x8f: {  	_ = 	snop  }
0x90: {  	(tm) =	ssettm $0x1  }
0x91: {  	s17 =	sld [smem:$0x3FFB];
	_ =	sdelay $0x3  }
0x92: {  	_ =	strace s17  }
0x93: {  	s2 =	sld [smem:$0x3FFC];
	_ =	sdelay $0x3  }
0x94: {  	_ =	strace s2  }
0x95: {  	s2 =	sld [smem:$0x3FFD];
	_ =	sdelay $0x3  }
0x96: {  	_ =	strace s2  }
0x97: {  	_ =	strace $0x8FFFFFFF  }
0x98: {  	s18 =	sld [smem:$0x3FDB];
	_ =	sdelay $0x1  }
0x99: {  	s19 =	simm.s32 $_scs_section_size  }
0x9a: {  	s4 =	simm.s32 $_size__tile_overlayer_lowered;
	s5 =	simm.s32 $_tile_overlayer_lowered  }
0x9b: {  	s22 =	simm.s32 $0x1BFF;
	s21 =	sshll.u32 s5, $0x1;
	s2 =	sadd.s32 s19, s18  }
0x9c: {  	s6 =	simm.s32 $0x0;
	s20 =	sshll.u32 s4, $0x1;
	s4 =	sadd.s32 s21, s2  }
0x9d: {  	[timem:s6], [sflag:s22] =	dma.local [hbm:s4], s20  }
0x9e: {  	_ =	swait.ge [sflag:s22], s20  }
0x9f: {  	s3 =	ssub.s32 $0x0, s20;
	[sflag:s22] =	ssyncset.done $0x0  }
0xa0: {  	[sflag:s22] =	ssyncadd.s32 s3;
	_ =	sdelay $0x1  }
0xa1: {  	s23 =	simm.s32 $0x1B8B  }
0xa2: {  	_ =	swait.ge [sflag:s23], $0x1  }
0xa3: {  	[sflag:s23] =	ssyncset.done $0x0  }
0xa4: {  	s25 =	simm.s32 $0x1B8E;
	s24 =	sld [smem:$0x3FFE];
	[sflag:s23] =	ssyncadd.s32 $0xFFFFFFFF  }
0xa5: {  	s26 =	simm.s32 $execute0_lowered;
	[smem:$0x3FD2] =	sst s25  }
0xa6: {  	s4 =	sshll.u32 s26, $0x1;
	_ =	strace $0x8000004C;
	[dreg:$0x1] =	wrdreg $0xFFFFFFFF  }
0xa7: {  	s28 =	simm.s32 $_size_execute0_lowered;
	s2 =	sadd.s32 s2, s4;
	[dreg:$0x0] =	wrdreg $0x0  }
0xa8: {  	s4 =	sshll.u32 s28, $0x1;
	[dreg:$0x2] =	wrdreg s2  }
0xa9: {  	[dreg:$0x3] =	wrdreg s4  }
0xaa: {  	[dreg:$0x4] =	wrdreg $0xC0  }
0xab: {  	_ =	task [dreg:s6], $0x5FFFF  }
0xac: {  	[dreg:$0x1] =	wrdreg $0xFFFFFFFF  }
0xad: {  	[dreg:$0x0] =	wrdreg $0x60  }
0xae: {  	[dreg:$0x2] =	wrdreg s24  }
0xaf: {  	[dreg:$0x3] =	wrdreg $0x9  }
0xb0: {  	_ =	task.clear_ibuf [dreg:s6], $0x4FFFF;
	_ =	strace $0x9000004C  }
0xb1: {  	s29 =	simm.s32 $0x9;
	_ =	strace $0x8000004E  }
0xb2: {  	_ =	swait.ge [sflag:s29], $0x1  }
0xb3: {  	[sflag:s29] =	ssyncadd.s32 $0xFFFFFFFF  }
0xb4: {  	_ =	strace $0x9000004E  }
0xb5: {  	_ =	sfence  }
0xb6: {  	s30 =	sld [smem:$0x0];
	_ =	sdelay $0x2  }
0xb7: {  	s31 =	sshll.u32 s1, $0xD;
	s1 =	sshrl.u32 s1, $0x2  }
0xb8: {  	s3 =	sand.u32 $0x4000, s31;
	s1 =	sadd.s32 s1, s30  }
0xb9: {  	s0 =	sor.u32 s3, s0;
	s1 =	sshll.u32 s1, $0x11  }
0xba: {  	s0 =	sor.u32 s1, s0  }
0xbb: {  	s0 =	sadd.s32 $0x8F2B, s0  }
0xbc: {  	[sflag:s0] =	ssyncadd.remote.s32 $0x1  }
0xbd: {  	_ =	sfence.sel $0xFFFF  }
0xbe: {  	[dreg:$0x0] =	wrdreg $0xFFFFFFFF;
	(pc) =	sbr.abs _section_cstart, $3  }
0xbf: {  	[dreg:$0x1] =	wrdreg $0xFFFFFFFF  }
0xc0: {  	_ =	task.clear_ibuf [dreg:s6], $0x2FFFF;
	_ =	strace $0x9FFFFFFF  }
0xc1: {  	(tm) =	ssettm $0x7FFFFFFF  }
tec
execute0_lowered:
.L_overlay_start_1:
0x0: {  	(tag) =	ssettag $0x1  }
0x1: {  	s5 =	rddreg [dreg:$0x0]  }
0x2: {  	s0 =	rddreg [dreg:$0x1];
	s3 =	srdreg.scid  }
0x3: {  	s1 =	stileid.u32;
	s2 =	simm.s32 $0x0;
	s11 =	simm.s32 $0x5  }
0x4: {  	s12 =	simm.s32 $0xC80;
	s13 =	simm.s32 $0x80;
	s14 =	simm.s32 $0x1900  }
0x5: {  	s15 =	simm.s32 $0x3900;
	s16 =	simm.s32 $0x5900;
	s17 =	simm.s32 $0x7900  }
0x6: {  	s18 =	simm.s32 $0x1;
	s19 =	simm.s32 $0x2;
	s20 =	simm.s32 $0x3  }
0x7: {  	s21 =	simm.s32 $0x4;
	s6 =	sand.u32 $0x1, s3;
	s31 =	sshll.u32 s1, $0x1  }
0x8: {  	s22 =	simm.s32 $0x9900;
	s23 =	simm.s32 $0x0;
	s7 =	sor.u32 s6, s31  }
0x9: {  	[smem:$0x7FF] =	sst s2;
	s6 =	ssub.s32 $0x2, s6;
	s8 =	smul.u32 $0x190, s7  }
0xa: {  	s3 =	sadd.s32 $0x17800, s5;
	s9 =	smul.u32 $0xC800, s7;
	s10 =	sshrl.u32 s6, $0x1  }
0xb: {  	s4 =	sadd.s32 $0x3E00, s5;
	_ =	strace $0x8000004D;
	s10 =	ssub.s32 s6, s10  }
0xc: {  	s8 =	sadd.s32 s8, s5;
	s5 =	sadd.s32 $0x2B200, s5;
	s9 =	sshrl.u32 s9, $0x3  }
0xd: {  	s6 =	smul.u32 $0x19, s7;
	s7 =	sadd.s32 $0x12D400, s8;
	s9 =	sadd.s32 s5, s9  }
0xe: {  	s10 =	smax.u32 s10, $0x1;
	s8 =	sadd.s32 $0x12A200, s8;
	s9 =	sadd.s32 $0x1800, s9  }
.LBB2_1:
0xf: {  	[tilespmem:s2], [sflag:$0x5] =	stream.linear.gather [hbm4b:s7+s2], $0xC80, $0x38;
	[tilespmem:$0xA100] =	vst v63  }
0x10: {  	_ =	swait.ge [sflag:s11], $0xC80  }
0x11: {  	[sflag:s11] =	ssyncset.done $0x0  }
0x12: {  	[sflag:s11] =	ssyncadd.s32 $0xFFFFF380  }
0x13: {  	[tilespmem:s12], [sflag:$0x5] =	stream.linear.gather [hbm4b:s8+s2], $0xC80, $0x38;
	[tilespmem:$0xA100] =	vst v63  }
0x14: {  	_ =	swait.ge [sflag:s11], $0xC80  }
0x15: {  	[sflag:s11] =	ssyncset.done $0x0  }
0x16: {  	[sflag:s11] =	ssyncadd.s32 $0xFFFFF380  }
0x17: {  	[tilespmem:s14], [sflag:$0x1] =	stream.indirect.gather [hbm4b:s3+s13], $0x40, s2, s13, $0xb8;
	[tilespmem:$0xA100] =	vst v63  }
0x18: {  	s24 =	simm.s32 $0x0  }
0x19: {  	[tilespmem:s15], [sflag:$0x2] =	stream.indirect.gather [hbm4b:s4+s13], $0x40, s12, s13, $0xb8;
	[tilespmem:$0xA100] =	vst v63  }
.LBB2_2:
0x1a: {  	s25 =	sshllo.u32 s24, $0x1  }
0x1b: {  	s26 =	sshll.u32 s25, $0x7  }
0x1c: {  	[tilespmem:s16], [sflag:$0x3] =	stream.indirect.gather [hbm4b:s3+s13], $0x40, s26, s13, $0xb8;
	[tilespmem:$0xA100] =	vst v63  }
0x1d: {  	s26 =	sadd.s32 $0xC80, s26  }
0x1e: {  	[tilespmem:s17], [sflag:$0x4] =	stream.indirect.gather [hbm4b:s4+s13], $0x40, s26, s13, $0xb8;
	[tilespmem:$0xA100] =	vst v63  }
0x1f: {  	_ =	swait.ge [sflag:s18], $0x2000  }
0x20: {  	[sflag:s18] =	ssyncset.done $0x0  }
0x21: {  	[sflag:s18] =	ssyncadd.s32 $0xFFFFE000  }
0x22: {  	_ =	swait.ge [sflag:s19], $0x2000  }
0x23: {  	[sflag:s19] =	ssyncset.done $0x0  }
0x24: {  	s31 =	simm.s32 $0x0;
	[sflag:s19] =	ssyncadd.s32 $0xFFFFE000  }
0x25: {  	v0 =	vld [tilespmem:s31+$0x3900]  }
0x26: {  	v1 =	vld [tilespmem:s31+$0x1900]  }
0x27: {  	v2 =	vld [tilespmem:s31+$0x1910]  }
0x28: {  	v3 =	vld [tilespmem:s31+$0x3910]  }
0x29: {  	v4 =	vld [tilespmem:s31+$0x1920]  }
0x2a: {  	v5 =	vld [tilespmem:s31+$0x3920]  }
0x2b: {  	v6 =	vld [tilespmem:s31+$0x1930]  }
0x2c: {  	v7 =	vld [tilespmem:s31+$0x3930]  }
0x2d: {  	v0 =	vmul.f32 v0, v1;
	v1 =	vmul.f32 v3, v2;
	_ =	sdelay $0x1  }
0x2e: {  	v0 =	vadd.f32 v1, v0;
	v1 =	vmul.f32 v5, v4;
	_ =	sdelay $0x1  }
0x2f: {  	v0 =	vadd.f32 v1, v0;
	v1 =	vmul.f32 v7, v6;
	_ =	sdelay $0x1  }
0x30: {  	v0 =	vadd.f32 v1, v0  }
0x31: {  	s26 =	simm.s32 $0x9900  }
0x32: {  	s30 =	simm.s32 $0x40;
	[tilespmem:s26+$0x0] =	vst v0  }
0x33: {  	v0 =	vld [tilespmem:s30+$0x3900]  }
0x34: {  	v1 =	vld [tilespmem:s30+$0x1900]  }
0x35: {  	s28 =	sshll.u32 s24, $0x1;
	s29 =	simm.s32 $0x200;
	v2 =	vld [tilespmem:s30+$0x1910]  }
.LBB2_3:
0x36: {  	p0 =	sne.s32 s29, $0x7F00;
	v3 =	vld [tilespmem:s30+$0x3910]  }
0x37: {  	v4 =	vld [tilespmem:s30+$0x1920]  }
0x38: {  	v5 =	vld [tilespmem:s30+$0x3920]  }
0x39: {  	v6 =	vld [tilespmem:s30+$0x1930]  }
0x3a: {  	v7 =	vld [tilespmem:s30+$0x3930]  }
0x3b: {  	v0 =	vmul.f32 v0, v1;
	v1 =	vmul.f32 v3, v2;
	_ =	sdelay $0x1  }
0x3c: {  	v0 =	vadd.f32 v1, v0;
	v1 =	vmul.f32 v5, v4;
	_ =	sdelay $0x1  }
0x3d: {  	v0 =	vadd.f32 v1, v0;
	v1 =	vmul.f32 v7, v6;
	_ =	sdelay $0x1  }
0x3e: {  	v0 =	vadd.f32 v1, v0  }
.Ltmp0:
0x3f: {  	s26 =	sadd.s32 $0x10, s26;
	(pc) =	sbr.rel @p0 .LBB2_3-.Ltmp0, $4  }
0x40: {  	s30 =	sshra.s32 s29, $0x2;
	[tilespmem:s26+$0x0] =	vst v0  }
0x41: {  	v0 =	vld [tilespmem:s30+$0x3900]  }
0x42: {  	v1 =	vld [tilespmem:s30+$0x1900]  }
0x43: {  	s29 =	sadd.s32 $0x100, s29;
	v2 =	vld [tilespmem:s30+$0x1910]  }
0x44: {  	v3 =	vld [tilespmem:s30+$0x3910]  }
0x45: {  	v4 =	vld [tilespmem:s30+$0x1920]  }
0x46: {  	v5 =	vld [tilespmem:s30+$0x3920]  }
0x47: {  	v6 =	vld [tilespmem:s30+$0x1930]  }
0x48: {  	v7 =	vld [tilespmem:s30+$0x3930]  }
0x49: {  	v0 =	vmul.f32 v0, v1;
	v1 =	vmul.f32 v3, v2;
	_ =	sdelay $0x1  }
0x4a: {  	v0 =	vadd.f32 v1, v0;
	v1 =	vmul.f32 v5, v4;
	_ =	sdelay $0x1  }
0x4b: {  	v0 =	vadd.f32 v1, v0;
	v1 =	vmul.f32 v7, v6;
	_ =	sdelay $0x1  }
0x4c: {  	s28 =	sadd.s32 s6, s28;
	v0 =	vadd.f32 v1, v0  }
0x4d: {  	s26 =	sadd.s32 $0x10, s26;
	s28 =	sshll.u32 s28, $0x8  }
0x4e: {  	s29 =	simm.s32 $0x0;
	s28 =	sadd.s32 s5, s28;
	[tilespmem:s26+$0x0] =	vst v0;
	s26 =	simm.s32 $0x9900  }
0x4f: {  	[hbm4b:s28+s29] =	stream.linear.scatter [tilespmem:s26], [sflag:$0x5], $0x800, $0x38;
	[tilespmem:$0xA100] =	vst v63  }
0x50: {  	_ =	swait.ge [sflag:s11], $0x800  }
0x51: {  	s28 =	sshll.u32 s24, $0x8;
	[sflag:s11] =	ssyncset.done $0x0  }
0x52: {  	s29 =	sadd.s32 $0x100, s28;
	[sflag:s11] =	ssyncadd.s32 $0xFFFFF800  }
0x53: {  	[tilespmem:s14], [sflag:$0x1] =	stream.indirect.gather [hbm4b:s3+s13], $0x40, s29, s13, $0xb8;
	[tilespmem:$0xA100] =	vst v63  }
0x54: {  	s28 =	sadd.s32 $0xD80, s28  }
0x55: {  	[tilespmem:s15], [sflag:$0x2] =	stream.indirect.gather [hbm4b:s4+s13], $0x40, s28, s13, $0xb8;
	[tilespmem:$0xA100] =	vst v63  }
0x56: {  	_ =	swait.ge [sflag:s20], $0x2000  }
0x57: {  	[sflag:s20] =	ssyncset.done $0x0  }
0x58: {  	[sflag:s20] =	ssyncadd.s32 $0xFFFFE000  }
0x59: {  	_ =	swait.ge [sflag:s21], $0x2000  }
0x5a: {  	[sflag:s21] =	ssyncset.done $0x0  }
0x5b: {  	s28 =	simm.s32 $0x0;
	[sflag:s21] =	ssyncadd.s32 $0xFFFFE000  }
0x5c: {  	v0 =	vld [tilespmem:s28+$0x7900]  }
0x5d: {  	v1 =	vld [tilespmem:s28+$0x5900]  }
0x5e: {  	v2 =	vld [tilespmem:s28+$0x5910]  }
0x5f: {  	v3 =	vld [tilespmem:s28+$0x7910]  }
0x60: {  	v60 =	vld [tilespmem:s28+$0x5920]  }
0x61: {  	v61 =	vld [tilespmem:s28+$0x7920]  }
0x62: {  	v62 =	vld [tilespmem:s28+$0x5930]  }
0x63: {  	v63 =	vld [tilespmem:s28+$0x7930]  }
0x64: {  	v0 =	vmul.f32 v0, v1;
	v1 =	vmul.f32 v3, v2;
	_ =	sdelay $0x1  }
0x65: {  	v0 =	vadd.f32 v1, v0;
	v1 =	vmul.f32 v61, v60;
	_ =	sdelay $0x1  }
0x66: {  	v0 =	vadd.f32 v1, v0;
	v1 =	vmul.f32 v63, v62;
	_ =	sdelay $0x1  }
0x67: {  	v0 =	vadd.f32 v1, v0;
	_ =	sdelay $0x1  }
0x68: {  	s29 =	simm.s32 $0x40;
	[tilespmem:s26+$0x0] =	vst v0  }
0x69: {  	v0 =	vld [tilespmem:s29+$0x7900]  }
0x6a: {  	v1 =	vld [tilespmem:s29+$0x5900]  }
0x6b: {  	s28 =	simm.s32 $0x200;
	v2 =	vld [tilespmem:s29+$0x5910]  }
.LBB2_5:
0x6c: {  	p0 =	sne.s32 s28, $0x7F00;
	v3 =	vld [tilespmem:s29+$0x7910]  }
0x6d: {  	v4 =	vld [tilespmem:s29+$0x5920]  }
0x6e: {  	v5 =	vld [tilespmem:s29+$0x7920]  }
0x6f: {  	v6 =	vld [tilespmem:s29+$0x5930]  }
0x70: {  	v7 =	vld [tilespmem:s29+$0x7930]  }
0x71: {  	v0 =	vmul.f32 v0, v1;
	v1 =	vmul.f32 v3, v2;
	_ =	sdelay $0x1  }
0x72: {  	v0 =	vadd.f32 v1, v0;
	v1 =	vmul.f32 v5, v4;
	_ =	sdelay $0x1  }
0x73: {  	v0 =	vadd.f32 v1, v0;
	v1 =	vmul.f32 v7, v6;
	_ =	sdelay $0x1  }
0x74: {  	v0 =	vadd.f32 v1, v0  }
.Ltmp1:
0x75: {  	s26 =	sadd.s32 $0x10, s26;
	(pc) =	sbr.rel @p0 .LBB2_5-.Ltmp1, $4  }
0x76: {  	s29 =	sshra.s32 s28, $0x2;
	[tilespmem:s26+$0x0] =	vst v0  }
0x77: {  	v0 =	vld [tilespmem:s29+$0x7900]  }
0x78: {  	v1 =	vld [tilespmem:s29+$0x5900]  }
0x79: {  	s28 =	sadd.s32 $0x100, s28;
	v2 =	vld [tilespmem:s29+$0x5910]  }
0x7a: {  	v3 =	vld [tilespmem:s29+$0x7910]  }
0x7b: {  	v4 =	vld [tilespmem:s29+$0x5920]  }
0x7c: {  	v5 =	vld [tilespmem:s29+$0x7920]  }
0x7d: {  	v6 =	vld [tilespmem:s29+$0x5930]  }
0x7e: {  	v7 =	vld [tilespmem:s29+$0x7930]  }
0x7f: {  	v0 =	vmul.f32 v0, v1;
	v61 =	vmul.f32 v3, v2;
	_ =	sdelay $0x1  }
0x80: {  	v62 =	vmul.f32 v5, v4;
	v0 =	vadd.f32 v61, v0;
	_ =	sdelay $0x1  }
0x81: {  	v63 =	vmul.f32 v7, v6;
	v0 =	vadd.f32 v62, v0  }
0x82: {  	s25 =	sadd.s32 s6, s25  }
0x83: {  	s24 =	sadd.s32 $0x1, s24;
	s25 =	sshll.u32 s25, $0x8;
	v0 =	vadd.f32 v63, v0  }
0x84: {  	s26 =	sadd.s32 $0x10, s26;
	p0 =	sne.s32 s24, $0xC;
	s25 =	sand.u32 $0x1FFFFF00, s25  }
.Ltmp2:
0x85: {  	s25 =	sadd.s32 s5, s25;
	[tilespmem:s26+$0x0] =	vst v0;
	(pc) =	sbr.rel @p0 .LBB2_2-.Ltmp2, $4  }
0x86: {  	[hbm4b:s25+s2] =	stream.linear.scatter [tilespmem:s22], [sflag:$0x5], $0x800, $0x38;
	[tilespmem:$0xA100] =	vst v63  }
0x87: {  	_ =	swait.ge [sflag:s11], $0x800  }
0x88: {  	[sflag:s11] =	ssyncset.done $0x0  }
0x89: {  	[sflag:s11] =	ssyncadd.s32 $0xFFFFF800  }
0x8a: {  	_ =	swait.ge [sflag:s18], $0x2000  }
0x8b: {  	[sflag:s18] =	ssyncset.done $0x0  }
0x8c: {  	[sflag:s18] =	ssyncadd.s32 $0xFFFFE000  }
0x8d: {  	_ =	swait.ge [sflag:s19], $0x2000  }
0x8e: {  	[sflag:s19] =	ssyncset.done $0x0  }
0x8f: {  	s24 =	simm.s32 $0x0;
	[sflag:s19] =	ssyncadd.s32 $0xFFFFE000  }
0x90: {  	v0 =	vld [tilespmem:s24+$0x3900]  }
0x91: {  	v1 =	vld [tilespmem:s24+$0x1900]  }
0x92: {  	v2 =	vld [tilespmem:s24+$0x1910]  }
0x93: {  	v3 =	vld [tilespmem:s24+$0x3910]  }
0x94: {  	v4 =	vld [tilespmem:s24+$0x1920]  }
0x95: {  	v5 =	vld [tilespmem:s24+$0x3920]  }
0x96: {  	v6 =	vld [tilespmem:s24+$0x1930]  }
0x97: {  	v7 =	vld [tilespmem:s24+$0x3930]  }
0x98: {  	v0 =	vmul.f32 v0, v1;
	v1 =	vmul.f32 v3, v2;
	_ =	sdelay $0x1  }
0x99: {  	v0 =	vadd.f32 v1, v0;
	v1 =	vmul.f32 v5, v4;
	_ =	sdelay $0x1  }
0x9a: {  	v0 =	vadd.f32 v1, v0;
	v1 =	vmul.f32 v7, v6;
	_ =	sdelay $0x1  }
0x9b: {  	v0 =	vadd.f32 v1, v0  }
0x9c: {  	s24 =	simm.s32 $0x9900  }
0x9d: {  	s26 =	simm.s32 $0x40;
	[tilespmem:s24+$0x0] =	vst v0  }
0x9e: {  	v0 =	vld [tilespmem:s26+$0x3900]  }
0x9f: {  	v1 =	vld [tilespmem:s26+$0x1900]  }
0xa0: {  	s25 =	simm.s32 $0x200;
	v2 =	vld [tilespmem:s26+$0x1910]  }
.LBB2_8:
0xa1: {  	p0 =	sne.s32 s25, $0x7F00;
	v3 =	vld [tilespmem:s26+$0x3910]  }
0xa2: {  	v4 =	vld [tilespmem:s26+$0x1920]  }
0xa3: {  	v5 =	vld [tilespmem:s26+$0x3920]  }
0xa4: {  	v6 =	vld [tilespmem:s26+$0x1930]  }
0xa5: {  	v7 =	vld [tilespmem:s26+$0x3930]  }
0xa6: {  	v0 =	vmul.f32 v0, v1;
	v1 =	vmul.f32 v3, v2;
	_ =	sdelay $0x1  }
0xa7: {  	v0 =	vadd.f32 v1, v0;
	v1 =	vmul.f32 v5, v4;
	_ =	sdelay $0x1  }
0xa8: {  	v0 =	vadd.f32 v1, v0;
	v1 =	vmul.f32 v7, v6;
	_ =	sdelay $0x1  }
0xa9: {  	v0 =	vadd.f32 v1, v0  }
.Ltmp3:
0xaa: {  	s24 =	sadd.s32 $0x10, s24;
	(pc) =	sbr.rel @p0 .LBB2_8-.Ltmp3, $4  }
0xab: {  	s26 =	sshra.s32 s25, $0x2;
	[tilespmem:s24+$0x0] =	vst v0  }
0xac: {  	v0 =	vld [tilespmem:s26+$0x3900]  }
0xad: {  	v1 =	vld [tilespmem:s26+$0x1900]  }
0xae: {  	s25 =	sadd.s32 $0x100, s25;
	v2 =	vld [tilespmem:s26+$0x1910]  }
0xaf: {  	v3 =	vld [tilespmem:s26+$0x3910]  }
0xb0: {  	v4 =	vld [tilespmem:s26+$0x1920]  }
0xb1: {  	v5 =	vld [tilespmem:s26+$0x3920]  }
0xb2: {  	v6 =	vld [tilespmem:s26+$0x1930]  }
0xb3: {  	v7 =	vld [tilespmem:s26+$0x3930]  }
0xb4: {  	v0 =	vmul.f32 v0, v1;
	v61 =	vmul.f32 v3, v2;
	_ =	sdelay $0x1  }
0xb5: {  	v62 =	vmul.f32 v5, v4;
	v0 =	vadd.f32 v61, v0;
	_ =	sdelay $0x1  }
0xb6: {  	v63 =	vmul.f32 v7, v6;
	v0 =	vadd.f32 v62, v0;
	_ =	sdelay $0x1  }
0xb7: {  	s23 =	sadd.s32 $0x1, s23;
	v0 =	vadd.f32 v63, v0  }
0xb8: {  	s24 =	sadd.s32 $0x10, s24;
	p0 =	sne.s32 s23, s10  }
.Ltmp4:
0xb9: {  	[tilespmem:s24+$0x0] =	vst v0;
	(pc) =	sbr.rel @p0 .LBB2_1-.Ltmp4, $4  }
0xba: {  	[hbm4b:s9+s2] =	stream.linear.scatter [tilespmem:s22], [sflag:$0x5], $0x800, $0x38;
	[tilespmem:$0xA100] =	vst v63  }
0xbb: {  	_ =	swait.ge [sflag:s11], $0x800  }
0xbc: {  	[sflag:s11] =	ssyncset.done $0x0  }
0xbd: {  	[sflag:s11] =	ssyncadd.s32 $0xFFFFF800  }
0xbe: {  	_ =	sfence.sel $0x180000  }
0xbf: {  	[bflag:$0x0] =	sbarrier.arrive $0xFFFF  }
0xc0: {  	p0 =	sne.s32 s1, $0x0;
	_ =	strace $0x9000004D  }
0xc1: {  	s0 =	sadd.s32 @!p0 $0x100000, s0;
	[bflag:$0x2] =	sbarrier.arrive $0xFFFF  }
0xc2: {  	[sflag:s0] =	ssyncadd.tile.s32 @!p0 $0x1;
	_ =	shalt  }
.Lfunc_end2:
_tile_overlayer_lowered:
.L_overlay_start_2:
0xc3: {  	(tag) =	ssettag $0x2  }
0xc4: {  	s0 =	rddreg [dreg:$0x0];
	s2 =	stileid.u32  }
0xc5: {  	s1 =	rddreg [dreg:$0x1];
	p0 =	sne.s32 s2, $0x0  }
0xc6: {  	s3 =	rddreg [dreg:$0x2];
	[bflag:$0x3] =	sbarrier.arrive $0xFFFF;
	s2 =	simm.s32 @!p0 $0x1C05  }
0xc7: {  	[timem:s3], [sflag:s2] =	dma.local @!p0 [hbm:s0], s1  }
0xc8: {  	s0 =	simm.s32 @!p0 $0x5  }
0xc9: {  	_ =	swait.ge @!p0 [sflag:s0], s1  }
0xca: {  	s1 =	ssub.s32 @!p0 $0x0, s1;
	[sflag:s0] =	ssyncset.done @!p0 $0x0  }
0xcb: {  	[sflag:s0] =	ssyncadd.s32 @!p0 s1  }
0xcc: {  	[bflag:$0x3] =	sbarrier.arrive $0xFFFF  }
0xcd: {  	_ =	shalt  }

// kernel: kernel.8.cloned.1.call-start
scs
__scs_entry_jumppad:
0x0: {  	(pc) =	sbr.rel $0x88, $3  }
0x1: {  	(tag) =	ssettag $0x0;
	lr =	simm.s32 $0x1  }
0x2: {  	[smem:$0x3F90] =	sst lr;
	_ =	strace $0xD0000000  }
0x3: {  	_ = 	snop  }
0x4: {  	_ = 	snop  }
0x5: {  	_ = 	snop  }
0x6: {  	_ = 	snop  }
0x7: {  	_ = 	snop  }
__scs_overlays_trampoline_lowered:
0x8: {  	[smem:$0x3F9F] =	sst s0  }
0x9: {  	[smem:$0x3FA0] =	sst s1  }
0xa: {  	[smem:$0x3FA1] =	sst s2  }
0xb: {  	[smem:$0x3FA2] =	sst s3  }
0xc: {  	[smem:$0x3FA3] =	sst s4  }
0xd: {  	[smem:$0x3FA4] =	sst s5  }
0xe: {  	[smem:$0x3FA5] =	sst s6  }
0xf: {  	[smem:$0x3FA6] =	sst s7  }
0x10: {  	[smem:$0x3FA7] =	sst s8  }
0x11: {  	[smem:$0x3FA8] =	sst s9;
	s0 =	simm.s32 @!p0 $0x0  }
0x12: {  	s1 =	sld [smem:$0x3F8E];
	s0 =	simm.s32 @p0 $0x1  }
0x13: {  	[smem:$0x3FA9] =	sst s0;
	s0 =	simm.s32 @!p1 $0x0  }
0x14: {  	s2 =	sld [smem:$0x3F8D];
	s0 =	simm.s32 @p1 $0x1  }
0x15: {  	[smem:$0x3FAA] =	sst s0;
	s0 =	simm.s32 @!p2 $0x0  }
0x16: {  	s3 =	sld [smem:$0x3FDB];
	s0 =	simm.s32 @p2 $0x1  }
0x17: {  	s4 =	simm.s32 $0x1BF5;
	[smem:$0x3FAC] =	sst s0  }
0x18: {  	s0 =	sld [smem:$0x3F8F];
	_ =	swait.ge [sflag:s4], $0x0  }
0x19: {  	s7 =	sld [smem:$0x3F90]  }
0x1a: {  	s8 =	sadd.s32 $0xFFFFE003, lr  }
0x1b: {  	s9 =	sadd.s32 $0xFFFFFEF7, lr;
	s5 =	simm.s32 $0xFFFFFFFF;
	p2 =	slt.u32 s8, $0xFFFFF086  }
0x1c: {  	p1 =	slt.u32 s9, $0xF7A;
	s5 =	simm.s32 @!p2 $0x0  }
0x1d: {  	s5 =	simm.s32 @p1 $0x1;
	p0 =	seq.s32 s7, s2  }
0x1e: {  	s7 =	smul.u32 @!p0 $0xF7A, s2;
	p2 =	seq.s32 @!p0 s5, $0x0  }
0x1f: {  	s9 =	smul.u32 $0xF7A, s1;
	s8 =	simm.s32 @!p0 $0x1BF5;
	p2 =	por !p2, p0  }
0x20: {  	[sflag:s8] =	ssyncset.s32 @!p0 $0xFFFFF086;
	s6 =	sadd.s32 @!p0 s3, s7;
	s7 =	simm.s32 @!p0 $0x108  }
0x21: {  	s3 =	sadd.s32 s3, s9;
	s6 =	sadd.s32 @!p0 $0x88, s6;
	s7 =	simm.s32 @p2 $0x1082  }
0x22: {  	[simem:s7], [sflag:s8] =	dma.local @!p0 [hbm:s6], $0xF7A  }
0x23: {  	s9 =	sor.u32 $0xD0000000, s2;
	s6 =	simm.s32 $0x108;
	_ =	swait.ge @!p0 [sflag:s8], $0x0  }
0x24: {  	s3 =	sadd.s32 $0x88, s3;
	s6 =	simm.s32 @!p1 $0x1082;
	[sflag:s4] =	ssyncset.s32 $0xFFFFF086  }
0x25: {  	[simem:s6], [sflag:s4] =	dma.local [hbm:s3], $0xF7A  }
0x26: {  	[smem:$0x3F90] =	sst s1;
	(tag) =	ssettag s2;
	_ =	strace s9  }
0x27: {  	s1 =	sld [smem:$0x3FA0]  }
0x28: {  	s2 =	sld [smem:$0x3FA1]  }
0x29: {  	s4 =	sld [smem:$0x3FA3]  }
0x2a: {  	p0 =	seq.s32 s5, $0x0;
	s5 =	sld [smem:$0x3FA4]  }
0x2b: {  	s6 =	sld [smem:$0x3FA5]  }
0x2c: {  	s7 =	sld [smem:$0x3FA6]  }
0x2d: {  	s3 =	simm.s32 $0x108;
	s8 =	sld [smem:$0x3FA7]  }
0x2e: {  	s3 =	simm.s32 @!p0 $0x1082;
	s9 =	sld [smem:$0x3FA8]  }
0x2f: {  	lr =	sadd.s32 s0, s3;
	s0 =	sld [smem:$0x3F9F]  }
0x30: {  	s3 =	sld [smem:$0x3FA2]  }
0x31: {  	[smem:$0x3FAB] =	sst s10  }
0x32: {  	s10 =	sld [smem:$0x3FA9];
	_ =	sdelay $0x3  }
0x33: {  	p0 =	seq.s32 s10, $0x1;
	s10 =	sld [smem:$0x3FAB];
	_ =	sdelay $0x3  }
0x34: {  	[smem:$0x3FAB] =	sst s10  }
0x35: {  	s10 =	sld [smem:$0x3FAA];
	_ =	sdelay $0x3  }
0x36: {  	p1 =	seq.s32 s10, $0x1;
	s10 =	sld [smem:$0x3FAB];
	_ =	sdelay $0x3  }
0x37: {  	[smem:$0x3FAB] =	sst s10  }
0x38: {  	s10 =	sld [smem:$0x3FAC]  }
0x39: {  	_ = 	snop;
	(pc) =	sbr.ind lr, $3  }
0x3a: {  	_ = 	snop  }
0x3b: {  	_ = 	snop  }
0x3c: {  	p2 =	seq.s32 s10, $0x1;
	s10 =	sld [smem:$0x3FAB]  }
0x3d: {  	_ =	shalt  }
0x3e: {  	_ =	shalt  }
0x3f: {  	_ =	shalt  }
0x40: {  	_ =	shalt  }
0x41: {  	_ =	shalt  }
0x42: {  	_ =	shalt  }
0x43: {  	_ =	shalt  }
0x44: {  	_ =	shalt  }
0x45: {  	_ =	shalt  }
0x46: {  	_ =	shalt  }
0x47: {  	_ =	shalt  }
0x48: {  	_ =	shalt  }
0x49: {  	_ =	shalt  }
0x4a: {  	_ =	shalt  }
0x4b: {  	_ =	shalt  }
0x4c: {  	_ =	shalt  }
0x4d: {  	_ =	shalt  }
0x4e: {  	_ =	shalt  }
0x4f: {  	_ =	shalt  }
0x50: {  	_ =	shalt  }
0x51: {  	_ =	shalt  }
0x52: {  	_ =	shalt  }
0x53: {  	_ =	shalt  }
0x54: {  	_ =	shalt  }
0x55: {  	_ =	shalt  }
0x56: {  	_ =	shalt  }
0x57: {  	_ =	shalt  }
0x58: {  	_ =	shalt  }
0x59: {  	_ =	shalt  }
0x5a: {  	_ =	shalt  }
0x5b: {  	_ =	shalt  }
0x5c: {  	_ =	shalt  }
0x5d: {  	_ =	shalt  }
0x5e: {  	_ =	shalt  }
0x5f: {  	_ =	shalt  }
0x60: {  	_ =	shalt  }
0x61: {  	_ =	shalt  }
0x62: {  	_ =	shalt  }
0x63: {  	_ =	shalt  }
0x64: {  	_ =	shalt  }
0x65: {  	_ =	shalt  }
0x66: {  	_ =	shalt  }
0x67: {  	_ =	shalt  }
0x68: {  	_ =	shalt  }
0x69: {  	_ =	shalt  }
0x6a: {  	_ =	shalt  }
0x6b: {  	_ =	shalt  }
0x6c: {  	_ =	shalt  }
0x6d: {  	_ =	shalt  }
0x6e: {  	_ =	shalt  }
0x6f: {  	_ =	shalt  }
0x70: {  	_ =	shalt  }
0x71: {  	_ =	shalt  }
0x72: {  	_ =	shalt  }
0x73: {  	_ =	shalt  }
0x74: {  	_ =	shalt  }
0x75: {  	_ =	shalt  }
0x76: {  	_ =	shalt  }
0x77: {  	_ =	shalt  }
0x78: {  	_ =	shalt  }
0x79: {  	_ =	shalt  }
0x7a: {  	_ =	shalt  }
0x7b: {  	_ =	shalt  }
0x7c: {  	_ =	shalt  }
0x7d: {  	_ =	shalt  }
0x7e: {  	_ =	shalt  }
0x7f: {  	_ =	shalt  }
0x80: {  	_ =	shalt  }
0x81: {  	_ =	shalt  }
0x82: {  	_ =	shalt  }
0x83: {  	_ =	shalt  }
0x84: {  	_ =	shalt  }
0x85: {  	_ =	shalt  }
0x86: {  	_ =	shalt  }
0x87: {  	_ =	shalt  }
.Lfunc_end0:
.L_simem_size_0:
called_computation_lowered:
.L_overlay_start_0:
0x88: {  	s2 =	sld [smem:$0x3FD9]  }
0x89: {  	s3 =	sld [smem:$0x3FFE];
	_ =	sdelay $0x1  }
0x8a: {  	s1 =	srdreg.scid  }
0x8b: {  	s0 =	sand.u32 $0x1, s1  }
0x8c: {  	s17 =	sshll.u32 s0, $0xA;
	s2 =	sadd.s32 s3, s2  }
0x8d: {  	s2 =	sadd.s32 s2, s17  }
0x8e: {  	[smem:$0x3FB7] =	sst s2  }
0x8f: {  	_ = 	snop  }
0x90: {  	s2 =	sld [smem:$0x3FD0];
	(tm) =	ssettm $0x1  }
0x91: {  	s18 =	sld [smem:$0x3FFB];
	_ =	sdelay $0x3  }
0x92: {  	_ =	strace s18  }
0x93: {  	s3 =	sld [smem:$0x3FFC];
	_ =	sdelay $0x3  }
0x94: {  	_ =	strace s3  }
0x95: {  	s3 =	sld [smem:$0x3FFD];
	_ =	sdelay $0x3  }
0x96: {  	_ =	strace s3  }
0x97: {  	_ =	strace $0x8FFFFFFF  }
0x98: {  	s19 =	sld [smem:$0x3FDB];
	_ =	sdelay $0x1  }
0x99: {  	s4 =	simm.s32 $_scs_section_size  }
0x9a: {  	s5 =	simm.s32 $_size__tile_overlayer_lowered;
	s6 =	simm.s32 $_tile_overlayer_lowered  }
0x9b: {  	s22 =	simm.s32 $0x1BFF;
	s21 =	sshll.u32 s6, $0x1;
	s3 =	sadd.s32 s4, s19  }
0x9c: {  	s7 =	simm.s32 $0x0;
	s20 =	sshll.u32 s5, $0x1;
	s5 =	sadd.s32 s21, s3  }
0x9d: {  	[timem:s7], [sflag:s22] =	dma.local [hbm:s5], s20  }
0x9e: {  	_ =	swait.ge [sflag:s22], s20  }
0x9f: {  	s4 =	ssub.s32 $0x0, s20;
	[sflag:s22] =	ssyncset.done $0x0  }
0xa0: {  	[sflag:s22] =	ssyncadd.s32 s4;
	_ =	sdelay $0x1  }
0xa1: {  	s23 =	simm.s32 $0x1B8B  }
0xa2: {  	_ =	swait.ge [sflag:s23], $0x1  }
0xa3: {  	[sflag:s23] =	ssyncset.done $0x0  }
0xa4: {  	s25 =	simm.s32 $0x1B8E;
	s24 =	sld [smem:$0x3FFE];
	[sflag:s23] =	ssyncadd.s32 $0xFFFFFFFF  }
0xa5: {  	s26 =	simm.s32 $execute0_lowered;
	[smem:$0x3FD2] =	sst s25  }
0xa6: {  	s5 =	sshll.u32 s26, $0x1;
	_ =	strace $0x80000046;
	[dreg:$0x1] =	wrdreg $0xFFFFFFFF  }
0xa7: {  	s28 =	simm.s32 $_size_execute0_lowered;
	s3 =	sadd.s32 s3, s5;
	[dreg:$0x0] =	wrdreg $0x0  }
0xa8: {  	s5 =	sshll.u32 s28, $0x1;
	[dreg:$0x2] =	wrdreg s3  }
0xa9: {  	[dreg:$0x3] =	wrdreg s5  }
0xaa: {  	[dreg:$0x4] =	wrdreg $0xC0  }
0xab: {  	_ =	task [dreg:s7], $0x5FFFF  }
0xac: {  	[dreg:$0x1] =	wrdreg $0xFFFFFFFF  }
0xad: {  	[dreg:$0x0] =	wrdreg $0x60  }
0xae: {  	[dreg:$0x2] =	wrdreg s24  }
0xaf: {  	[dreg:$0x3] =	wrdreg s2  }
0xb0: {  	[dreg:$0x4] =	wrdreg $0xF0500  }
0xb1: {  	[dreg:$0x5] =	wrdreg $0x18C900  }
0xb2: {  	[dreg:$0x6] =	wrdreg $0x9  }
0xb3: {  	_ =	task.clear_ibuf [dreg:s7], $0x7FFFF;
	_ =	strace $0x90000046  }
0xb4: {  	s29 =	simm.s32 $0x9;
	_ =	strace $0x80000048  }
0xb5: {  	_ =	swait.ge [sflag:s29], $0x1  }
0xb6: {  	[sflag:s29] =	ssyncadd.s32 $0xFFFFFFFF  }
0xb7: {  	_ =	strace $0x90000048  }
0xb8: {  	_ =	sfence  }
0xb9: {  	s30 =	sld [smem:$0x0];
	_ =	sdelay $0x2  }
0xba: {  	s31 =	sshll.u32 s1, $0xD;
	s1 =	sshrl.u32 s1, $0x2  }
0xbb: {  	s3 =	sand.u32 $0x4000, s31;
	s1 =	sadd.s32 s1, s30  }
0xbc: {  	s0 =	sor.u32 s3, s0;
	s1 =	sshll.u32 s1, $0x11  }
0xbd: {  	s0 =	sor.u32 s1, s0  }
0xbe: {  	s0 =	sadd.s32 $0x8F2B, s0  }
0xbf: {  	[sflag:s0] =	ssyncadd.remote.s32 $0x1  }
0xc0: {  	_ =	sfence.sel $0xFFFF  }
0xc1: {  	[dreg:$0x0] =	wrdreg $0xFFFFFFFF;
	(pc) =	sbr.abs _section_cstart, $3  }
0xc2: {  	[dreg:$0x1] =	wrdreg $0xFFFFFFFF  }
0xc3: {  	_ =	task.clear_ibuf [dreg:s7], $0x2FFFF;
	_ =	strace $0x9FFFFFFF  }
0xc4: {  	(tm) =	ssettm $0x7FFFFFFF  }
0xc5: {  	_ =	shalt  }
tec
execute0_lowered:
.L_overlay_start_1:
0x0: {  	(tag) =	ssettag $0x1  }
0x1: {  	s0 =	rddreg [dreg:$0x0]  }
0x2: {  	s19 =	rddreg [dreg:$0x1]  }
0x3: {  	s2 =	rddreg [dreg:$0x2]  }
0x4: {  	s4 =	rddreg [dreg:$0x3];
	s20 =	stileid.u32  }
0x5: {  	s5 =	simm.s32 $0x0;
	s3 =	srdreg.scid;
	s1 =	smul.u32 $0x9C4, s20  }
0x6: {  	[smem:$0x7FF] =	sst s5;
	s9 =	smul.u32 $0x9C00, s20  }
0x7: {  	s3 =	sand.u32 $0x1, s3;
	s6 =	sadd.s32 $0x52800, s0;
	s7 =	sadd.s32 $0x2B600, s0  }
0x8: {  	s12 =	smul.u32 $0x280, s20;
	s13 =	sadd.s32 $0x79A00, s0;
	s17 =	sadd.s32 $0x66080, s0  }
0x9: {  	p1 =	sne.s32 s20, $0xF;
	s26 =	sadd.s32 $0xDBEB0, s0;
	p3 =	seq.s32 s20, $0xF  }
0xa: {  	s29 =	sadd.s32 $0x9C000, s2;
	s30 =	sadd.s32 $0x2580, s4;
	s31 =	sadd.s32 $0x4B0, s19  }
0xb: {  	_ =	strace $0x80000047;
	s10 =	smul.u32 $0x13880, s3;
	[dreg:$0x5] =	wrdreg s13  }
0xc: {  	s18 =	ssub.s32 $0x2, s3;
	p0 =	sne.s32 s3, $0x0;
	p2 =	seq.s32 s3, $0x0  }
0xd: {  	p4 =	seq.s32 @p1 s3, $0x0;
	p5 =	seq.s32 @!p1 s3, $0x0;
	[dreg:$0xd] =	wrdreg s26  }
0xe: {  	s3 =	simm.s32 $0x50;
	s26 =	simm.s32 $0x0;
	s1 =	sadd.s32 s1, s0  }
0xf: {  	s8 =	sshrl.u32 s9, $0x3;
	s14 =	sshrl.u32 s12, $0x3;
	s15 =	sshrl.u32 s18, $0x1  }
0x10: {  	s9 =	sadd.s32 s9, s2;
	s12 =	sadd.s32 s12, s4;
	p4 =	por p4, !p1  }
0x11: {  	p5 =	por p5, p1;
	s11 =	sadd.s32 s8, s0;
	s10 =	sadd.s32 s10, s0  }
0x12: {  	s16 =	sadd.s32 s14, s0;
	s15 =	ssub.s32 s18, s15;
	[dreg:$0x6] =	wrdreg s9  }
0x13: {  	s13 =	sadd.s32 s19, s14;
	s14 =	sadd.s32 $0x8D400, s0;
	s21 =	sadd.s32 $0x21800, s1  }
0x14: {  	s22 =	sadd.s32 $0x17A00, s1;
	s24 =	sadd.s32 $0xDC00, s1;
	[dreg:$0x7] =	wrdreg s21  }
0x15: {  	s1 =	sadd.s32 $0x3E00, s1;
	s19 =	simm.s32 $0x3;
	[dreg:$0x8] =	wrdreg s22  }
0x16: {  	s9 =	simm.s32 $0x9C40;
	s11 =	sadd.s32 $0x79C00, s11;
	[dreg:$0xa] =	wrdreg s24  }
0x17: {  	s18 =	sadd.s32 $0xB4800, s10;
	s23 =	sadd.s32 $0xDBA00, s16;
	[dreg:$0xb] =	wrdreg s1  }
.Ltmp0:
0x18: {  	s22 =	sadd.s32 $0x8D600, s10;
	s25 =	sadd.s32 $0xDC000, s16;
	(pc) =	sbr.rel .LBB2_1-.Ltmp0, $4  }
0x19: {  	s28 =	smax.u32 s15, $0x1;
	s24 =	simm.s32 $0xC440;
	[dreg:$0x9] =	wrdreg s23  }
0x1a: {  	s10 =	simm.s32 $0x1;
	s15 =	simm.s32 $0xB040;
	[dreg:$0xc] =	wrdreg s25  }
0x1b: {  	s25 =	sadd.s32 $0x3EE80, s0;
	s0 =	sadd.s32 $0xDC4B0, s0;
	[dreg:$0xf] =	wrdreg s28  }
0x1c: {  	v0 =	vimm.f32 $1.000000000e+00;
	s16 =	simm.s32 $0x2;
	[dreg:$0xe] =	wrdreg s0;
	s0 =	simm.s32 $0x7D  }
.LBB2_18:
0x1d: {  	[sflag:s19] =	ssyncadd.s32 $0xFFFFEC00  }
0x1e: {  	_ =	swait.ge [sflag:s10], $0x1400  }
0x1f: {  	[sflag:s10] =	ssyncset.done $0x0  }
0x20: {  	s20 =	simm.s32 $0x4DD0;
	[sflag:s10] =	ssyncadd.s32 $0xFFFFEC00  }
0x21: {  	[tilespmem:s15], [sflag:$0x2] =	stream.indirect.gather [hbm4b:s7+s3], $0x40, s20, s3, $0xb8;
	[tilespmem:$0x18F08] =	vst v63  }
0x22: {  	s21 =	simm.s32 $0x9BA0  }
0x23: {  	[spmem:s2] =	stream.indirect.scatter.add.f32 [tilespmem:s9], [sflag:$0x3], $0x40, s21, s3, $0xb8;
	[tilespmem:$0x18F08] =	vst v63  }
0x24: {  	_ =	swait.ge [sflag:s19], $0x1400  }
0x25: {  	[sflag:s19] =	ssyncset.done $0x0  }
0x26: {  	[sflag:s19] =	ssyncadd.s32 $0xFFFFEC00  }
0x27: {  	_ =	swait.ge [sflag:s16], $0x1400  }
0x28: {  	[sflag:s16] =	ssyncset.done $0x0  }
0x29: {  	s23 =	simm.s32 $0x9BF0;
	[sflag:s16] =	ssyncadd.s32 $0xFFFFEC00  }
0x2a: {  	[spmem:s2] =	stream.indirect.scatter.add.f32 [tilespmem:s15], [sflag:$0x3], $0x40, s23, s3, $0xb8;
	[tilespmem:$0x18F08] =	vst v63  }
0x2b: {  	_ =	swait.ge [sflag:s19], $0x1400  }
0x2c: {  	[sflag:s19] =	ssyncset.done $0x0  }
0x2d: {  	[sflag:s19] =	ssyncadd.s32 $0xFFFFEC00  }
.LBB2_22:
0x2e: {  	[bflag:$0x0] =	sbarrier.arrive $0xFFFF;
	s20 =	sadd.s32 s8, s22  }
0x2f: {  	[hbm:s20], [sflag:s1] =	dma.local [spmem:s28], $0x1380  }
0x30: {  	_ =	swait.ge [sflag:s19], $0x1380  }
0x31: {  	[sflag:s19] =	ssyncset.done $0x0  }
0x32: {  	s20 =	sshrl.u32 @!p4 s12, $0x3;
	s21 =	rddreg [dreg:$0xc];
	[sflag:s19] =	ssyncadd.s32 $0xFFFFEC80  }
0x33: {  	[hbm:s21], [sflag:s1] =	dma.local @!p4 [spmem:s20], $0x50  }
0x34: {  	s20 =	simm.s32 @!p4 $0x3  }
0x35: {  	_ =	swait.ge @!p4 [sflag:s20], $0x50  }
0x36: {  	[sflag:s20] =	ssyncset.done @!p4 $0x0  }
0x37: {  	s21 =	sshrl.u32 @!p1 s29, $0x3;
	[sflag:s20] =	ssyncadd.s32 @!p4 $0xFFFFFFB0;
	s20 =	sadd.s32 @!p1 $0x13800, s22  }
0x38: {  	[hbm:s20], [sflag:s1] =	dma.local @!p1 [spmem:s21], $0x80  }
0x39: {  	s20 =	simm.s32 @!p1 $0x3  }
0x3a: {  	_ =	swait.ge @!p1 [sflag:s20], $0x80  }
0x3b: {  	[sflag:s20] =	ssyncset.done @!p1 $0x0  }
0x3c: {  	s21 =	rddreg [dreg:$0xe];
	[sflag:s20] =	ssyncadd.s32 @!p1 $0xFFFFFF80;
	s20 =	sshrl.u32 @!p5 s30, $0x3  }
0x3d: {  	[hbm:s21], [sflag:s1] =	dma.local @!p5 [spmem:s20], $0x32  }
0x3e: {  	s1 =	simm.s32 @!p5 $0x3  }
0x3f: {  	_ =	swait.ge @!p5 [sflag:s1], $0x32  }
0x40: {  	s26 =	sadd.s32 $0x1, s26;
	s28 =	rddreg [dreg:$0xf]  }
0x41: {  	p6 =	sne.s32 s26, s28  }
.Ltmp1:
0x42: {  	_ = 	snop;
	(pc) =	sbr.rel @!p6 .LBB2_23-.Ltmp1, $3  }
0x43: {  	_ =	sdelay $0x1  }
0x44: {  	[sflag:s1] =	ssyncset.done @!p5 $0x0  }
0x45: {  	[sflag:s1] =	ssyncadd.s32 @!p5 $0xFFFFFFCE  }
.LBB2_1:
0x46: {  	s1 =	rddreg [dreg:$0x5];
	s20 =	simm.s32 $0xEB50  }
0x47: {  	[tilespmem:s20], [sflag:$0x3] =	stream.linear.gather [hbm4b:s1+s5], $0x500, $0x38;
	[tilespmem:$0x18F08] =	vst v63  }
0x48: {  	s20 =	stileid.u32;
	_ =	swait.ge [sflag:s19], $0x500  }
0x49: {  	s1 =	sshll.u32 s20, $0x6;
	[sflag:s19] =	ssyncset.done $0x0;
	s21 =	rddreg [dreg:$0x6]  }
0x4a: {  	s1 =	sor.u32 $0x1C03, s1;
	[sflag:s19] =	ssyncadd.s32 $0xFFFFFB00;
	s28 =	sshrl.u32 s21, $0x3  }
0x4b: {  	[spmem:s28], [sflag:s1] =	dma.local [hbm:s11], $0x1380  }
0x4c: {  	_ =	swait.ge [sflag:s19], $0x1380  }
0x4d: {  	[sflag:s19] =	ssyncset.done $0x0  }
0x4e: {  	s20 =	sshrl.u32 @p3 s29, $0x3;
	[sflag:s19] =	ssyncadd.s32 $0xFFFFEC80  }
0x4f: {  	[spmem:s20], [sflag:s1] =	dma.local @p3 [hbm:s14], $0x80  }
0x50: {  	s20 =	simm.s32 @p3 $0x3  }
0x51: {  	_ =	swait.ge @p3 [sflag:s20], $0x80  }
0x52: {  	[sflag:s20] =	ssyncset.done @p3 $0x0  }
0x53: {  	s21 =	sshrl.u32 @p3 s30, $0x3;
	[sflag:s20] =	ssyncadd.s32 @p3 $0xFFFFFF80  }
0x54: {  	[spmem:s21], [sflag:s1] =	dma.local @p3 [hbm:s31], $0x32  }
0x55: {  	_ =	swait.ge @p3 [sflag:s20], $0x32  }
0x56: {  	[sflag:s20] =	ssyncset.done @p3 $0x0  }
0x57: {  	[sflag:s20] =	ssyncadd.s32 @p3 $0xFFFFFFCE;
	s20 =	sshrl.u32 @!p3 s12, $0x3  }
0x58: {  	[spmem:s20], [sflag:s1] =	dma.local @!p3 [hbm:s13], $0x50  }
0x59: {  	s20 =	simm.s32 @!p3 $0x3  }
0x5a: {  	_ =	swait.ge @!p3 [sflag:s20], $0x50  }
0x5b: {  	[sflag:s20] =	ssyncset.done @!p3 $0x0  }
0x5c: {  	[sflag:s20] =	ssyncadd.s32 @!p3 $0xFFFFFFB0  }
0x5d: {  	[bflag:$0x0] =	sbarrier.arrive $0xFFFF  }
0x5e: {  	s23 =	rddreg [dreg:$0x7]  }
0x5f: {  	[tilespmem:s5], [sflag:$0x3] =	stream.linear.gather [hbm4b:s23+s5], $0x4E20, $0x38;
	[tilespmem:$0x18F08] =	vst v63  }
0x60: {  	_ =	swait.ge [sflag:s19], $0x4E20  }
0x61: {  	s23 =	simm.s32 $0x4E20;
	[sflag:s19] =	ssyncset.done $0x0  }
.Ltmp2:
0x62: {  	s21 =	rddreg [dreg:$0x8];
	[sflag:s19] =	ssyncadd.s32 $0xFFFFB1E0;
	(pc) =	sbr.rel @p0 .LBB2_5-.Ltmp2, $4  }
0x63: {  	[tilespmem:s23], [sflag:$0x3] =	stream.linear.gather [hbm4b:s21+s5], $0x4E20, $0x38;
	[tilespmem:$0x18F08] =	vst v63  }
0x64: {  	_ =	swait.ge [sflag:s19], $0x4E20  }
0x65: {  	[sflag:s19] =	ssyncset.done $0x0  }
0x66: {  	s20 =	simm.s32 $0x0;
	[sflag:s19] =	ssyncadd.s32 $0xFFFFB1E0  }
0x67: {  	s21 =	rddreg [dreg:$0x1]  }
0x68: {  	[tilespmem:s24], [sflag:$0x3] =	stream.linear.gather [hbm4b:s21+s20], $0x2710, $0x38;
	[tilespmem:$0x18F08] =	vst v63  }
0x69: {  	_ =	swait.ge [sflag:s19], $0x2710  }
0x6a: {  	[sflag:s19] =	ssyncset.done $0x0  }
0x6b: {  	[sflag:s19] =	ssyncadd.s32 $0xFFFFD8F0  }
0x6c: {  	[tilespmem:s9], [sflag:$0x1] =	stream.indirect.gather [hbm4b:s6+s3], $0x40, s20, s3, $0xb8;
	[tilespmem:$0x18F08] =	vst v63  }
.LBB2_3:
0x6d: {  	_ =	swait.ge [sflag:s10], $0x1400  }
0x6e: {  	s21 =	sshra.s32 s20, $0x2;
	[sflag:s10] =	ssyncset.done $0x0  }
0x6f: {  	s23 =	sadd.s32 $0x50, s21;
	[sflag:s10] =	ssyncadd.s32 $0xFFFFEC00  }
0x70: {  	[tilespmem:s15], [sflag:$0x2] =	stream.indirect.gather [hbm4b:s6+s3], $0x40, s23, s3, $0xb8;
	[tilespmem:$0x18F08] =	vst v63  }
0x71: {  	s23 =	sadd.s32 $0x4E20, s21  }
0x72: {  	[spmem:s2] =	stream.indirect.scatter.add.f32 [tilespmem:s9], [sflag:$0x3], $0x40, s23, s3, $0xb8;
	[tilespmem:$0x18F08] =	vst v63  }
0x73: {  	_ =	swait.ge [sflag:s19], $0x1400  }
0x74: {  	[sflag:s19] =	ssyncset.done $0x0  }
0x75: {  	[sflag:s19] =	ssyncadd.s32 $0xFFFFEC00  }
0x76: {  	v1 =	vld [tilespmem:s21+$0x4E20];
	_ =	sdelay $0x7  }
0x77: {  	[tilespmem:v1+s24+$0x0] =	vst.idx.add.f32.msk $0xffff, v0  }
0x78: {  	v1 =	vld [tilespmem:s21+$0x4E30];
	_ =	sdelay $0x7  }
0x79: {  	[tilespmem:v1+s24+$0x0] =	vst.idx.add.f32.msk $0xffff, v0  }
0x7a: {  	v1 =	vld [tilespmem:s21+$0x4E40];
	_ =	sdelay $0x7  }
0x7b: {  	[tilespmem:v1+s24+$0x0] =	vst.idx.add.f32.msk $0xffff, v0  }
0x7c: {  	v1 =	vld [tilespmem:s21+$0x4E50];
	_ =	sdelay $0x7  }
0x7d: {  	[tilespmem:v1+s24+$0x0] =	vst.idx.add.f32.msk $0xffff, v0  }
0x7e: {  	v1 =	vld [tilespmem:s21+$0x4E60];
	_ =	sdelay $0x7  }
0x7f: {  	s23 =	sadd.s32 $0xA0, s21;
	[tilespmem:v1+s24+$0x0] =	vst.idx.add.f32.msk $0xffff, v0  }
0x80: {  	[tilespmem:s9], [sflag:$0x1] =	stream.indirect.gather [hbm4b:s6+s3], $0x40, s23, s3, $0xb8;
	[tilespmem:$0x18F08] =	vst v63  }
0x81: {  	_ =	swait.ge [sflag:s16], $0x1400  }
0x82: {  	[sflag:s16] =	ssyncset.done $0x0  }
0x83: {  	s23 =	sadd.s32 $0x4E70, s21;
	[sflag:s16] =	ssyncadd.s32 $0xFFFFEC00  }
0x84: {  	[spmem:s2] =	stream.indirect.scatter.add.f32 [tilespmem:s15], [sflag:$0x3], $0x40, s23, s3, $0xb8;
	[tilespmem:$0x18F08] =	vst v63  }
0x85: {  	_ =	swait.ge [sflag:s19], $0x1400  }
0x86: {  	[sflag:s19] =	ssyncset.done $0x0  }
0x87: {  	[sflag:s19] =	ssyncadd.s32 $0xFFFFEC00  }
0x88: {  	v1 =	vld [tilespmem:s21+$0x4E70];
	_ =	sdelay $0x7  }
0x89: {  	[tilespmem:v1+s24+$0x0] =	vst.idx.add.f32.msk $0xffff, v0  }
0x8a: {  	v1 =	vld [tilespmem:s21+$0x4E80];
	_ =	sdelay $0x7  }
0x8b: {  	[tilespmem:v1+s24+$0x0] =	vst.idx.add.f32.msk $0xffff, v0  }
0x8c: {  	v1 =	vld [tilespmem:s21+$0x4E90];
	_ =	sdelay $0x7  }
0x8d: {  	[tilespmem:v1+s24+$0x0] =	vst.idx.add.f32.msk $0xffff, v0  }
0x8e: {  	v1 =	vld [tilespmem:s21+$0x4EA0];
	_ =	sdelay $0x7  }
0x8f: {  	[tilespmem:v1+s24+$0x0] =	vst.idx.add.f32.msk $0xffff, v0  }
0x90: {  	v1 =	vld [tilespmem:s21+$0x4EB0];
	_ =	sdelay $0x2  }
0x91: {  	p6 =	sne.s32 s20, $0x13380  }
.Ltmp3:
0x92: {  	_ = 	snop;
	(pc) =	sbr.rel @p6 .LBB2_3-.Ltmp3, $2  }
0x93: {  	_ =	sdelay $0x2  }
0x94: {  	s20 =	sadd.s32 $0x280, s20;
	[tilespmem:v1+s24+$0x0] =	vst.idx.add.f32.msk $0xffff, v0  }
0x95: {  	_ =	swait.ge [sflag:s10], $0x1400  }
0x96: {  	[sflag:s10] =	ssyncset.done $0x0  }
0x97: {  	s20 =	simm.s32 $0x4DD0;
	[sflag:s10] =	ssyncadd.s32 $0xFFFFEC00  }
0x98: {  	[tilespmem:s15], [sflag:$0x2] =	stream.indirect.gather [hbm4b:s6+s3], $0x40, s20, s3, $0xb8;
	[tilespmem:$0x18F08] =	vst v63  }
0x99: {  	s21 =	simm.s32 $0x9BA0  }
0x9a: {  	[spmem:s2] =	stream.indirect.scatter.add.f32 [tilespmem:s9], [sflag:$0x3], $0x40, s21, s3, $0xb8;
	[tilespmem:$0x18F08] =	vst v63  }
0x9b: {  	_ =	swait.ge [sflag:s19], $0x1400  }
0x9c: {  	[sflag:s19] =	ssyncset.done $0x0  }
0x9d: {  	[sflag:s19] =	ssyncadd.s32 $0xFFFFEC00  }
0x9e: {  	v1 =	vld [tilespmem:$0x9BA0];
	_ =	sdelay $0x7  }
0x9f: {  	[tilespmem:v1+s24+$0x0] =	vst.idx.add.f32.msk $0xffff, v0  }
0xa0: {  	v1 =	vld [tilespmem:$0x9BB0];
	_ =	sdelay $0x7  }
0xa1: {  	[tilespmem:v1+s24+$0x0] =	vst.idx.add.f32.msk $0xffff, v0  }
0xa2: {  	v1 =	vld [tilespmem:$0x9BC0];
	_ =	sdelay $0x7  }
0xa3: {  	[tilespmem:v1+s24+$0x0] =	vst.idx.add.f32.msk $0xffff, v0  }
0xa4: {  	v1 =	vld [tilespmem:$0x9BD0];
	_ =	sdelay $0x7  }
0xa5: {  	[tilespmem:v1+s24+$0x0] =	vst.idx.add.f32.msk $0xffff, v0  }
0xa6: {  	v1 =	vld [tilespmem:$0x9BE0];
	_ =	sdelay $0x7  }
0xa7: {  	[tilespmem:v1+s24+$0x0] =	vst.idx.add.f32.msk $0xffff, v0  }
0xa8: {  	_ =	swait.ge [sflag:s16], $0x1400  }
0xa9: {  	[sflag:s16] =	ssyncset.done $0x0  }
0xaa: {  	s23 =	simm.s32 $0x9BF0;
	[sflag:s16] =	ssyncadd.s32 $0xFFFFEC00  }
0xab: {  	[spmem:s2] =	stream.indirect.scatter.add.f32 [tilespmem:s15], [sflag:$0x3], $0x40, s23, s3, $0xb8;
	[tilespmem:$0x18F08] =	vst v63  }
0xac: {  	_ =	swait.ge [sflag:s19], $0x1400  }
0xad: {  	[sflag:s19] =	ssyncset.done $0x0  }
0xae: {  	[sflag:s19] =	ssyncadd.s32 $0xFFFFEC00  }
0xaf: {  	v1 =	vld [tilespmem:$0x9BF0];
	_ =	sdelay $0x7  }
0xb0: {  	[tilespmem:v1+s24+$0x0] =	vst.idx.add.f32.msk $0xffff, v0  }
0xb1: {  	v1 =	vld [tilespmem:$0x9C00];
	_ =	sdelay $0x7  }
0xb2: {  	[tilespmem:v1+s24+$0x0] =	vst.idx.add.f32.msk $0xffff, v0  }
0xb3: {  	v1 =	vld [tilespmem:$0x9C10];
	_ =	sdelay $0x7  }
0xb4: {  	[tilespmem:v1+s24+$0x0] =	vst.idx.add.f32.msk $0xffff, v0  }
0xb5: {  	v1 =	vld [tilespmem:$0x9C20];
	_ =	sdelay $0x7  }
0xb6: {  	[tilespmem:v1+s24+$0x0] =	vst.idx.add.f32.msk $0xffff, v0  }
0xb7: {  	v1 =	vld [tilespmem:$0x9C30];
	_ =	sdelay $0x7  }
0xb8: {  	s21 =	simm.s32 $0xEB50;
	[tilespmem:v1+s24+$0x0] =	vst.idx.add.f32.msk $0xffff, v0  }
0xb9: {  	[spmem:s4] =	stream.indirect.scatter.add.f32 [tilespmem:s24], [sflag:$0x3], $0x8, s21, s0, $0xb8;
	[tilespmem:$0x18F08] =	vst v63  }
0xba: {  	_ =	swait.ge [sflag:s19], $0x3E8  }
0xbb: {  	[sflag:s19] =	ssyncset.done $0x0  }
0xbc: {  	s23 =	simm.s32 $0xEBD0;
	s21 =	simm.s32 $0xC828;
	[sflag:s19] =	ssyncadd.s32 $0xFFFFFC18  }
0xbd: {  	[spmem:s4] =	stream.indirect.scatter.add.f32 [tilespmem:s21], [sflag:$0x3], $0x8, s23, s0, $0xb8;
	[tilespmem:$0x18F08] =	vst v63  }
0xbe: {  	_ =	swait.ge [sflag:s19], $0x3E8  }
0xbf: {  	[sflag:s19] =	ssyncset.done $0x0  }
0xc0: {  	s21 =	simm.s32 $0xEC50;
	s23 =	simm.s32 $0xCC10;
	[sflag:s19] =	ssyncadd.s32 $0xFFFFFC18  }
0xc1: {  	[spmem:s4] =	stream.indirect.scatter.add.f32 [tilespmem:s23], [sflag:$0x3], $0x8, s21, s0, $0xb8;
	[tilespmem:$0x18F08] =	vst v63  }
0xc2: {  	_ =	swait.ge [sflag:s19], $0x3E8  }
0xc3: {  	[sflag:s19] =	ssyncset.done $0x0  }
0xc4: {  	s21 =	simm.s32 $0xECD0;
	s23 =	simm.s32 $0xCFF8;
	[sflag:s19] =	ssyncadd.s32 $0xFFFFFC18  }
0xc5: {  	[spmem:s4] =	stream.indirect.scatter.add.f32 [tilespmem:s23], [sflag:$0x3], $0x8, s21, s0, $0xb8;
	[tilespmem:$0x18F08] =	vst v63  }
0xc6: {  	_ =	swait.ge [sflag:s19], $0x3E8  }
0xc7: {  	[sflag:s19] =	ssyncset.done $0x0  }
0xc8: {  	s21 =	simm.s32 $0xED50;
	s23 =	simm.s32 $0xD3E0;
	[sflag:s19] =	ssyncadd.s32 $0xFFFFFC18  }
0xc9: {  	[spmem:s4] =	stream.indirect.scatter.add.f32 [tilespmem:s23], [sflag:$0x3], $0x8, s21, s0, $0xb8;
	[tilespmem:$0x18F08] =	vst v63  }
0xca: {  	_ =	swait.ge [sflag:s19], $0x3E8  }
0xcb: {  	[sflag:s19] =	ssyncset.done $0x0  }
0xcc: {  	s21 =	simm.s32 $0xEDD0;
	s23 =	simm.s32 $0xD7C8;
	[sflag:s19] =	ssyncadd.s32 $0xFFFFFC18  }
0xcd: {  	[spmem:s4] =	stream.indirect.scatter.add.f32 [tilespmem:s23], [sflag:$0x3], $0x8, s21, s0, $0xb8;
	[tilespmem:$0x18F08] =	vst v63  }
0xce: {  	_ =	swait.ge [sflag:s19], $0x3E8  }
0xcf: {  	[sflag:s19] =	ssyncset.done $0x0  }
0xd0: {  	s21 =	simm.s32 $0xEE50;
	s23 =	simm.s32 $0xDBB0;
	[sflag:s19] =	ssyncadd.s32 $0xFFFFFC18  }
0xd1: {  	[spmem:s4] =	stream.indirect.scatter.add.f32 [tilespmem:s23], [sflag:$0x3], $0x8, s21, s0, $0xb8;
	[tilespmem:$0x18F08] =	vst v63  }
0xd2: {  	_ =	swait.ge [sflag:s19], $0x3E8  }
0xd3: {  	[sflag:s19] =	ssyncset.done $0x0  }
0xd4: {  	s21 =	simm.s32 $0xEED0;
	s23 =	simm.s32 $0xDF98;
	[sflag:s19] =	ssyncadd.s32 $0xFFFFFC18  }
0xd5: {  	[spmem:s4] =	stream.indirect.scatter.add.f32 [tilespmem:s23], [sflag:$0x3], $0x8, s21, s0, $0xb8;
	[tilespmem:$0x18F08] =	vst v63  }
0xd6: {  	_ =	swait.ge [sflag:s19], $0x3E8  }
0xd7: {  	[sflag:s19] =	ssyncset.done $0x0  }
0xd8: {  	s21 =	simm.s32 $0xEF50;
	s23 =	simm.s32 $0xE380;
	[sflag:s19] =	ssyncadd.s32 $0xFFFFFC18  }
0xd9: {  	[spmem:s4] =	stream.indirect.scatter.add.f32 [tilespmem:s23], [sflag:$0x3], $0x8, s21, s0, $0xb8;
	[tilespmem:$0x18F08] =	vst v63  }
0xda: {  	_ =	swait.ge [sflag:s19], $0x3E8  }
0xdb: {  	s21 =	simm.s32 $0xEFD0;
	[sflag:s19] =	ssyncset.done $0x0  }
.Ltmp4:
0xdc: {  	s23 =	simm.s32 $0xE768;
	[sflag:s19] =	ssyncadd.s32 $0xFFFFFC18;
	(pc) =	sbr.rel .LBB2_8-.Ltmp4, $4  }
0xdd: {  	[spmem:s4] =	stream.indirect.scatter.add.f32 [tilespmem:s23], [sflag:$0x3], $0x8, s21, s0, $0xb8;
	[tilespmem:$0x18F08] =	vst v63  }
0xde: {  	_ =	swait.ge [sflag:s19], $0x3E8  }
0xdf: {  	[sflag:s19] =	ssyncset.done $0x0  }
0xe0: {  	[sflag:s19] =	ssyncadd.s32 $0xFFFFFC18  }
.LBB2_5:
0xe1: {  	[tilespmem:s9], [sflag:$0x1] =	stream.indirect.gather [hbm4b:s17+s3], $0x40, s20, s3, $0xb8;
	[tilespmem:$0x18F08] =	vst v63  }
0xe2: {  	_ =	swait.ge [sflag:s10], $0x1400  }
0xe3: {  	[sflag:s10] =	ssyncset.done $0x0  }
0xe4: {  	s21 =	simm.s32 $0x50;
	[sflag:s10] =	ssyncadd.s32 $0xFFFFEC00  }
0xe5: {  	[tilespmem:s15], [sflag:$0x2] =	stream.indirect.gather [hbm4b:s17+s3], $0x40, s21, s3, $0xb8;
	[tilespmem:$0x18F08] =	vst v63  }
0xe6: {  	s23 =	simm.s32 $0x4E20  }
0xe7: {  	[spmem:s2] =	stream.indirect.scatter.add.f32 [tilespmem:s9], [sflag:$0x3], $0x40, s23, s3, $0xb8;
	[tilespmem:$0x18F08] =	vst v63  }
0xe8: {  	_ =	swait.ge [sflag:s19], $0x1400  }
0xe9: {  	[sflag:s19] =	ssyncset.done $0x0  }
0xea: {  	s21 =	simm.s32 $0xA0;
	[sflag:s19] =	ssyncadd.s32 $0xFFFFEC00  }
0xeb: {  	[tilespmem:s9], [sflag:$0x1] =	stream.indirect.gather [hbm4b:s17+s3], $0x40, s21, s3, $0xb8;
	[tilespmem:$0x18F08] =	vst v63  }
0xec: {  	_ =	swait.ge [sflag:s16], $0x1400  }
0xed: {  	[sflag:s16] =	ssyncset.done $0x0  }
0xee: {  	s23 =	simm.s32 $0x4E70;
	[sflag:s16] =	ssyncadd.s32 $0xFFFFEC00  }
0xef: {  	[spmem:s2] =	stream.indirect.scatter.add.f32 [tilespmem:s15], [sflag:$0x3], $0x40, s23, s3, $0xb8;
	[tilespmem:$0x18F08] =	vst v63  }
0xf0: {  	_ =	swait.ge [sflag:s19], $0x1400  }
0xf1: {  	s20 =	simm.s32 $0x280;
	[sflag:s19] =	ssyncset.done $0x0  }
.LBB2_6:
0xf2: {  	p6 =	sne.s32 s20, $0x13380  }
0xf3: {  	[sflag:s19] =	ssyncadd.s32 $0xFFFFEC00;
	s21 =	smov.u32 s20;
	s20 =	sadd.s32 $0x280, s20  }
0xf4: {  	_ =	swait.ge [sflag:s10], $0x1400  }
0xf5: {  	s21 =	sshra.s32 s21, $0x2;
	[sflag:s10] =	ssyncset.done $0x0  }
0xf6: {  	s23 =	sadd.s32 $0x50, s21;
	[sflag:s10] =	ssyncadd.s32 $0xFFFFEC00  }
0xf7: {  	[tilespmem:s15], [sflag:$0x2] =	stream.indirect.gather [hbm4b:s17+s3], $0x40, s23, s3, $0xb8;
	[tilespmem:$0x18F08] =	vst v63  }
0xf8: {  	s23 =	sadd.s32 $0x4E20, s21  }
0xf9: {  	[spmem:s2] =	stream.indirect.scatter.add.f32 [tilespmem:s9], [sflag:$0x3], $0x40, s23, s3, $0xb8;
	[tilespmem:$0x18F08] =	vst v63  }
0xfa: {  	_ =	swait.ge [sflag:s19], $0x1400  }
0xfb: {  	[sflag:s19] =	ssyncset.done $0x0  }
0xfc: {  	s23 =	sadd.s32 $0xA0, s21;
	[sflag:s19] =	ssyncadd.s32 $0xFFFFEC00  }
0xfd: {  	[tilespmem:s9], [sflag:$0x1] =	stream.indirect.gather [hbm4b:s17+s3], $0x40, s23, s3, $0xb8;
	[tilespmem:$0x18F08] =	vst v63  }
0xfe: {  	_ =	swait.ge [sflag:s16], $0x1400  }
.Ltmp5:
0xff: {  	[sflag:s16] =	ssyncset.done $0x0;
	(pc) =	sbr.rel @p6 .LBB2_6-.Ltmp5, $4  }
0x100: {  	s21 =	sadd.s32 $0x4E70, s21;
	[sflag:s16] =	ssyncadd.s32 $0xFFFFEC00  }
0x101: {  	[spmem:s2] =	stream.indirect.scatter.add.f32 [tilespmem:s15], [sflag:$0x3], $0x40, s21, s3, $0xb8;
	[tilespmem:$0x18F08] =	vst v63  }
0x102: {  	_ =	swait.ge [sflag:s19], $0x1400  }
0x103: {  	[sflag:s19] =	ssyncset.done $0x0  }
0x104: {  	[sflag:s19] =	ssyncadd.s32 $0xFFFFEC00  }
0x105: {  	_ =	swait.ge [sflag:s10], $0x1400  }
0x106: {  	[sflag:s10] =	ssyncset.done $0x0  }
0x107: {  	s20 =	simm.s32 $0x4DD0;
	[sflag:s10] =	ssyncadd.s32 $0xFFFFEC00  }
0x108: {  	[tilespmem:s15], [sflag:$0x2] =	stream.indirect.gather [hbm4b:s17+s3], $0x40, s20, s3, $0xb8;
	[tilespmem:$0x18F08] =	vst v63  }
0x109: {  	s21 =	simm.s32 $0x9BA0  }
0x10a: {  	[spmem:s2] =	stream.indirect.scatter.add.f32 [tilespmem:s9], [sflag:$0x3], $0x40, s21, s3, $0xb8;
	[tilespmem:$0x18F08] =	vst v63  }
0x10b: {  	_ =	swait.ge [sflag:s19], $0x1400  }
0x10c: {  	[sflag:s19] =	ssyncset.done $0x0  }
0x10d: {  	[sflag:s19] =	ssyncadd.s32 $0xFFFFEC00  }
0x10e: {  	_ =	swait.ge [sflag:s16], $0x1400  }
0x10f: {  	[sflag:s16] =	ssyncset.done $0x0  }
0x110: {  	s23 =	simm.s32 $0x9BF0;
	[sflag:s16] =	ssyncadd.s32 $0xFFFFEC00  }
0x111: {  	[spmem:s2] =	stream.indirect.scatter.add.f32 [tilespmem:s15], [sflag:$0x3], $0x40, s23, s3, $0xb8;
	[tilespmem:$0x18F08] =	vst v63  }
0x112: {  	_ =	swait.ge [sflag:s19], $0x1400  }
0x113: {  	[sflag:s19] =	ssyncset.done $0x0  }
0x114: {  	[sflag:s19] =	ssyncadd.s32 $0xFFFFEC00  }
.LBB2_8:
.Ltmp6:
0x115: {  	[bflag:$0x0] =	sbarrier.arrive $0xFFFF;
	s20 =	sadd.s32 s8, s18;
	(pc) =	sbr.rel @p1 .LBB2_10-.Ltmp6, $4  }
0x116: {  	[hbm:s20], [sflag:s1] =	dma.local [spmem:s28], $0x1380  }
0x117: {  	_ =	swait.ge [sflag:s19], $0x1380  }
0x118: {  	[sflag:s19] =	ssyncset.done $0x0  }
0x119: {  	[sflag:s19] =	ssyncadd.s32 $0xFFFFEC80  }
0x11a: {  	s20 =	sadd.s32 $0x13800, s18;
	s21 =	sshrl.u32 s29, $0x3  }
0x11b: {  	[hbm:s20], [sflag:s1] =	dma.local [spmem:s21], $0x80  }
0x11c: {  	_ =	swait.ge [sflag:s19], $0x80  }
0x11d: {  	[sflag:s19] =	ssyncset.done $0x0  }
0x11e: {  	s20 =	sshrl.u32 @p2 s30, $0x3;
	s21 =	rddreg [dreg:$0xd];
	[sflag:s19] =	ssyncadd.s32 $0xFFFFFF80  }
0x11f: {  	[hbm:s21], [sflag:s1] =	dma.local @p2 [spmem:s20], $0x32  }
.Ltmp7:
0x120: {  	_ = 	snop;
	(pc) =	sbr.rel .LBB2_11-.Ltmp7, $4  }
0x121: {  	s20 =	simm.s32 @p2 $0x3  }
0x122: {  	_ =	swait.ge @p2 [sflag:s20], $0x32  }
0x123: {  	[sflag:s20] =	ssyncset.done @p2 $0x0  }
0x124: {  	[sflag:s20] =	ssyncadd.s32 @p2 $0xFFFFFFCE  }
.LBB2_10:
.Ltmp8:
0x125: {  	(pc) =	sbr.rel @!p2 .LBB2_11-.Ltmp8, $1  }
0x126: {  	_ =	sdelay $0x3  }
0x127: {  	s20 =	sshrl.u32 s12, $0x3;
	s21 =	rddreg [dreg:$0x9]  }
0x128: {  	[hbm:s21], [sflag:s1] =	dma.local [spmem:s20], $0x50  }
0x129: {  	_ =	swait.ge [sflag:s19], $0x50  }
0x12a: {  	[sflag:s19] =	ssyncset.done $0x0  }
0x12b: {  	[sflag:s19] =	ssyncadd.s32 $0xFFFFFFB0  }
.Ltmp9:
0x12c: {  	[bflag:$0x0] =	sbarrier.arrive $0xFFFF;
	(pc) =	sbr.rel .LBB2_14-.Ltmp9, $4  }
0x12d: {  	[spmem:s28], [sflag:s1] =	dma.local [hbm:s11], $0x1380  }
0x12e: {  	_ =	swait.ge [sflag:s19], $0x1380  }
0x12f: {  	[sflag:s19] =	ssyncset.done $0x0  }
0x130: {  	[sflag:s19] =	ssyncadd.s32 $0xFFFFEC80  }
.LBB2_11:
.Ltmp10:
0x131: {  	[bflag:$0x0] =	sbarrier.arrive $0xFFFF;
	(pc) =	sbr.rel @!p3 .LBB2_14-.Ltmp10, $4  }
0x132: {  	[spmem:s28], [sflag:s1] =	dma.local [hbm:s11], $0x1380  }
0x133: {  	_ =	swait.ge [sflag:s19], $0x1380  }
0x134: {  	[sflag:s19] =	ssyncset.done $0x0  }
0x135: {  	[sflag:s19] =	ssyncadd.s32 $0xFFFFEC80  }
0x136: {  	s20 =	sshrl.u32 s29, $0x3  }
0x137: {  	[spmem:s20], [sflag:s1] =	dma.local [hbm:s14], $0x80  }
0x138: {  	_ =	swait.ge [sflag:s19], $0x80  }
0x139: {  	[sflag:s19] =	ssyncset.done $0x0  }
.Ltmp11:
0x13a: {  	s23 =	sshrl.u32 s30, $0x3;
	[sflag:s19] =	ssyncadd.s32 $0xFFFFFF80;
	(pc) =	sbr.rel .LBB2_15-.Ltmp11, $4  }
0x13b: {  	[spmem:s23], [sflag:s1] =	dma.local [hbm:s31], $0x32  }
0x13c: {  	_ =	swait.ge [sflag:s19], $0x32  }
0x13d: {  	[sflag:s19] =	ssyncset.done $0x0  }
0x13e: {  	[sflag:s19] =	ssyncadd.s32 $0xFFFFFFCE  }
.LBB2_14:
0x13f: {  	s20 =	sshrl.u32 s12, $0x3  }
0x140: {  	[spmem:s20], [sflag:s1] =	dma.local [hbm:s13], $0x50  }
0x141: {  	_ =	swait.ge [sflag:s19], $0x50  }
0x142: {  	[sflag:s19] =	ssyncset.done $0x0  }
0x143: {  	[sflag:s19] =	ssyncadd.s32 $0xFFFFFFB0  }
.LBB2_15:
0x144: {  	[bflag:$0x0] =	sbarrier.arrive $0xFFFF  }
0x145: {  	s20 =	rddreg [dreg:$0xa]  }
0x146: {  	[tilespmem:s5], [sflag:$0x3] =	stream.linear.gather [hbm4b:s20+s5], $0x4E20, $0x38;
	[tilespmem:$0x18F08] =	vst v63  }
0x147: {  	_ =	swait.ge [sflag:s19], $0x4E20  }
0x148: {  	s21 =	simm.s32 $0x4E20;
	[sflag:s19] =	ssyncset.done $0x0  }
.Ltmp12:
0x149: {  	s23 =	rddreg [dreg:$0xb];
	[sflag:s19] =	ssyncadd.s32 $0xFFFFB1E0;
	(pc) =	sbr.rel @p0 .LBB2_19-.Ltmp12, $4  }
0x14a: {  	[tilespmem:s21], [sflag:$0x3] =	stream.linear.gather [hbm4b:s23+s5], $0x4E20, $0x38;
	[tilespmem:$0x18F08] =	vst v63  }
0x14b: {  	_ =	swait.ge [sflag:s19], $0x4E20  }
0x14c: {  	[sflag:s19] =	ssyncset.done $0x0  }
0x14d: {  	s20 =	simm.s32 $0x0;
	[sflag:s19] =	ssyncadd.s32 $0xFFFFB1E0  }
0x14e: {  	[tilespmem:s9], [sflag:$0x1] =	stream.indirect.gather [hbm4b:s7+s3], $0x40, s20, s3, $0xb8;
	[tilespmem:$0x18F08] =	vst v63  }
0x14f: {  	_ =	swait.ge [sflag:s10], $0x1400  }
0x150: {  	[sflag:s10] =	ssyncset.done $0x0  }
0x151: {  	s21 =	simm.s32 $0x50;
	[sflag:s10] =	ssyncadd.s32 $0xFFFFEC00  }
0x152: {  	[tilespmem:s15], [sflag:$0x2] =	stream.indirect.gather [hbm4b:s7+s3], $0x40, s21, s3, $0xb8;
	[tilespmem:$0x18F08] =	vst v63  }
0x153: {  	s23 =	simm.s32 $0x4E20  }
0x154: {  	[spmem:s2] =	stream.indirect.scatter.add.f32 [tilespmem:s9], [sflag:$0x3], $0x40, s23, s3, $0xb8;
	[tilespmem:$0x18F08] =	vst v63  }
0x155: {  	_ =	swait.ge [sflag:s19], $0x1400  }
0x156: {  	[sflag:s19] =	ssyncset.done $0x0  }
0x157: {  	s21 =	simm.s32 $0xA0;
	[sflag:s19] =	ssyncadd.s32 $0xFFFFEC00  }
0x158: {  	[tilespmem:s9], [sflag:$0x1] =	stream.indirect.gather [hbm4b:s7+s3], $0x40, s21, s3, $0xb8;
	[tilespmem:$0x18F08] =	vst v63  }
0x159: {  	_ =	swait.ge [sflag:s16], $0x1400  }
0x15a: {  	[sflag:s16] =	ssyncset.done $0x0  }
0x15b: {  	s23 =	simm.s32 $0x4E70;
	[sflag:s16] =	ssyncadd.s32 $0xFFFFEC00  }
0x15c: {  	[spmem:s2] =	stream.indirect.scatter.add.f32 [tilespmem:s15], [sflag:$0x3], $0x40, s23, s3, $0xb8;
	[tilespmem:$0x18F08] =	vst v63  }
0x15d: {  	_ =	swait.ge [sflag:s19], $0x1400  }
0x15e: {  	s20 =	simm.s32 $0x280;
	[sflag:s19] =	ssyncset.done $0x0  }
.LBB2_17:
0x15f: {  	p6 =	seq.s32 s20, $0x13380  }
0x160: {  	[sflag:s19] =	ssyncadd.s32 $0xFFFFEC00;
	s21 =	smov.u32 s20;
	s20 =	sadd.s32 $0x280, s20  }
0x161: {  	_ =	swait.ge [sflag:s10], $0x1400  }
0x162: {  	s21 =	sshra.s32 s21, $0x2;
	[sflag:s10] =	ssyncset.done $0x0  }
0x163: {  	s23 =	sadd.s32 $0x50, s21;
	[sflag:s10] =	ssyncadd.s32 $0xFFFFEC00  }
0x164: {  	[tilespmem:s15], [sflag:$0x2] =	stream.indirect.gather [hbm4b:s7+s3], $0x40, s23, s3, $0xb8;
	[tilespmem:$0x18F08] =	vst v63  }
0x165: {  	s23 =	sadd.s32 $0x4E20, s21  }
0x166: {  	[spmem:s2] =	stream.indirect.scatter.add.f32 [tilespmem:s9], [sflag:$0x3], $0x40, s23, s3, $0xb8;
	[tilespmem:$0x18F08] =	vst v63  }
0x167: {  	_ =	swait.ge [sflag:s19], $0x1400  }
0x168: {  	[sflag:s19] =	ssyncset.done $0x0  }
0x169: {  	s23 =	sadd.s32 $0xA0, s21;
	[sflag:s19] =	ssyncadd.s32 $0xFFFFEC00  }
0x16a: {  	[tilespmem:s9], [sflag:$0x1] =	stream.indirect.gather [hbm4b:s7+s3], $0x40, s23, s3, $0xb8;
	[tilespmem:$0x18F08] =	vst v63  }
0x16b: {  	_ =	swait.ge [sflag:s16], $0x1400  }
.Ltmp13:
0x16c: {  	[sflag:s16] =	ssyncset.done $0x0;
	(pc) =	sbr.rel @!p6 .LBB2_17-.Ltmp13, $4  }
0x16d: {  	s21 =	sadd.s32 $0x4E70, s21;
	[sflag:s16] =	ssyncadd.s32 $0xFFFFEC00  }
0x16e: {  	[spmem:s2] =	stream.indirect.scatter.add.f32 [tilespmem:s15], [sflag:$0x3], $0x40, s21, s3, $0xb8;
	[tilespmem:$0x18F08] =	vst v63  }
0x16f: {  	_ =	swait.ge [sflag:s19], $0x1400  }
0x170: {  	[sflag:s19] =	ssyncset.done $0x0  }
.Ltmp14:
0x171: {  	_ = 	snop;
	(pc) =	sbr.rel .LBB2_18-.Ltmp14, $1  }
0x172: {  	_ =	sdelay $0x3  }
.LBB2_19:
0x173: {  	s21 =	rddreg [dreg:$0x1]  }
0x174: {  	[tilespmem:s24], [sflag:$0x3] =	stream.linear.gather [hbm4b:s21+s20], $0x2710, $0x38;
	[tilespmem:$0x18F08] =	vst v63  }
0x175: {  	_ =	swait.ge [sflag:s19], $0x2710  }
0x176: {  	[sflag:s19] =	ssyncset.done $0x0  }
0x177: {  	[sflag:s19] =	ssyncadd.s32 $0xFFFFD8F0  }
0x178: {  	[tilespmem:s9], [sflag:$0x1] =	stream.indirect.gather [hbm4b:s25+s3], $0x40, s20, s3, $0xb8;
	[tilespmem:$0x18F08] =	vst v63  }
.LBB2_20:
0x179: {  	_ =	swait.ge [sflag:s10], $0x1400  }
0x17a: {  	s21 =	sshra.s32 s20, $0x2;
	[sflag:s10] =	ssyncset.done $0x0  }
0x17b: {  	s23 =	sadd.s32 $0x50, s21;
	[sflag:s10] =	ssyncadd.s32 $0xFFFFEC00  }
0x17c: {  	[tilespmem:s15], [sflag:$0x2] =	stream.indirect.gather [hbm4b:s25+s3], $0x40, s23, s3, $0xb8;
	[tilespmem:$0x18F08] =	vst v63  }
0x17d: {  	s23 =	sadd.s32 $0x4E20, s21  }
0x17e: {  	[spmem:s2] =	stream.indirect.scatter.add.f32 [tilespmem:s9], [sflag:$0x3], $0x40, s23, s3, $0xb8;
	[tilespmem:$0x18F08] =	vst v63  }
0x17f: {  	_ =	swait.ge [sflag:s19], $0x1400  }
0x180: {  	[sflag:s19] =	ssyncset.done $0x0  }
0x181: {  	[sflag:s19] =	ssyncadd.s32 $0xFFFFEC00  }
0x182: {  	v1 =	vld [tilespmem:s21+$0x4E20];
	_ =	sdelay $0x7  }
0x183: {  	[tilespmem:v1+s24+$0x0] =	vst.idx.add.f32.msk $0xffff, v0  }
0x184: {  	v1 =	vld [tilespmem:s21+$0x4E30];
	_ =	sdelay $0x7  }
0x185: {  	[tilespmem:v1+s24+$0x0] =	vst.idx.add.f32.msk $0xffff, v0  }
0x186: {  	v1 =	vld [tilespmem:s21+$0x4E40];
	_ =	sdelay $0x7  }
0x187: {  	[tilespmem:v1+s24+$0x0] =	vst.idx.add.f32.msk $0xffff, v0  }
0x188: {  	v1 =	vld [tilespmem:s21+$0x4E50];
	_ =	sdelay $0x7  }
0x189: {  	[tilespmem:v1+s24+$0x0] =	vst.idx.add.f32.msk $0xffff, v0  }
0x18a: {  	v1 =	vld [tilespmem:s21+$0x4E60];
	_ =	sdelay $0x7  }
0x18b: {  	s23 =	sadd.s32 $0xA0, s21;
	[tilespmem:v1+s24+$0x0] =	vst.idx.add.f32.msk $0xffff, v0  }
0x18c: {  	[tilespmem:s9], [sflag:$0x1] =	stream.indirect.gather [hbm4b:s25+s3], $0x40, s23, s3, $0xb8;
	[tilespmem:$0x18F08] =	vst v63  }
0x18d: {  	_ =	swait.ge [sflag:s16], $0x1400  }
0x18e: {  	[sflag:s16] =	ssyncset.done $0x0  }
0x18f: {  	s23 =	sadd.s32 $0x4E70, s21;
	[sflag:s16] =	ssyncadd.s32 $0xFFFFEC00  }
0x190: {  	[spmem:s2] =	stream.indirect.scatter.add.f32 [tilespmem:s15], [sflag:$0x3], $0x40, s23, s3, $0xb8;
	[tilespmem:$0x18F08] =	vst v63  }
0x191: {  	_ =	swait.ge [sflag:s19], $0x1400  }
0x192: {  	[sflag:s19] =	ssyncset.done $0x0  }
0x193: {  	[sflag:s19] =	ssyncadd.s32 $0xFFFFEC00  }
0x194: {  	v1 =	vld [tilespmem:s21+$0x4E70];
	_ =	sdelay $0x7  }
0x195: {  	[tilespmem:v1+s24+$0x0] =	vst.idx.add.f32.msk $0xffff, v0  }
0x196: {  	v1 =	vld [tilespmem:s21+$0x4E80];
	_ =	sdelay $0x7  }
0x197: {  	[tilespmem:v1+s24+$0x0] =	vst.idx.add.f32.msk $0xffff, v0  }
0x198: {  	v1 =	vld [tilespmem:s21+$0x4E90];
	_ =	sdelay $0x7  }
0x199: {  	[tilespmem:v1+s24+$0x0] =	vst.idx.add.f32.msk $0xffff, v0  }
0x19a: {  	v1 =	vld [tilespmem:s21+$0x4EA0];
	_ =	sdelay $0x7  }
0x19b: {  	[tilespmem:v1+s24+$0x0] =	vst.idx.add.f32.msk $0xffff, v0  }
0x19c: {  	v1 =	vld [tilespmem:s21+$0x4EB0];
	_ =	sdelay $0x2  }
0x19d: {  	p6 =	sne.s32 s20, $0x13380  }
.Ltmp15:
0x19e: {  	_ = 	snop;
	(pc) =	sbr.rel @p6 .LBB2_20-.Ltmp15, $2  }
0x19f: {  	_ =	sdelay $0x2  }
0x1a0: {  	s20 =	sadd.s32 $0x280, s20;
	[tilespmem:v1+s24+$0x0] =	vst.idx.add.f32.msk $0xffff, v0  }
0x1a1: {  	_ =	swait.ge [sflag:s10], $0x1400  }
0x1a2: {  	[sflag:s10] =	ssyncset.done $0x0  }
0x1a3: {  	s20 =	simm.s32 $0x4DD0;
	[sflag:s10] =	ssyncadd.s32 $0xFFFFEC00  }
0x1a4: {  	[tilespmem:s15], [sflag:$0x2] =	stream.indirect.gather [hbm4b:s25+s3], $0x40, s20, s3, $0xb8;
	[tilespmem:$0x18F08] =	vst v63  }
0x1a5: {  	s21 =	simm.s32 $0x9BA0  }
0x1a6: {  	[spmem:s2] =	stream.indirect.scatter.add.f32 [tilespmem:s9], [sflag:$0x3], $0x40, s21, s3, $0xb8;
	[tilespmem:$0x18F08] =	vst v63  }
0x1a7: {  	_ =	swait.ge [sflag:s19], $0x1400  }
0x1a8: {  	[sflag:s19] =	ssyncset.done $0x0  }
0x1a9: {  	[sflag:s19] =	ssyncadd.s32 $0xFFFFEC00  }
0x1aa: {  	v1 =	vld [tilespmem:$0x9BA0];
	_ =	sdelay $0x7  }
0x1ab: {  	[tilespmem:v1+s24+$0x0] =	vst.idx.add.f32.msk $0xffff, v0  }
0x1ac: {  	v1 =	vld [tilespmem:$0x9BB0];
	_ =	sdelay $0x7  }
0x1ad: {  	[tilespmem:v1+s24+$0x0] =	vst.idx.add.f32.msk $0xffff, v0  }
0x1ae: {  	v1 =	vld [tilespmem:$0x9BC0];
	_ =	sdelay $0x7  }
0x1af: {  	[tilespmem:v1+s24+$0x0] =	vst.idx.add.f32.msk $0xffff, v0  }
0x1b0: {  	v1 =	vld [tilespmem:$0x9BD0];
	_ =	sdelay $0x7  }
0x1b1: {  	[tilespmem:v1+s24+$0x0] =	vst.idx.add.f32.msk $0xffff, v0  }
0x1b2: {  	v1 =	vld [tilespmem:$0x9BE0];
	_ =	sdelay $0x7  }
0x1b3: {  	[tilespmem:v1+s24+$0x0] =	vst.idx.add.f32.msk $0xffff, v0  }
0x1b4: {  	_ =	swait.ge [sflag:s16], $0x1400  }
0x1b5: {  	[sflag:s16] =	ssyncset.done $0x0  }
0x1b6: {  	s23 =	simm.s32 $0x9BF0;
	[sflag:s16] =	ssyncadd.s32 $0xFFFFEC00  }
0x1b7: {  	[spmem:s2] =	stream.indirect.scatter.add.f32 [tilespmem:s15], [sflag:$0x3], $0x40, s23, s3, $0xb8;
	[tilespmem:$0x18F08] =	vst v63  }
0x1b8: {  	_ =	swait.ge [sflag:s19], $0x1400  }
0x1b9: {  	[sflag:s19] =	ssyncset.done $0x0  }
0x1ba: {  	[sflag:s19] =	ssyncadd.s32 $0xFFFFEC00  }
0x1bb: {  	v1 =	vld [tilespmem:$0x9BF0];
	_ =	sdelay $0x7  }
0x1bc: {  	[tilespmem:v1+s24+$0x0] =	vst.idx.add.f32.msk $0xffff, v0  }
0x1bd: {  	v1 =	vld [tilespmem:$0x9C00];
	_ =	sdelay $0x7  }
0x1be: {  	[tilespmem:v1+s24+$0x0] =	vst.idx.add.f32.msk $0xffff, v0  }
0x1bf: {  	v1 =	vld [tilespmem:$0x9C10];
	_ =	sdelay $0x7  }
0x1c0: {  	[tilespmem:v1+s24+$0x0] =	vst.idx.add.f32.msk $0xffff, v0  }
0x1c1: {  	v1 =	vld [tilespmem:$0x9C20];
	_ =	sdelay $0x7  }
0x1c2: {  	[tilespmem:v1+s24+$0x0] =	vst.idx.add.f32.msk $0xffff, v0  }
0x1c3: {  	v1 =	vld [tilespmem:$0x9C30];
	_ =	sdelay $0x7  }
0x1c4: {  	s21 =	simm.s32 $0xEB50;
	[tilespmem:v1+s24+$0x0] =	vst.idx.add.f32.msk $0xffff, v0  }
0x1c5: {  	[spmem:s4] =	stream.indirect.scatter.add.f32 [tilespmem:s24], [sflag:$0x3], $0x8, s21, s0, $0xb8;
	[tilespmem:$0x18F08] =	vst v63  }
0x1c6: {  	_ =	swait.ge [sflag:s19], $0x3E8  }
0x1c7: {  	[sflag:s19] =	ssyncset.done $0x0  }
0x1c8: {  	s23 =	simm.s32 $0xEBD0;
	s21 =	simm.s32 $0xC828;
	[sflag:s19] =	ssyncadd.s32 $0xFFFFFC18  }
0x1c9: {  	[spmem:s4] =	stream.indirect.scatter.add.f32 [tilespmem:s21], [sflag:$0x3], $0x8, s23, s0, $0xb8;
	[tilespmem:$0x18F08] =	vst v63  }
0x1ca: {  	_ =	swait.ge [sflag:s19], $0x3E8  }
0x1cb: {  	[sflag:s19] =	ssyncset.done $0x0  }
0x1cc: {  	s21 =	simm.s32 $0xEC50;
	s23 =	simm.s32 $0xCC10;
	[sflag:s19] =	ssyncadd.s32 $0xFFFFFC18  }
0x1cd: {  	[spmem:s4] =	stream.indirect.scatter.add.f32 [tilespmem:s23], [sflag:$0x3], $0x8, s21, s0, $0xb8;
	[tilespmem:$0x18F08] =	vst v63  }
0x1ce: {  	_ =	swait.ge [sflag:s19], $0x3E8  }
0x1cf: {  	[sflag:s19] =	ssyncset.done $0x0  }
0x1d0: {  	s21 =	simm.s32 $0xECD0;
	s23 =	simm.s32 $0xCFF8;
	[sflag:s19] =	ssyncadd.s32 $0xFFFFFC18  }
0x1d1: {  	[spmem:s4] =	stream.indirect.scatter.add.f32 [tilespmem:s23], [sflag:$0x3], $0x8, s21, s0, $0xb8;
	[tilespmem:$0x18F08] =	vst v63  }
0x1d2: {  	_ =	swait.ge [sflag:s19], $0x3E8  }
0x1d3: {  	[sflag:s19] =	ssyncset.done $0x0  }
0x1d4: {  	s21 =	simm.s32 $0xED50;
	s23 =	simm.s32 $0xD3E0;
	[sflag:s19] =	ssyncadd.s32 $0xFFFFFC18  }
0x1d5: {  	[spmem:s4] =	stream.indirect.scatter.add.f32 [tilespmem:s23], [sflag:$0x3], $0x8, s21, s0, $0xb8;
	[tilespmem:$0x18F08] =	vst v63  }
0x1d6: {  	_ =	swait.ge [sflag:s19], $0x3E8  }
0x1d7: {  	[sflag:s19] =	ssyncset.done $0x0  }
0x1d8: {  	s21 =	simm.s32 $0xEDD0;
	s23 =	simm.s32 $0xD7C8;
	[sflag:s19] =	ssyncadd.s32 $0xFFFFFC18  }
0x1d9: {  	[spmem:s4] =	stream.indirect.scatter.add.f32 [tilespmem:s23], [sflag:$0x3], $0x8, s21, s0, $0xb8;
	[tilespmem:$0x18F08] =	vst v63  }
0x1da: {  	_ =	swait.ge [sflag:s19], $0x3E8  }
0x1db: {  	[sflag:s19] =	ssyncset.done $0x0  }
0x1dc: {  	s21 =	simm.s32 $0xEE50;
	s23 =	simm.s32 $0xDBB0;
	[sflag:s19] =	ssyncadd.s32 $0xFFFFFC18  }
0x1dd: {  	[spmem:s4] =	stream.indirect.scatter.add.f32 [tilespmem:s23], [sflag:$0x3], $0x8, s21, s0, $0xb8;
	[tilespmem:$0x18F08] =	vst v63  }
0x1de: {  	_ =	swait.ge [sflag:s19], $0x3E8  }
0x1df: {  	[sflag:s19] =	ssyncset.done $0x0  }
0x1e0: {  	s21 =	simm.s32 $0xEED0;
	s23 =	simm.s32 $0xDF98;
	[sflag:s19] =	ssyncadd.s32 $0xFFFFFC18  }
0x1e1: {  	[spmem:s4] =	stream.indirect.scatter.add.f32 [tilespmem:s23], [sflag:$0x3], $0x8, s21, s0, $0xb8;
	[tilespmem:$0x18F08] =	vst v63  }
0x1e2: {  	_ =	swait.ge [sflag:s19], $0x3E8  }
0x1e3: {  	[sflag:s19] =	ssyncset.done $0x0  }
0x1e4: {  	s21 =	simm.s32 $0xEF50;
	s23 =	simm.s32 $0xE380;
	[sflag:s19] =	ssyncadd.s32 $0xFFFFFC18  }
0x1e5: {  	[spmem:s4] =	stream.indirect.scatter.add.f32 [tilespmem:s23], [sflag:$0x3], $0x8, s21, s0, $0xb8;
	[tilespmem:$0x18F08] =	vst v63  }
0x1e6: {  	_ =	swait.ge [sflag:s19], $0x3E8  }
0x1e7: {  	s21 =	simm.s32 $0xEFD0;
	[sflag:s19] =	ssyncset.done $0x0  }
.Ltmp16:
0x1e8: {  	s23 =	simm.s32 $0xE768;
	[sflag:s19] =	ssyncadd.s32 $0xFFFFFC18;
	(pc) =	sbr.rel .LBB2_22-.Ltmp16, $4  }
0x1e9: {  	[spmem:s4] =	stream.indirect.scatter.add.f32 [tilespmem:s23], [sflag:$0x3], $0x8, s21, s0, $0xb8;
	[tilespmem:$0x18F08] =	vst v63  }
0x1ea: {  	_ =	swait.ge [sflag:s19], $0x3E8  }
0x1eb: {  	[sflag:s19] =	ssyncset.done $0x0  }
0x1ec: {  	[sflag:s19] =	ssyncadd.s32 $0xFFFFFC18  }
.LBB2_23:
0x1ed: {  	_ =	sfence.sel $0x180000  }
0x1ee: {  	[bflag:$0x0] =	sbarrier.arrive $0xFFFF  }
0x1ef: {  	_ =	strace $0x90000047  }
0x1f0: {  	s0 =	stileid.u32;
	[bflag:$0x2] =	sbarrier.arrive $0xFFFF  }
0x1f1: {  	p0 =	sne.s32 s0, $0x0;
	s0 =	rddreg [dreg:$0x4]  }
0x1f2: {  	s0 =	sadd.s32 @!p0 $0x100000, s0  }
0x1f3: {  	[sflag:s0] =	ssyncadd.tile.s32 @!p0 $0x1;
	_ =	shalt  }
.Lfunc_end2:
_tile_overlayer_lowered:
.L_overlay_start_2:
0x1f4: {  	(tag) =	ssettag $0x2  }
0x1f5: {  	s0 =	rddreg [dreg:$0x0];
	s2 =	stileid.u32  }
0x1f6: {  	s1 =	rddreg [dreg:$0x1];
	p0 =	sne.s32 s2, $0x0  }
0x1f7: {  	s3 =	rddreg [dreg:$0x2];
	[bflag:$0x3] =	sbarrier.arrive $0xFFFF;
	s2 =	simm.s32 @!p0 $0x1C03  }
0x1f8: {  	[timem:s3], [sflag:s2] =	dma.local @!p0 [hbm:s0], s1  }
0x1f9: {  	s0 =	simm.s32 @!p0 $0x3  }
0x1fa: {  	_ =	swait.ge @!p0 [sflag:s0], s1  }
0x1fb: {  	s1 =	ssub.s32 @!p0 $0x0, s1;
	[sflag:s0] =	ssyncset.done @!p0 $0x0  }
0x1fc: {  	[sflag:s0] =	ssyncadd.s32 @!p0 s1  }
0x1fd: {  	[bflag:$0x3] =	sbarrier.arrive $0xFFFF  }
0x1fe: {  	_ =	shalt  }

</sc_bundles>
